<compile_context>
chip_gen: v7x
topology: tpu7x:2x2x1
jax: 0.10.2.dev20260603
libtpu: 0.0.44.dev20260713+nightly
codegen_flags: <defaults>
</compile_context>

<pallas_src>
import functools

import jax
import jax.numpy as jnp
from jax import lax
from jax.experimental import pallas as pl
from jax.experimental.pallas import tpu as pltpu
from jax.experimental.pallas import tpu_sc as plsc

N = 10000
NP = 10240
E = 320000
D_IN = 128
CHUNK = 128
NW = 32
ROWS_PER_W = 80
NB_CNT, LA_CNT, SLK_CNT = 5, 3, 1
NB_PLAIN, LA_PLAIN, SLK_PLAIN = 8, 4, 3
SLAB = 88
EP_ROWS = NW * ROWS_PER_W + 8
EP = EP_ROWS * CHUNK
SUB_ROWS = NP // 16
CW = 16

_mesh = plsc.VectorSubcoreMesh(core_axis_name="c", subcore_axis_name="s")
_sc_params = pltpu.CompilerParams(use_tc_tiling_on_sc=False)


def _seg_body(ytab_h, src_h, dst_h, z_h, part_h, src_v, dst_v, rows_v, acc_s,
              sem_g, sem_s, zc_h=None, on_h=None, cpart_h=None, ones_v=None,
              cacc_s=None, sem_c=None):
    cid = lax.axis_index("c")
    sid = lax.axis_index("s")
    wid = cid * 16 + sid
    base = wid * ROWS_PER_W
    with_cnt = cpart_h is not None
    nb = len(sem_g)
    la, slk = (LA_CNT, SLK_CNT) if with_cnt else (LA_PLAIN, SLK_PLAIN)

    def rbuf(b):
        return rows_v.at[pl.ds(b * CHUNK, CHUNK)]

    zsl = pl.ds(sid * SUB_ROWS, SUB_ROWS)
    pro = [pltpu.async_copy(src_h.at[pl.ds(base, SLAB)], src_v, sem_g[0]),
           pltpu.async_copy(dst_h.at[pl.ds(base, ROWS_PER_W)], dst_v, sem_g[1]),
           pltpu.async_copy(z_h, acc_s.at[zsl], sem_g[2])]
    if with_cnt:
        pro += [pltpu.async_copy(on_h, ones_v, sem_s[0]),
                pltpu.async_copy(zc_h, cacc_s.at[zsl], sem_s[1])]
    for c in pro:
        c.wait()
    plsc.subcore_barrier()

    for b in range(la):
        pltpu.async_copy(ytab_h.at[src_v.at[b]], rbuf(b), sem_g[b])

    @pl.loop(0, ROWS_PER_W // nb)
    def _(t):
        k0 = t * nb
        for b in range(nb):
            k = k0 + b
            pltpu.make_async_copy(ytab_h.at[src_v.at[k]], rbuf(b), sem_g[b]).wait()
            pltpu.async_copy(rbuf(b), acc_s.at[dst_v.at[k]], sem_s[b], add=True)
            if with_cnt:
                pltpu.async_copy(ones_v, cacc_s.at[dst_v.at[k]], sem_c[b], add=True)
            bs = (b - slk) % nb

            @pl.when(k >= slk)
            def _():
                pltpu.make_async_copy(
                    rbuf(bs), acc_s.at[dst_v.at[k - slk]], sem_s[bs]).wait()
                if with_cnt:
                    pltpu.make_async_copy(
                        ones_v, cacc_s.at[dst_v.at[k - slk]], sem_c[bs]).wait()

            bg = (b + la) % nb
            pltpu.async_copy(ytab_h.at[src_v.at[k + la]], rbuf(bg), sem_g[bg])

    for k in range(ROWS_PER_W - slk, ROWS_PER_W):
        b = k % nb
        pltpu.make_async_copy(rbuf(b), acc_s.at[dst_v.at[k]], sem_s[b]).wait()
        if with_cnt:
            pltpu.make_async_copy(ones_v, cacc_s.at[dst_v.at[k]], sem_c[b]).wait()
    for k in range(ROWS_PER_W, ROWS_PER_W + la):
        b = k % nb
        pltpu.make_async_copy(ytab_h.at[src_v.at[k]], rbuf(b), sem_g[b]).wait()

    plsc.subcore_barrier()
    sl = pl.ds(sid * SUB_ROWS, SUB_ROWS)
    pltpu.sync_copy(acc_s.at[sl], part_h.at[pl.ds(cid * NP + sid * SUB_ROWS, SUB_ROWS)])
    if with_cnt:
        pltpu.sync_copy(cacc_s.at[sl], cpart_h.at[pl.ds(cid * NP + sid * SUB_ROWS, SUB_ROWS)])


def _seg_sum_sc(ytab, src2, dst2, with_count):
    D = ytab.shape[1]
    f32 = jnp.float32
    nb = NB_CNT if with_count else NB_PLAIN
    zeros_d = jnp.zeros((SUB_ROWS, D), f32)
    scratch = [
        pltpu.VMEM((SLAB, CHUNK), jnp.int32),
        pltpu.VMEM((ROWS_PER_W, CHUNK), jnp.int32),
        pltpu.VMEM((nb * CHUNK, D), f32),
        pltpu.VMEM_SHARED((NP, D), f32),
        [pltpu.SemaphoreType.DMA] * nb,
        [pltpu.SemaphoreType.DMA] * nb,
    ]
    if with_count:
        scratch += [pltpu.VMEM((CHUNK, CW), f32), pltpu.VMEM_SHARED((NP, CW), f32),
                    [pltpu.SemaphoreType.DMA] * nb]

        @functools.partial(
            pl.kernel, mesh=_mesh, compiler_params=_sc_params,
            out_type=(jax.ShapeDtypeStruct((2 * NP, D), f32),
                      jax.ShapeDtypeStruct((2 * NP, CW), f32)),
            scratch_types=scratch)
        def k(ytab_h, src_h, dst_h, z_h, zc_h, on_h, part_h, cpart_h,
              src_v, dst_v, rows_v, acc_s, sem_g, sem_s, ones_v, cacc_s, sem_c):
            _seg_body(ytab_h, src_h, dst_h, z_h, part_h, src_v, dst_v, rows_v,
                      acc_s, sem_g, sem_s, zc_h, on_h, cpart_h, ones_v, cacc_s,
                      sem_c)

        return k(ytab, src2, dst2, zeros_d,
                 jnp.zeros((SUB_ROWS, CW), f32), jnp.ones((CHUNK, CW), f32))

    @functools.partial(
        pl.kernel, mesh=_mesh, compiler_params=_sc_params,
        out_type=jax.ShapeDtypeStruct((2 * NP, D), f32),
        scratch_types=scratch)
    def k(ytab_h, src_h, dst_h, z_h, part_h, src_v, dst_v, rows_v, acc_s,
          sem_g, sem_s):
        _seg_body(ytab_h, src_h, dst_h, z_h, part_h, src_v, dst_v, rows_v,
                  acc_s, sem_g, sem_s)

    return k(ytab, src2, dst2, zeros_d)


_DNUMS = (((1,), (1,)), ((), ()))


def _matmul(x, w):
    BR = 1000

    def kern(x_ref, w_ref, o_ref):
        o_ref[...] = lax.dot_general(
            x_ref[...], w_ref[...], _DNUMS,
            preferred_element_type=jnp.float32, precision=lax.Precision.HIGHEST)

    return pl.pallas_call(
        kern,
        grid=(N // BR,),
        in_specs=[pl.BlockSpec((BR, x.shape[1]), lambda i: (i, 0)),
                  pl.BlockSpec(w.shape, lambda i: (0, 0))],
        out_specs=pl.BlockSpec((BR, w.shape[0]), lambda i: (i, 0)),
        out_shape=jax.ShapeDtypeStruct((NP, w.shape[0]), jnp.float32),
        compiler_params=pltpu.CompilerParams(dimension_semantics=("parallel",)),
    )(x, w)


def _combine(p, c, xr, b, g=None, be=None, Wnl=None, Wnr=None):
    BR = 1280
    NBLK = NP // BR
    D = p.shape[1]
    with_ln = Wnl is not None
    b2 = b.reshape(1, D)
    ins = [p, p, c, c, xr, b2]
    in_specs = [
        pl.BlockSpec((BR, D), lambda i: (i, 0)),
        pl.BlockSpec((BR, D), lambda i: (i + NBLK, 0)),
        pl.BlockSpec((BR, CW), lambda i: (i, 0)),
        pl.BlockSpec((BR, CW), lambda i: (i + NBLK, 0)),
        pl.BlockSpec((BR, D), lambda i: (i, 0)),
        pl.BlockSpec((1, D), lambda i: (0, 0)),
    ]
    if with_ln:
        Dn = Wnl.shape[0]
        ins += [g.reshape(1, D), be.reshape(1, D), Wnl, Wnr]
        in_specs += [pl.BlockSpec((1, D), lambda i: (0, 0)),
                     pl.BlockSpec((1, D), lambda i: (0, 0)),
                     pl.BlockSpec(Wnl.shape, lambda i: (0, 0)),
                     pl.BlockSpec(Wnr.shape, lambda i: (0, 0))]
        out_shape = (jax.ShapeDtypeStruct((NP, Dn), jnp.float32),
                     jax.ShapeDtypeStruct((NP, Dn), jnp.float32))
        out_specs = (pl.BlockSpec((BR, Dn), lambda i: (i, 0)),
                     pl.BlockSpec((BR, Dn), lambda i: (i, 0)))
    else:
        out_shape = jax.ShapeDtypeStruct((N, D), jnp.float32)
        out_specs = pl.BlockSpec((BR, D), lambda i: (i, 0))

    def kern(p0_ref, p1_ref, c0_ref, c1_ref, xr_ref, b_ref, *rest):
        if with_ln:
            g_ref, be_ref, wnl_ref, wnr_ref, y_ref, yr_ref = rest
        else:
            (o_ref,) = rest
        agg = p0_ref[...] + p1_ref[...]
        cnt = c0_ref[...][:, :1] + c1_ref[...][:, :1]
        inv = 1.0 / jnp.maximum(cnt, 1.0)
        out = agg * inv + b_ref[...] + xr_ref[...]
        nrm = jnp.sqrt(jnp.sum(out * out, axis=-1, keepdims=True))
        out = out / jnp.maximum(nrm, 1e-12)
        if with_ln:
            mu = jnp.mean(out, axis=-1, keepdims=True)
            var = jnp.mean((out - mu) ** 2, axis=-1, keepdims=True)
            hn = (out - mu) / jnp.sqrt(var + 1e-5) * g_ref[...] + be_ref[...]
            hn = jnp.maximum(hn, 0.0)
            y_ref[...] = lax.dot_general(
                hn, wnl_ref[...], _DNUMS, preferred_element_type=jnp.float32, precision=lax.Precision.HIGHEST)
            yr_ref[...] = lax.dot_general(
                hn, wnr_ref[...], _DNUMS, preferred_element_type=jnp.float32, precision=lax.Precision.HIGHEST)
        else:
            o_ref[...] = out

    return pl.pallas_call(
        kern,
        grid=(NP // BR,),
        in_specs=in_specs,
        out_specs=out_specs,
        out_shape=out_shape,
        compiler_params=pltpu.CompilerParams(dimension_semantics=("parallel",)),
    )(*ins)


def kernel(x, edge_index, W1l, b1l, W1r, g1, be1, W2l, b2l, W2r, g2, be2, W3l, b3l, W3r):
    src = edge_index[0]
    dst = edge_index[1]
    pad_e = EP - E
    pad_iota = jnp.arange(pad_e, dtype=jnp.int32)
    src2 = jnp.concatenate([src, pad_iota % N]).reshape(EP_ROWS, CHUNK)
    dst2 = jnp.concatenate([dst, N + pad_iota % (NP - N)]).reshape(EP_ROWS, CHUNK)

    y1 = _matmul(x, W1l)
    xr1 = _matmul(x, W1r)
    p1, cnt = _seg_sum_sc(y1, src2, dst2, True)
    y2, xr2 = _combine(p1, cnt, xr1, b1l, g1, be1, W2l, W2r)
    p2 = _seg_sum_sc(y2, src2, dst2, False)
    y3, xr3 = _combine(p2, cnt, xr2, b2l, g2, be2, W3l, W3r)
    p3 = _seg_sum_sc(y3, src2, dst2, False)
    return _combine(p3, cnt, xr3, b3l)

# --- scband reference (transcript-rebuilt; emitter-appended) ---
"""Pipeline reference for scband-graph-sageencoder-67413806678196 (READ-ONLY COPY).

The authoritative reference and input builder live on the scoring server;
editing this copy changes nothing except your own understanding.
"""

import jax, jax.numpy as jnp
import numpy as np

N = 10000
E = 320000
D_IN = 128
D_H = 64
D_OUT = 32


def _lin_init(key, out_f, in_f):
    k1, k2 = jax.random.split(key)
    bound = 1.0 / np.sqrt(in_f)
    W = jax.random.uniform(k1, (out_f, in_f), minval=-bound, maxval=bound, dtype=jnp.float32)
    b = jax.random.uniform(k2, (out_f,), minval=-bound, maxval=bound, dtype=jnp.float32)
    return W, b


def setup_inputs(seed: int = 0) -> dict:
    key = jax.random.key(seed)
    ks = jax.random.split(key, 10)
    inp = {}
    inp["x"] = jax.random.normal(ks[0], (N, D_IN), dtype=jnp.float32)
    inp["edge_index"] = jax.random.randint(ks[1], (2, E), 0, N, dtype=jnp.int32)
    W1l, b1l = _lin_init(ks[2], D_H, D_IN)
    W1r, _ = _lin_init(ks[3], D_H, D_IN)
    W2l, b2l = _lin_init(ks[4], D_H, D_H)
    W2r, _ = _lin_init(ks[5], D_H, D_H)
    W3l, b3l = _lin_init(ks[6], D_OUT, D_H)
    W3r, _ = _lin_init(ks[7], D_OUT, D_H)
    inp.update({"W1l": W1l, "b1l": b1l, "W1r": W1r,
                "g1": jnp.ones((D_H,), jnp.float32), "be1": jnp.zeros((D_H,), jnp.float32),
                "W2l": W2l, "b2l": b2l, "W2r": W2r,
                "g2": jnp.ones((D_H,), jnp.float32), "be2": jnp.zeros((D_H,), jnp.float32),
                "W3l": W3l, "b3l": b3l, "W3r": W3r})
    return inp


def _sage(x, edge_index, Wl, bl, Wr):
    # PyG SAGEConv(aggr='mean', normalize=True):
    # out = lin_l(mean_{j in N(i)} x_j) + lin_r(x_i); then L2-normalize
    src = edge_index[0]
    dst = edge_index[1]
    msg = jnp.take(x, src, axis=0)
    summed = jax.ops.segment_sum(msg, dst, num_segments=x.shape[0])
    cnt = jax.ops.segment_sum(jnp.ones(msg.shape[0], dtype=x.dtype), dst, num_segments=x.shape[0])
    mean = summed / jnp.maximum(cnt, 1.0)[:, None]
    out = mean @ Wl.T + bl + x @ Wr.T
    nrm = jnp.linalg.norm(out, axis=-1, keepdims=True)
    return out / jnp.maximum(nrm, 1e-12)


def _layernorm(x, g, b):
    mu = jnp.mean(x, axis=-1, keepdims=True)
    var = jnp.var(x, axis=-1, keepdims=True)
    return (x - mu) / jnp.sqrt(var + 1e-5) * g + b


def reference(x, edge_index, W1l, b1l, W1r, g1, be1, W2l, b2l, W2r, g2, be2, W3l, b3l, W3r):
    # eval mode: dropout is identity
    h = _sage(x, edge_index, W1l, b1l, W1r)
    h = jax.nn.relu(_layernorm(h, g1, be1))
    h = _sage(h, edge_index, W2l, b2l, W2r)
    h = jax.nn.relu(_layernorm(h, g2, be2))
    h = _sage(h, edge_index, W3l, b3l, W3r)
    return h

if __name__ == "__main__":
    import jax
    _d = setup_inputs()
    print(jax.jit(kernel)(*tuple(_d.values())))

</pallas_src>

<mosaic_0001>
#map = affine_map<(d0, d1) -> (0, 0)>
module attributes {stable_mosaic.version = 14 : i64} {
  func.func @k(%arg0: i32, %arg1: i32, %arg2: memref<10240x64xf32, #tpu.memory_space<hbm>>, %arg3: memref<2568x128xi32, #tpu.memory_space<hbm>>, %arg4: memref<2568x128xi32, #tpu.memory_space<hbm>>, %arg5: memref<640x64xf32, #tpu.memory_space<hbm>>, %arg6: memref<640x16xf32, #tpu.memory_space<hbm>>, %arg7: memref<128x16xf32, #tpu.memory_space<hbm>>, %arg8: memref<20480x64xf32, #tpu.memory_space<hbm>>, %arg9: memref<20480x16xf32, #tpu.memory_space<hbm>>, %arg10: memref<88x128xi32, #tpu.memory_space<vmem>>, %arg11: memref<80x128xi32, #tpu.memory_space<vmem>>, %arg12: memref<640x64xf32, #tpu.memory_space<vmem>>, %arg13: memref<10240x64xf32, #tpu.memory_space<vmem_shared>>, %arg14: memref<!tpu.dma_semaphore, #tpu.memory_space<semaphore_mem>>, %arg15: memref<!tpu.dma_semaphore, #tpu.memory_space<semaphore_mem>>, %arg16: memref<!tpu.dma_semaphore, #tpu.memory_space<semaphore_mem>>, %arg17: memref<!tpu.dma_semaphore, #tpu.memory_space<semaphore_mem>>, %arg18: memref<!tpu.dma_semaphore, #tpu.memory_space<semaphore_mem>>, %arg19: memref<!tpu.dma_semaphore, #tpu.memory_space<semaphore_mem>>, %arg20: memref<!tpu.dma_semaphore, #tpu.memory_space<semaphore_mem>>, %arg21: memref<!tpu.dma_semaphore, #tpu.memory_space<semaphore_mem>>, %arg22: memref<!tpu.dma_semaphore, #tpu.memory_space<semaphore_mem>>, %arg23: memref<!tpu.dma_semaphore, #tpu.memory_space<semaphore_mem>>, %arg24: memref<128x16xf32, #tpu.memory_space<vmem>>, %arg25: memref<10240x16xf32, #tpu.memory_space<vmem_shared>>, %arg26: memref<!tpu.dma_semaphore, #tpu.memory_space<semaphore_mem>>, %arg27: memref<!tpu.dma_semaphore, #tpu.memory_space<semaphore_mem>>, %arg28: memref<!tpu.dma_semaphore, #tpu.memory_space<semaphore_mem>>, %arg29: memref<!tpu.dma_semaphore, #tpu.memory_space<semaphore_mem>>, %arg30: memref<!tpu.dma_semaphore, #tpu.memory_space<semaphore_mem>>) attributes {dimension_semantics = [#tpu.dimension_semantics<core_parallel>, #tpu.dimension_semantics<subcore_parallel>], iteration_bounds = array<i64: 2, 16>, scalar_prefetch = 0 : i64, scratch_operands = 21 : i64, tpu.core_type = #tpu.core_type<sc_vector_subcore>, window_params = [{transform_indices = #map}, {transform_indices = #map}, {transform_indices = #map}, {transform_indices = #map}, {transform_indices = #map}, {transform_indices = #map}, {transform_indices = #map}, {transform_indices = #map}]} {
    %mul3A = arith.constant 16 : i32
    %mul3A_0 = arith.muli %arg0, %mul3A : i32
    %add3A = arith.addi %mul3A_0, %arg1 : i32
    %mul3A_1 = arith.constant 80 : i32
    %mul3A_2 = arith.muli %add3A, %mul3A_1 : i32
    %mul3A_3 = arith.constant 640 : i32
    %mul3A_4 = arith.muli %arg1, %mul3A_3 : i32
    %dma_start3A = arith.constant 0 : i32
    %dma_start3A_5 = tpu.memref_slice %arg3[%mul3A_2, %dma_start3A] : memref<2568x128xi32, #tpu.memory_space<hbm>> -> memref<88x128xi32, #tpu.memory_space<hbm>>
    %dma_start3A_6 = arith.constant 0 : i32
    %dma_start3A_7 = tpu.memref_slice %arg3[%mul3A_2, %dma_start3A_6] : memref<2568x128xi32, #tpu.memory_space<hbm>> -> memref<88x128xi32, #tpu.memory_space<hbm>>
    tpu.enqueue_dma source(%dma_start3A_7 : memref<88x128xi32, #tpu.memory_space<hbm>>) target(%arg10 : memref<88x128xi32, #tpu.memory_space<vmem>>) target_semaphore(%arg14 : memref<!tpu.dma_semaphore, #tpu.memory_space<semaphore_mem>>)
    %dma_start3A_8 = arith.constant 0 : i32
    %dma_start3A_9 = tpu.memref_slice %arg4[%mul3A_2, %dma_start3A_8] : memref<2568x128xi32, #tpu.memory_space<hbm>> -> memref<80x128xi32, #tpu.memory_space<hbm>>
    %dma_start3A_10 = arith.constant 0 : i32
    %dma_start3A_11 = tpu.memref_slice %arg4[%mul3A_2, %dma_start3A_10] : memref<2568x128xi32, #tpu.memory_space<hbm>> -> memref<80x128xi32, #tpu.memory_space<hbm>>
    tpu.enqueue_dma source(%dma_start3A_11 : memref<80x128xi32, #tpu.memory_space<hbm>>) target(%arg11 : memref<80x128xi32, #tpu.memory_space<vmem>>) target_semaphore(%arg15 : memref<!tpu.dma_semaphore, #tpu.memory_space<semaphore_mem>>)
    %dma_start3A_12 = arith.constant 0 : i32
    %dma_start3A_13 = tpu.memref_slice %arg13[%mul3A_4, %dma_start3A_12] : memref<10240x64xf32, #tpu.memory_space<vmem_shared>> -> memref<640x64xf32, #tpu.memory_space<vmem_shared>>
    tpu.enqueue_dma source(%arg5 : memref<640x64xf32, #tpu.memory_space<hbm>>) target(%dma_start3A_13 : memref<640x64xf32, #tpu.memory_space<vmem_shared>>) target_semaphore(%arg16 : memref<!tpu.dma_semaphore, #tpu.memory_space<semaphore_mem>>)
    tpu.enqueue_dma source(%arg7 : memref<128x16xf32, #tpu.memory_space<hbm>>) target(%arg24 : memref<128x16xf32, #tpu.memory_space<vmem>>) target_semaphore(%arg19 : memref<!tpu.dma_semaphore, #tpu.memory_space<semaphore_mem>>)
    %dma_start3A_14 = arith.constant 0 : i32
    %dma_start3A_15 = tpu.memref_slice %arg25[%mul3A_4, %dma_start3A_14] : memref<10240x16xf32, #tpu.memory_space<vmem_shared>> -> memref<640x16xf32, #tpu.memory_space<vmem_shared>>
    tpu.enqueue_dma source(%arg6 : memref<640x16xf32, #tpu.memory_space<hbm>>) target(%dma_start3A_15 : memref<640x16xf32, #tpu.memory_space<vmem_shared>>) target_semaphore(%arg20 : memref<!tpu.dma_semaphore, #tpu.memory_space<semaphore_mem>>)
    %dma_wait3A = arith.constant 0 : i32
    %dma_wait3A_16 = tpu.memref_slice %arg3[%mul3A_2, %dma_wait3A] : memref<2568x128xi32, #tpu.memory_space<hbm>> -> memref<88x128xi32, #tpu.memory_space<hbm>>
    %dma_wait3A_17 = arith.constant 0 : i32
    %dma_wait3A_18 = tpu.memref_slice %arg3[%mul3A_2, %dma_wait3A_17] : memref<2568x128xi32, #tpu.memory_space<hbm>> -> memref<88x128xi32, #tpu.memory_space<hbm>>
    tpu.wait_dma2 semaphore(%arg14 : memref<!tpu.dma_semaphore, #tpu.memory_space<semaphore_mem>>) src(%dma_wait3A_18 : memref<88x128xi32, #tpu.memory_space<hbm>>) dst(%arg10 : memref<88x128xi32, #tpu.memory_space<vmem>>)
    %dma_wait3A_19 = arith.constant 0 : i32
    %dma_wait3A_20 = tpu.memref_slice %arg4[%mul3A_2, %dma_wait3A_19] : memref<2568x128xi32, #tpu.memory_space<hbm>> -> memref<80x128xi32, #tpu.memory_space<hbm>>
    %dma_wait3A_21 = arith.constant 0 : i32
    %dma_wait3A_22 = tpu.memref_slice %arg4[%mul3A_2, %dma_wait3A_21] : memref<2568x128xi32, #tpu.memory_space<hbm>> -> memref<80x128xi32, #tpu.memory_space<hbm>>
    tpu.wait_dma2 semaphore(%arg15 : memref<!tpu.dma_semaphore, #tpu.memory_space<semaphore_mem>>) src(%dma_wait3A_22 : memref<80x128xi32, #tpu.memory_space<hbm>>) dst(%arg11 : memref<80x128xi32, #tpu.memory_space<vmem>>)
    %dma_wait3A_23 = arith.constant 0 : i32
    %dma_wait3A_24 = tpu.memref_slice %arg13[%mul3A_4, %dma_wait3A_23] : memref<10240x64xf32, #tpu.memory_space<vmem_shared>> -> memref<640x64xf32, #tpu.memory_space<vmem_shared>>
    tpu.wait_dma2 semaphore(%arg16 : memref<!tpu.dma_semaphore, #tpu.memory_space<semaphore_mem>>) src(%arg5 : memref<640x64xf32, #tpu.memory_space<hbm>>) dst(%dma_wait3A_24 : memref<640x64xf32, #tpu.memory_space<vmem_shared>>)
    tpu.wait_dma2 semaphore(%arg19 : memref<!tpu.dma_semaphore, #tpu.memory_space<semaphore_mem>>) src(%arg7 : memref<128x16xf32, #tpu.memory_space<hbm>>) dst(%arg24 : memref<128x16xf32, #tpu.memory_space<vmem>>)
    %dma_wait3A_25 = arith.constant 0 : i32
    %dma_wait3A_26 = tpu.memref_slice %arg25[%mul3A_4, %dma_wait3A_25] : memref<10240x16xf32, #tpu.memory_space<vmem_shared>> -> memref<640x16xf32, #tpu.memory_space<vmem_shared>>
    tpu.wait_dma2 semaphore(%arg20 : memref<!tpu.dma_semaphore, #tpu.memory_space<semaphore_mem>>) src(%arg6 : memref<640x16xf32, #tpu.memory_space<hbm>>) dst(%dma_wait3A_26 : memref<640x16xf32, #tpu.memory_space<vmem_shared>>)
    %barrier3A = arith.constant 0 : index
    tpu.barrier barrier_id(%barrier3A)
    %dma_start3A_27 = arith.constant 0 : i32
    %dma_start3A_28 = arith.constant 0 : i32
    %dma_start3A_29 = arith.constant 0 : i32
    %dma_start3A_30 = tpu.memref_slice %arg12[%dma_start3A_28, %dma_start3A_29] : memref<640x64xf32, #tpu.memory_space<vmem>> -> memref<128x64xf32, #tpu.memory_space<vmem>>
    %dma_start3A_31 = arith.constant 0 : i32
    %dma_start3A_32 = tpu.memref_slice %arg10[%dma_start3A_27, %dma_start3A_31] : memref<88x128xi32, #tpu.memory_space<vmem>> -> memref<1x128xi32, #tpu.memory_space<vmem>>
    %dma_start3A_33 = tpu.memref_squeeze %dma_start3A_32 : memref<1x128xi32, #tpu.memory_space<vmem>> -> memref<128xi32, #tpu.memory_space<vmem>>
    %dma_start3A_34 = arith.constant 0 : i32
    %dma_start3A_35 = arith.constant 0 : i32
    %dma_start3A_36 = tpu.memref_slice %arg2[%dma_start3A_34, %dma_start3A_35] : memref<10240x64xf32, #tpu.memory_space<hbm>> -> memref<10240x64xf32, #tpu.memory_space<hbm>>
    tpu.enqueue_indirect_dma source(%dma_start3A_36 : memref<10240x64xf32, #tpu.memory_space<hbm>>) target(%dma_start3A_30 : memref<128x64xf32, #tpu.memory_space<vmem>>) offsets(%dma_start3A_33 : memref<128xi32, #tpu.memory_space<vmem>>) semaphore(%arg14 : memref<!tpu.dma_semaphore, #tpu.memory_space<semaphore_mem>>)
    %dma_start3A_37 = arith.constant 1 : i32
    %dma_start3A_38 = arith.constant 128 : i32
    %dma_start3A_39 = arith.constant 0 : i32
    %dma_start3A_40 = tpu.memref_slice %arg12[%dma_start3A_38, %dma_start3A_39] : memref<640x64xf32, #tpu.memory_space<vmem>> -> memref<128x64xf32, #tpu.memory_space<vmem>>
    %dma_start3A_41 = arith.constant 0 : i32
    %dma_start3A_42 = tpu.memref_slice %arg10[%dma_start3A_37, %dma_start3A_41] : memref<88x128xi32, #tpu.memory_space<vmem>> -> memref<1x128xi32, #tpu.memory_space<vmem>>
    %dma_start3A_43 = tpu.memref_squeeze %dma_start3A_42 : memref<1x128xi32, #tpu.memory_space<vmem>> -> memref<128xi32, #tpu.memory_space<vmem>>
    %dma_start3A_44 = arith.constant 0 : i32
    %dma_start3A_45 = arith.constant 0 : i32
    %dma_start3A_46 = tpu.memref_slice %arg2[%dma_start3A_44, %dma_start3A_45] : memref<10240x64xf32, #tpu.memory_space<hbm>> -> memref<10240x64xf32, #tpu.memory_space<hbm>>
    tpu.enqueue_indirect_dma source(%dma_start3A_46 : memref<10240x64xf32, #tpu.memory_space<hbm>>) target(%dma_start3A_40 : memref<128x64xf32, #tpu.memory_space<vmem>>) offsets(%dma_start3A_43 : memref<128xi32, #tpu.memory_space<vmem>>) semaphore(%arg15 : memref<!tpu.dma_semaphore, #tpu.memory_space<semaphore_mem>>)
    %dma_start3A_47 = arith.constant 2 : i32
    %dma_start3A_48 = arith.constant 256 : i32
    %dma_start3A_49 = arith.constant 0 : i32
    %dma_start3A_50 = tpu.memref_slice %arg12[%dma_start3A_48, %dma_start3A_49] : memref<640x64xf32, #tpu.memory_space<vmem>> -> memref<128x64xf32, #tpu.memory_space<vmem>>
    %dma_start3A_51 = arith.constant 0 : i32
    %dma_start3A_52 = tpu.memref_slice %arg10[%dma_start3A_47, %dma_start3A_51] : memref<88x128xi32, #tpu.memory_space<vmem>> -> memref<1x128xi32, #tpu.memory_space<vmem>>
    %dma_start3A_53 = tpu.memref_squeeze %dma_start3A_52 : memref<1x128xi32, #tpu.memory_space<vmem>> -> memref<128xi32, #tpu.memory_space<vmem>>
    %dma_start3A_54 = arith.constant 0 : i32
    %dma_start3A_55 = arith.constant 0 : i32
    %dma_start3A_56 = tpu.memref_slice %arg2[%dma_start3A_54, %dma_start3A_55] : memref<10240x64xf32, #tpu.memory_space<hbm>> -> memref<10240x64xf32, #tpu.memory_space<hbm>>
    tpu.enqueue_indirect_dma source(%dma_start3A_56 : memref<10240x64xf32, #tpu.memory_space<hbm>>) target(%dma_start3A_50 : memref<128x64xf32, #tpu.memory_space<vmem>>) offsets(%dma_start3A_53 : memref<128xi32, #tpu.memory_space<vmem>>) semaphore(%arg16 : memref<!tpu.dma_semaphore, #tpu.memory_space<semaphore_mem>>)
    %scan3A = arith.constant 0 : i32
    %scan3A_57 = arith.constant 16 : i32
    %scan3A_58 = arith.addi %scan3A, %scan3A_57 : i32
    %scan3A_59 = arith.constant 1 : i32
    scf.for %scan3A_121 = %scan3A to %scan3A_58 step %scan3A_59  : i32 {
      %mul3A_122 = arith.constant 1 : i32
      %mul3A_123 = arith.muli %scan3A_121, %mul3A_122 : i32
      %add3A_124 = arith.constant 0 : i32
      %add3A_125 = arith.addi %add3A_124, %mul3A_123 : i32
      %mul3A_126 = arith.constant 5 : i32
      %mul3A_127 = arith.muli %add3A_125, %mul3A_126 : i32
      %add3A_128 = arith.constant 0 : i32
      %add3A_129 = arith.addi %mul3A_127, %add3A_128 : i32
      %dma_wait3A_130 = arith.constant 0 : i32
      %dma_wait3A_131 = arith.constant 0 : i32
      %dma_wait3A_132 = tpu.memref_slice %arg12[%dma_wait3A_130, %dma_wait3A_131] : memref<640x64xf32, #tpu.memory_space<vmem>> -> memref<128x64xf32, #tpu.memory_space<vmem>>
      %dma_wait3A_133 = arith.constant 0 : i32
      %dma_wait3A_134 = tpu.memref_slice %arg10[%add3A_129, %dma_wait3A_133] : memref<88x128xi32, #tpu.memory_space<vmem>> -> memref<1x128xi32, #tpu.memory_space<vmem>>
      %dma_wait3A_135 = tpu.memref_squeeze %dma_wait3A_134 : memref<1x128xi32, #tpu.memory_space<vmem>> -> memref<128xi32, #tpu.memory_space<vmem>>
      %dma_wait3A_136 = arith.constant 0 : i32
      %dma_wait3A_137 = arith.constant 0 : i32
      %dma_wait3A_138 = tpu.memref_slice %arg2[%dma_wait3A_136, %dma_wait3A_137] : memref<10240x64xf32, #tpu.memory_space<hbm>> -> memref<10240x64xf32, #tpu.memory_space<hbm>>
      tpu.wait_indirect_dma semaphore(%arg14 : memref<!tpu.dma_semaphore, #tpu.memory_space<semaphore_mem>>) src(%dma_wait3A_138 : memref<10240x64xf32, #tpu.memory_space<hbm>>) dst(%dma_wait3A_132 : memref<128x64xf32, #tpu.memory_space<vmem>>)
      %dma_start3A_139 = arith.constant 0 : i32
      %dma_start3A_140 = arith.constant 0 : i32
      %dma_start3A_141 = tpu.memref_slice %arg12[%dma_start3A_139, %dma_start3A_140] : memref<640x64xf32, #tpu.memory_space<vmem>> -> memref<128x64xf32, #tpu.memory_space<vmem>>
      %dma_start3A_142 = arith.constant 0 : i32
      %dma_start3A_143 = tpu.memref_slice %arg11[%add3A_129, %dma_start3A_142] : memref<80x128xi32, #tpu.memory_space<vmem>> -> memref<1x128xi32, #tpu.memory_space<vmem>>
      %dma_start3A_144 = tpu.memref_squeeze %dma_start3A_143 : memref<1x128xi32, #tpu.memory_space<vmem>> -> memref<128xi32, #tpu.memory_space<vmem>>
      %dma_start3A_145 = arith.constant 0 : i32
      %dma_start3A_146 = arith.constant 0 : i32
      %dma_start3A_147 = tpu.memref_slice %arg13[%dma_start3A_145, %dma_start3A_146] : memref<10240x64xf32, #tpu.memory_space<vmem_shared>> -> memref<10240x64xf32, #tpu.memory_space<vmem_shared>>
      tpu.enqueue_indirect_dma source(%dma_start3A_141 : memref<128x64xf32, #tpu.memory_space<vmem>>) target(%dma_start3A_147 : memref<10240x64xf32, #tpu.memory_space<vmem_shared>>) offsets(%dma_start3A_144 : memref<128xi32, #tpu.memory_space<vmem>>) semaphore(%arg19 : memref<!tpu.dma_semaphore, #tpu.memory_space<semaphore_mem>>) {add = true}
      %dma_start3A_148 = arith.constant 0 : i32
      %dma_start3A_149 = tpu.memref_slice %arg11[%add3A_129, %dma_start3A_148] : memref<80x128xi32, #tpu.memory_space<vmem>> -> memref<1x128xi32, #tpu.memory_space<vmem>>
      %dma_start3A_150 = tpu.memref_squeeze %dma_start3A_149 : memref<1x128xi32, #tpu.memory_space<vmem>> -> memref<128xi32, #tpu.memory_space<vmem>>
      %dma_start3A_151 = arith.constant 0 : i32
      %dma_start3A_152 = arith.constant 0 : i32
      %dma_start3A_153 = tpu.memref_slice %arg25[%dma_start3A_151, %dma_start3A_152] : memref<10240x16xf32, #tpu.memory_space<vmem_shared>> -> memref<10240x16xf32, #tpu.memory_space<vmem_shared>>
      tpu.enqueue_indirect_dma source(%arg24 : memref<128x16xf32, #tpu.memory_space<vmem>>) target(%dma_start3A_153 : memref<10240x16xf32, #tpu.memory_space<vmem_shared>>) offsets(%dma_start3A_150 : memref<128xi32, #tpu.memory_space<vmem>>) semaphore(%arg26 : memref<!tpu.dma_semaphore, #tpu.memory_space<semaphore_mem>>) {add = true}
      %ge3A = arith.constant 1 : i32
      %ge3A_154 = arith.cmpi sge, %add3A_129, %ge3A : i32
      %convert_element_type3A = arith.extui %ge3A_154 : i1 to i32
      %cond3A = arith.constant 0 : i32
      %cond3A_155 = arith.cmpi ne, %convert_element_type3A, %cond3A : i32
      scf.if %cond3A_155 {
        %sub3A = arith.constant 1 : i32
        %sub3A_335 = arith.subi %add3A_129, %sub3A : i32
        %dma_wait3A_336 = arith.constant 512 : i32
        %dma_wait3A_337 = arith.constant 0 : i32
        %dma_wait3A_338 = tpu.memref_slice %arg12[%dma_wait3A_336, %dma_wait3A_337] : memref<640x64xf32, #tpu.memory_space<vmem>> -> memref<128x64xf32, #tpu.memory_space<vmem>>
        %dma_wait3A_339 = arith.constant 0 : i32
        %dma_wait3A_340 = tpu.memref_slice %arg11[%sub3A_335, %dma_wait3A_339] : memref<80x128xi32, #tpu.memory_space<vmem>> -> memref<1x128xi32, #tpu.memory_space<vmem>>
        %dma_wait3A_341 = tpu.memref_squeeze %dma_wait3A_340 : memref<1x128xi32, #tpu.memory_space<vmem>> -> memref<128xi32, #tpu.memory_space<vmem>>
        %dma_wait3A_342 = arith.constant 0 : i32
        %dma_wait3A_343 = arith.constant 0 : i32
        %dma_wait3A_344 = tpu.memref_slice %arg13[%dma_wait3A_342, %dma_wait3A_343] : memref<10240x64xf32, #tpu.memory_space<vmem_shared>> -> memref<10240x64xf32, #tpu.memory_space<vmem_shared>>
        tpu.wait_indirect_dma semaphore(%arg23 : memref<!tpu.dma_semaphore, #tpu.memory_space<semaphore_mem>>) src(%dma_wait3A_338 : memref<128x64xf32, #tpu.memory_space<vmem>>) dst(%dma_wait3A_344 : memref<10240x64xf32, #tpu.memory_space<vmem_shared>>)
        %sub3A_345 = arith.constant 1 : i32
        %sub3A_346 = arith.subi %add3A_129, %sub3A_345 : i32
        %dma_wait3A_347 = arith.constant 0 : i32
        %dma_wait3A_348 = tpu.memref_slice %arg11[%sub3A_346, %dma_wait3A_347] : memref<80x128xi32, #tpu.memory_space<vmem>> -> memref<1x128xi32, #tpu.memory_space<vmem>>
        %dma_wait3A_349 = tpu.memref_squeeze %dma_wait3A_348 : memref<1x128xi32, #tpu.memory_space<vmem>> -> memref<128xi32, #tpu.memory_space<vmem>>
        %dma_wait3A_350 = arith.constant 0 : i32
        %dma_wait3A_351 = arith.constant 0 : i32
        %dma_wait3A_352 = tpu.memref_slice %arg25[%dma_wait3A_350, %dma_wait3A_351] : memref<10240x16xf32, #tpu.memory_space<vmem_shared>> -> memref<10240x16xf32, #tpu.memory_space<vmem_shared>>
        tpu.wait_indirect_dma semaphore(%arg30 : memref<!tpu.dma_semaphore, #tpu.memory_space<semaphore_mem>>) src(%arg24 : memref<128x16xf32, #tpu.memory_space<vmem>>) dst(%dma_wait3A_352 : memref<10240x16xf32, #tpu.memory_space<vmem_shared>>)
      } else {
      }
      %add3A_156 = arith.constant 3 : i32
      %add3A_157 = arith.addi %add3A_129, %add3A_156 : i32
      %dma_start3A_158 = arith.constant 384 : i32
      %dma_start3A_159 = arith.constant 0 : i32
      %dma_start3A_160 = tpu.memref_slice %arg12[%dma_start3A_158, %dma_start3A_159] : memref<640x64xf32, #tpu.memory_space<vmem>> -> memref<128x64xf32, #tpu.memory_space<vmem>>
      %dma_start3A_161 = arith.constant 0 : i32
      %dma_start3A_162 = tpu.memref_slice %arg10[%add3A_157, %dma_start3A_161] : memref<88x128xi32, #tpu.memory_space<vmem>> -> memref<1x128xi32, #tpu.memory_space<vmem>>
      %dma_start3A_163 = tpu.memref_squeeze %dma_start3A_162 : memref<1x128xi32, #tpu.memory_space<vmem>> -> memref<128xi32, #tpu.memory_space<vmem>>
      %dma_start3A_164 = arith.constant 0 : i32
      %dma_start3A_165 = arith.constant 0 : i32
      %dma_start3A_166 = tpu.memref_slice %arg2[%dma_start3A_164, %dma_start3A_165] : memref<10240x64xf32, #tpu.memory_space<hbm>> -> memref<10240x64xf32, #tpu.memory_space<hbm>>
      tpu.enqueue_indirect_dma source(%dma_start3A_166 : memref<10240x64xf32, #tpu.memory_space<hbm>>) target(%dma_start3A_160 : memref<128x64xf32, #tpu.memory_space<vmem>>) offsets(%dma_start3A_163 : memref<128xi32, #tpu.memory_space<vmem>>) semaphore(%arg17 : memref<!tpu.dma_semaphore, #tpu.memory_space<semaphore_mem>>)
      %add3A_167 = arith.constant 1 : i32
      %add3A_168 = arith.addi %mul3A_127, %add3A_167 : i32
      %dma_wait3A_169 = arith.constant 128 : i32
      %dma_wait3A_170 = arith.constant 0 : i32
      %dma_wait3A_171 = tpu.memref_slice %arg12[%dma_wait3A_169, %dma_wait3A_170] : memref<640x64xf32, #tpu.memory_space<vmem>> -> memref<128x64xf32, #tpu.memory_space<vmem>>
      %dma_wait3A_172 = arith.constant 0 : i32
      %dma_wait3A_173 = tpu.memref_slice %arg10[%add3A_168, %dma_wait3A_172] : memref<88x128xi32, #tpu.memory_space<vmem>> -> memref<1x128xi32, #tpu.memory_space<vmem>>
      %dma_wait3A_174 = tpu.memref_squeeze %dma_wait3A_173 : memref<1x128xi32, #tpu.memory_space<vmem>> -> memref<128xi32, #tpu.memory_space<vmem>>
      %dma_wait3A_175 = arith.constant 0 : i32
      %dma_wait3A_176 = arith.constant 0 : i32
      %dma_wait3A_177 = tpu.memref_slice %arg2[%dma_wait3A_175, %dma_wait3A_176] : memref<10240x64xf32, #tpu.memory_space<hbm>> -> memref<10240x64xf32, #tpu.memory_space<hbm>>
      tpu.wait_indirect_dma semaphore(%arg15 : memref<!tpu.dma_semaphore, #tpu.memory_space<semaphore_mem>>) src(%dma_wait3A_177 : memref<10240x64xf32, #tpu.memory_space<hbm>>) dst(%dma_wait3A_171 : memref<128x64xf32, #tpu.memory_space<vmem>>)
      %dma_start3A_178 = arith.constant 128 : i32
      %dma_start3A_179 = arith.constant 0 : i32
      %dma_start3A_180 = tpu.memref_slice %arg12[%dma_start3A_178, %dma_start3A_179] : memref<640x64xf32, #tpu.memory_space<vmem>> -> memref<128x64xf32, #tpu.memory_space<vmem>>
      %dma_start3A_181 = arith.constant 0 : i32
      %dma_start3A_182 = tpu.memref_slice %arg11[%add3A_168, %dma_start3A_181] : memref<80x128xi32, #tpu.memory_space<vmem>> -> memref<1x128xi32, #tpu.memory_space<vmem>>
      %dma_start3A_183 = tpu.memref_squeeze %dma_start3A_182 : memref<1x128xi32, #tpu.memory_space<vmem>> -> memref<128xi32, #tpu.memory_space<vmem>>
      %dma_start3A_184 = arith.constant 0 : i32
      %dma_start3A_185 = arith.constant 0 : i32
      %dma_start3A_186 = tpu.memref_slice %arg13[%dma_start3A_184, %dma_start3A_185] : memref<10240x64xf32, #tpu.memory_space<vmem_shared>> -> memref<10240x64xf32, #tpu.memory_space<vmem_shared>>
      tpu.enqueue_indirect_dma source(%dma_start3A_180 : memref<128x64xf32, #tpu.memory_space<vmem>>) target(%dma_start3A_186 : memref<10240x64xf32, #tpu.memory_space<vmem_shared>>) offsets(%dma_start3A_183 : memref<128xi32, #tpu.memory_space<vmem>>) semaphore(%arg20 : memref<!tpu.dma_semaphore, #tpu.memory_space<semaphore_mem>>) {add = true}
      %dma_start3A_187 = arith.constant 0 : i32
      %dma_start3A_188 = tpu.memref_slice %arg11[%add3A_168, %dma_start3A_187] : memref<80x128xi32, #tpu.memory_space<vmem>> -> memref<1x128xi32, #tpu.memory_space<vmem>>
      %dma_start3A_189 = tpu.memref_squeeze %dma_start3A_188 : memref<1x128xi32, #tpu.memory_space<vmem>> -> memref<128xi32, #tpu.memory_space<vmem>>
      %dma_start3A_190 = arith.constant 0 : i32
      %dma_start3A_191 = arith.constant 0 : i32
      %dma_start3A_192 = tpu.memref_slice %arg25[%dma_start3A_190, %dma_start3A_191] : memref<10240x16xf32, #tpu.memory_space<vmem_shared>> -> memref<10240x16xf32, #tpu.memory_space<vmem_shared>>
      tpu.enqueue_indirect_dma source(%arg24 : memref<128x16xf32, #tpu.memory_space<vmem>>) target(%dma_start3A_192 : memref<10240x16xf32, #tpu.memory_space<vmem_shared>>) offsets(%dma_start3A_189 : memref<128xi32, #tpu.memory_space<vmem>>) semaphore(%arg27 : memref<!tpu.dma_semaphore, #tpu.memory_space<semaphore_mem>>) {add = true}
      %ge3A_193 = arith.constant 1 : i32
      %ge3A_194 = arith.cmpi sge, %add3A_168, %ge3A_193 : i32
      %convert_element_type3A_195 = arith.extui %ge3A_194 : i1 to i32
      %cond3A_196 = arith.constant 0 : i32
      %cond3A_197 = arith.cmpi ne, %convert_element_type3A_195, %cond3A_196 : i32
      scf.if %cond3A_197 {
        %sub3A = arith.constant 1 : i32
        %sub3A_335 = arith.subi %add3A_168, %sub3A : i32
        %dma_wait3A_336 = arith.constant 0 : i32
        %dma_wait3A_337 = arith.constant 0 : i32
        %dma_wait3A_338 = tpu.memref_slice %arg12[%dma_wait3A_336, %dma_wait3A_337] : memref<640x64xf32, #tpu.memory_space<vmem>> -> memref<128x64xf32, #tpu.memory_space<vmem>>
        %dma_wait3A_339 = arith.constant 0 : i32
        %dma_wait3A_340 = tpu.memref_slice %arg11[%sub3A_335, %dma_wait3A_339] : memref<80x128xi32, #tpu.memory_space<vmem>> -> memref<1x128xi32, #tpu.memory_space<vmem>>
        %dma_wait3A_341 = tpu.memref_squeeze %dma_wait3A_340 : memref<1x128xi32, #tpu.memory_space<vmem>> -> memref<128xi32, #tpu.memory_space<vmem>>
        %dma_wait3A_342 = arith.constant 0 : i32
        %dma_wait3A_343 = arith.constant 0 : i32
        %dma_wait3A_344 = tpu.memref_slice %arg13[%dma_wait3A_342, %dma_wait3A_343] : memref<10240x64xf32, #tpu.memory_space<vmem_shared>> -> memref<10240x64xf32, #tpu.memory_space<vmem_shared>>
        tpu.wait_indirect_dma semaphore(%arg19 : memref<!tpu.dma_semaphore, #tpu.memory_space<semaphore_mem>>) src(%dma_wait3A_338 : memref<128x64xf32, #tpu.memory_space<vmem>>) dst(%dma_wait3A_344 : memref<10240x64xf32, #tpu.memory_space<vmem_shared>>)
        %sub3A_345 = arith.constant 1 : i32
        %sub3A_346 = arith.subi %add3A_168, %sub3A_345 : i32
        %dma_wait3A_347 = arith.constant 0 : i32
        %dma_wait3A_348 = tpu.memref_slice %arg11[%sub3A_346, %dma_wait3A_347] : memref<80x128xi32, #tpu.memory_space<vmem>> -> memref<1x128xi32, #tpu.memory_space<vmem>>
        %dma_wait3A_349 = tpu.memref_squeeze %dma_wait3A_348 : memref<1x128xi32, #tpu.memory_space<vmem>> -> memref<128xi32, #tpu.memory_space<vmem>>
        %dma_wait3A_350 = arith.constant 0 : i32
        %dma_wait3A_351 = arith.constant 0 : i32
        %dma_wait3A_352 = tpu.memref_slice %arg25[%dma_wait3A_350, %dma_wait3A_351] : memref<10240x16xf32, #tpu.memory_space<vmem_shared>> -> memref<10240x16xf32, #tpu.memory_space<vmem_shared>>
        tpu.wait_indirect_dma semaphore(%arg26 : memref<!tpu.dma_semaphore, #tpu.memory_space<semaphore_mem>>) src(%arg24 : memref<128x16xf32, #tpu.memory_space<vmem>>) dst(%dma_wait3A_352 : memref<10240x16xf32, #tpu.memory_space<vmem_shared>>)
      } else {
      }
      %add3A_198 = arith.constant 3 : i32
      %add3A_199 = arith.addi %add3A_168, %add3A_198 : i32
      %dma_start3A_200 = arith.constant 512 : i32
      %dma_start3A_201 = arith.constant 0 : i32
      %dma_start3A_202 = tpu.memref_slice %arg12[%dma_start3A_200, %dma_start3A_201] : memref<640x64xf32, #tpu.memory_space<vmem>> -> memref<128x64xf32, #tpu.memory_space<vmem>>
      %dma_start3A_203 = arith.constant 0 : i32
      %dma_start3A_204 = tpu.memref_slice %arg10[%add3A_199, %dma_start3A_203] : memref<88x128xi32, #tpu.memory_space<vmem>> -> memref<1x128xi32, #tpu.memory_space<vmem>>
      %dma_start3A_205 = tpu.memref_squeeze %dma_start3A_204 : memref<1x128xi32, #tpu.memory_space<vmem>> -> memref<128xi32, #tpu.memory_space<vmem>>
      %dma_start3A_206 = arith.constant 0 : i32
      %dma_start3A_207 = arith.constant 0 : i32
      %dma_start3A_208 = tpu.memref_slice %arg2[%dma_start3A_206, %dma_start3A_207] : memref<10240x64xf32, #tpu.memory_space<hbm>> -> memref<10240x64xf32, #tpu.memory_space<hbm>>
      tpu.enqueue_indirect_dma source(%dma_start3A_208 : memref<10240x64xf32, #tpu.memory_space<hbm>>) target(%dma_start3A_202 : memref<128x64xf32, #tpu.memory_space<vmem>>) offsets(%dma_start3A_205 : memref<128xi32, #tpu.memory_space<vmem>>) semaphore(%arg18 : memref<!tpu.dma_semaphore, #tpu.memory_space<semaphore_mem>>)
      %add3A_209 = arith.constant 2 : i32
      %add3A_210 = arith.addi %mul3A_127, %add3A_209 : i32
      %dma_wait3A_211 = arith.constant 256 : i32
      %dma_wait3A_212 = arith.constant 0 : i32
      %dma_wait3A_213 = tpu.memref_slice %arg12[%dma_wait3A_211, %dma_wait3A_212] : memref<640x64xf32, #tpu.memory_space<vmem>> -> memref<128x64xf32, #tpu.memory_space<vmem>>
      %dma_wait3A_214 = arith.constant 0 : i32
      %dma_wait3A_215 = tpu.memref_slice %arg10[%add3A_210, %dma_wait3A_214] : memref<88x128xi32, #tpu.memory_space<vmem>> -> memref<1x128xi32, #tpu.memory_space<vmem>>
      %dma_wait3A_216 = tpu.memref_squeeze %dma_wait3A_215 : memref<1x128xi32, #tpu.memory_space<vmem>> -> memref<128xi32, #tpu.memory_space<vmem>>
      %dma_wait3A_217 = arith.constant 0 : i32
      %dma_wait3A_218 = arith.constant 0 : i32
      %dma_wait3A_219 = tpu.memref_slice %arg2[%dma_wait3A_217, %dma_wait3A_218] : memref<10240x64xf32, #tpu.memory_space<hbm>> -> memref<10240x64xf32, #tpu.memory_space<hbm>>
      tpu.wait_indirect_dma semaphore(%arg16 : memref<!tpu.dma_semaphore, #tpu.memory_space<semaphore_mem>>) src(%dma_wait3A_219 : memref<10240x64xf32, #tpu.memory_space<hbm>>) dst(%dma_wait3A_213 : memref<128x64xf32, #tpu.memory_space<vmem>>)
      %dma_start3A_220 = arith.constant 256 : i32
      %dma_start3A_221 = arith.constant 0 : i32
      %dma_start3A_222 = tpu.memref_slice %arg12[%dma_start3A_220, %dma_start3A_221] : memref<640x64xf32, #tpu.memory_space<vmem>> -> memref<128x64xf32, #tpu.memory_space<vmem>>
      %dma_start3A_223 = arith.constant 0 : i32
      %dma_start3A_224 = tpu.memref_slice %arg11[%add3A_210, %dma_start3A_223] : memref<80x128xi32, #tpu.memory_space<vmem>> -> memref<1x128xi32, #tpu.memory_space<vmem>>
      %dma_start3A_225 = tpu.memref_squeeze %dma_start3A_224 : memref<1x128xi32, #tpu.memory_space<vmem>> -> memref<128xi32, #tpu.memory_space<vmem>>
      %dma_start3A_226 = arith.constant 0 : i32
      %dma_start3A_227 = arith.constant 0 : i32
      %dma_start3A_228 = tpu.memref_slice %arg13[%dma_start3A_226, %dma_start3A_227] : memref<10240x64xf32, #tpu.memory_space<vmem_shared>> -> memref<10240x64xf32, #tpu.memory_space<vmem_shared>>
      tpu.enqueue_indirect_dma source(%dma_start3A_222 : memref<128x64xf32, #tpu.memory_space<vmem>>) target(%dma_start3A_228 : memref<10240x64xf32, #tpu.memory_space<vmem_shared>>) offsets(%dma_start3A_225 : memref<128xi32, #tpu.memory_space<vmem>>) semaphore(%arg21 : memref<!tpu.dma_semaphore, #tpu.memory_space<semaphore_mem>>) {add = true}
      %dma_start3A_229 = arith.constant 0 : i32
      %dma_start3A_230 = tpu.memref_slice %arg11[%add3A_210, %dma_start3A_229] : memref<80x128xi32, #tpu.memory_space<vmem>> -> memref<1x128xi32, #tpu.memory_space<vmem>>
      %dma_start3A_231 = tpu.memref_squeeze %dma_start3A_230 : memref<1x128xi32, #tpu.memory_space<vmem>> -> memref<128xi32, #tpu.memory_space<vmem>>
      %dma_start3A_232 = arith.constant 0 : i32
      %dma_start3A_233 = arith.constant 0 : i32
      %dma_start3A_234 = tpu.memref_slice %arg25[%dma_start3A_232, %dma_start3A_233] : memref<10240x16xf32, #tpu.memory_space<vmem_shared>> -> memref<10240x16xf32, #tpu.memory_space<vmem_shared>>
      tpu.enqueue_indirect_dma source(%arg24 : memref<128x16xf32, #tpu.memory_space<vmem>>) target(%dma_start3A_234 : memref<10240x16xf32, #tpu.memory_space<vmem_shared>>) offsets(%dma_start3A_231 : memref<128xi32, #tpu.memory_space<vmem>>) semaphore(%arg28 : memref<!tpu.dma_semaphore, #tpu.memory_space<semaphore_mem>>) {add = true}
      %ge3A_235 = arith.constant 1 : i32
      %ge3A_236 = arith.cmpi sge, %add3A_210, %ge3A_235 : i32
      %convert_element_type3A_237 = arith.extui %ge3A_236 : i1 to i32
      %cond3A_238 = arith.constant 0 : i32
      %cond3A_239 = arith.cmpi ne, %convert_element_type3A_237, %cond3A_238 : i32
      scf.if %cond3A_239 {
        %sub3A = arith.constant 1 : i32
        %sub3A_335 = arith.subi %add3A_210, %sub3A : i32
        %dma_wait3A_336 = arith.constant 128 : i32
        %dma_wait3A_337 = arith.constant 0 : i32
        %dma_wait3A_338 = tpu.memref_slice %arg12[%dma_wait3A_336, %dma_wait3A_337] : memref<640x64xf32, #tpu.memory_space<vmem>> -> memref<128x64xf32, #tpu.memory_space<vmem>>
        %dma_wait3A_339 = arith.constant 0 : i32
        %dma_wait3A_340 = tpu.memref_slice %arg11[%sub3A_335, %dma_wait3A_339] : memref<80x128xi32, #tpu.memory_space<vmem>> -> memref<1x128xi32, #tpu.memory_space<vmem>>
        %dma_wait3A_341 = tpu.memref_squeeze %dma_wait3A_340 : memref<1x128xi32, #tpu.memory_space<vmem>> -> memref<128xi32, #tpu.memory_space<vmem>>
        %dma_wait3A_342 = arith.constant 0 : i32
        %dma_wait3A_343 = arith.constant 0 : i32
        %dma_wait3A_344 = tpu.memref_slice %arg13[%dma_wait3A_342, %dma_wait3A_343] : memref<10240x64xf32, #tpu.memory_space<vmem_shared>> -> memref<10240x64xf32, #tpu.memory_space<vmem_shared>>
        tpu.wait_indirect_dma semaphore(%arg20 : memref<!tpu.dma_semaphore, #tpu.memory_space<semaphore_mem>>) src(%dma_wait3A_338 : memref<128x64xf32, #tpu.memory_space<vmem>>) dst(%dma_wait3A_344 : memref<10240x64xf32, #tpu.memory_space<vmem_shared>>)
        %sub3A_345 = arith.constant 1 : i32
        %sub3A_346 = arith.subi %add3A_210, %sub3A_345 : i32
        %dma_wait3A_347 = arith.constant 0 : i32
        %dma_wait3A_348 = tpu.memref_slice %arg11[%sub3A_346, %dma_wait3A_347] : memref<80x128xi32, #tpu.memory_space<vmem>> -> memref<1x128xi32, #tpu.memory_space<vmem>>
        %dma_wait3A_349 = tpu.memref_squeeze %dma_wait3A_348 : memref<1x128xi32, #tpu.memory_space<vmem>> -> memref<128xi32, #tpu.memory_space<vmem>>
        %dma_wait3A_350 = arith.constant 0 : i32
        %dma_wait3A_351 = arith.constant 0 : i32
        %dma_wait3A_352 = tpu.memref_slice %arg25[%dma_wait3A_350, %dma_wait3A_351] : memref<10240x16xf32, #tpu.memory_space<vmem_shared>> -> memref<10240x16xf32, #tpu.memory_space<vmem_shared>>
        tpu.wait_indirect_dma semaphore(%arg27 : memref<!tpu.dma_semaphore, #tpu.memory_space<semaphore_mem>>) src(%arg24 : memref<128x16xf32, #tpu.memory_space<vmem>>) dst(%dma_wait3A_352 : memref<10240x16xf32, #tpu.memory_space<vmem_shared>>)
      } else {
      }
      %add3A_240 = arith.constant 3 : i32
      %add3A_241 = arith.addi %add3A_210, %add3A_240 : i32
      %dma_start3A_242 = arith.constant 0 : i32
      %dma_start3A_243 = arith.constant 0 : i32
      %dma_start3A_244 = tpu.memref_slice %arg12[%dma_start3A_242, %dma_start3A_243] : memref<640x64xf32, #tpu.memory_space<vmem>> -> memref<128x64xf32, #tpu.memory_space<vmem>>
      %dma_start3A_245 = arith.constant 0 : i32
      %dma_start3A_246 = tpu.memref_slice %arg10[%add3A_241, %dma_start3A_245] : memref<88x128xi32, #tpu.memory_space<vmem>> -> memref<1x128xi32, #tpu.memory_space<vmem>>
      %dma_start3A_247 = tpu.memref_squeeze %dma_start3A_246 : memref<1x128xi32, #tpu.memory_space<vmem>> -> memref<128xi32, #tpu.memory_space<vmem>>
      %dma_start3A_248 = arith.constant 0 : i32
      %dma_start3A_249 = arith.constant 0 : i32
      %dma_start3A_250 = tpu.memref_slice %arg2[%dma_start3A_248, %dma_start3A_249] : memref<10240x64xf32, #tpu.memory_space<hbm>> -> memref<10240x64xf32, #tpu.memory_space<hbm>>
      tpu.enqueue_indirect_dma source(%dma_start3A_250 : memref<10240x64xf32, #tpu.memory_space<hbm>>) target(%dma_start3A_244 : memref<128x64xf32, #tpu.memory_space<vmem>>) offsets(%dma_start3A_247 : memref<128xi32, #tpu.memory_space<vmem>>) semaphore(%arg14 : memref<!tpu.dma_semaphore, #tpu.memory_space<semaphore_mem>>)
      %add3A_251 = arith.constant 3 : i32
      %add3A_252 = arith.addi %mul3A_127, %add3A_251 : i32
      %dma_wait3A_253 = arith.constant 384 : i32
      %dma_wait3A_254 = arith.constant 0 : i32
      %dma_wait3A_255 = tpu.memref_slice %arg12[%dma_wait3A_253, %dma_wait3A_254] : memref<640x64xf32, #tpu.memory_space<vmem>> -> memref<128x64xf32, #tpu.memory_space<vmem>>
      %dma_wait3A_256 = arith.constant 0 : i32
      %dma_wait3A_257 = tpu.memref_slice %arg10[%add3A_252, %dma_wait3A_256] : memref<88x128xi32, #tpu.memory_space<vmem>> -> memref<1x128xi32, #tpu.memory_space<vmem>>
      %dma_wait3A_258 = tpu.memref_squeeze %dma_wait3A_257 : memref<1x128xi32, #tpu.memory_space<vmem>> -> memref<128xi32, #tpu.memory_space<vmem>>
      %dma_wait3A_259 = arith.constant 0 : i32
      %dma_wait3A_260 = arith.constant 0 : i32
      %dma_wait3A_261 = tpu.memref_slice %arg2[%dma_wait3A_259, %dma_wait3A_260] : memref<10240x64xf32, #tpu.memory_space<hbm>> -> memref<10240x64xf32, #tpu.memory_space<hbm>>
      tpu.wait_indirect_dma semaphore(%arg17 : memref<!tpu.dma_semaphore, #tpu.memory_space<semaphore_mem>>) src(%dma_wait3A_261 : memref<10240x64xf32, #tpu.memory_space<hbm>>) dst(%dma_wait3A_255 : memref<128x64xf32, #tpu.memory_space<vmem>>)
      %dma_start3A_262 = arith.constant 384 : i32
      %dma_start3A_263 = arith.constant 0 : i32
      %dma_start3A_264 = tpu.memref_slice %arg12[%dma_start3A_262, %dma_start3A_263] : memref<640x64xf32, #tpu.memory_space<vmem>> -> memref<128x64xf32, #tpu.memory_space<vmem>>
      %dma_start3A_265 = arith.constant 0 : i32
      %dma_start3A_266 = tpu.memref_slice %arg11[%add3A_252, %dma_start3A_265] : memref<80x128xi32, #tpu.memory_space<vmem>> -> memref<1x128xi32, #tpu.memory_space<vmem>>
      %dma_start3A_267 = tpu.memref_squeeze %dma_start3A_266 : memref<1x128xi32, #tpu.memory_space<vmem>> -> memref<128xi32, #tpu.memory_space<vmem>>
      %dma_start3A_268 = arith.constant 0 : i32
      %dma_start3A_269 = arith.constant 0 : i32
      %dma_start3A_270 = tpu.memref_slice %arg13[%dma_start3A_268, %dma_start3A_269] : memref<10240x64xf32, #tpu.memory_space<vmem_shared>> -> memref<10240x64xf32, #tpu.memory_space<vmem_shared>>
      tpu.enqueue_indirect_dma source(%dma_start3A_264 : memref<128x64xf32, #tpu.memory_space<vmem>>) target(%dma_start3A_270 : memref<10240x64xf32, #tpu.memory_space<vmem_shared>>) offsets(%dma_start3A_267 : memref<128xi32, #tpu.memory_space<vmem>>) semaphore(%arg22 : memref<!tpu.dma_semaphore, #tpu.memory_space<semaphore_mem>>) {add = true}
      %dma_start3A_271 = arith.constant 0 : i32
      %dma_start3A_272 = tpu.memref_slice %arg11[%add3A_252, %dma_start3A_271] : memref<80x128xi32, #tpu.memory_space<vmem>> -> memref<1x128xi32, #tpu.memory_space<vmem>>
      %dma_start3A_273 = tpu.memref_squeeze %dma_start3A_272 : memref<1x128xi32, #tpu.memory_space<vmem>> -> memref<128xi32, #tpu.memory_space<vmem>>
      %dma_start3A_274 = arith.constant 0 : i32
      %dma_start3A_275 = arith.constant 0 : i32
      %dma_start3A_276 = tpu.memref_slice %arg25[%dma_start3A_274, %dma_start3A_275] : memref<10240x16xf32, #tpu.memory_space<vmem_shared>> -> memref<10240x16xf32, #tpu.memory_space<vmem_shared>>
      tpu.enqueue_indirect_dma source(%arg24 : memref<128x16xf32, #tpu.memory_space<vmem>>) target(%dma_start3A_276 : memref<10240x16xf32, #tpu.memory_space<vmem_shared>>) offsets(%dma_start3A_273 : memref<128xi32, #tpu.memory_space<vmem>>) semaphore(%arg29 : memref<!tpu.dma_semaphore, #tpu.memory_space<semaphore_mem>>) {add = true}
      %ge3A_277 = arith.constant 1 : i32
      %ge3A_278 = arith.cmpi sge, %add3A_252, %ge3A_277 : i32
      %convert_element_type3A_279 = arith.extui %ge3A_278 : i1 to i32
      %cond3A_280 = arith.constant 0 : i32
      %cond3A_281 = arith.cmpi ne, %convert_element_type3A_279, %cond3A_280 : i32
      scf.if %cond3A_281 {
        %sub3A = arith.constant 1 : i32
        %sub3A_335 = arith.subi %add3A_252, %sub3A : i32
        %dma_wait3A_336 = arith.constant 256 : i32
        %dma_wait3A_337 = arith.constant 0 : i32
        %dma_wait3A_338 = tpu.memref_slice %arg12[%dma_wait3A_336, %dma_wait3A_337] : memref<640x64xf32, #tpu.memory_space<vmem>> -> memref<128x64xf32, #tpu.memory_space<vmem>>
        %dma_wait3A_339 = arith.constant 0 : i32
        %dma_wait3A_340 = tpu.memref_slice %arg11[%sub3A_335, %dma_wait3A_339] : memref<80x128xi32, #tpu.memory_space<vmem>> -> memref<1x128xi32, #tpu.memory_space<vmem>>
        %dma_wait3A_341 = tpu.memref_squeeze %dma_wait3A_340 : memref<1x128xi32, #tpu.memory_space<vmem>> -> memref<128xi32, #tpu.memory_space<vmem>>
        %dma_wait3A_342 = arith.constant 0 : i32
        %dma_wait3A_343 = arith.constant 0 : i32
        %dma_wait3A_344 = tpu.memref_slice %arg13[%dma_wait3A_342, %dma_wait3A_343] : memref<10240x64xf32, #tpu.memory_space<vmem_shared>> -> memref<10240x64xf32, #tpu.memory_space<vmem_shared>>
        tpu.wait_indirect_dma semaphore(%arg21 : memref<!tpu.dma_semaphore, #tpu.memory_space<semaphore_mem>>) src(%dma_wait3A_338 : memref<128x64xf32, #tpu.memory_space<vmem>>) dst(%dma_wait3A_344 : memref<10240x64xf32, #tpu.memory_space<vmem_shared>>)
        %sub3A_345 = arith.constant 1 : i32
        %sub3A_346 = arith.subi %add3A_252, %sub3A_345 : i32
        %dma_wait3A_347 = arith.constant 0 : i32
        %dma_wait3A_348 = tpu.memref_slice %arg11[%sub3A_346, %dma_wait3A_347] : memref<80x128xi32, #tpu.memory_space<vmem>> -> memref<1x128xi32, #tpu.memory_space<vmem>>
        %dma_wait3A_349 = tpu.memref_squeeze %dma_wait3A_348 : memref<1x128xi32, #tpu.memory_space<vmem>> -> memref<128xi32, #tpu.memory_space<vmem>>
        %dma_wait3A_350 = arith.constant 0 : i32
        %dma_wait3A_351 = arith.constant 0 : i32
        %dma_wait3A_352 = tpu.memref_slice %arg25[%dma_wait3A_350, %dma_wait3A_351] : memref<10240x16xf32, #tpu.memory_space<vmem_shared>> -> memref<10240x16xf32, #tpu.memory_space<vmem_shared>>
        tpu.wait_indirect_dma semaphore(%arg28 : memref<!tpu.dma_semaphore, #tpu.memory_space<semaphore_mem>>) src(%arg24 : memref<128x16xf32, #tpu.memory_space<vmem>>) dst(%dma_wait3A_352 : memref<10240x16xf32, #tpu.memory_space<vmem_shared>>)
      } else {
      }
      %add3A_282 = arith.constant 3 : i32
      %add3A_283 = arith.addi %add3A_252, %add3A_282 : i32
      %dma_start3A_284 = arith.constant 128 : i32
      %dma_start3A_285 = arith.constant 0 : i32
      %dma_start3A_286 = tpu.memref_slice %arg12[%dma_start3A_284, %dma_start3A_285] : memref<640x64xf32, #tpu.memory_space<vmem>> -> memref<128x64xf32, #tpu.memory_space<vmem>>
      %dma_start3A_287 = arith.constant 0 : i32
      %dma_start3A_288 = tpu.memref_slice %arg10[%add3A_283, %dma_start3A_287] : memref<88x128xi32, #tpu.memory_space<vmem>> -> memref<1x128xi32, #tpu.memory_space<vmem>>
      %dma_start3A_289 = tpu.memref_squeeze %dma_start3A_288 : memref<1x128xi32, #tpu.memory_space<vmem>> -> memref<128xi32, #tpu.memory_space<vmem>>
      %dma_start3A_290 = arith.constant 0 : i32
      %dma_start3A_291 = arith.constant 0 : i32
      %dma_start3A_292 = tpu.memref_slice %arg2[%dma_start3A_290, %dma_start3A_291] : memref<10240x64xf32, #tpu.memory_space<hbm>> -> memref<10240x64xf32, #tpu.memory_space<hbm>>
      tpu.enqueue_indirect_dma source(%dma_start3A_292 : memref<10240x64xf32, #tpu.memory_space<hbm>>) target(%dma_start3A_286 : memref<128x64xf32, #tpu.memory_space<vmem>>) offsets(%dma_start3A_289 : memref<128xi32, #tpu.memory_space<vmem>>) semaphore(%arg15 : memref<!tpu.dma_semaphore, #tpu.memory_space<semaphore_mem>>)
      %add3A_293 = arith.constant 4 : i32
      %add3A_294 = arith.addi %mul3A_127, %add3A_293 : i32
      %dma_wait3A_295 = arith.constant 512 : i32
      %dma_wait3A_296 = arith.constant 0 : i32
      %dma_wait3A_297 = tpu.memref_slice %arg12[%dma_wait3A_295, %dma_wait3A_296] : memref<640x64xf32, #tpu.memory_space<vmem>> -> memref<128x64xf32, #tpu.memory_space<vmem>>
      %dma_wait3A_298 = arith.constant 0 : i32
      %dma_wait3A_299 = tpu.memref_slice %arg10[%add3A_294, %dma_wait3A_298] : memref<88x128xi32, #tpu.memory_space<vmem>> -> memref<1x128xi32, #tpu.memory_space<vmem>>
      %dma_wait3A_300 = tpu.memref_squeeze %dma_wait3A_299 : memref<1x128xi32, #tpu.memory_space<vmem>> -> memref<128xi32, #tpu.memory_space<vmem>>
      %dma_wait3A_301 = arith.constant 0 : i32
      %dma_wait3A_302 = arith.constant 0 : i32
      %dma_wait3A_303 = tpu.memref_slice %arg2[%dma_wait3A_301, %dma_wait3A_302] : memref<10240x64xf32, #tpu.memory_space<hbm>> -> memref<10240x64xf32, #tpu.memory_space<hbm>>
      tpu.wait_indirect_dma semaphore(%arg18 : memref<!tpu.dma_semaphore, #tpu.memory_space<semaphore_mem>>) src(%dma_wait3A_303 : memref<10240x64xf32, #tpu.memory_space<hbm>>) dst(%dma_wait3A_297 : memref<128x64xf32, #tpu.memory_space<vmem>>)
      %dma_start3A_304 = arith.constant 512 : i32
      %dma_start3A_305 = arith.constant 0 : i32
      %dma_start3A_306 = tpu.memref_slice %arg12[%dma_start3A_304, %dma_start3A_305] : memref<640x64xf32, #tpu.memory_space<vmem>> -> memref<128x64xf32, #tpu.memory_space<vmem>>
      %dma_start3A_307 = arith.constant 0 : i32
      %dma_start3A_308 = tpu.memref_slice %arg11[%add3A_294, %dma_start3A_307] : memref<80x128xi32, #tpu.memory_space<vmem>> -> memref<1x128xi32, #tpu.memory_space<vmem>>
      %dma_start3A_309 = tpu.memref_squeeze %dma_start3A_308 : memref<1x128xi32, #tpu.memory_space<vmem>> -> memref<128xi32, #tpu.memory_space<vmem>>
      %dma_start3A_310 = arith.constant 0 : i32
      %dma_start3A_311 = arith.constant 0 : i32
      %dma_start3A_312 = tpu.memref_slice %arg13[%dma_start3A_310, %dma_start3A_311] : memref<10240x64xf32, #tpu.memory_space<vmem_shared>> -> memref<10240x64xf32, #tpu.memory_space<vmem_shared>>
      tpu.enqueue_indirect_dma source(%dma_start3A_306 : memref<128x64xf32, #tpu.memory_space<vmem>>) target(%dma_start3A_312 : memref<10240x64xf32, #tpu.memory_space<vmem_shared>>) offsets(%dma_start3A_309 : memref<128xi32, #tpu.memory_space<vmem>>) semaphore(%arg23 : memref<!tpu.dma_semaphore, #tpu.memory_space<semaphore_mem>>) {add = true}
      %dma_start3A_313 = arith.constant 0 : i32
      %dma_start3A_314 = tpu.memref_slice %arg11[%add3A_294, %dma_start3A_313] : memref<80x128xi32, #tpu.memory_space<vmem>> -> memref<1x128xi32, #tpu.memory_space<vmem>>
      %dma_start3A_315 = tpu.memref_squeeze %dma_start3A_314 : memref<1x128xi32, #tpu.memory_space<vmem>> -> memref<128xi32, #tpu.memory_space<vmem>>
      %dma_start3A_316 = arith.constant 0 : i32
      %dma_start3A_317 = arith.constant 0 : i32
      %dma_start3A_318 = tpu.memref_slice %arg25[%dma_start3A_316, %dma_start3A_317] : memref<10240x16xf32, #tpu.memory_space<vmem_shared>> -> memref<10240x16xf32, #tpu.memory_space<vmem_shared>>
      tpu.enqueue_indirect_dma source(%arg24 : memref<128x16xf32, #tpu.memory_space<vmem>>) target(%dma_start3A_318 : memref<10240x16xf32, #tpu.memory_space<vmem_shared>>) offsets(%dma_start3A_315 : memref<128xi32, #tpu.memory_space<vmem>>) semaphore(%arg30 : memref<!tpu.dma_semaphore, #tpu.memory_space<semaphore_mem>>) {add = true}
      %ge3A_319 = arith.constant 1 : i32
      %ge3A_320 = arith.cmpi sge, %add3A_294, %ge3A_319 : i32
      %convert_element_type3A_321 = arith.extui %ge3A_320 : i1 to i32
      %cond3A_322 = arith.constant 0 : i32
      %cond3A_323 = arith.cmpi ne, %convert_element_type3A_321, %cond3A_322 : i32
      scf.if %cond3A_323 {
        %sub3A = arith.constant 1 : i32
        %sub3A_335 = arith.subi %add3A_294, %sub3A : i32
        %dma_wait3A_336 = arith.constant 384 : i32
        %dma_wait3A_337 = arith.constant 0 : i32
        %dma_wait3A_338 = tpu.memref_slice %arg12[%dma_wait3A_336, %dma_wait3A_337] : memref<640x64xf32, #tpu.memory_space<vmem>> -> memref<128x64xf32, #tpu.memory_space<vmem>>
        %dma_wait3A_339 = arith.constant 0 : i32
        %dma_wait3A_340 = tpu.memref_slice %arg11[%sub3A_335, %dma_wait3A_339] : memref<80x128xi32, #tpu.memory_space<vmem>> -> memref<1x128xi32, #tpu.memory_space<vmem>>
        %dma_wait3A_341 = tpu.memref_squeeze %dma_wait3A_340 : memref<1x128xi32, #tpu.memory_space<vmem>> -> memref<128xi32, #tpu.memory_space<vmem>>
        %dma_wait3A_342 = arith.constant 0 : i32
        %dma_wait3A_343 = arith.constant 0 : i32
        %dma_wait3A_344 = tpu.memref_slice %arg13[%dma_wait3A_342, %dma_wait3A_343] : memref<10240x64xf32, #tpu.memory_space<vmem_shared>> -> memref<10240x64xf32, #tpu.memory_space<vmem_shared>>
        tpu.wait_indirect_dma semaphore(%arg22 : memref<!tpu.dma_semaphore, #tpu.memory_space<semaphore_mem>>) src(%dma_wait3A_338 : memref<128x64xf32, #tpu.memory_space<vmem>>) dst(%dma_wait3A_344 : memref<10240x64xf32, #tpu.memory_space<vmem_shared>>)
        %sub3A_345 = arith.constant 1 : i32
        %sub3A_346 = arith.subi %add3A_294, %sub3A_345 : i32
        %dma_wait3A_347 = arith.constant 0 : i32
        %dma_wait3A_348 = tpu.memref_slice %arg11[%sub3A_346, %dma_wait3A_347] : memref<80x128xi32, #tpu.memory_space<vmem>> -> memref<1x128xi32, #tpu.memory_space<vmem>>
        %dma_wait3A_349 = tpu.memref_squeeze %dma_wait3A_348 : memref<1x128xi32, #tpu.memory_space<vmem>> -> memref<128xi32, #tpu.memory_space<vmem>>
        %dma_wait3A_350 = arith.constant 0 : i32
        %dma_wait3A_351 = arith.constant 0 : i32
        %dma_wait3A_352 = tpu.memref_slice %arg25[%dma_wait3A_350, %dma_wait3A_351] : memref<10240x16xf32, #tpu.memory_space<vmem_shared>> -> memref<10240x16xf32, #tpu.memory_space<vmem_shared>>
        tpu.wait_indirect_dma semaphore(%arg29 : memref<!tpu.dma_semaphore, #tpu.memory_space<semaphore_mem>>) src(%arg24 : memref<128x16xf32, #tpu.memory_space<vmem>>) dst(%dma_wait3A_352 : memref<10240x16xf32, #tpu.memory_space<vmem_shared>>)
      } else {
      }
      %add3A_324 = arith.constant 3 : i32
      %add3A_325 = arith.addi %add3A_294, %add3A_324 : i32
      %dma_start3A_326 = arith.constant 256 : i32
      %dma_start3A_327 = arith.constant 0 : i32
      %dma_start3A_328 = tpu.memref_slice %arg12[%dma_start3A_326, %dma_start3A_327] : memref<640x64xf32, #tpu.memory_space<vmem>> -> memref<128x64xf32, #tpu.memory_space<vmem>>
      %dma_start3A_329 = arith.constant 0 : i32
      %dma_start3A_330 = tpu.memref_slice %arg10[%add3A_325, %dma_start3A_329] : memref<88x128xi32, #tpu.memory_space<vmem>> -> memref<1x128xi32, #tpu.memory_space<vmem>>
      %dma_start3A_331 = tpu.memref_squeeze %dma_start3A_330 : memref<1x128xi32, #tpu.memory_space<vmem>> -> memref<128xi32, #tpu.memory_space<vmem>>
      %dma_start3A_332 = arith.constant 0 : i32
      %dma_start3A_333 = arith.constant 0 : i32
      %dma_start3A_334 = tpu.memref_slice %arg2[%dma_start3A_332, %dma_start3A_333] : memref<10240x64xf32, #tpu.memory_space<hbm>> -> memref<10240x64xf32, #tpu.memory_space<hbm>>
      tpu.enqueue_indirect_dma source(%dma_start3A_334 : memref<10240x64xf32, #tpu.memory_space<hbm>>) target(%dma_start3A_328 : memref<128x64xf32, #tpu.memory_space<vmem>>) offsets(%dma_start3A_331 : memref<128xi32, #tpu.memory_space<vmem>>) semaphore(%arg16 : memref<!tpu.dma_semaphore, #tpu.memory_space<semaphore_mem>>)
    }
    %scan3A_60 = arith.constant 16 : i32
    %dma_wait3A_61 = arith.constant 79 : i32
    %dma_wait3A_62 = arith.constant 512 : i32
    %dma_wait3A_63 = arith.constant 0 : i32
    %dma_wait3A_64 = tpu.memref_slice %arg12[%dma_wait3A_62, %dma_wait3A_63] : memref<640x64xf32, #tpu.memory_space<vmem>> -> memref<128x64xf32, #tpu.memory_space<vmem>>
    %dma_wait3A_65 = arith.constant 0 : i32
    %dma_wait3A_66 = tpu.memref_slice %arg11[%dma_wait3A_61, %dma_wait3A_65] : memref<80x128xi32, #tpu.memory_space<vmem>> -> memref<1x128xi32, #tpu.memory_space<vmem>>
    %dma_wait3A_67 = tpu.memref_squeeze %dma_wait3A_66 : memref<1x128xi32, #tpu.memory_space<vmem>> -> memref<128xi32, #tpu.memory_space<vmem>>
    %dma_wait3A_68 = arith.constant 0 : i32
    %dma_wait3A_69 = arith.constant 0 : i32
    %dma_wait3A_70 = tpu.memref_slice %arg13[%dma_wait3A_68, %dma_wait3A_69] : memref<10240x64xf32, #tpu.memory_space<vmem_shared>> -> memref<10240x64xf32, #tpu.memory_space<vmem_shared>>
    tpu.wait_indirect_dma semaphore(%arg23 : memref<!tpu.dma_semaphore, #tpu.memory_space<semaphore_mem>>) src(%dma_wait3A_64 : memref<128x64xf32, #tpu.memory_space<vmem>>) dst(%dma_wait3A_70 : memref<10240x64xf32, #tpu.memory_space<vmem_shared>>)
    %dma_wait3A_71 = arith.constant 79 : i32
    %dma_wait3A_72 = arith.constant 0 : i32
    %dma_wait3A_73 = tpu.memref_slice %arg11[%dma_wait3A_71, %dma_wait3A_72] : memref<80x128xi32, #tpu.memory_space<vmem>> -> memref<1x128xi32, #tpu.memory_space<vmem>>
    %dma_wait3A_74 = tpu.memref_squeeze %dma_wait3A_73 : memref<1x128xi32, #tpu.memory_space<vmem>> -> memref<128xi32, #tpu.memory_space<vmem>>
    %dma_wait3A_75 = arith.constant 0 : i32
    %dma_wait3A_76 = arith.constant 0 : i32
    %dma_wait3A_77 = tpu.memref_slice %arg25[%dma_wait3A_75, %dma_wait3A_76] : memref<10240x16xf32, #tpu.memory_space<vmem_shared>> -> memref<10240x16xf32, #tpu.memory_space<vmem_shared>>
    tpu.wait_indirect_dma semaphore(%arg30 : memref<!tpu.dma_semaphore, #tpu.memory_space<semaphore_mem>>) src(%arg24 : memref<128x16xf32, #tpu.memory_space<vmem>>) dst(%dma_wait3A_77 : memref<10240x16xf32, #tpu.memory_space<vmem_shared>>)
    %dma_wait3A_78 = arith.constant 80 : i32
    %dma_wait3A_79 = arith.constant 0 : i32
    %dma_wait3A_80 = arith.constant 0 : i32
    %dma_wait3A_81 = tpu.memref_slice %arg12[%dma_wait3A_79, %dma_wait3A_80] : memref<640x64xf32, #tpu.memory_space<vmem>> -> memref<128x64xf32, #tpu.memory_space<vmem>>
    %dma_wait3A_82 = arith.constant 0 : i32
    %dma_wait3A_83 = tpu.memref_slice %arg10[%dma_wait3A_78, %dma_wait3A_82] : memref<88x128xi32, #tpu.memory_space<vmem>> -> memref<1x128xi32, #tpu.memory_space<vmem>>
    %dma_wait3A_84 = tpu.memref_squeeze %dma_wait3A_83 : memref<1x128xi32, #tpu.memory_space<vmem>> -> memref<128xi32, #tpu.memory_space<vmem>>
    %dma_wait3A_85 = arith.constant 0 : i32
    %dma_wait3A_86 = arith.constant 0 : i32
    %dma_wait3A_87 = tpu.memref_slice %arg2[%dma_wait3A_85, %dma_wait3A_86] : memref<10240x64xf32, #tpu.memory_space<hbm>> -> memref<10240x64xf32, #tpu.memory_space<hbm>>
    tpu.wait_indirect_dma semaphore(%arg14 : memref<!tpu.dma_semaphore, #tpu.memory_space<semaphore_mem>>) src(%dma_wait3A_87 : memref<10240x64xf32, #tpu.memory_space<hbm>>) dst(%dma_wait3A_81 : memref<128x64xf32, #tpu.memory_space<vmem>>)
    %dma_wait3A_88 = arith.constant 81 : i32
    %dma_wait3A_89 = arith.constant 128 : i32
    %dma_wait3A_90 = arith.constant 0 : i32
    %dma_wait3A_91 = tpu.memref_slice %arg12[%dma_wait3A_89, %dma_wait3A_90] : memref<640x64xf32, #tpu.memory_space<vmem>> -> memref<128x64xf32, #tpu.memory_space<vmem>>
    %dma_wait3A_92 = arith.constant 0 : i32
    %dma_wait3A_93 = tpu.memref_slice %arg10[%dma_wait3A_88, %dma_wait3A_92] : memref<88x128xi32, #tpu.memory_space<vmem>> -> memref<1x128xi32, #tpu.memory_space<vmem>>
    %dma_wait3A_94 = tpu.memref_squeeze %dma_wait3A_93 : memref<1x128xi32, #tpu.memory_space<vmem>> -> memref<128xi32, #tpu.memory_space<vmem>>
    %dma_wait3A_95 = arith.constant 0 : i32
    %dma_wait3A_96 = arith.constant 0 : i32
    %dma_wait3A_97 = tpu.memref_slice %arg2[%dma_wait3A_95, %dma_wait3A_96] : memref<10240x64xf32, #tpu.memory_space<hbm>> -> memref<10240x64xf32, #tpu.memory_space<hbm>>
    tpu.wait_indirect_dma semaphore(%arg15 : memref<!tpu.dma_semaphore, #tpu.memory_space<semaphore_mem>>) src(%dma_wait3A_97 : memref<10240x64xf32, #tpu.memory_space<hbm>>) dst(%dma_wait3A_91 : memref<128x64xf32, #tpu.memory_space<vmem>>)
    %dma_wait3A_98 = arith.constant 82 : i32
    %dma_wait3A_99 = arith.constant 256 : i32
    %dma_wait3A_100 = arith.constant 0 : i32
    %dma_wait3A_101 = tpu.memref_slice %arg12[%dma_wait3A_99, %dma_wait3A_100] : memref<640x64xf32, #tpu.memory_space<vmem>> -> memref<128x64xf32, #tpu.memory_space<vmem>>
    %dma_wait3A_102 = arith.constant 0 : i32
    %dma_wait3A_103 = tpu.memref_slice %arg10[%dma_wait3A_98, %dma_wait3A_102] : memref<88x128xi32, #tpu.memory_space<vmem>> -> memref<1x128xi32, #tpu.memory_space<vmem>>
    %dma_wait3A_104 = tpu.memref_squeeze %dma_wait3A_103 : memref<1x128xi32, #tpu.memory_space<vmem>> -> memref<128xi32, #tpu.memory_space<vmem>>
    %dma_wait3A_105 = arith.constant 0 : i32
    %dma_wait3A_106 = arith.constant 0 : i32
    %dma_wait3A_107 = tpu.memref_slice %arg2[%dma_wait3A_105, %dma_wait3A_106] : memref<10240x64xf32, #tpu.memory_space<hbm>> -> memref<10240x64xf32, #tpu.memory_space<hbm>>
    tpu.wait_indirect_dma semaphore(%arg16 : memref<!tpu.dma_semaphore, #tpu.memory_space<semaphore_mem>>) src(%dma_wait3A_107 : memref<10240x64xf32, #tpu.memory_space<hbm>>) dst(%dma_wait3A_101 : memref<128x64xf32, #tpu.memory_space<vmem>>)
    %barrier3A_108 = arith.constant 0 : index
    tpu.barrier barrier_id(%barrier3A_108)
    %mul3A_109 = arith.constant 640 : i32
    %mul3A_110 = arith.muli %arg1, %mul3A_109 : i32
    %mul3A_111 = arith.constant 10240 : i32
    %mul3A_112 = arith.muli %arg0, %mul3A_111 : i32
    %mul3A_113 = arith.constant 640 : i32
    %mul3A_114 = arith.muli %arg1, %mul3A_113 : i32
    %add3A_115 = arith.addi %mul3A_112, %mul3A_114 : i32
    "tpu.region"() ({
      %run_scoped3A = tpu.sem_alloc : memref<!tpu.dma_semaphore, #tpu.memory_space<semaphore_mem>>
      %dma_start3A_121 = arith.constant 0 : i32
      %dma_start3A_122 = tpu.memref_slice %arg8[%add3A_115, %dma_start3A_121] : memref<20480x64xf32, #tpu.memory_space<hbm>> -> memref<640x64xf32, #tpu.memory_space<hbm>>
      %dma_start3A_123 = arith.constant 0 : i32
      %dma_start3A_124 = tpu.memref_slice %arg13[%mul3A_110, %dma_start3A_123] : memref<10240x64xf32, #tpu.memory_space<vmem_shared>> -> memref<640x64xf32, #tpu.memory_space<vmem_shared>>
      tpu.enqueue_dma source(%dma_start3A_124 : memref<640x64xf32, #tpu.memory_space<vmem_shared>>) target(%dma_start3A_122 : memref<640x64xf32, #tpu.memory_space<hbm>>) target_semaphore(%run_scoped3A : memref<!tpu.dma_semaphore, #tpu.memory_space<semaphore_mem>>)
      %dma_wait3A_125 = arith.constant 0 : i32
      %dma_wait3A_126 = tpu.memref_slice %arg8[%add3A_115, %dma_wait3A_125] : memref<20480x64xf32, #tpu.memory_space<hbm>> -> memref<640x64xf32, #tpu.memory_space<hbm>>
      %dma_wait3A_127 = arith.constant 0 : i32
      %dma_wait3A_128 = tpu.memref_slice %arg13[%mul3A_110, %dma_wait3A_127] : memref<10240x64xf32, #tpu.memory_space<vmem_shared>> -> memref<640x64xf32, #tpu.memory_space<vmem_shared>>
      tpu.wait_dma2 semaphore(%run_scoped3A : memref<!tpu.dma_semaphore, #tpu.memory_space<semaphore_mem>>) src(%dma_wait3A_128 : memref<640x64xf32, #tpu.memory_space<vmem_shared>>) dst(%dma_wait3A_126 : memref<640x64xf32, #tpu.memory_space<hbm>>)
      tpu.yield
    }) : () -> ()
    %mul3A_116 = arith.constant 10240 : i32
    %mul3A_117 = arith.muli %arg0, %mul3A_116 : i32
    %mul3A_118 = arith.constant 640 : i32
    %mul3A_119 = arith.muli %arg1, %mul3A_118 : i32
    %add3A_120 = arith.addi %mul3A_117, %mul3A_119 : i32
    "tpu.region"() ({
      %run_scoped3A = tpu.sem_alloc : memref<!tpu.dma_semaphore, #tpu.memory_space<semaphore_mem>>
      %dma_start3A_121 = arith.constant 0 : i32
      %dma_start3A_122 = tpu.memref_slice %arg9[%add3A_120, %dma_start3A_121] : memref<20480x16xf32, #tpu.memory_space<hbm>> -> memref<640x16xf32, #tpu.memory_space<hbm>>
      %dma_start3A_123 = arith.constant 0 : i32
      %dma_start3A_124 = tpu.memref_slice %arg25[%mul3A_110, %dma_start3A_123] : memref<10240x16xf32, #tpu.memory_space<vmem_shared>> -> memref<640x16xf32, #tpu.memory_space<vmem_shared>>
      tpu.enqueue_dma source(%dma_start3A_124 : memref<640x16xf32, #tpu.memory_space<vmem_shared>>) target(%dma_start3A_122 : memref<640x16xf32, #tpu.memory_space<hbm>>) target_semaphore(%run_scoped3A : memref<!tpu.dma_semaphore, #tpu.memory_space<semaphore_mem>>)
      %dma_wait3A_125 = arith.constant 0 : i32
      %dma_wait3A_126 = tpu.memref_slice %arg9[%add3A_120, %dma_wait3A_125] : memref<20480x16xf32, #tpu.memory_space<hbm>> -> memref<640x16xf32, #tpu.memory_space<hbm>>
      %dma_wait3A_127 = arith.constant 0 : i32
      %dma_wait3A_128 = tpu.memref_slice %arg25[%mul3A_110, %dma_wait3A_127] : memref<10240x16xf32, #tpu.memory_space<vmem_shared>> -> memref<640x16xf32, #tpu.memory_space<vmem_shared>>
      tpu.wait_dma2 semaphore(%run_scoped3A : memref<!tpu.dma_semaphore, #tpu.memory_space<semaphore_mem>>) src(%dma_wait3A_128 : memref<640x16xf32, #tpu.memory_space<vmem_shared>>) dst(%dma_wait3A_126 : memref<640x16xf32, #tpu.memory_space<hbm>>)
      tpu.yield
    }) : () -> ()
    return
  }
}

#map = affine_map<(d0, d1) -> (0, 0)>
module attributes {stable_mosaic.version = 14 : i64} {
  func.func @k(%arg0: i32, %arg1: i32, %arg2: memref<10240x64xf32, #tpu.memory_space<hbm>>, %arg3: memref<2568x128xi32, #tpu.memory_space<hbm>>, %arg4: memref<2568x128xi32, #tpu.memory_space<hbm>>, %arg5: memref<640x64xf32, #tpu.memory_space<hbm>>, %arg6: memref<20480x64xf32, #tpu.memory_space<hbm>>, %arg7: memref<88x128xi32, #tpu.memory_space<vmem>>, %arg8: memref<80x128xi32, #tpu.memory_space<vmem>>, %arg9: memref<1024x64xf32, #tpu.memory_space<vmem>>, %arg10: memref<10240x64xf32, #tpu.memory_space<vmem_shared>>, %arg11: memref<!tpu.dma_semaphore, #tpu.memory_space<semaphore_mem>>, %arg12: memref<!tpu.dma_semaphore, #tpu.memory_space<semaphore_mem>>, %arg13: memref<!tpu.dma_semaphore, #tpu.memory_space<semaphore_mem>>, %arg14: memref<!tpu.dma_semaphore, #tpu.memory_space<semaphore_mem>>, %arg15: memref<!tpu.dma_semaphore, #tpu.memory_space<semaphore_mem>>, %arg16: memref<!tpu.dma_semaphore, #tpu.memory_space<semaphore_mem>>, %arg17: memref<!tpu.dma_semaphore, #tpu.memory_space<semaphore_mem>>, %arg18: memref<!tpu.dma_semaphore, #tpu.memory_space<semaphore_mem>>, %arg19: memref<!tpu.dma_semaphore, #tpu.memory_space<semaphore_mem>>, %arg20: memref<!tpu.dma_semaphore, #tpu.memory_space<semaphore_mem>>, %arg21: memref<!tpu.dma_semaphore, #tpu.memory_space<semaphore_mem>>, %arg22: memref<!tpu.dma_semaphore, #tpu.memory_space<semaphore_mem>>, %arg23: memref<!tpu.dma_semaphore, #tpu.memory_space<semaphore_mem>>, %arg24: memref<!tpu.dma_semaphore, #tpu.memory_space<semaphore_mem>>, %arg25: memref<!tpu.dma_semaphore, #tpu.memory_space<semaphore_mem>>, %arg26: memref<!tpu.dma_semaphore, #tpu.memory_space<semaphore_mem>>) attributes {dimension_semantics = [#tpu.dimension_semantics<core_parallel>, #tpu.dimension_semantics<subcore_parallel>], iteration_bounds = array<i64: 2, 16>, scalar_prefetch = 0 : i64, scratch_operands = 20 : i64, tpu.core_type = #tpu.core_type<sc_vector_subcore>, window_params = [{transform_indices = #map}, {transform_indices = #map}, {transform_indices = #map}, {transform_indices = #map}, {transform_indices = #map}]} {
    %mul3A = arith.constant 16 : i32
    %mul3A_0 = arith.muli %arg0, %mul3A : i32
    %add3A = arith.addi %mul3A_0, %arg1 : i32
    %mul3A_1 = arith.constant 80 : i32
    %mul3A_2 = arith.muli %add3A, %mul3A_1 : i32
    %mul3A_3 = arith.constant 640 : i32
    %mul3A_4 = arith.muli %arg1, %mul3A_3 : i32
    %dma_start3A = arith.constant 0 : i32
    %dma_start3A_5 = tpu.memref_slice %arg3[%mul3A_2, %dma_start3A] : memref<2568x128xi32, #tpu.memory_space<hbm>> -> memref<88x128xi32, #tpu.memory_space<hbm>>
    %dma_start3A_6 = arith.constant 0 : i32
    %dma_start3A_7 = tpu.memref_slice %arg3[%mul3A_2, %dma_start3A_6] : memref<2568x128xi32, #tpu.memory_space<hbm>> -> memref<88x128xi32, #tpu.memory_space<hbm>>
    tpu.enqueue_dma source(%dma_start3A_7 : memref<88x128xi32, #tpu.memory_space<hbm>>) target(%arg7 : memref<88x128xi32, #tpu.memory_space<vmem>>) target_semaphore(%arg11 : memref<!tpu.dma_semaphore, #tpu.memory_space<semaphore_mem>>)
    %dma_start3A_8 = arith.constant 0 : i32
    %dma_start3A_9 = tpu.memref_slice %arg4[%mul3A_2, %dma_start3A_8] : memref<2568x128xi32, #tpu.memory_space<hbm>> -> memref<80x128xi32, #tpu.memory_space<hbm>>
    %dma_start3A_10 = arith.constant 0 : i32
    %dma_start3A_11 = tpu.memref_slice %arg4[%mul3A_2, %dma_start3A_10] : memref<2568x128xi32, #tpu.memory_space<hbm>> -> memref<80x128xi32, #tpu.memory_space<hbm>>
    tpu.enqueue_dma source(%dma_start3A_11 : memref<80x128xi32, #tpu.memory_space<hbm>>) target(%arg8 : memref<80x128xi32, #tpu.memory_space<vmem>>) target_semaphore(%arg12 : memref<!tpu.dma_semaphore, #tpu.memory_space<semaphore_mem>>)
    %dma_start3A_12 = arith.constant 0 : i32
    %dma_start3A_13 = tpu.memref_slice %arg10[%mul3A_4, %dma_start3A_12] : memref<10240x64xf32, #tpu.memory_space<vmem_shared>> -> memref<640x64xf32, #tpu.memory_space<vmem_shared>>
    tpu.enqueue_dma source(%arg5 : memref<640x64xf32, #tpu.memory_space<hbm>>) target(%dma_start3A_13 : memref<640x64xf32, #tpu.memory_space<vmem_shared>>) target_semaphore(%arg13 : memref<!tpu.dma_semaphore, #tpu.memory_space<semaphore_mem>>)
    %dma_wait3A = arith.constant 0 : i32
    %dma_wait3A_14 = tpu.memref_slice %arg3[%mul3A_2, %dma_wait3A] : memref<2568x128xi32, #tpu.memory_space<hbm>> -> memref<88x128xi32, #tpu.memory_space<hbm>>
    %dma_wait3A_15 = arith.constant 0 : i32
    %dma_wait3A_16 = tpu.memref_slice %arg3[%mul3A_2, %dma_wait3A_15] : memref<2568x128xi32, #tpu.memory_space<hbm>> -> memref<88x128xi32, #tpu.memory_space<hbm>>
    tpu.wait_dma2 semaphore(%arg11 : memref<!tpu.dma_semaphore, #tpu.memory_space<semaphore_mem>>) src(%dma_wait3A_16 : memref<88x128xi32, #tpu.memory_space<hbm>>) dst(%arg7 : memref<88x128xi32, #tpu.memory_space<vmem>>)
    %dma_wait3A_17 = arith.constant 0 : i32
    %dma_wait3A_18 = tpu.memref_slice %arg4[%mul3A_2, %dma_wait3A_17] : memref<2568x128xi32, #tpu.memory_space<hbm>> -> memref<80x128xi32, #tpu.memory_space<hbm>>
    %dma_wait3A_19 = arith.constant 0 : i32
    %dma_wait3A_20 = tpu.memref_slice %arg4[%mul3A_2, %dma_wait3A_19] : memref<2568x128xi32, #tpu.memory_space<hbm>> -> memref<80x128xi32, #tpu.memory_space<hbm>>
    tpu.wait_dma2 semaphore(%arg12 : memref<!tpu.dma_semaphore, #tpu.memory_space<semaphore_mem>>) src(%dma_wait3A_20 : memref<80x128xi32, #tpu.memory_space<hbm>>) dst(%arg8 : memref<80x128xi32, #tpu.memory_space<vmem>>)
    %dma_wait3A_21 = arith.constant 0 : i32
    %dma_wait3A_22 = tpu.memref_slice %arg10[%mul3A_4, %dma_wait3A_21] : memref<10240x64xf32, #tpu.memory_space<vmem_shared>> -> memref<640x64xf32, #tpu.memory_space<vmem_shared>>
    tpu.wait_dma2 semaphore(%arg13 : memref<!tpu.dma_semaphore, #tpu.memory_space<semaphore_mem>>) src(%arg5 : memref<640x64xf32, #tpu.memory_space<hbm>>) dst(%dma_wait3A_22 : memref<640x64xf32, #tpu.memory_space<vmem_shared>>)
    %barrier3A = arith.constant 0 : index
    tpu.barrier barrier_id(%barrier3A)
    %dma_start3A_23 = arith.constant 0 : i32
    %dma_start3A_24 = arith.constant 0 : i32
    %dma_start3A_25 = arith.constant 0 : i32
    %dma_start3A_26 = tpu.memref_slice %arg9[%dma_start3A_24, %dma_start3A_25] : memref<1024x64xf32, #tpu.memory_space<vmem>> -> memref<128x64xf32, #tpu.memory_space<vmem>>
    %dma_start3A_27 = arith.constant 0 : i32
    %dma_start3A_28 = tpu.memref_slice %arg7[%dma_start3A_23, %dma_start3A_27] : memref<88x128xi32, #tpu.memory_space<vmem>> -> memref<1x128xi32, #tpu.memory_space<vmem>>
    %dma_start3A_29 = tpu.memref_squeeze %dma_start3A_28 : memref<1x128xi32, #tpu.memory_space<vmem>> -> memref<128xi32, #tpu.memory_space<vmem>>
    %dma_start3A_30 = arith.constant 0 : i32
    %dma_start3A_31 = arith.constant 0 : i32
    %dma_start3A_32 = tpu.memref_slice %arg2[%dma_start3A_30, %dma_start3A_31] : memref<10240x64xf32, #tpu.memory_space<hbm>> -> memref<10240x64xf32, #tpu.memory_space<hbm>>
    tpu.enqueue_indirect_dma source(%dma_start3A_32 : memref<10240x64xf32, #tpu.memory_space<hbm>>) target(%dma_start3A_26 : memref<128x64xf32, #tpu.memory_space<vmem>>) offsets(%dma_start3A_29 : memref<128xi32, #tpu.memory_space<vmem>>) semaphore(%arg11 : memref<!tpu.dma_semaphore, #tpu.memory_space<semaphore_mem>>)
    %dma_start3A_33 = arith.constant 1 : i32
    %dma_start3A_34 = arith.constant 128 : i32
    %dma_start3A_35 = arith.constant 0 : i32
    %dma_start3A_36 = tpu.memref_slice %arg9[%dma_start3A_34, %dma_start3A_35] : memref<1024x64xf32, #tpu.memory_space<vmem>> -> memref<128x64xf32, #tpu.memory_space<vmem>>
    %dma_start3A_37 = arith.constant 0 : i32
    %dma_start3A_38 = tpu.memref_slice %arg7[%dma_start3A_33, %dma_start3A_37] : memref<88x128xi32, #tpu.memory_space<vmem>> -> memref<1x128xi32, #tpu.memory_space<vmem>>
    %dma_start3A_39 = tpu.memref_squeeze %dma_start3A_38 : memref<1x128xi32, #tpu.memory_space<vmem>> -> memref<128xi32, #tpu.memory_space<vmem>>
    %dma_start3A_40 = arith.constant 0 : i32
    %dma_start3A_41 = arith.constant 0 : i32
    %dma_start3A_42 = tpu.memref_slice %arg2[%dma_start3A_40, %dma_start3A_41] : memref<10240x64xf32, #tpu.memory_space<hbm>> -> memref<10240x64xf32, #tpu.memory_space<hbm>>
    tpu.enqueue_indirect_dma source(%dma_start3A_42 : memref<10240x64xf32, #tpu.memory_space<hbm>>) target(%dma_start3A_36 : memref<128x64xf32, #tpu.memory_space<vmem>>) offsets(%dma_start3A_39 : memref<128xi32, #tpu.memory_space<vmem>>) semaphore(%arg12 : memref<!tpu.dma_semaphore, #tpu.memory_space<semaphore_mem>>)
    %dma_start3A_43 = arith.constant 2 : i32
    %dma_start3A_44 = arith.constant 256 : i32
    %dma_start3A_45 = arith.constant 0 : i32
    %dma_start3A_46 = tpu.memref_slice %arg9[%dma_start3A_44, %dma_start3A_45] : memref<1024x64xf32, #tpu.memory_space<vmem>> -> memref<128x64xf32, #tpu.memory_space<vmem>>
    %dma_start3A_47 = arith.constant 0 : i32
    %dma_start3A_48 = tpu.memref_slice %arg7[%dma_start3A_43, %dma_start3A_47] : memref<88x128xi32, #tpu.memory_space<vmem>> -> memref<1x128xi32, #tpu.memory_space<vmem>>
    %dma_start3A_49 = tpu.memref_squeeze %dma_start3A_48 : memref<1x128xi32, #tpu.memory_space<vmem>> -> memref<128xi32, #tpu.memory_space<vmem>>
    %dma_start3A_50 = arith.constant 0 : i32
    %dma_start3A_51 = arith.constant 0 : i32
    %dma_start3A_52 = tpu.memref_slice %arg2[%dma_start3A_50, %dma_start3A_51] : memref<10240x64xf32, #tpu.memory_space<hbm>> -> memref<10240x64xf32, #tpu.memory_space<hbm>>
    tpu.enqueue_indirect_dma source(%dma_start3A_52 : memref<10240x64xf32, #tpu.memory_space<hbm>>) target(%dma_start3A_46 : memref<128x64xf32, #tpu.memory_space<vmem>>) offsets(%dma_start3A_49 : memref<128xi32, #tpu.memory_space<vmem>>) semaphore(%arg13 : memref<!tpu.dma_semaphore, #tpu.memory_space<semaphore_mem>>)
    %dma_start3A_53 = arith.constant 3 : i32
    %dma_start3A_54 = arith.constant 384 : i32
    %dma_start3A_55 = arith.constant 0 : i32
    %dma_start3A_56 = tpu.memref_slice %arg9[%dma_start3A_54, %dma_start3A_55] : memref<1024x64xf32, #tpu.memory_space<vmem>> -> memref<128x64xf32, #tpu.memory_space<vmem>>
    %dma_start3A_57 = arith.constant 0 : i32
    %dma_start3A_58 = tpu.memref_slice %arg7[%dma_start3A_53, %dma_start3A_57] : memref<88x128xi32, #tpu.memory_space<vmem>> -> memref<1x128xi32, #tpu.memory_space<vmem>>
    %dma_start3A_59 = tpu.memref_squeeze %dma_start3A_58 : memref<1x128xi32, #tpu.memory_space<vmem>> -> memref<128xi32, #tpu.memory_space<vmem>>
    %dma_start3A_60 = arith.constant 0 : i32
    %dma_start3A_61 = arith.constant 0 : i32
    %dma_start3A_62 = tpu.memref_slice %arg2[%dma_start3A_60, %dma_start3A_61] : memref<10240x64xf32, #tpu.memory_space<hbm>> -> memref<10240x64xf32, #tpu.memory_space<hbm>>
    tpu.enqueue_indirect_dma source(%dma_start3A_62 : memref<10240x64xf32, #tpu.memory_space<hbm>>) target(%dma_start3A_56 : memref<128x64xf32, #tpu.memory_space<vmem>>) offsets(%dma_start3A_59 : memref<128xi32, #tpu.memory_space<vmem>>) semaphore(%arg14 : memref<!tpu.dma_semaphore, #tpu.memory_space<semaphore_mem>>)
    %scan3A = arith.constant 0 : i32
    %scan3A_63 = arith.constant 10 : i32
    %scan3A_64 = arith.addi %scan3A, %scan3A_63 : i32
    %scan3A_65 = arith.constant 1 : i32
    scf.for %scan3A_145 = %scan3A to %scan3A_64 step %scan3A_65  : i32 {
      %mul3A_146 = arith.constant 1 : i32
      %mul3A_147 = arith.muli %scan3A_145, %mul3A_146 : i32
      %add3A_148 = arith.constant 0 : i32
      %add3A_149 = arith.addi %add3A_148, %mul3A_147 : i32
      %mul3A_150 = arith.constant 8 : i32
      %mul3A_151 = arith.muli %add3A_149, %mul3A_150 : i32
      %add3A_152 = arith.constant 0 : i32
      %add3A_153 = arith.addi %mul3A_151, %add3A_152 : i32
      %dma_wait3A_154 = arith.constant 0 : i32
      %dma_wait3A_155 = arith.constant 0 : i32
      %dma_wait3A_156 = tpu.memref_slice %arg9[%dma_wait3A_154, %dma_wait3A_155] : memref<1024x64xf32, #tpu.memory_space<vmem>> -> memref<128x64xf32, #tpu.memory_space<vmem>>
      %dma_wait3A_157 = arith.constant 0 : i32
      %dma_wait3A_158 = tpu.memref_slice %arg7[%add3A_153, %dma_wait3A_157] : memref<88x128xi32, #tpu.memory_space<vmem>> -> memref<1x128xi32, #tpu.memory_space<vmem>>
      %dma_wait3A_159 = tpu.memref_squeeze %dma_wait3A_158 : memref<1x128xi32, #tpu.memory_space<vmem>> -> memref<128xi32, #tpu.memory_space<vmem>>
      %dma_wait3A_160 = arith.constant 0 : i32
      %dma_wait3A_161 = arith.constant 0 : i32
      %dma_wait3A_162 = tpu.memref_slice %arg2[%dma_wait3A_160, %dma_wait3A_161] : memref<10240x64xf32, #tpu.memory_space<hbm>> -> memref<10240x64xf32, #tpu.memory_space<hbm>>
      tpu.wait_indirect_dma semaphore(%arg11 : memref<!tpu.dma_semaphore, #tpu.memory_space<semaphore_mem>>) src(%dma_wait3A_162 : memref<10240x64xf32, #tpu.memory_space<hbm>>) dst(%dma_wait3A_156 : memref<128x64xf32, #tpu.memory_space<vmem>>)
      %dma_start3A_163 = arith.constant 0 : i32
      %dma_start3A_164 = arith.constant 0 : i32
      %dma_start3A_165 = tpu.memref_slice %arg9[%dma_start3A_163, %dma_start3A_164] : memref<1024x64xf32, #tpu.memory_space<vmem>> -> memref<128x64xf32, #tpu.memory_space<vmem>>
      %dma_start3A_166 = arith.constant 0 : i32
      %dma_start3A_167 = tpu.memref_slice %arg8[%add3A_153, %dma_start3A_166] : memref<80x128xi32, #tpu.memory_space<vmem>> -> memref<1x128xi32, #tpu.memory_space<vmem>>
      %dma_start3A_168 = tpu.memref_squeeze %dma_start3A_167 : memref<1x128xi32, #tpu.memory_space<vmem>> -> memref<128xi32, #tpu.memory_space<vmem>>
      %dma_start3A_169 = arith.constant 0 : i32
      %dma_start3A_170 = arith.constant 0 : i32
      %dma_start3A_171 = tpu.memref_slice %arg10[%dma_start3A_169, %dma_start3A_170] : memref<10240x64xf32, #tpu.memory_space<vmem_shared>> -> memref<10240x64xf32, #tpu.memory_space<vmem_shared>>
      tpu.enqueue_indirect_dma source(%dma_start3A_165 : memref<128x64xf32, #tpu.memory_space<vmem>>) target(%dma_start3A_171 : memref<10240x64xf32, #tpu.memory_space<vmem_shared>>) offsets(%dma_start3A_168 : memref<128xi32, #tpu.memory_space<vmem>>) semaphore(%arg19 : memref<!tpu.dma_semaphore, #tpu.memory_space<semaphore_mem>>) {add = true}
      %ge3A = arith.constant 3 : i32
      %ge3A_172 = arith.cmpi sge, %add3A_153, %ge3A : i32
      %convert_element_type3A = arith.extui %ge3A_172 : i1 to i32
      %cond3A = arith.constant 0 : i32
      %cond3A_173 = arith.cmpi ne, %convert_element_type3A, %cond3A : i32
      scf.if %cond3A_173 {
        %sub3A = arith.constant 3 : i32
        %sub3A_437 = arith.subi %add3A_153, %sub3A : i32
        %dma_wait3A_438 = arith.constant 640 : i32
        %dma_wait3A_439 = arith.constant 0 : i32
        %dma_wait3A_440 = tpu.memref_slice %arg9[%dma_wait3A_438, %dma_wait3A_439] : memref<1024x64xf32, #tpu.memory_space<vmem>> -> memref<128x64xf32, #tpu.memory_space<vmem>>
        %dma_wait3A_441 = arith.constant 0 : i32
        %dma_wait3A_442 = tpu.memref_slice %arg8[%sub3A_437, %dma_wait3A_441] : memref<80x128xi32, #tpu.memory_space<vmem>> -> memref<1x128xi32, #tpu.memory_space<vmem>>
        %dma_wait3A_443 = tpu.memref_squeeze %dma_wait3A_442 : memref<1x128xi32, #tpu.memory_space<vmem>> -> memref<128xi32, #tpu.memory_space<vmem>>
        %dma_wait3A_444 = arith.constant 0 : i32
        %dma_wait3A_445 = arith.constant 0 : i32
        %dma_wait3A_446 = tpu.memref_slice %arg10[%dma_wait3A_444, %dma_wait3A_445] : memref<10240x64xf32, #tpu.memory_space<vmem_shared>> -> memref<10240x64xf32, #tpu.memory_space<vmem_shared>>
        tpu.wait_indirect_dma semaphore(%arg24 : memref<!tpu.dma_semaphore, #tpu.memory_space<semaphore_mem>>) src(%dma_wait3A_440 : memref<128x64xf32, #tpu.memory_space<vmem>>) dst(%dma_wait3A_446 : memref<10240x64xf32, #tpu.memory_space<vmem_shared>>)
      } else {
      }
      %add3A_174 = arith.constant 4 : i32
      %add3A_175 = arith.addi %add3A_153, %add3A_174 : i32
      %dma_start3A_176 = arith.constant 512 : i32
      %dma_start3A_177 = arith.constant 0 : i32
      %dma_start3A_178 = tpu.memref_slice %arg9[%dma_start3A_176, %dma_start3A_177] : memref<1024x64xf32, #tpu.memory_space<vmem>> -> memref<128x64xf32, #tpu.memory_space<vmem>>
      %dma_start3A_179 = arith.constant 0 : i32
      %dma_start3A_180 = tpu.memref_slice %arg7[%add3A_175, %dma_start3A_179] : memref<88x128xi32, #tpu.memory_space<vmem>> -> memref<1x128xi32, #tpu.memory_space<vmem>>
      %dma_start3A_181 = tpu.memref_squeeze %dma_start3A_180 : memref<1x128xi32, #tpu.memory_space<vmem>> -> memref<128xi32, #tpu.memory_space<vmem>>
      %dma_start3A_182 = arith.constant 0 : i32
      %dma_start3A_183 = arith.constant 0 : i32
      %dma_start3A_184 = tpu.memref_slice %arg2[%dma_start3A_182, %dma_start3A_183] : memref<10240x64xf32, #tpu.memory_space<hbm>> -> memref<10240x64xf32, #tpu.memory_space<hbm>>
      tpu.enqueue_indirect_dma source(%dma_start3A_184 : memref<10240x64xf32, #tpu.memory_space<hbm>>) target(%dma_start3A_178 : memref<128x64xf32, #tpu.memory_space<vmem>>) offsets(%dma_start3A_181 : memref<128xi32, #tpu.memory_space<vmem>>) semaphore(%arg15 : memref<!tpu.dma_semaphore, #tpu.memory_space<semaphore_mem>>)
      %add3A_185 = arith.constant 1 : i32
      %add3A_186 = arith.addi %mul3A_151, %add3A_185 : i32
      %dma_wait3A_187 = arith.constant 128 : i32
      %dma_wait3A_188 = arith.constant 0 : i32
      %dma_wait3A_189 = tpu.memref_slice %arg9[%dma_wait3A_187, %dma_wait3A_188] : memref<1024x64xf32, #tpu.memory_space<vmem>> -> memref<128x64xf32, #tpu.memory_space<vmem>>
      %dma_wait3A_190 = arith.constant 0 : i32
      %dma_wait3A_191 = tpu.memref_slice %arg7[%add3A_186, %dma_wait3A_190] : memref<88x128xi32, #tpu.memory_space<vmem>> -> memref<1x128xi32, #tpu.memory_space<vmem>>
      %dma_wait3A_192 = tpu.memref_squeeze %dma_wait3A_191 : memref<1x128xi32, #tpu.memory_space<vmem>> -> memref<128xi32, #tpu.memory_space<vmem>>
      %dma_wait3A_193 = arith.constant 0 : i32
      %dma_wait3A_194 = arith.constant 0 : i32
      %dma_wait3A_195 = tpu.memref_slice %arg2[%dma_wait3A_193, %dma_wait3A_194] : memref<10240x64xf32, #tpu.memory_space<hbm>> -> memref<10240x64xf32, #tpu.memory_space<hbm>>
      tpu.wait_indirect_dma semaphore(%arg12 : memref<!tpu.dma_semaphore, #tpu.memory_space<semaphore_mem>>) src(%dma_wait3A_195 : memref<10240x64xf32, #tpu.memory_space<hbm>>) dst(%dma_wait3A_189 : memref<128x64xf32, #tpu.memory_space<vmem>>)
      %dma_start3A_196 = arith.constant 128 : i32
      %dma_start3A_197 = arith.constant 0 : i32
      %dma_start3A_198 = tpu.memref_slice %arg9[%dma_start3A_196, %dma_start3A_197] : memref<1024x64xf32, #tpu.memory_space<vmem>> -> memref<128x64xf32, #tpu.memory_space<vmem>>
      %dma_start3A_199 = arith.constant 0 : i32
      %dma_start3A_200 = tpu.memref_slice %arg8[%add3A_186, %dma_start3A_199] : memref<80x128xi32, #tpu.memory_space<vmem>> -> memref<1x128xi32, #tpu.memory_space<vmem>>
      %dma_start3A_201 = tpu.memref_squeeze %dma_start3A_200 : memref<1x128xi32, #tpu.memory_space<vmem>> -> memref<128xi32, #tpu.memory_space<vmem>>
      %dma_start3A_202 = arith.constant 0 : i32
      %dma_start3A_203 = arith.constant 0 : i32
      %dma_start3A_204 = tpu.memref_slice %arg10[%dma_start3A_202, %dma_start3A_203] : memref<10240x64xf32, #tpu.memory_space<vmem_shared>> -> memref<10240x64xf32, #tpu.memory_space<vmem_shared>>
      tpu.enqueue_indirect_dma source(%dma_start3A_198 : memref<128x64xf32, #tpu.memory_space<vmem>>) target(%dma_start3A_204 : memref<10240x64xf32, #tpu.memory_space<vmem_shared>>) offsets(%dma_start3A_201 : memref<128xi32, #tpu.memory_space<vmem>>) semaphore(%arg20 : memref<!tpu.dma_semaphore, #tpu.memory_space<semaphore_mem>>) {add = true}
      %ge3A_205 = arith.constant 3 : i32
      %ge3A_206 = arith.cmpi sge, %add3A_186, %ge3A_205 : i32
      %convert_element_type3A_207 = arith.extui %ge3A_206 : i1 to i32
      %cond3A_208 = arith.constant 0 : i32
      %cond3A_209 = arith.cmpi ne, %convert_element_type3A_207, %cond3A_208 : i32
      scf.if %cond3A_209 {
        %sub3A = arith.constant 3 : i32
        %sub3A_437 = arith.subi %add3A_186, %sub3A : i32
        %dma_wait3A_438 = arith.constant 768 : i32
        %dma_wait3A_439 = arith.constant 0 : i32
        %dma_wait3A_440 = tpu.memref_slice %arg9[%dma_wait3A_438, %dma_wait3A_439] : memref<1024x64xf32, #tpu.memory_space<vmem>> -> memref<128x64xf32, #tpu.memory_space<vmem>>
        %dma_wait3A_441 = arith.constant 0 : i32
        %dma_wait3A_442 = tpu.memref_slice %arg8[%sub3A_437, %dma_wait3A_441] : memref<80x128xi32, #tpu.memory_space<vmem>> -> memref<1x128xi32, #tpu.memory_space<vmem>>
        %dma_wait3A_443 = tpu.memref_squeeze %dma_wait3A_442 : memref<1x128xi32, #tpu.memory_space<vmem>> -> memref<128xi32, #tpu.memory_space<vmem>>
        %dma_wait3A_444 = arith.constant 0 : i32
        %dma_wait3A_445 = arith.constant 0 : i32
        %dma_wait3A_446 = tpu.memref_slice %arg10[%dma_wait3A_444, %dma_wait3A_445] : memref<10240x64xf32, #tpu.memory_space<vmem_shared>> -> memref<10240x64xf32, #tpu.memory_space<vmem_shared>>
        tpu.wait_indirect_dma semaphore(%arg25 : memref<!tpu.dma_semaphore, #tpu.memory_space<semaphore_mem>>) src(%dma_wait3A_440 : memref<128x64xf32, #tpu.memory_space<vmem>>) dst(%dma_wait3A_446 : memref<10240x64xf32, #tpu.memory_space<vmem_shared>>)
      } else {
      }
      %add3A_210 = arith.constant 4 : i32
      %add3A_211 = arith.addi %add3A_186, %add3A_210 : i32
      %dma_start3A_212 = arith.constant 640 : i32
      %dma_start3A_213 = arith.constant 0 : i32
      %dma_start3A_214 = tpu.memref_slice %arg9[%dma_start3A_212, %dma_start3A_213] : memref<1024x64xf32, #tpu.memory_space<vmem>> -> memref<128x64xf32, #tpu.memory_space<vmem>>
      %dma_start3A_215 = arith.constant 0 : i32
      %dma_start3A_216 = tpu.memref_slice %arg7[%add3A_211, %dma_start3A_215] : memref<88x128xi32, #tpu.memory_space<vmem>> -> memref<1x128xi32, #tpu.memory_space<vmem>>
      %dma_start3A_217 = tpu.memref_squeeze %dma_start3A_216 : memref<1x128xi32, #tpu.memory_space<vmem>> -> memref<128xi32, #tpu.memory_space<vmem>>
      %dma_start3A_218 = arith.constant 0 : i32
      %dma_start3A_219 = arith.constant 0 : i32
      %dma_start3A_220 = tpu.memref_slice %arg2[%dma_start3A_218, %dma_start3A_219] : memref<10240x64xf32, #tpu.memory_space<hbm>> -> memref<10240x64xf32, #tpu.memory_space<hbm>>
      tpu.enqueue_indirect_dma source(%dma_start3A_220 : memref<10240x64xf32, #tpu.memory_space<hbm>>) target(%dma_start3A_214 : memref<128x64xf32, #tpu.memory_space<vmem>>) offsets(%dma_start3A_217 : memref<128xi32, #tpu.memory_space<vmem>>) semaphore(%arg16 : memref<!tpu.dma_semaphore, #tpu.memory_space<semaphore_mem>>)
      %add3A_221 = arith.constant 2 : i32
      %add3A_222 = arith.addi %mul3A_151, %add3A_221 : i32
      %dma_wait3A_223 = arith.constant 256 : i32
      %dma_wait3A_224 = arith.constant 0 : i32
      %dma_wait3A_225 = tpu.memref_slice %arg9[%dma_wait3A_223, %dma_wait3A_224] : memref<1024x64xf32, #tpu.memory_space<vmem>> -> memref<128x64xf32, #tpu.memory_space<vmem>>
      %dma_wait3A_226 = arith.constant 0 : i32
      %dma_wait3A_227 = tpu.memref_slice %arg7[%add3A_222, %dma_wait3A_226] : memref<88x128xi32, #tpu.memory_space<vmem>> -> memref<1x128xi32, #tpu.memory_space<vmem>>
      %dma_wait3A_228 = tpu.memref_squeeze %dma_wait3A_227 : memref<1x128xi32, #tpu.memory_space<vmem>> -> memref<128xi32, #tpu.memory_space<vmem>>
      %dma_wait3A_229 = arith.constant 0 : i32
      %dma_wait3A_230 = arith.constant 0 : i32
      %dma_wait3A_231 = tpu.memref_slice %arg2[%dma_wait3A_229, %dma_wait3A_230] : memref<10240x64xf32, #tpu.memory_space<hbm>> -> memref<10240x64xf32, #tpu.memory_space<hbm>>
      tpu.wait_indirect_dma semaphore(%arg13 : memref<!tpu.dma_semaphore, #tpu.memory_space<semaphore_mem>>) src(%dma_wait3A_231 : memref<10240x64xf32, #tpu.memory_space<hbm>>) dst(%dma_wait3A_225 : memref<128x64xf32, #tpu.memory_space<vmem>>)
      %dma_start3A_232 = arith.constant 256 : i32
      %dma_start3A_233 = arith.constant 0 : i32
      %dma_start3A_234 = tpu.memref_slice %arg9[%dma_start3A_232, %dma_start3A_233] : memref<1024x64xf32, #tpu.memory_space<vmem>> -> memref<128x64xf32, #tpu.memory_space<vmem>>
      %dma_start3A_235 = arith.constant 0 : i32
      %dma_start3A_236 = tpu.memref_slice %arg8[%add3A_222, %dma_start3A_235] : memref<80x128xi32, #tpu.memory_space<vmem>> -> memref<1x128xi32, #tpu.memory_space<vmem>>
      %dma_start3A_237 = tpu.memref_squeeze %dma_start3A_236 : memref<1x128xi32, #tpu.memory_space<vmem>> -> memref<128xi32, #tpu.memory_space<vmem>>
      %dma_start3A_238 = arith.constant 0 : i32
      %dma_start3A_239 = arith.constant 0 : i32
      %dma_start3A_240 = tpu.memref_slice %arg10[%dma_start3A_238, %dma_start3A_239] : memref<10240x64xf32, #tpu.memory_space<vmem_shared>> -> memref<10240x64xf32, #tpu.memory_space<vmem_shared>>
      tpu.enqueue_indirect_dma source(%dma_start3A_234 : memref<128x64xf32, #tpu.memory_space<vmem>>) target(%dma_start3A_240 : memref<10240x64xf32, #tpu.memory_space<vmem_shared>>) offsets(%dma_start3A_237 : memref<128xi32, #tpu.memory_space<vmem>>) semaphore(%arg21 : memref<!tpu.dma_semaphore, #tpu.memory_space<semaphore_mem>>) {add = true}
      %ge3A_241 = arith.constant 3 : i32
      %ge3A_242 = arith.cmpi sge, %add3A_222, %ge3A_241 : i32
      %convert_element_type3A_243 = arith.extui %ge3A_242 : i1 to i32
      %cond3A_244 = arith.constant 0 : i32
      %cond3A_245 = arith.cmpi ne, %convert_element_type3A_243, %cond3A_244 : i32
      scf.if %cond3A_245 {
        %sub3A = arith.constant 3 : i32
        %sub3A_437 = arith.subi %add3A_222, %sub3A : i32
        %dma_wait3A_438 = arith.constant 896 : i32
        %dma_wait3A_439 = arith.constant 0 : i32
        %dma_wait3A_440 = tpu.memref_slice %arg9[%dma_wait3A_438, %dma_wait3A_439] : memref<1024x64xf32, #tpu.memory_space<vmem>> -> memref<128x64xf32, #tpu.memory_space<vmem>>
        %dma_wait3A_441 = arith.constant 0 : i32
        %dma_wait3A_442 = tpu.memref_slice %arg8[%sub3A_437, %dma_wait3A_441] : memref<80x128xi32, #tpu.memory_space<vmem>> -> memref<1x128xi32, #tpu.memory_space<vmem>>
        %dma_wait3A_443 = tpu.memref_squeeze %dma_wait3A_442 : memref<1x128xi32, #tpu.memory_space<vmem>> -> memref<128xi32, #tpu.memory_space<vmem>>
        %dma_wait3A_444 = arith.constant 0 : i32
        %dma_wait3A_445 = arith.constant 0 : i32
        %dma_wait3A_446 = tpu.memref_slice %arg10[%dma_wait3A_444, %dma_wait3A_445] : memref<10240x64xf32, #tpu.memory_space<vmem_shared>> -> memref<10240x64xf32, #tpu.memory_space<vmem_shared>>
        tpu.wait_indirect_dma semaphore(%arg26 : memref<!tpu.dma_semaphore, #tpu.memory_space<semaphore_mem>>) src(%dma_wait3A_440 : memref<128x64xf32, #tpu.memory_space<vmem>>) dst(%dma_wait3A_446 : memref<10240x64xf32, #tpu.memory_space<vmem_shared>>)
      } else {
      }
      %add3A_246 = arith.constant 4 : i32
      %add3A_247 = arith.addi %add3A_222, %add3A_246 : i32
      %dma_start3A_248 = arith.constant 768 : i32
      %dma_start3A_249 = arith.constant 0 : i32
      %dma_start3A_250 = tpu.memref_slice %arg9[%dma_start3A_248, %dma_start3A_249] : memref<1024x64xf32, #tpu.memory_space<vmem>> -> memref<128x64xf32, #tpu.memory_space<vmem>>
      %dma_start3A_251 = arith.constant 0 : i32
      %dma_start3A_252 = tpu.memref_slice %arg7[%add3A_247, %dma_start3A_251] : memref<88x128xi32, #tpu.memory_space<vmem>> -> memref<1x128xi32, #tpu.memory_space<vmem>>
      %dma_start3A_253 = tpu.memref_squeeze %dma_start3A_252 : memref<1x128xi32, #tpu.memory_space<vmem>> -> memref<128xi32, #tpu.memory_space<vmem>>
      %dma_start3A_254 = arith.constant 0 : i32
      %dma_start3A_255 = arith.constant 0 : i32
      %dma_start3A_256 = tpu.memref_slice %arg2[%dma_start3A_254, %dma_start3A_255] : memref<10240x64xf32, #tpu.memory_space<hbm>> -> memref<10240x64xf32, #tpu.memory_space<hbm>>
      tpu.enqueue_indirect_dma source(%dma_start3A_256 : memref<10240x64xf32, #tpu.memory_space<hbm>>) target(%dma_start3A_250 : memref<128x64xf32, #tpu.memory_space<vmem>>) offsets(%dma_start3A_253 : memref<128xi32, #tpu.memory_space<vmem>>) semaphore(%arg17 : memref<!tpu.dma_semaphore, #tpu.memory_space<semaphore_mem>>)
      %add3A_257 = arith.constant 3 : i32
      %add3A_258 = arith.addi %mul3A_151, %add3A_257 : i32
      %dma_wait3A_259 = arith.constant 384 : i32
      %dma_wait3A_260 = arith.constant 0 : i32
      %dma_wait3A_261 = tpu.memref_slice %arg9[%dma_wait3A_259, %dma_wait3A_260] : memref<1024x64xf32, #tpu.memory_space<vmem>> -> memref<128x64xf32, #tpu.memory_space<vmem>>
      %dma_wait3A_262 = arith.constant 0 : i32
      %dma_wait3A_263 = tpu.memref_slice %arg7[%add3A_258, %dma_wait3A_262] : memref<88x128xi32, #tpu.memory_space<vmem>> -> memref<1x128xi32, #tpu.memory_space<vmem>>
      %dma_wait3A_264 = tpu.memref_squeeze %dma_wait3A_263 : memref<1x128xi32, #tpu.memory_space<vmem>> -> memref<128xi32, #tpu.memory_space<vmem>>
      %dma_wait3A_265 = arith.constant 0 : i32
      %dma_wait3A_266 = arith.constant 0 : i32
      %dma_wait3A_267 = tpu.memref_slice %arg2[%dma_wait3A_265, %dma_wait3A_266] : memref<10240x64xf32, #tpu.memory_space<hbm>> -> memref<10240x64xf32, #tpu.memory_space<hbm>>
      tpu.wait_indirect_dma semaphore(%arg14 : memref<!tpu.dma_semaphore, #tpu.memory_space<semaphore_mem>>) src(%dma_wait3A_267 : memref<10240x64xf32, #tpu.memory_space<hbm>>) dst(%dma_wait3A_261 : memref<128x64xf32, #tpu.memory_space<vmem>>)
      %dma_start3A_268 = arith.constant 384 : i32
      %dma_start3A_269 = arith.constant 0 : i32
      %dma_start3A_270 = tpu.memref_slice %arg9[%dma_start3A_268, %dma_start3A_269] : memref<1024x64xf32, #tpu.memory_space<vmem>> -> memref<128x64xf32, #tpu.memory_space<vmem>>
      %dma_start3A_271 = arith.constant 0 : i32
      %dma_start3A_272 = tpu.memref_slice %arg8[%add3A_258, %dma_start3A_271] : memref<80x128xi32, #tpu.memory_space<vmem>> -> memref<1x128xi32, #tpu.memory_space<vmem>>
      %dma_start3A_273 = tpu.memref_squeeze %dma_start3A_272 : memref<1x128xi32, #tpu.memory_space<vmem>> -> memref<128xi32, #tpu.memory_space<vmem>>
      %dma_start3A_274 = arith.constant 0 : i32
      %dma_start3A_275 = arith.constant 0 : i32
      %dma_start3A_276 = tpu.memref_slice %arg10[%dma_start3A_274, %dma_start3A_275] : memref<10240x64xf32, #tpu.memory_space<vmem_shared>> -> memref<10240x64xf32, #tpu.memory_space<vmem_shared>>
      tpu.enqueue_indirect_dma source(%dma_start3A_270 : memref<128x64xf32, #tpu.memory_space<vmem>>) target(%dma_start3A_276 : memref<10240x64xf32, #tpu.memory_space<vmem_shared>>) offsets(%dma_start3A_273 : memref<128xi32, #tpu.memory_space<vmem>>) semaphore(%arg22 : memref<!tpu.dma_semaphore, #tpu.memory_space<semaphore_mem>>) {add = true}
      %ge3A_277 = arith.constant 3 : i32
      %ge3A_278 = arith.cmpi sge, %add3A_258, %ge3A_277 : i32
      %convert_element_type3A_279 = arith.extui %ge3A_278 : i1 to i32
      %cond3A_280 = arith.constant 0 : i32
      %cond3A_281 = arith.cmpi ne, %convert_element_type3A_279, %cond3A_280 : i32
      scf.if %cond3A_281 {
        %sub3A = arith.constant 3 : i32
        %sub3A_437 = arith.subi %add3A_258, %sub3A : i32
        %dma_wait3A_438 = arith.constant 0 : i32
        %dma_wait3A_439 = arith.constant 0 : i32
        %dma_wait3A_440 = tpu.memref_slice %arg9[%dma_wait3A_438, %dma_wait3A_439] : memref<1024x64xf32, #tpu.memory_space<vmem>> -> memref<128x64xf32, #tpu.memory_space<vmem>>
        %dma_wait3A_441 = arith.constant 0 : i32
        %dma_wait3A_442 = tpu.memref_slice %arg8[%sub3A_437, %dma_wait3A_441] : memref<80x128xi32, #tpu.memory_space<vmem>> -> memref<1x128xi32, #tpu.memory_space<vmem>>
        %dma_wait3A_443 = tpu.memref_squeeze %dma_wait3A_442 : memref<1x128xi32, #tpu.memory_space<vmem>> -> memref<128xi32, #tpu.memory_space<vmem>>
        %dma_wait3A_444 = arith.constant 0 : i32
        %dma_wait3A_445 = arith.constant 0 : i32
        %dma_wait3A_446 = tpu.memref_slice %arg10[%dma_wait3A_444, %dma_wait3A_445] : memref<10240x64xf32, #tpu.memory_space<vmem_shared>> -> memref<10240x64xf32, #tpu.memory_space<vmem_shared>>
        tpu.wait_indirect_dma semaphore(%arg19 : memref<!tpu.dma_semaphore, #tpu.memory_space<semaphore_mem>>) src(%dma_wait3A_440 : memref<128x64xf32, #tpu.memory_space<vmem>>) dst(%dma_wait3A_446 : memref<10240x64xf32, #tpu.memory_space<vmem_shared>>)
      } else {
      }
      %add3A_282 = arith.constant 4 : i32
      %add3A_283 = arith.addi %add3A_258, %add3A_282 : i32
      %dma_start3A_284 = arith.constant 896 : i32
      %dma_start3A_285 = arith.constant 0 : i32
      %dma_start3A_286 = tpu.memref_slice %arg9[%dma_start3A_284, %dma_start3A_285] : memref<1024x64xf32, #tpu.memory_space<vmem>> -> memref<128x64xf32, #tpu.memory_space<vmem>>
      %dma_start3A_287 = arith.constant 0 : i32
      %dma_start3A_288 = tpu.memref_slice %arg7[%add3A_283, %dma_start3A_287] : memref<88x128xi32, #tpu.memory_space<vmem>> -> memref<1x128xi32, #tpu.memory_space<vmem>>
      %dma_start3A_289 = tpu.memref_squeeze %dma_start3A_288 : memref<1x128xi32, #tpu.memory_space<vmem>> -> memref<128xi32, #tpu.memory_space<vmem>>
      %dma_start3A_290 = arith.constant 0 : i32
      %dma_start3A_291 = arith.constant 0 : i32
      %dma_start3A_292 = tpu.memref_slice %arg2[%dma_start3A_290, %dma_start3A_291] : memref<10240x64xf32, #tpu.memory_space<hbm>> -> memref<10240x64xf32, #tpu.memory_space<hbm>>
      tpu.enqueue_indirect_dma source(%dma_start3A_292 : memref<10240x64xf32, #tpu.memory_space<hbm>>) target(%dma_start3A_286 : memref<128x64xf32, #tpu.memory_space<vmem>>) offsets(%dma_start3A_289 : memref<128xi32, #tpu.memory_space<vmem>>) semaphore(%arg18 : memref<!tpu.dma_semaphore, #tpu.memory_space<semaphore_mem>>)
      %add3A_293 = arith.constant 4 : i32
      %add3A_294 = arith.addi %mul3A_151, %add3A_293 : i32
      %dma_wait3A_295 = arith.constant 512 : i32
      %dma_wait3A_296 = arith.constant 0 : i32
      %dma_wait3A_297 = tpu.memref_slice %arg9[%dma_wait3A_295, %dma_wait3A_296] : memref<1024x64xf32, #tpu.memory_space<vmem>> -> memref<128x64xf32, #tpu.memory_space<vmem>>
      %dma_wait3A_298 = arith.constant 0 : i32
      %dma_wait3A_299 = tpu.memref_slice %arg7[%add3A_294, %dma_wait3A_298] : memref<88x128xi32, #tpu.memory_space<vmem>> -> memref<1x128xi32, #tpu.memory_space<vmem>>
      %dma_wait3A_300 = tpu.memref_squeeze %dma_wait3A_299 : memref<1x128xi32, #tpu.memory_space<vmem>> -> memref<128xi32, #tpu.memory_space<vmem>>
      %dma_wait3A_301 = arith.constant 0 : i32
      %dma_wait3A_302 = arith.constant 0 : i32
      %dma_wait3A_303 = tpu.memref_slice %arg2[%dma_wait3A_301, %dma_wait3A_302] : memref<10240x64xf32, #tpu.memory_space<hbm>> -> memref<10240x64xf32, #tpu.memory_space<hbm>>
      tpu.wait_indirect_dma semaphore(%arg15 : memref<!tpu.dma_semaphore, #tpu.memory_space<semaphore_mem>>) src(%dma_wait3A_303 : memref<10240x64xf32, #tpu.memory_space<hbm>>) dst(%dma_wait3A_297 : memref<128x64xf32, #tpu.memory_space<vmem>>)
      %dma_start3A_304 = arith.constant 512 : i32
      %dma_start3A_305 = arith.constant 0 : i32
      %dma_start3A_306 = tpu.memref_slice %arg9[%dma_start3A_304, %dma_start3A_305] : memref<1024x64xf32, #tpu.memory_space<vmem>> -> memref<128x64xf32, #tpu.memory_space<vmem>>
      %dma_start3A_307 = arith.constant 0 : i32
      %dma_start3A_308 = tpu.memref_slice %arg8[%add3A_294, %dma_start3A_307] : memref<80x128xi32, #tpu.memory_space<vmem>> -> memref<1x128xi32, #tpu.memory_space<vmem>>
      %dma_start3A_309 = tpu.memref_squeeze %dma_start3A_308 : memref<1x128xi32, #tpu.memory_space<vmem>> -> memref<128xi32, #tpu.memory_space<vmem>>
      %dma_start3A_310 = arith.constant 0 : i32
      %dma_start3A_311 = arith.constant 0 : i32
      %dma_start3A_312 = tpu.memref_slice %arg10[%dma_start3A_310, %dma_start3A_311] : memref<10240x64xf32, #tpu.memory_space<vmem_shared>> -> memref<10240x64xf32, #tpu.memory_space<vmem_shared>>
      tpu.enqueue_indirect_dma source(%dma_start3A_306 : memref<128x64xf32, #tpu.memory_space<vmem>>) target(%dma_start3A_312 : memref<10240x64xf32, #tpu.memory_space<vmem_shared>>) offsets(%dma_start3A_309 : memref<128xi32, #tpu.memory_space<vmem>>) semaphore(%arg23 : memref<!tpu.dma_semaphore, #tpu.memory_space<semaphore_mem>>) {add = true}
      %ge3A_313 = arith.constant 3 : i32
      %ge3A_314 = arith.cmpi sge, %add3A_294, %ge3A_313 : i32
      %convert_element_type3A_315 = arith.extui %ge3A_314 : i1 to i32
      %cond3A_316 = arith.constant 0 : i32
      %cond3A_317 = arith.cmpi ne, %convert_element_type3A_315, %cond3A_316 : i32
      scf.if %cond3A_317 {
        %sub3A = arith.constant 3 : i32
        %sub3A_437 = arith.subi %add3A_294, %sub3A : i32
        %dma_wait3A_438 = arith.constant 128 : i32
        %dma_wait3A_439 = arith.constant 0 : i32
        %dma_wait3A_440 = tpu.memref_slice %arg9[%dma_wait3A_438, %dma_wait3A_439] : memref<1024x64xf32, #tpu.memory_space<vmem>> -> memref<128x64xf32, #tpu.memory_space<vmem>>
        %dma_wait3A_441 = arith.constant 0 : i32
        %dma_wait3A_442 = tpu.memref_slice %arg8[%sub3A_437, %dma_wait3A_441] : memref<80x128xi32, #tpu.memory_space<vmem>> -> memref<1x128xi32, #tpu.memory_space<vmem>>
        %dma_wait3A_443 = tpu.memref_squeeze %dma_wait3A_442 : memref<1x128xi32, #tpu.memory_space<vmem>> -> memref<128xi32, #tpu.memory_space<vmem>>
        %dma_wait3A_444 = arith.constant 0 : i32
        %dma_wait3A_445 = arith.constant 0 : i32
        %dma_wait3A_446 = tpu.memref_slice %arg10[%dma_wait3A_444, %dma_wait3A_445] : memref<10240x64xf32, #tpu.memory_space<vmem_shared>> -> memref<10240x64xf32, #tpu.memory_space<vmem_shared>>
        tpu.wait_indirect_dma semaphore(%arg20 : memref<!tpu.dma_semaphore, #tpu.memory_space<semaphore_mem>>) src(%dma_wait3A_440 : memref<128x64xf32, #tpu.memory_space<vmem>>) dst(%dma_wait3A_446 : memref<10240x64xf32, #tpu.memory_space<vmem_shared>>)
      } else {
      }
      %add3A_318 = arith.constant 4 : i32
      %add3A_319 = arith.addi %add3A_294, %add3A_318 : i32
      %dma_start3A_320 = arith.constant 0 : i32
      %dma_start3A_321 = arith.constant 0 : i32
      %dma_start3A_322 = tpu.memref_slice %arg9[%dma_start3A_320, %dma_start3A_321] : memref<1024x64xf32, #tpu.memory_space<vmem>> -> memref<128x64xf32, #tpu.memory_space<vmem>>
      %dma_start3A_323 = arith.constant 0 : i32
      %dma_start3A_324 = tpu.memref_slice %arg7[%add3A_319, %dma_start3A_323] : memref<88x128xi32, #tpu.memory_space<vmem>> -> memref<1x128xi32, #tpu.memory_space<vmem>>
      %dma_start3A_325 = tpu.memref_squeeze %dma_start3A_324 : memref<1x128xi32, #tpu.memory_space<vmem>> -> memref<128xi32, #tpu.memory_space<vmem>>
      %dma_start3A_326 = arith.constant 0 : i32
      %dma_start3A_327 = arith.constant 0 : i32
      %dma_start3A_328 = tpu.memref_slice %arg2[%dma_start3A_326, %dma_start3A_327] : memref<10240x64xf32, #tpu.memory_space<hbm>> -> memref<10240x64xf32, #tpu.memory_space<hbm>>
      tpu.enqueue_indirect_dma source(%dma_start3A_328 : memref<10240x64xf32, #tpu.memory_space<hbm>>) target(%dma_start3A_322 : memref<128x64xf32, #tpu.memory_space<vmem>>) offsets(%dma_start3A_325 : memref<128xi32, #tpu.memory_space<vmem>>) semaphore(%arg11 : memref<!tpu.dma_semaphore, #tpu.memory_space<semaphore_mem>>)
      %add3A_329 = arith.constant 5 : i32
      %add3A_330 = arith.addi %mul3A_151, %add3A_329 : i32
      %dma_wait3A_331 = arith.constant 640 : i32
      %dma_wait3A_332 = arith.constant 0 : i32
      %dma_wait3A_333 = tpu.memref_slice %arg9[%dma_wait3A_331, %dma_wait3A_332] : memref<1024x64xf32, #tpu.memory_space<vmem>> -> memref<128x64xf32, #tpu.memory_space<vmem>>
      %dma_wait3A_334 = arith.constant 0 : i32
      %dma_wait3A_335 = tpu.memref_slice %arg7[%add3A_330, %dma_wait3A_334] : memref<88x128xi32, #tpu.memory_space<vmem>> -> memref<1x128xi32, #tpu.memory_space<vmem>>
      %dma_wait3A_336 = tpu.memref_squeeze %dma_wait3A_335 : memref<1x128xi32, #tpu.memory_space<vmem>> -> memref<128xi32, #tpu.memory_space<vmem>>
      %dma_wait3A_337 = arith.constant 0 : i32
      %dma_wait3A_338 = arith.constant 0 : i32
      %dma_wait3A_339 = tpu.memref_slice %arg2[%dma_wait3A_337, %dma_wait3A_338] : memref<10240x64xf32, #tpu.memory_space<hbm>> -> memref<10240x64xf32, #tpu.memory_space<hbm>>
      tpu.wait_indirect_dma semaphore(%arg16 : memref<!tpu.dma_semaphore, #tpu.memory_space<semaphore_mem>>) src(%dma_wait3A_339 : memref<10240x64xf32, #tpu.memory_space<hbm>>) dst(%dma_wait3A_333 : memref<128x64xf32, #tpu.memory_space<vmem>>)
      %dma_start3A_340 = arith.constant 640 : i32
      %dma_start3A_341 = arith.constant 0 : i32
      %dma_start3A_342 = tpu.memref_slice %arg9[%dma_start3A_340, %dma_start3A_341] : memref<1024x64xf32, #tpu.memory_space<vmem>> -> memref<128x64xf32, #tpu.memory_space<vmem>>
      %dma_start3A_343 = arith.constant 0 : i32
      %dma_start3A_344 = tpu.memref_slice %arg8[%add3A_330, %dma_start3A_343] : memref<80x128xi32, #tpu.memory_space<vmem>> -> memref<1x128xi32, #tpu.memory_space<vmem>>
      %dma_start3A_345 = tpu.memref_squeeze %dma_start3A_344 : memref<1x128xi32, #tpu.memory_space<vmem>> -> memref<128xi32, #tpu.memory_space<vmem>>
      %dma_start3A_346 = arith.constant 0 : i32
      %dma_start3A_347 = arith.constant 0 : i32
      %dma_start3A_348 = tpu.memref_slice %arg10[%dma_start3A_346, %dma_start3A_347] : memref<10240x64xf32, #tpu.memory_space<vmem_shared>> -> memref<10240x64xf32, #tpu.memory_space<vmem_shared>>
      tpu.enqueue_indirect_dma source(%dma_start3A_342 : memref<128x64xf32, #tpu.memory_space<vmem>>) target(%dma_start3A_348 : memref<10240x64xf32, #tpu.memory_space<vmem_shared>>) offsets(%dma_start3A_345 : memref<128xi32, #tpu.memory_space<vmem>>) semaphore(%arg24 : memref<!tpu.dma_semaphore, #tpu.memory_space<semaphore_mem>>) {add = true}
      %ge3A_349 = arith.constant 3 : i32
      %ge3A_350 = arith.cmpi sge, %add3A_330, %ge3A_349 : i32
      %convert_element_type3A_351 = arith.extui %ge3A_350 : i1 to i32
      %cond3A_352 = arith.constant 0 : i32
      %cond3A_353 = arith.cmpi ne, %convert_element_type3A_351, %cond3A_352 : i32
      scf.if %cond3A_353 {
        %sub3A = arith.constant 3 : i32
        %sub3A_437 = arith.subi %add3A_330, %sub3A : i32
        %dma_wait3A_438 = arith.constant 256 : i32
        %dma_wait3A_439 = arith.constant 0 : i32
        %dma_wait3A_440 = tpu.memref_slice %arg9[%dma_wait3A_438, %dma_wait3A_439] : memref<1024x64xf32, #tpu.memory_space<vmem>> -> memref<128x64xf32, #tpu.memory_space<vmem>>
        %dma_wait3A_441 = arith.constant 0 : i32
        %dma_wait3A_442 = tpu.memref_slice %arg8[%sub3A_437, %dma_wait3A_441] : memref<80x128xi32, #tpu.memory_space<vmem>> -> memref<1x128xi32, #tpu.memory_space<vmem>>
        %dma_wait3A_443 = tpu.memref_squeeze %dma_wait3A_442 : memref<1x128xi32, #tpu.memory_space<vmem>> -> memref<128xi32, #tpu.memory_space<vmem>>
        %dma_wait3A_444 = arith.constant 0 : i32
        %dma_wait3A_445 = arith.constant 0 : i32
        %dma_wait3A_446 = tpu.memref_slice %arg10[%dma_wait3A_444, %dma_wait3A_445] : memref<10240x64xf32, #tpu.memory_space<vmem_shared>> -> memref<10240x64xf32, #tpu.memory_space<vmem_shared>>
        tpu.wait_indirect_dma semaphore(%arg21 : memref<!tpu.dma_semaphore, #tpu.memory_space<semaphore_mem>>) src(%dma_wait3A_440 : memref<128x64xf32, #tpu.memory_space<vmem>>) dst(%dma_wait3A_446 : memref<10240x64xf32, #tpu.memory_space<vmem_shared>>)
      } else {
      }
      %add3A_354 = arith.constant 4 : i32
      %add3A_355 = arith.addi %add3A_330, %add3A_354 : i32
      %dma_start3A_356 = arith.constant 128 : i32
      %dma_start3A_357 = arith.constant 0 : i32
      %dma_start3A_358 = tpu.memref_slice %arg9[%dma_start3A_356, %dma_start3A_357] : memref<1024x64xf32, #tpu.memory_space<vmem>> -> memref<128x64xf32, #tpu.memory_space<vmem>>
      %dma_start3A_359 = arith.constant 0 : i32
      %dma_start3A_360 = tpu.memref_slice %arg7[%add3A_355, %dma_start3A_359] : memref<88x128xi32, #tpu.memory_space<vmem>> -> memref<1x128xi32, #tpu.memory_space<vmem>>
      %dma_start3A_361 = tpu.memref_squeeze %dma_start3A_360 : memref<1x128xi32, #tpu.memory_space<vmem>> -> memref<128xi32, #tpu.memory_space<vmem>>
      %dma_start3A_362 = arith.constant 0 : i32
      %dma_start3A_363 = arith.constant 0 : i32
      %dma_start3A_364 = tpu.memref_slice %arg2[%dma_start3A_362, %dma_start3A_363] : memref<10240x64xf32, #tpu.memory_space<hbm>> -> memref<10240x64xf32, #tpu.memory_space<hbm>>
      tpu.enqueue_indirect_dma source(%dma_start3A_364 : memref<10240x64xf32, #tpu.memory_space<hbm>>) target(%dma_start3A_358 : memref<128x64xf32, #tpu.memory_space<vmem>>) offsets(%dma_start3A_361 : memref<128xi32, #tpu.memory_space<vmem>>) semaphore(%arg12 : memref<!tpu.dma_semaphore, #tpu.memory_space<semaphore_mem>>)
      %add3A_365 = arith.constant 6 : i32
      %add3A_366 = arith.addi %mul3A_151, %add3A_365 : i32
      %dma_wait3A_367 = arith.constant 768 : i32
      %dma_wait3A_368 = arith.constant 0 : i32
      %dma_wait3A_369 = tpu.memref_slice %arg9[%dma_wait3A_367, %dma_wait3A_368] : memref<1024x64xf32, #tpu.memory_space<vmem>> -> memref<128x64xf32, #tpu.memory_space<vmem>>
      %dma_wait3A_370 = arith.constant 0 : i32
      %dma_wait3A_371 = tpu.memref_slice %arg7[%add3A_366, %dma_wait3A_370] : memref<88x128xi32, #tpu.memory_space<vmem>> -> memref<1x128xi32, #tpu.memory_space<vmem>>
      %dma_wait3A_372 = tpu.memref_squeeze %dma_wait3A_371 : memref<1x128xi32, #tpu.memory_space<vmem>> -> memref<128xi32, #tpu.memory_space<vmem>>
      %dma_wait3A_373 = arith.constant 0 : i32
      %dma_wait3A_374 = arith.constant 0 : i32
      %dma_wait3A_375 = tpu.memref_slice %arg2[%dma_wait3A_373, %dma_wait3A_374] : memref<10240x64xf32, #tpu.memory_space<hbm>> -> memref<10240x64xf32, #tpu.memory_space<hbm>>
      tpu.wait_indirect_dma semaphore(%arg17 : memref<!tpu.dma_semaphore, #tpu.memory_space<semaphore_mem>>) src(%dma_wait3A_375 : memref<10240x64xf32, #tpu.memory_space<hbm>>) dst(%dma_wait3A_369 : memref<128x64xf32, #tpu.memory_space<vmem>>)
      %dma_start3A_376 = arith.constant 768 : i32
      %dma_start3A_377 = arith.constant 0 : i32
      %dma_start3A_378 = tpu.memref_slice %arg9[%dma_start3A_376, %dma_start3A_377] : memref<1024x64xf32, #tpu.memory_space<vmem>> -> memref<128x64xf32, #tpu.memory_space<vmem>>
      %dma_start3A_379 = arith.constant 0 : i32
      %dma_start3A_380 = tpu.memref_slice %arg8[%add3A_366, %dma_start3A_379] : memref<80x128xi32, #tpu.memory_space<vmem>> -> memref<1x128xi32, #tpu.memory_space<vmem>>
      %dma_start3A_381 = tpu.memref_squeeze %dma_start3A_380 : memref<1x128xi32, #tpu.memory_space<vmem>> -> memref<128xi32, #tpu.memory_space<vmem>>
      %dma_start3A_382 = arith.constant 0 : i32
      %dma_start3A_383 = arith.constant 0 : i32
      %dma_start3A_384 = tpu.memref_slice %arg10[%dma_start3A_382, %dma_start3A_383] : memref<10240x64xf32, #tpu.memory_space<vmem_shared>> -> memref<10240x64xf32, #tpu.memory_space<vmem_shared>>
      tpu.enqueue_indirect_dma source(%dma_start3A_378 : memref<128x64xf32, #tpu.memory_space<vmem>>) target(%dma_start3A_384 : memref<10240x64xf32, #tpu.memory_space<vmem_shared>>) offsets(%dma_start3A_381 : memref<128xi32, #tpu.memory_space<vmem>>) semaphore(%arg25 : memref<!tpu.dma_semaphore, #tpu.memory_space<semaphore_mem>>) {add = true}
      %ge3A_385 = arith.constant 3 : i32
      %ge3A_386 = arith.cmpi sge, %add3A_366, %ge3A_385 : i32
      %convert_element_type3A_387 = arith.extui %ge3A_386 : i1 to i32
      %cond3A_388 = arith.constant 0 : i32
      %cond3A_389 = arith.cmpi ne, %convert_element_type3A_387, %cond3A_388 : i32
      scf.if %cond3A_389 {
        %sub3A = arith.constant 3 : i32
        %sub3A_437 = arith.subi %add3A_366, %sub3A : i32
        %dma_wait3A_438 = arith.constant 384 : i32
        %dma_wait3A_439 = arith.constant 0 : i32
        %dma_wait3A_440 = tpu.memref_slice %arg9[%dma_wait3A_438, %dma_wait3A_439] : memref<1024x64xf32, #tpu.memory_space<vmem>> -> memref<128x64xf32, #tpu.memory_space<vmem>>
        %dma_wait3A_441 = arith.constant 0 : i32
        %dma_wait3A_442 = tpu.memref_slice %arg8[%sub3A_437, %dma_wait3A_441] : memref<80x128xi32, #tpu.memory_space<vmem>> -> memref<1x128xi32, #tpu.memory_space<vmem>>
        %dma_wait3A_443 = tpu.memref_squeeze %dma_wait3A_442 : memref<1x128xi32, #tpu.memory_space<vmem>> -> memref<128xi32, #tpu.memory_space<vmem>>
        %dma_wait3A_444 = arith.constant 0 : i32
        %dma_wait3A_445 = arith.constant 0 : i32
        %dma_wait3A_446 = tpu.memref_slice %arg10[%dma_wait3A_444, %dma_wait3A_445] : memref<10240x64xf32, #tpu.memory_space<vmem_shared>> -> memref<10240x64xf32, #tpu.memory_space<vmem_shared>>
        tpu.wait_indirect_dma semaphore(%arg22 : memref<!tpu.dma_semaphore, #tpu.memory_space<semaphore_mem>>) src(%dma_wait3A_440 : memref<128x64xf32, #tpu.memory_space<vmem>>) dst(%dma_wait3A_446 : memref<10240x64xf32, #tpu.memory_space<vmem_shared>>)
      } else {
      }
      %add3A_390 = arith.constant 4 : i32
      %add3A_391 = arith.addi %add3A_366, %add3A_390 : i32
      %dma_start3A_392 = arith.constant 256 : i32
      %dma_start3A_393 = arith.constant 0 : i32
      %dma_start3A_394 = tpu.memref_slice %arg9[%dma_start3A_392, %dma_start3A_393] : memref<1024x64xf32, #tpu.memory_space<vmem>> -> memref<128x64xf32, #tpu.memory_space<vmem>>
      %dma_start3A_395 = arith.constant 0 : i32
      %dma_start3A_396 = tpu.memref_slice %arg7[%add3A_391, %dma_start3A_395] : memref<88x128xi32, #tpu.memory_space<vmem>> -> memref<1x128xi32, #tpu.memory_space<vmem>>
      %dma_start3A_397 = tpu.memref_squeeze %dma_start3A_396 : memref<1x128xi32, #tpu.memory_space<vmem>> -> memref<128xi32, #tpu.memory_space<vmem>>
      %dma_start3A_398 = arith.constant 0 : i32
      %dma_start3A_399 = arith.constant 0 : i32
      %dma_start3A_400 = tpu.memref_slice %arg2[%dma_start3A_398, %dma_start3A_399] : memref<10240x64xf32, #tpu.memory_space<hbm>> -> memref<10240x64xf32, #tpu.memory_space<hbm>>
      tpu.enqueue_indirect_dma source(%dma_start3A_400 : memref<10240x64xf32, #tpu.memory_space<hbm>>) target(%dma_start3A_394 : memref<128x64xf32, #tpu.memory_space<vmem>>) offsets(%dma_start3A_397 : memref<128xi32, #tpu.memory_space<vmem>>) semaphore(%arg13 : memref<!tpu.dma_semaphore, #tpu.memory_space<semaphore_mem>>)
      %add3A_401 = arith.constant 7 : i32
      %add3A_402 = arith.addi %mul3A_151, %add3A_401 : i32
      %dma_wait3A_403 = arith.constant 896 : i32
      %dma_wait3A_404 = arith.constant 0 : i32
      %dma_wait3A_405 = tpu.memref_slice %arg9[%dma_wait3A_403, %dma_wait3A_404] : memref<1024x64xf32, #tpu.memory_space<vmem>> -> memref<128x64xf32, #tpu.memory_space<vmem>>
      %dma_wait3A_406 = arith.constant 0 : i32
      %dma_wait3A_407 = tpu.memref_slice %arg7[%add3A_402, %dma_wait3A_406] : memref<88x128xi32, #tpu.memory_space<vmem>> -> memref<1x128xi32, #tpu.memory_space<vmem>>
      %dma_wait3A_408 = tpu.memref_squeeze %dma_wait3A_407 : memref<1x128xi32, #tpu.memory_space<vmem>> -> memref<128xi32, #tpu.memory_space<vmem>>
      %dma_wait3A_409 = arith.constant 0 : i32
      %dma_wait3A_410 = arith.constant 0 : i32
      %dma_wait3A_411 = tpu.memref_slice %arg2[%dma_wait3A_409, %dma_wait3A_410] : memref<10240x64xf32, #tpu.memory_space<hbm>> -> memref<10240x64xf32, #tpu.memory_space<hbm>>
      tpu.wait_indirect_dma semaphore(%arg18 : memref<!tpu.dma_semaphore, #tpu.memory_space<semaphore_mem>>) src(%dma_wait3A_411 : memref<10240x64xf32, #tpu.memory_space<hbm>>) dst(%dma_wait3A_405 : memref<128x64xf32, #tpu.memory_space<vmem>>)
      %dma_start3A_412 = arith.constant 896 : i32
      %dma_start3A_413 = arith.constant 0 : i32
      %dma_start3A_414 = tpu.memref_slice %arg9[%dma_start3A_412, %dma_start3A_413] : memref<1024x64xf32, #tpu.memory_space<vmem>> -> memref<128x64xf32, #tpu.memory_space<vmem>>
      %dma_start3A_415 = arith.constant 0 : i32
      %dma_start3A_416 = tpu.memref_slice %arg8[%add3A_402, %dma_start3A_415] : memref<80x128xi32, #tpu.memory_space<vmem>> -> memref<1x128xi32, #tpu.memory_space<vmem>>
      %dma_start3A_417 = tpu.memref_squeeze %dma_start3A_416 : memref<1x128xi32, #tpu.memory_space<vmem>> -> memref<128xi32, #tpu.memory_space<vmem>>
      %dma_start3A_418 = arith.constant 0 : i32
      %dma_start3A_419 = arith.constant 0 : i32
      %dma_start3A_420 = tpu.memref_slice %arg10[%dma_start3A_418, %dma_start3A_419] : memref<10240x64xf32, #tpu.memory_space<vmem_shared>> -> memref<10240x64xf32, #tpu.memory_space<vmem_shared>>
      tpu.enqueue_indirect_dma source(%dma_start3A_414 : memref<128x64xf32, #tpu.memory_space<vmem>>) target(%dma_start3A_420 : memref<10240x64xf32, #tpu.memory_space<vmem_shared>>) offsets(%dma_start3A_417 : memref<128xi32, #tpu.memory_space<vmem>>) semaphore(%arg26 : memref<!tpu.dma_semaphore, #tpu.memory_space<semaphore_mem>>) {add = true}
      %ge3A_421 = arith.constant 3 : i32
      %ge3A_422 = arith.cmpi sge, %add3A_402, %ge3A_421 : i32
      %convert_element_type3A_423 = arith.extui %ge3A_422 : i1 to i32
      %cond3A_424 = arith.constant 0 : i32
      %cond3A_425 = arith.cmpi ne, %convert_element_type3A_423, %cond3A_424 : i32
      scf.if %cond3A_425 {
        %sub3A = arith.constant 3 : i32
        %sub3A_437 = arith.subi %add3A_402, %sub3A : i32
        %dma_wait3A_438 = arith.constant 512 : i32
        %dma_wait3A_439 = arith.constant 0 : i32
        %dma_wait3A_440 = tpu.memref_slice %arg9[%dma_wait3A_438, %dma_wait3A_439] : memref<1024x64xf32, #tpu.memory_space<vmem>> -> memref<128x64xf32, #tpu.memory_space<vmem>>
        %dma_wait3A_441 = arith.constant 0 : i32
        %dma_wait3A_442 = tpu.memref_slice %arg8[%sub3A_437, %dma_wait3A_441] : memref<80x128xi32, #tpu.memory_space<vmem>> -> memref<1x128xi32, #tpu.memory_space<vmem>>
        %dma_wait3A_443 = tpu.memref_squeeze %dma_wait3A_442 : memref<1x128xi32, #tpu.memory_space<vmem>> -> memref<128xi32, #tpu.memory_space<vmem>>
        %dma_wait3A_444 = arith.constant 0 : i32
        %dma_wait3A_445 = arith.constant 0 : i32
        %dma_wait3A_446 = tpu.memref_slice %arg10[%dma_wait3A_444, %dma_wait3A_445] : memref<10240x64xf32, #tpu.memory_space<vmem_shared>> -> memref<10240x64xf32, #tpu.memory_space<vmem_shared>>
        tpu.wait_indirect_dma semaphore(%arg23 : memref<!tpu.dma_semaphore, #tpu.memory_space<semaphore_mem>>) src(%dma_wait3A_440 : memref<128x64xf32, #tpu.memory_space<vmem>>) dst(%dma_wait3A_446 : memref<10240x64xf32, #tpu.memory_space<vmem_shared>>)
      } else {
      }
      %add3A_426 = arith.constant 4 : i32
      %add3A_427 = arith.addi %add3A_402, %add3A_426 : i32
      %dma_start3A_428 = arith.constant 384 : i32
      %dma_start3A_429 = arith.constant 0 : i32
      %dma_start3A_430 = tpu.memref_slice %arg9[%dma_start3A_428, %dma_start3A_429] : memref<1024x64xf32, #tpu.memory_space<vmem>> -> memref<128x64xf32, #tpu.memory_space<vmem>>
      %dma_start3A_431 = arith.constant 0 : i32
      %dma_start3A_432 = tpu.memref_slice %arg7[%add3A_427, %dma_start3A_431] : memref<88x128xi32, #tpu.memory_space<vmem>> -> memref<1x128xi32, #tpu.memory_space<vmem>>
      %dma_start3A_433 = tpu.memref_squeeze %dma_start3A_432 : memref<1x128xi32, #tpu.memory_space<vmem>> -> memref<128xi32, #tpu.memory_space<vmem>>
      %dma_start3A_434 = arith.constant 0 : i32
      %dma_start3A_435 = arith.constant 0 : i32
      %dma_start3A_436 = tpu.memref_slice %arg2[%dma_start3A_434, %dma_start3A_435] : memref<10240x64xf32, #tpu.memory_space<hbm>> -> memref<10240x64xf32, #tpu.memory_space<hbm>>
      tpu.enqueue_indirect_dma source(%dma_start3A_436 : memref<10240x64xf32, #tpu.memory_space<hbm>>) target(%dma_start3A_430 : memref<128x64xf32, #tpu.memory_space<vmem>>) offsets(%dma_start3A_433 : memref<128xi32, #tpu.memory_space<vmem>>) semaphore(%arg14 : memref<!tpu.dma_semaphore, #tpu.memory_space<semaphore_mem>>)
    }
    %scan3A_66 = arith.constant 10 : i32
    %dma_wait3A_67 = arith.constant 77 : i32
    %dma_wait3A_68 = arith.constant 640 : i32
    %dma_wait3A_69 = arith.constant 0 : i32
    %dma_wait3A_70 = tpu.memref_slice %arg9[%dma_wait3A_68, %dma_wait3A_69] : memref<1024x64xf32, #tpu.memory_space<vmem>> -> memref<128x64xf32, #tpu.memory_space<vmem>>
    %dma_wait3A_71 = arith.constant 0 : i32
    %dma_wait3A_72 = tpu.memref_slice %arg8[%dma_wait3A_67, %dma_wait3A_71] : memref<80x128xi32, #tpu.memory_space<vmem>> -> memref<1x128xi32, #tpu.memory_space<vmem>>
    %dma_wait3A_73 = tpu.memref_squeeze %dma_wait3A_72 : memref<1x128xi32, #tpu.memory_space<vmem>> -> memref<128xi32, #tpu.memory_space<vmem>>
    %dma_wait3A_74 = arith.constant 0 : i32
    %dma_wait3A_75 = arith.constant 0 : i32
    %dma_wait3A_76 = tpu.memref_slice %arg10[%dma_wait3A_74, %dma_wait3A_75] : memref<10240x64xf32, #tpu.memory_space<vmem_shared>> -> memref<10240x64xf32, #tpu.memory_space<vmem_shared>>
    tpu.wait_indirect_dma semaphore(%arg24 : memref<!tpu.dma_semaphore, #tpu.memory_space<semaphore_mem>>) src(%dma_wait3A_70 : memref<128x64xf32, #tpu.memory_space<vmem>>) dst(%dma_wait3A_76 : memref<10240x64xf32, #tpu.memory_space<vmem_shared>>)
    %dma_wait3A_77 = arith.constant 78 : i32
    %dma_wait3A_78 = arith.constant 768 : i32
    %dma_wait3A_79 = arith.constant 0 : i32
    %dma_wait3A_80 = tpu.memref_slice %arg9[%dma_wait3A_78, %dma_wait3A_79] : memref<1024x64xf32, #tpu.memory_space<vmem>> -> memref<128x64xf32, #tpu.memory_space<vmem>>
    %dma_wait3A_81 = arith.constant 0 : i32
    %dma_wait3A_82 = tpu.memref_slice %arg8[%dma_wait3A_77, %dma_wait3A_81] : memref<80x128xi32, #tpu.memory_space<vmem>> -> memref<1x128xi32, #tpu.memory_space<vmem>>
    %dma_wait3A_83 = tpu.memref_squeeze %dma_wait3A_82 : memref<1x128xi32, #tpu.memory_space<vmem>> -> memref<128xi32, #tpu.memory_space<vmem>>
    %dma_wait3A_84 = arith.constant 0 : i32
    %dma_wait3A_85 = arith.constant 0 : i32
    %dma_wait3A_86 = tpu.memref_slice %arg10[%dma_wait3A_84, %dma_wait3A_85] : memref<10240x64xf32, #tpu.memory_space<vmem_shared>> -> memref<10240x64xf32, #tpu.memory_space<vmem_shared>>
    tpu.wait_indirect_dma semaphore(%arg25 : memref<!tpu.dma_semaphore, #tpu.memory_space<semaphore_mem>>) src(%dma_wait3A_80 : memref<128x64xf32, #tpu.memory_space<vmem>>) dst(%dma_wait3A_86 : memref<10240x64xf32, #tpu.memory_space<vmem_shared>>)
    %dma_wait3A_87 = arith.constant 79 : i32
    %dma_wait3A_88 = arith.constant 896 : i32
    %dma_wait3A_89 = arith.constant 0 : i32
    %dma_wait3A_90 = tpu.memref_slice %arg9[%dma_wait3A_88, %dma_wait3A_89] : memref<1024x64xf32, #tpu.memory_space<vmem>> -> memref<128x64xf32, #tpu.memory_space<vmem>>
    %dma_wait3A_91 = arith.constant 0 : i32
    %dma_wait3A_92 = tpu.memref_slice %arg8[%dma_wait3A_87, %dma_wait3A_91] : memref<80x128xi32, #tpu.memory_space<vmem>> -> memref<1x128xi32, #tpu.memory_space<vmem>>
    %dma_wait3A_93 = tpu.memref_squeeze %dma_wait3A_92 : memref<1x128xi32, #tpu.memory_space<vmem>> -> memref<128xi32, #tpu.memory_space<vmem>>
    %dma_wait3A_94 = arith.constant 0 : i32
    %dma_wait3A_95 = arith.constant 0 : i32
    %dma_wait3A_96 = tpu.memref_slice %arg10[%dma_wait3A_94, %dma_wait3A_95] : memref<10240x64xf32, #tpu.memory_space<vmem_shared>> -> memref<10240x64xf32, #tpu.memory_space<vmem_shared>>
    tpu.wait_indirect_dma semaphore(%arg26 : memref<!tpu.dma_semaphore, #tpu.memory_space<semaphore_mem>>) src(%dma_wait3A_90 : memref<128x64xf32, #tpu.memory_space<vmem>>) dst(%dma_wait3A_96 : memref<10240x64xf32, #tpu.memory_space<vmem_shared>>)
    %dma_wait3A_97 = arith.constant 80 : i32
    %dma_wait3A_98 = arith.constant 0 : i32
    %dma_wait3A_99 = arith.constant 0 : i32
    %dma_wait3A_100 = tpu.memref_slice %arg9[%dma_wait3A_98, %dma_wait3A_99] : memref<1024x64xf32, #tpu.memory_space<vmem>> -> memref<128x64xf32, #tpu.memory_space<vmem>>
    %dma_wait3A_101 = arith.constant 0 : i32
    %dma_wait3A_102 = tpu.memref_slice %arg7[%dma_wait3A_97, %dma_wait3A_101] : memref<88x128xi32, #tpu.memory_space<vmem>> -> memref<1x128xi32, #tpu.memory_space<vmem>>
    %dma_wait3A_103 = tpu.memref_squeeze %dma_wait3A_102 : memref<1x128xi32, #tpu.memory_space<vmem>> -> memref<128xi32, #tpu.memory_space<vmem>>
    %dma_wait3A_104 = arith.constant 0 : i32
    %dma_wait3A_105 = arith.constant 0 : i32
    %dma_wait3A_106 = tpu.memref_slice %arg2[%dma_wait3A_104, %dma_wait3A_105] : memref<10240x64xf32, #tpu.memory_space<hbm>> -> memref<10240x64xf32, #tpu.memory_space<hbm>>
    tpu.wait_indirect_dma semaphore(%arg11 : memref<!tpu.dma_semaphore, #tpu.memory_space<semaphore_mem>>) src(%dma_wait3A_106 : memref<10240x64xf32, #tpu.memory_space<hbm>>) dst(%dma_wait3A_100 : memref<128x64xf32, #tpu.memory_space<vmem>>)
    %dma_wait3A_107 = arith.constant 81 : i32
    %dma_wait3A_108 = arith.constant 128 : i32
    %dma_wait3A_109 = arith.constant 0 : i32
    %dma_wait3A_110 = tpu.memref_slice %arg9[%dma_wait3A_108, %dma_wait3A_109] : memref<1024x64xf32, #tpu.memory_space<vmem>> -> memref<128x64xf32, #tpu.memory_space<vmem>>
    %dma_wait3A_111 = arith.constant 0 : i32
    %dma_wait3A_112 = tpu.memref_slice %arg7[%dma_wait3A_107, %dma_wait3A_111] : memref<88x128xi32, #tpu.memory_space<vmem>> -> memref<1x128xi32, #tpu.memory_space<vmem>>
    %dma_wait3A_113 = tpu.memref_squeeze %dma_wait3A_112 : memref<1x128xi32, #tpu.memory_space<vmem>> -> memref<128xi32, #tpu.memory_space<vmem>>
    %dma_wait3A_114 = arith.constant 0 : i32
    %dma_wait3A_115 = arith.constant 0 : i32
    %dma_wait3A_116 = tpu.memref_slice %arg2[%dma_wait3A_114, %dma_wait3A_115] : memref<10240x64xf32, #tpu.memory_space<hbm>> -> memref<10240x64xf32, #tpu.memory_space<hbm>>
    tpu.wait_indirect_dma semaphore(%arg12 : memref<!tpu.dma_semaphore, #tpu.memory_space<semaphore_mem>>) src(%dma_wait3A_116 : memref<10240x64xf32, #tpu.memory_space<hbm>>) dst(%dma_wait3A_110 : memref<128x64xf32, #tpu.memory_space<vmem>>)
    %dma_wait3A_117 = arith.constant 82 : i32
    %dma_wait3A_118 = arith.constant 256 : i32
    %dma_wait3A_119 = arith.constant 0 : i32
    %dma_wait3A_120 = tpu.memref_slice %arg9[%dma_wait3A_118, %dma_wait3A_119] : memref<1024x64xf32, #tpu.memory_space<vmem>> -> memref<128x64xf32, #tpu.memory_space<vmem>>
    %dma_wait3A_121 = arith.constant 0 : i32
    %dma_wait3A_122 = tpu.memref_slice %arg7[%dma_wait3A_117, %dma_wait3A_121] : memref<88x128xi32, #tpu.memory_space<vmem>> -> memref<1x128xi32, #tpu.memory_space<vmem>>
    %dma_wait3A_123 = tpu.memref_squeeze %dma_wait3A_122 : memref<1x128xi32, #tpu.memory_space<vmem>> -> memref<128xi32, #tpu.memory_space<vmem>>
    %dma_wait3A_124 = arith.constant 0 : i32
    %dma_wait3A_125 = arith.constant 0 : i32
    %dma_wait3A_126 = tpu.memref_slice %arg2[%dma_wait3A_124, %dma_wait3A_125] : memref<10240x64xf32, #tpu.memory_space<hbm>> -> memref<10240x64xf32, #tpu.memory_space<hbm>>
    tpu.wait_indirect_dma semaphore(%arg13 : memref<!tpu.dma_semaphore, #tpu.memory_space<semaphore_mem>>) src(%dma_wait3A_126 : memref<10240x64xf32, #tpu.memory_space<hbm>>) dst(%dma_wait3A_120 : memref<128x64xf32, #tpu.memory_space<vmem>>)
    %dma_wait3A_127 = arith.constant 83 : i32
    %dma_wait3A_128 = arith.constant 384 : i32
    %dma_wait3A_129 = arith.constant 0 : i32
    %dma_wait3A_130 = tpu.memref_slice %arg9[%dma_wait3A_128, %dma_wait3A_129] : memref<1024x64xf32, #tpu.memory_space<vmem>> -> memref<128x64xf32, #tpu.memory_space<vmem>>
    %dma_wait3A_131 = arith.constant 0 : i32
    %dma_wait3A_132 = tpu.memref_slice %arg7[%dma_wait3A_127, %dma_wait3A_131] : memref<88x128xi32, #tpu.memory_space<vmem>> -> memref<1x128xi32, #tpu.memory_space<vmem>>
    %dma_wait3A_133 = tpu.memref_squeeze %dma_wait3A_132 : memref<1x128xi32, #tpu.memory_space<vmem>> -> memref<128xi32, #tpu.memory_space<vmem>>
    %dma_wait3A_134 = arith.constant 0 : i32
    %dma_wait3A_135 = arith.constant 0 : i32
    %dma_wait3A_136 = tpu.memref_slice %arg2[%dma_wait3A_134, %dma_wait3A_135] : memref<10240x64xf32, #tpu.memory_space<hbm>> -> memref<10240x64xf32, #tpu.memory_space<hbm>>
    tpu.wait_indirect_dma semaphore(%arg14 : memref<!tpu.dma_semaphore, #tpu.memory_space<semaphore_mem>>) src(%dma_wait3A_136 : memref<10240x64xf32, #tpu.memory_space<hbm>>) dst(%dma_wait3A_130 : memref<128x64xf32, #tpu.memory_space<vmem>>)
    %barrier3A_137 = arith.constant 0 : index
    tpu.barrier barrier_id(%barrier3A_137)
    %mul3A_138 = arith.constant 640 : i32
    %mul3A_139 = arith.muli %arg1, %mul3A_138 : i32
    %mul3A_140 = arith.constant 10240 : i32
    %mul3A_141 = arith.muli %arg0, %mul3A_140 : i32
    %mul3A_142 = arith.constant 640 : i32
    %mul3A_143 = arith.muli %arg1, %mul3A_142 : i32
    %add3A_144 = arith.addi %mul3A_141, %mul3A_143 : i32
    "tpu.region"() ({
      %run_scoped3A = tpu.sem_alloc : memref<!tpu.dma_semaphore, #tpu.memory_space<semaphore_mem>>
      %dma_start3A_145 = arith.constant 0 : i32
      %dma_start3A_146 = tpu.memref_slice %arg6[%add3A_144, %dma_start3A_145] : memref<20480x64xf32, #tpu.memory_space<hbm>> -> memref<640x64xf32, #tpu.memory_space<hbm>>
      %dma_start3A_147 = arith.constant 0 : i32
      %dma_start3A_148 = tpu.memref_slice %arg10[%mul3A_139, %dma_start3A_147] : memref<10240x64xf32, #tpu.memory_space<vmem_shared>> -> memref<640x64xf32, #tpu.memory_space<vmem_shared>>
      tpu.enqueue_dma source(%dma_start3A_148 : memref<640x64xf32, #tpu.memory_space<vmem_shared>>) target(%dma_start3A_146 : memref<640x64xf32, #tpu.memory_space<hbm>>) target_semaphore(%run_scoped3A : memref<!tpu.dma_semaphore, #tpu.memory_space<semaphore_mem>>)
      %dma_wait3A_149 = arith.constant 0 : i32
      %dma_wait3A_150 = tpu.memref_slice %arg6[%add3A_144, %dma_wait3A_149] : memref<20480x64xf32, #tpu.memory_space<hbm>> -> memref<640x64xf32, #tpu.memory_space<hbm>>
      %dma_wait3A_151 = arith.constant 0 : i32
      %dma_wait3A_152 = tpu.memref_slice %arg10[%mul3A_139, %dma_wait3A_151] : memref<10240x64xf32, #tpu.memory_space<vmem_shared>> -> memref<640x64xf32, #tpu.memory_space<vmem_shared>>
      tpu.wait_dma2 semaphore(%run_scoped3A : memref<!tpu.dma_semaphore, #tpu.memory_space<semaphore_mem>>) src(%dma_wait3A_152 : memref<640x64xf32, #tpu.memory_space<vmem_shared>>) dst(%dma_wait3A_150 : memref<640x64xf32, #tpu.memory_space<hbm>>)
      tpu.yield
    }) : () -> ()
    return
  }
}

#map = affine_map<(d0, d1) -> (0, 0)>
module attributes {stable_mosaic.version = 14 : i64} {
  func.func @k(%arg0: i32, %arg1: i32, %arg2: memref<10240x32xf32, #tpu.memory_space<hbm>>, %arg3: memref<2568x128xi32, #tpu.memory_space<hbm>>, %arg4: memref<2568x128xi32, #tpu.memory_space<hbm>>, %arg5: memref<640x32xf32, #tpu.memory_space<hbm>>, %arg6: memref<20480x32xf32, #tpu.memory_space<hbm>>, %arg7: memref<88x128xi32, #tpu.memory_space<vmem>>, %arg8: memref<80x128xi32, #tpu.memory_space<vmem>>, %arg9: memref<1024x32xf32, #tpu.memory_space<vmem>>, %arg10: memref<10240x32xf32, #tpu.memory_space<vmem_shared>>, %arg11: memref<!tpu.dma_semaphore, #tpu.memory_space<semaphore_mem>>, %arg12: memref<!tpu.dma_semaphore, #tpu.memory_space<semaphore_mem>>, %arg13: memref<!tpu.dma_semaphore, #tpu.memory_space<semaphore_mem>>, %arg14: memref<!tpu.dma_semaphore, #tpu.memory_space<semaphore_mem>>, %arg15: memref<!tpu.dma_semaphore, #tpu.memory_space<semaphore_mem>>, %arg16: memref<!tpu.dma_semaphore, #tpu.memory_space<semaphore_mem>>, %arg17: memref<!tpu.dma_semaphore, #tpu.memory_space<semaphore_mem>>, %arg18: memref<!tpu.dma_semaphore, #tpu.memory_space<semaphore_mem>>, %arg19: memref<!tpu.dma_semaphore, #tpu.memory_space<semaphore_mem>>, %arg20: memref<!tpu.dma_semaphore, #tpu.memory_space<semaphore_mem>>, %arg21: memref<!tpu.dma_semaphore, #tpu.memory_space<semaphore_mem>>, %arg22: memref<!tpu.dma_semaphore, #tpu.memory_space<semaphore_mem>>, %arg23: memref<!tpu.dma_semaphore, #tpu.memory_space<semaphore_mem>>, %arg24: memref<!tpu.dma_semaphore, #tpu.memory_space<semaphore_mem>>, %arg25: memref<!tpu.dma_semaphore, #tpu.memory_space<semaphore_mem>>, %arg26: memref<!tpu.dma_semaphore, #tpu.memory_space<semaphore_mem>>) attributes {dimension_semantics = [#tpu.dimension_semantics<core_parallel>, #tpu.dimension_semantics<subcore_parallel>], iteration_bounds = array<i64: 2, 16>, scalar_prefetch = 0 : i64, scratch_operands = 20 : i64, tpu.core_type = #tpu.core_type<sc_vector_subcore>, window_params = [{transform_indices = #map}, {transform_indices = #map}, {transform_indices = #map}, {transform_indices = #map}, {transform_indices = #map}]} {
    %mul3A = arith.constant 16 : i32
    %mul3A_0 = arith.muli %arg0, %mul3A : i32
    %add3A = arith.addi %mul3A_0, %arg1 : i32
    %mul3A_1 = arith.constant 80 : i32
    %mul3A_2 = arith.muli %add3A, %mul3A_1 : i32
    %mul3A_3 = arith.constant 640 : i32
    %mul3A_4 = arith.muli %arg1, %mul3A_3 : i32
    %dma_start3A = arith.constant 0 : i32
    %dma_start3A_5 = tpu.memref_slice %arg3[%mul3A_2, %dma_start3A] : memref<2568x128xi32, #tpu.memory_space<hbm>> -> memref<88x128xi32, #tpu.memory_space<hbm>>
    %dma_start3A_6 = arith.constant 0 : i32
    %dma_start3A_7 = tpu.memref_slice %arg3[%mul3A_2, %dma_start3A_6] : memref<2568x128xi32, #tpu.memory_space<hbm>> -> memref<88x128xi32, #tpu.memory_space<hbm>>
    tpu.enqueue_dma source(%dma_start3A_7 : memref<88x128xi32, #tpu.memory_space<hbm>>) target(%arg7 : memref<88x128xi32, #tpu.memory_space<vmem>>) target_semaphore(%arg11 : memref<!tpu.dma_semaphore, #tpu.memory_space<semaphore_mem>>)
    %dma_start3A_8 = arith.constant 0 : i32
    %dma_start3A_9 = tpu.memref_slice %arg4[%mul3A_2, %dma_start3A_8] : memref<2568x128xi32, #tpu.memory_space<hbm>> -> memref<80x128xi32, #tpu.memory_space<hbm>>
    %dma_start3A_10 = arith.constant 0 : i32
    %dma_start3A_11 = tpu.memref_slice %arg4[%mul3A_2, %dma_start3A_10] : memref<2568x128xi32, #tpu.memory_space<hbm>> -> memref<80x128xi32, #tpu.memory_space<hbm>>
    tpu.enqueue_dma source(%dma_start3A_11 : memref<80x128xi32, #tpu.memory_space<hbm>>) target(%arg8 : memref<80x128xi32, #tpu.memory_space<vmem>>) target_semaphore(%arg12 : memref<!tpu.dma_semaphore, #tpu.memory_space<semaphore_mem>>)
    %dma_start3A_12 = arith.constant 0 : i32
    %dma_start3A_13 = tpu.memref_slice %arg10[%mul3A_4, %dma_start3A_12] : memref<10240x32xf32, #tpu.memory_space<vmem_shared>> -> memref<640x32xf32, #tpu.memory_space<vmem_shared>>
    tpu.enqueue_dma source(%arg5 : memref<640x32xf32, #tpu.memory_space<hbm>>) target(%dma_start3A_13 : memref<640x32xf32, #tpu.memory_space<vmem_shared>>) target_semaphore(%arg13 : memref<!tpu.dma_semaphore, #tpu.memory_space<semaphore_mem>>)
    %dma_wait3A = arith.constant 0 : i32
    %dma_wait3A_14 = tpu.memref_slice %arg3[%mul3A_2, %dma_wait3A] : memref<2568x128xi32, #tpu.memory_space<hbm>> -> memref<88x128xi32, #tpu.memory_space<hbm>>
    %dma_wait3A_15 = arith.constant 0 : i32
    %dma_wait3A_16 = tpu.memref_slice %arg3[%mul3A_2, %dma_wait3A_15] : memref<2568x128xi32, #tpu.memory_space<hbm>> -> memref<88x128xi32, #tpu.memory_space<hbm>>
    tpu.wait_dma2 semaphore(%arg11 : memref<!tpu.dma_semaphore, #tpu.memory_space<semaphore_mem>>) src(%dma_wait3A_16 : memref<88x128xi32, #tpu.memory_space<hbm>>) dst(%arg7 : memref<88x128xi32, #tpu.memory_space<vmem>>)
    %dma_wait3A_17 = arith.constant 0 : i32
    %dma_wait3A_18 = tpu.memref_slice %arg4[%mul3A_2, %dma_wait3A_17] : memref<2568x128xi32, #tpu.memory_space<hbm>> -> memref<80x128xi32, #tpu.memory_space<hbm>>
    %dma_wait3A_19 = arith.constant 0 : i32
    %dma_wait3A_20 = tpu.memref_slice %arg4[%mul3A_2, %dma_wait3A_19] : memref<2568x128xi32, #tpu.memory_space<hbm>> -> memref<80x128xi32, #tpu.memory_space<hbm>>
    tpu.wait_dma2 semaphore(%arg12 : memref<!tpu.dma_semaphore, #tpu.memory_space<semaphore_mem>>) src(%dma_wait3A_20 : memref<80x128xi32, #tpu.memory_space<hbm>>) dst(%arg8 : memref<80x128xi32, #tpu.memory_space<vmem>>)
    %dma_wait3A_21 = arith.constant 0 : i32
    %dma_wait3A_22 = tpu.memref_slice %arg10[%mul3A_4, %dma_wait3A_21] : memref<10240x32xf32, #tpu.memory_space<vmem_shared>> -> memref<640x32xf32, #tpu.memory_space<vmem_shared>>
    tpu.wait_dma2 semaphore(%arg13 : memref<!tpu.dma_semaphore, #tpu.memory_space<semaphore_mem>>) src(%arg5 : memref<640x32xf32, #tpu.memory_space<hbm>>) dst(%dma_wait3A_22 : memref<640x32xf32, #tpu.memory_space<vmem_shared>>)
    %barrier3A = arith.constant 0 : index
    tpu.barrier barrier_id(%barrier3A)
    %dma_start3A_23 = arith.constant 0 : i32
    %dma_start3A_24 = arith.constant 0 : i32
    %dma_start3A_25 = arith.constant 0 : i32
    %dma_start3A_26 = tpu.memref_slice %arg9[%dma_start3A_24, %dma_start3A_25] : memref<1024x32xf32, #tpu.memory_space<vmem>> -> memref<128x32xf32, #tpu.memory_space<vmem>>
    %dma_start3A_27 = arith.constant 0 : i32
    %dma_start3A_28 = tpu.memref_slice %arg7[%dma_start3A_23, %dma_start3A_27] : memref<88x128xi32, #tpu.memory_space<vmem>> -> memref<1x128xi32, #tpu.memory_space<vmem>>
    %dma_start3A_29 = tpu.memref_squeeze %dma_start3A_28 : memref<1x128xi32, #tpu.memory_space<vmem>> -> memref<128xi32, #tpu.memory_space<vmem>>
    %dma_start3A_30 = arith.constant 0 : i32
    %dma_start3A_31 = arith.constant 0 : i32
    %dma_start3A_32 = tpu.memref_slice %arg2[%dma_start3A_30, %dma_start3A_31] : memref<10240x32xf32, #tpu.memory_space<hbm>> -> memref<10240x32xf32, #tpu.memory_space<hbm>>
    tpu.enqueue_indirect_dma source(%dma_start3A_32 : memref<10240x32xf32, #tpu.memory_space<hbm>>) target(%dma_start3A_26 : memref<128x32xf32, #tpu.memory_space<vmem>>) offsets(%dma_start3A_29 : memref<128xi32, #tpu.memory_space<vmem>>) semaphore(%arg11 : memref<!tpu.dma_semaphore, #tpu.memory_space<semaphore_mem>>)
    %dma_start3A_33 = arith.constant 1 : i32
    %dma_start3A_34 = arith.constant 128 : i32
    %dma_start3A_35 = arith.constant 0 : i32
    %dma_start3A_36 = tpu.memref_slice %arg9[%dma_start3A_34, %dma_start3A_35] : memref<1024x32xf32, #tpu.memory_space<vmem>> -> memref<128x32xf32, #tpu.memory_space<vmem>>
    %dma_start3A_37 = arith.constant 0 : i32
    %dma_start3A_38 = tpu.memref_slice %arg7[%dma_start3A_33, %dma_start3A_37] : memref<88x128xi32, #tpu.memory_space<vmem>> -> memref<1x128xi32, #tpu.memory_space<vmem>>
    %dma_start3A_39 = tpu.memref_squeeze %dma_start3A_38 : memref<1x128xi32, #tpu.memory_space<vmem>> -> memref<128xi32, #tpu.memory_space<vmem>>
    %dma_start3A_40 = arith.constant 0 : i32
    %dma_start3A_41 = arith.constant 0 : i32
    %dma_start3A_42 = tpu.memref_slice %arg2[%dma_start3A_40, %dma_start3A_41] : memref<10240x32xf32, #tpu.memory_space<hbm>> -> memref<10240x32xf32, #tpu.memory_space<hbm>>
    tpu.enqueue_indirect_dma source(%dma_start3A_42 : memref<10240x32xf32, #tpu.memory_space<hbm>>) target(%dma_start3A_36 : memref<128x32xf32, #tpu.memory_space<vmem>>) offsets(%dma_start3A_39 : memref<128xi32, #tpu.memory_space<vmem>>) semaphore(%arg12 : memref<!tpu.dma_semaphore, #tpu.memory_space<semaphore_mem>>)
    %dma_start3A_43 = arith.constant 2 : i32
    %dma_start3A_44 = arith.constant 256 : i32
    %dma_start3A_45 = arith.constant 0 : i32
    %dma_start3A_46 = tpu.memref_slice %arg9[%dma_start3A_44, %dma_start3A_45] : memref<1024x32xf32, #tpu.memory_space<vmem>> -> memref<128x32xf32, #tpu.memory_space<vmem>>
    %dma_start3A_47 = arith.constant 0 : i32
    %dma_start3A_48 = tpu.memref_slice %arg7[%dma_start3A_43, %dma_start3A_47] : memref<88x128xi32, #tpu.memory_space<vmem>> -> memref<1x128xi32, #tpu.memory_space<vmem>>
    %dma_start3A_49 = tpu.memref_squeeze %dma_start3A_48 : memref<1x128xi32, #tpu.memory_space<vmem>> -> memref<128xi32, #tpu.memory_space<vmem>>
    %dma_start3A_50 = arith.constant 0 : i32
    %dma_start3A_51 = arith.constant 0 : i32
    %dma_start3A_52 = tpu.memref_slice %arg2[%dma_start3A_50, %dma_start3A_51] : memref<10240x32xf32, #tpu.memory_space<hbm>> -> memref<10240x32xf32, #tpu.memory_space<hbm>>
    tpu.enqueue_indirect_dma source(%dma_start3A_52 : memref<10240x32xf32, #tpu.memory_space<hbm>>) target(%dma_start3A_46 : memref<128x32xf32, #tpu.memory_space<vmem>>) offsets(%dma_start3A_49 : memref<128xi32, #tpu.memory_space<vmem>>) semaphore(%arg13 : memref<!tpu.dma_semaphore, #tpu.memory_space<semaphore_mem>>)
    %dma_start3A_53 = arith.constant 3 : i32
    %dma_start3A_54 = arith.constant 384 : i32
    %dma_start3A_55 = arith.constant 0 : i32
    %dma_start3A_56 = tpu.memref_slice %arg9[%dma_start3A_54, %dma_start3A_55] : memref<1024x32xf32, #tpu.memory_space<vmem>> -> memref<128x32xf32, #tpu.memory_space<vmem>>
    %dma_start3A_57 = arith.constant 0 : i32
    %dma_start3A_58 = tpu.memref_slice %arg7[%dma_start3A_53, %dma_start3A_57] : memref<88x128xi32, #tpu.memory_space<vmem>> -> memref<1x128xi32, #tpu.memory_space<vmem>>
    %dma_start3A_59 = tpu.memref_squeeze %dma_start3A_58 : memref<1x128xi32, #tpu.memory_space<vmem>> -> memref<128xi32, #tpu.memory_space<vmem>>
    %dma_start3A_60 = arith.constant 0 : i32
    %dma_start3A_61 = arith.constant 0 : i32
    %dma_start3A_62 = tpu.memref_slice %arg2[%dma_start3A_60, %dma_start3A_61] : memref<10240x32xf32, #tpu.memory_space<hbm>> -> memref<10240x32xf32, #tpu.memory_space<hbm>>
    tpu.enqueue_indirect_dma source(%dma_start3A_62 : memref<10240x32xf32, #tpu.memory_space<hbm>>) target(%dma_start3A_56 : memref<128x32xf32, #tpu.memory_space<vmem>>) offsets(%dma_start3A_59 : memref<128xi32, #tpu.memory_space<vmem>>) semaphore(%arg14 : memref<!tpu.dma_semaphore, #tpu.memory_space<semaphore_mem>>)
    %scan3A = arith.constant 0 : i32
    %scan3A_63 = arith.constant 10 : i32
    %scan3A_64 = arith.addi %scan3A, %scan3A_63 : i32
    %scan3A_65 = arith.constant 1 : i32
    scf.for %scan3A_145 = %scan3A to %scan3A_64 step %scan3A_65  : i32 {
      %mul3A_146 = arith.constant 1 : i32
      %mul3A_147 = arith.muli %scan3A_145, %mul3A_146 : i32
      %add3A_148 = arith.constant 0 : i32
      %add3A_149 = arith.addi %add3A_148, %mul3A_147 : i32
      %mul3A_150 = arith.constant 8 : i32
      %mul3A_151 = arith.muli %add3A_149, %mul3A_150 : i32
      %add3A_152 = arith.constant 0 : i32
      %add3A_153 = arith.addi %mul3A_151, %add3A_152 : i32
      %dma_wait3A_154 = arith.constant 0 : i32
      %dma_wait3A_155 = arith.constant 0 : i32
      %dma_wait3A_156 = tpu.memref_slice %arg9[%dma_wait3A_154, %dma_wait3A_155] : memref<1024x32xf32, #tpu.memory_space<vmem>> -> memref<128x32xf32, #tpu.memory_space<vmem>>
      %dma_wait3A_157 = arith.constant 0 : i32
      %dma_wait3A_158 = tpu.memref_slice %arg7[%add3A_153, %dma_wait3A_157] : memref<88x128xi32, #tpu.memory_space<vmem>> -> memref<1x128xi32, #tpu.memory_space<vmem>>
      %dma_wait3A_159 = tpu.memref_squeeze %dma_wait3A_158 : memref<1x128xi32, #tpu.memory_space<vmem>> -> memref<128xi32, #tpu.memory_space<vmem>>
      %dma_wait3A_160 = arith.constant 0 : i32
      %dma_wait3A_161 = arith.constant 0 : i32
      %dma_wait3A_162 = tpu.memref_slice %arg2[%dma_wait3A_160, %dma_wait3A_161] : memref<10240x32xf32, #tpu.memory_space<hbm>> -> memref<10240x32xf32, #tpu.memory_space<hbm>>
      tpu.wait_indirect_dma semaphore(%arg11 : memref<!tpu.dma_semaphore, #tpu.memory_space<semaphore_mem>>) src(%dma_wait3A_162 : memref<10240x32xf32, #tpu.memory_space<hbm>>) dst(%dma_wait3A_156 : memref<128x32xf32, #tpu.memory_space<vmem>>)
      %dma_start3A_163 = arith.constant 0 : i32
      %dma_start3A_164 = arith.constant 0 : i32
      %dma_start3A_165 = tpu.memref_slice %arg9[%dma_start3A_163, %dma_start3A_164] : memref<1024x32xf32, #tpu.memory_space<vmem>> -> memref<128x32xf32, #tpu.memory_space<vmem>>
      %dma_start3A_166 = arith.constant 0 : i32
      %dma_start3A_167 = tpu.memref_slice %arg8[%add3A_153, %dma_start3A_166] : memref<80x128xi32, #tpu.memory_space<vmem>> -> memref<1x128xi32, #tpu.memory_space<vmem>>
      %dma_start3A_168 = tpu.memref_squeeze %dma_start3A_167 : memref<1x128xi32, #tpu.memory_space<vmem>> -> memref<128xi32, #tpu.memory_space<vmem>>
      %dma_start3A_169 = arith.constant 0 : i32
      %dma_start3A_170 = arith.constant 0 : i32
      %dma_start3A_171 = tpu.memref_slice %arg10[%dma_start3A_169, %dma_start3A_170] : memref<10240x32xf32, #tpu.memory_space<vmem_shared>> -> memref<10240x32xf32, #tpu.memory_space<vmem_shared>>
      tpu.enqueue_indirect_dma source(%dma_start3A_165 : memref<128x32xf32, #tpu.memory_space<vmem>>) target(%dma_start3A_171 : memref<10240x32xf32, #tpu.memory_space<vmem_shared>>) offsets(%dma_start3A_168 : memref<128xi32, #tpu.memory_space<vmem>>) semaphore(%arg19 : memref<!tpu.dma_semaphore, #tpu.memory_space<semaphore_mem>>) {add = true}
      %ge3A = arith.constant 3 : i32
      %ge3A_172 = arith.cmpi sge, %add3A_153, %ge3A : i32
      %convert_element_type3A = arith.extui %ge3A_172 : i1 to i32
      %cond3A = arith.constant 0 : i32
      %cond3A_173 = arith.cmpi ne, %convert_element_type3A, %cond3A : i32
      scf.if %cond3A_173 {
        %sub3A = arith.constant 3 : i32
        %sub3A_437 = arith.subi %add3A_153, %sub3A : i32
        %dma_wait3A_438 = arith.constant 640 : i32
        %dma_wait3A_439 = arith.constant 0 : i32
        %dma_wait3A_440 = tpu.memref_slice %arg9[%dma_wait3A_438, %dma_wait3A_439] : memref<1024x32xf32, #tpu.memory_space<vmem>> -> memref<128x32xf32, #tpu.memory_space<vmem>>
        %dma_wait3A_441 = arith.constant 0 : i32
        %dma_wait3A_442 = tpu.memref_slice %arg8[%sub3A_437, %dma_wait3A_441] : memref<80x128xi32, #tpu.memory_space<vmem>> -> memref<1x128xi32, #tpu.memory_space<vmem>>
        %dma_wait3A_443 = tpu.memref_squeeze %dma_wait3A_442 : memref<1x128xi32, #tpu.memory_space<vmem>> -> memref<128xi32, #tpu.memory_space<vmem>>
        %dma_wait3A_444 = arith.constant 0 : i32
        %dma_wait3A_445 = arith.constant 0 : i32
        %dma_wait3A_446 = tpu.memref_slice %arg10[%dma_wait3A_444, %dma_wait3A_445] : memref<10240x32xf32, #tpu.memory_space<vmem_shared>> -> memref<10240x32xf32, #tpu.memory_space<vmem_shared>>
        tpu.wait_indirect_dma semaphore(%arg24 : memref<!tpu.dma_semaphore, #tpu.memory_space<semaphore_mem>>) src(%dma_wait3A_440 : memref<128x32xf32, #tpu.memory_space<vmem>>) dst(%dma_wait3A_446 : memref<10240x32xf32, #tpu.memory_space<vmem_shared>>)
      } else {
      }
      %add3A_174 = arith.constant 4 : i32
      %add3A_175 = arith.addi %add3A_153, %add3A_174 : i32
      %dma_start3A_176 = arith.constant 512 : i32
      %dma_start3A_177 = arith.constant 0 : i32
      %dma_start3A_178 = tpu.memref_slice %arg9[%dma_start3A_176, %dma_start3A_177] : memref<1024x32xf32, #tpu.memory_space<vmem>> -> memref<128x32xf32, #tpu.memory_space<vmem>>
      %dma_start3A_179 = arith.constant 0 : i32
      %dma_start3A_180 = tpu.memref_slice %arg7[%add3A_175, %dma_start3A_179] : memref<88x128xi32, #tpu.memory_space<vmem>> -> memref<1x128xi32, #tpu.memory_space<vmem>>
      %dma_start3A_181 = tpu.memref_squeeze %dma_start3A_180 : memref<1x128xi32, #tpu.memory_space<vmem>> -> memref<128xi32, #tpu.memory_space<vmem>>
      %dma_start3A_182 = arith.constant 0 : i32
      %dma_start3A_183 = arith.constant 0 : i32
      %dma_start3A_184 = tpu.memref_slice %arg2[%dma_start3A_182, %dma_start3A_183] : memref<10240x32xf32, #tpu.memory_space<hbm>> -> memref<10240x32xf32, #tpu.memory_space<hbm>>
      tpu.enqueue_indirect_dma source(%dma_start3A_184 : memref<10240x32xf32, #tpu.memory_space<hbm>>) target(%dma_start3A_178 : memref<128x32xf32, #tpu.memory_space<vmem>>) offsets(%dma_start3A_181 : memref<128xi32, #tpu.memory_space<vmem>>) semaphore(%arg15 : memref<!tpu.dma_semaphore, #tpu.memory_space<semaphore_mem>>)
      %add3A_185 = arith.constant 1 : i32
      %add3A_186 = arith.addi %mul3A_151, %add3A_185 : i32
      %dma_wait3A_187 = arith.constant 128 : i32
      %dma_wait3A_188 = arith.constant 0 : i32
      %dma_wait3A_189 = tpu.memref_slice %arg9[%dma_wait3A_187, %dma_wait3A_188] : memref<1024x32xf32, #tpu.memory_space<vmem>> -> memref<128x32xf32, #tpu.memory_space<vmem>>
      %dma_wait3A_190 = arith.constant 0 : i32
      %dma_wait3A_191 = tpu.memref_slice %arg7[%add3A_186, %dma_wait3A_190] : memref<88x128xi32, #tpu.memory_space<vmem>> -> memref<1x128xi32, #tpu.memory_space<vmem>>
      %dma_wait3A_192 = tpu.memref_squeeze %dma_wait3A_191 : memref<1x128xi32, #tpu.memory_space<vmem>> -> memref<128xi32, #tpu.memory_space<vmem>>
      %dma_wait3A_193 = arith.constant 0 : i32
      %dma_wait3A_194 = arith.constant 0 : i32
      %dma_wait3A_195 = tpu.memref_slice %arg2[%dma_wait3A_193, %dma_wait3A_194] : memref<10240x32xf32, #tpu.memory_space<hbm>> -> memref<10240x32xf32, #tpu.memory_space<hbm>>
      tpu.wait_indirect_dma semaphore(%arg12 : memref<!tpu.dma_semaphore, #tpu.memory_space<semaphore_mem>>) src(%dma_wait3A_195 : memref<10240x32xf32, #tpu.memory_space<hbm>>) dst(%dma_wait3A_189 : memref<128x32xf32, #tpu.memory_space<vmem>>)
      %dma_start3A_196 = arith.constant 128 : i32
      %dma_start3A_197 = arith.constant 0 : i32
      %dma_start3A_198 = tpu.memref_slice %arg9[%dma_start3A_196, %dma_start3A_197] : memref<1024x32xf32, #tpu.memory_space<vmem>> -> memref<128x32xf32, #tpu.memory_space<vmem>>
      %dma_start3A_199 = arith.constant 0 : i32
      %dma_start3A_200 = tpu.memref_slice %arg8[%add3A_186, %dma_start3A_199] : memref<80x128xi32, #tpu.memory_space<vmem>> -> memref<1x128xi32, #tpu.memory_space<vmem>>
      %dma_start3A_201 = tpu.memref_squeeze %dma_start3A_200 : memref<1x128xi32, #tpu.memory_space<vmem>> -> memref<128xi32, #tpu.memory_space<vmem>>
      %dma_start3A_202 = arith.constant 0 : i32
      %dma_start3A_203 = arith.constant 0 : i32
      %dma_start3A_204 = tpu.memref_slice %arg10[%dma_start3A_202, %dma_start3A_203] : memref<10240x32xf32, #tpu.memory_space<vmem_shared>> -> memref<10240x32xf32, #tpu.memory_space<vmem_shared>>
      tpu.enqueue_indirect_dma source(%dma_start3A_198 : memref<128x32xf32, #tpu.memory_space<vmem>>) target(%dma_start3A_204 : memref<10240x32xf32, #tpu.memory_space<vmem_shared>>) offsets(%dma_start3A_201 : memref<128xi32, #tpu.memory_space<vmem>>) semaphore(%arg20 : memref<!tpu.dma_semaphore, #tpu.memory_space<semaphore_mem>>) {add = true}
      %ge3A_205 = arith.constant 3 : i32
      %ge3A_206 = arith.cmpi sge, %add3A_186, %ge3A_205 : i32
      %convert_element_type3A_207 = arith.extui %ge3A_206 : i1 to i32
      %cond3A_208 = arith.constant 0 : i32
      %cond3A_209 = arith.cmpi ne, %convert_element_type3A_207, %cond3A_208 : i32
      scf.if %cond3A_209 {
        %sub3A = arith.constant 3 : i32
        %sub3A_437 = arith.subi %add3A_186, %sub3A : i32
        %dma_wait3A_438 = arith.constant 768 : i32
        %dma_wait3A_439 = arith.constant 0 : i32
        %dma_wait3A_440 = tpu.memref_slice %arg9[%dma_wait3A_438, %dma_wait3A_439] : memref<1024x32xf32, #tpu.memory_space<vmem>> -> memref<128x32xf32, #tpu.memory_space<vmem>>
        %dma_wait3A_441 = arith.constant 0 : i32
        %dma_wait3A_442 = tpu.memref_slice %arg8[%sub3A_437, %dma_wait3A_441] : memref<80x128xi32, #tpu.memory_space<vmem>> -> memref<1x128xi32, #tpu.memory_space<vmem>>
        %dma_wait3A_443 = tpu.memref_squeeze %dma_wait3A_442 : memref<1x128xi32, #tpu.memory_space<vmem>> -> memref<128xi32, #tpu.memory_space<vmem>>
        %dma_wait3A_444 = arith.constant 0 : i32
        %dma_wait3A_445 = arith.constant 0 : i32
        %dma_wait3A_446 = tpu.memref_slice %arg10[%dma_wait3A_444, %dma_wait3A_445] : memref<10240x32xf32, #tpu.memory_space<vmem_shared>> -> memref<10240x32xf32, #tpu.memory_space<vmem_shared>>
        tpu.wait_indirect_dma semaphore(%arg25 : memref<!tpu.dma_semaphore, #tpu.memory_space<semaphore_mem>>) src(%dma_wait3A_440 : memref<128x32xf32, #tpu.memory_space<vmem>>) dst(%dma_wait3A_446 : memref<10240x32xf32, #tpu.memory_space<vmem_shared>>)
      } else {
      }
      %add3A_210 = arith.constant 4 : i32
      %add3A_211 = arith.addi %add3A_186, %add3A_210 : i32
      %dma_start3A_212 = arith.constant 640 : i32
      %dma_start3A_213 = arith.constant 0 : i32
      %dma_start3A_214 = tpu.memref_slice %arg9[%dma_start3A_212, %dma_start3A_213] : memref<1024x32xf32, #tpu.memory_space<vmem>> -> memref<128x32xf32, #tpu.memory_space<vmem>>
      %dma_start3A_215 = arith.constant 0 : i32
      %dma_start3A_216 = tpu.memref_slice %arg7[%add3A_211, %dma_start3A_215] : memref<88x128xi32, #tpu.memory_space<vmem>> -> memref<1x128xi32, #tpu.memory_space<vmem>>
      %dma_start3A_217 = tpu.memref_squeeze %dma_start3A_216 : memref<1x128xi32, #tpu.memory_space<vmem>> -> memref<128xi32, #tpu.memory_space<vmem>>
      %dma_start3A_218 = arith.constant 0 : i32
      %dma_start3A_219 = arith.constant 0 : i32
      %dma_start3A_220 = tpu.memref_slice %arg2[%dma_start3A_218, %dma_start3A_219] : memref<10240x32xf32, #tpu.memory_space<hbm>> -> memref<10240x32xf32, #tpu.memory_space<hbm>>
      tpu.enqueue_indirect_dma source(%dma_start3A_220 : memref<10240x32xf32, #tpu.memory_space<hbm>>) target(%dma_start3A_214 : memref<128x32xf32, #tpu.memory_space<vmem>>) offsets(%dma_start3A_217 : memref<128xi32, #tpu.memory_space<vmem>>) semaphore(%arg16 : memref<!tpu.dma_semaphore, #tpu.memory_space<semaphore_mem>>)
      %add3A_221 = arith.constant 2 : i32
      %add3A_222 = arith.addi %mul3A_151, %add3A_221 : i32
      %dma_wait3A_223 = arith.constant 256 : i32
      %dma_wait3A_224 = arith.constant 0 : i32
      %dma_wait3A_225 = tpu.memref_slice %arg9[%dma_wait3A_223, %dma_wait3A_224] : memref<1024x32xf32, #tpu.memory_space<vmem>> -> memref<128x32xf32, #tpu.memory_space<vmem>>
      %dma_wait3A_226 = arith.constant 0 : i32
      %dma_wait3A_227 = tpu.memref_slice %arg7[%add3A_222, %dma_wait3A_226] : memref<88x128xi32, #tpu.memory_space<vmem>> -> memref<1x128xi32, #tpu.memory_space<vmem>>
      %dma_wait3A_228 = tpu.memref_squeeze %dma_wait3A_227 : memref<1x128xi32, #tpu.memory_space<vmem>> -> memref<128xi32, #tpu.memory_space<vmem>>
      %dma_wait3A_229 = arith.constant 0 : i32
      %dma_wait3A_230 = arith.constant 0 : i32
      %dma_wait3A_231 = tpu.memref_slice %arg2[%dma_wait3A_229, %dma_wait3A_230] : memref<10240x32xf32, #tpu.memory_space<hbm>> -> memref<10240x32xf32, #tpu.memory_space<hbm>>
      tpu.wait_indirect_dma semaphore(%arg13 : memref<!tpu.dma_semaphore, #tpu.memory_space<semaphore_mem>>) src(%dma_wait3A_231 : memref<10240x32xf32, #tpu.memory_space<hbm>>) dst(%dma_wait3A_225 : memref<128x32xf32, #tpu.memory_space<vmem>>)
      %dma_start3A_232 = arith.constant 256 : i32
      %dma_start3A_233 = arith.constant 0 : i32
      %dma_start3A_234 = tpu.memref_slice %arg9[%dma_start3A_232, %dma_start3A_233] : memref<1024x32xf32, #tpu.memory_space<vmem>> -> memref<128x32xf32, #tpu.memory_space<vmem>>
      %dma_start3A_235 = arith.constant 0 : i32
      %dma_start3A_236 = tpu.memref_slice %arg8[%add3A_222, %dma_start3A_235] : memref<80x128xi32, #tpu.memory_space<vmem>> -> memref<1x128xi32, #tpu.memory_space<vmem>>
      %dma_start3A_237 = tpu.memref_squeeze %dma_start3A_236 : memref<1x128xi32, #tpu.memory_space<vmem>> -> memref<128xi32, #tpu.memory_space<vmem>>
      %dma_start3A_238 = arith.constant 0 : i32
      %dma_start3A_239 = arith.constant 0 : i32
      %dma_start3A_240 = tpu.memref_slice %arg10[%dma_start3A_238, %dma_start3A_239] : memref<10240x32xf32, #tpu.memory_space<vmem_shared>> -> memref<10240x32xf32, #tpu.memory_space<vmem_shared>>
      tpu.enqueue_indirect_dma source(%dma_start3A_234 : memref<128x32xf32, #tpu.memory_space<vmem>>) target(%dma_start3A_240 : memref<10240x32xf32, #tpu.memory_space<vmem_shared>>) offsets(%dma_start3A_237 : memref<128xi32, #tpu.memory_space<vmem>>) semaphore(%arg21 : memref<!tpu.dma_semaphore, #tpu.memory_space<semaphore_mem>>) {add = true}
      %ge3A_241 = arith.constant 3 : i32
      %ge3A_242 = arith.cmpi sge, %add3A_222, %ge3A_241 : i32
      %convert_element_type3A_243 = arith.extui %ge3A_242 : i1 to i32
      %cond3A_244 = arith.constant 0 : i32
      %cond3A_245 = arith.cmpi ne, %convert_element_type3A_243, %cond3A_244 : i32
      scf.if %cond3A_245 {
        %sub3A = arith.constant 3 : i32
        %sub3A_437 = arith.subi %add3A_222, %sub3A : i32
        %dma_wait3A_438 = arith.constant 896 : i32
        %dma_wait3A_439 = arith.constant 0 : i32
        %dma_wait3A_440 = tpu.memref_slice %arg9[%dma_wait3A_438, %dma_wait3A_439] : memref<1024x32xf32, #tpu.memory_space<vmem>> -> memref<128x32xf32, #tpu.memory_space<vmem>>
        %dma_wait3A_441 = arith.constant 0 : i32
        %dma_wait3A_442 = tpu.memref_slice %arg8[%sub3A_437, %dma_wait3A_441] : memref<80x128xi32, #tpu.memory_space<vmem>> -> memref<1x128xi32, #tpu.memory_space<vmem>>
        %dma_wait3A_443 = tpu.memref_squeeze %dma_wait3A_442 : memref<1x128xi32, #tpu.memory_space<vmem>> -> memref<128xi32, #tpu.memory_space<vmem>>
        %dma_wait3A_444 = arith.constant 0 : i32
        %dma_wait3A_445 = arith.constant 0 : i32
        %dma_wait3A_446 = tpu.memref_slice %arg10[%dma_wait3A_444, %dma_wait3A_445] : memref<10240x32xf32, #tpu.memory_space<vmem_shared>> -> memref<10240x32xf32, #tpu.memory_space<vmem_shared>>
        tpu.wait_indirect_dma semaphore(%arg26 : memref<!tpu.dma_semaphore, #tpu.memory_space<semaphore_mem>>) src(%dma_wait3A_440 : memref<128x32xf32, #tpu.memory_space<vmem>>) dst(%dma_wait3A_446 : memref<10240x32xf32, #tpu.memory_space<vmem_shared>>)
      } else {
      }
      %add3A_246 = arith.constant 4 : i32
      %add3A_247 = arith.addi %add3A_222, %add3A_246 : i32
      %dma_start3A_248 = arith.constant 768 : i32
      %dma_start3A_249 = arith.constant 0 : i32
      %dma_start3A_250 = tpu.memref_slice %arg9[%dma_start3A_248, %dma_start3A_249] : memref<1024x32xf32, #tpu.memory_space<vmem>> -> memref<128x32xf32, #tpu.memory_space<vmem>>
      %dma_start3A_251 = arith.constant 0 : i32
      %dma_start3A_252 = tpu.memref_slice %arg7[%add3A_247, %dma_start3A_251] : memref<88x128xi32, #tpu.memory_space<vmem>> -> memref<1x128xi32, #tpu.memory_space<vmem>>
      %dma_start3A_253 = tpu.memref_squeeze %dma_start3A_252 : memref<1x128xi32, #tpu.memory_space<vmem>> -> memref<128xi32, #tpu.memory_space<vmem>>
      %dma_start3A_254 = arith.constant 0 : i32
      %dma_start3A_255 = arith.constant 0 : i32
      %dma_start3A_256 = tpu.memref_slice %arg2[%dma_start3A_254, %dma_start3A_255] : memref<10240x32xf32, #tpu.memory_space<hbm>> -> memref<10240x32xf32, #tpu.memory_space<hbm>>
      tpu.enqueue_indirect_dma source(%dma_start3A_256 : memref<10240x32xf32, #tpu.memory_space<hbm>>) target(%dma_start3A_250 : memref<128x32xf32, #tpu.memory_space<vmem>>) offsets(%dma_start3A_253 : memref<128xi32, #tpu.memory_space<vmem>>) semaphore(%arg17 : memref<!tpu.dma_semaphore, #tpu.memory_space<semaphore_mem>>)
      %add3A_257 = arith.constant 3 : i32
      %add3A_258 = arith.addi %mul3A_151, %add3A_257 : i32
      %dma_wait3A_259 = arith.constant 384 : i32
      %dma_wait3A_260 = arith.constant 0 : i32
      %dma_wait3A_261 = tpu.memref_slice %arg9[%dma_wait3A_259, %dma_wait3A_260] : memref<1024x32xf32, #tpu.memory_space<vmem>> -> memref<128x32xf32, #tpu.memory_space<vmem>>
      %dma_wait3A_262 = arith.constant 0 : i32
      %dma_wait3A_263 = tpu.memref_slice %arg7[%add3A_258, %dma_wait3A_262] : memref<88x128xi32, #tpu.memory_space<vmem>> -> memref<1x128xi32, #tpu.memory_space<vmem>>
      %dma_wait3A_264 = tpu.memref_squeeze %dma_wait3A_263 : memref<1x128xi32, #tpu.memory_space<vmem>> -> memref<128xi32, #tpu.memory_space<vmem>>
      %dma_wait3A_265 = arith.constant 0 : i32
      %dma_wait3A_266 = arith.constant 0 : i32
      %dma_wait3A_267 = tpu.memref_slice %arg2[%dma_wait3A_265, %dma_wait3A_266] : memref<10240x32xf32, #tpu.memory_space<hbm>> -> memref<10240x32xf32, #tpu.memory_space<hbm>>
      tpu.wait_indirect_dma semaphore(%arg14 : memref<!tpu.dma_semaphore, #tpu.memory_space<semaphore_mem>>) src(%dma_wait3A_267 : memref<10240x32xf32, #tpu.memory_space<hbm>>) dst(%dma_wait3A_261 : memref<128x32xf32, #tpu.memory_space<vmem>>)
      %dma_start3A_268 = arith.constant 384 : i32
      %dma_start3A_269 = arith.constant 0 : i32
      %dma_start3A_270 = tpu.memref_slice %arg9[%dma_start3A_268, %dma_start3A_269] : memref<1024x32xf32, #tpu.memory_space<vmem>> -> memref<128x32xf32, #tpu.memory_space<vmem>>
      %dma_start3A_271 = arith.constant 0 : i32
      %dma_start3A_272 = tpu.memref_slice %arg8[%add3A_258, %dma_start3A_271] : memref<80x128xi32, #tpu.memory_space<vmem>> -> memref<1x128xi32, #tpu.memory_space<vmem>>
      %dma_start3A_273 = tpu.memref_squeeze %dma_start3A_272 : memref<1x128xi32, #tpu.memory_space<vmem>> -> memref<128xi32, #tpu.memory_space<vmem>>
      %dma_start3A_274 = arith.constant 0 : i32
      %dma_start3A_275 = arith.constant 0 : i32
      %dma_start3A_276 = tpu.memref_slice %arg10[%dma_start3A_274, %dma_start3A_275] : memref<10240x32xf32, #tpu.memory_space<vmem_shared>> -> memref<10240x32xf32, #tpu.memory_space<vmem_shared>>
      tpu.enqueue_indirect_dma source(%dma_start3A_270 : memref<128x32xf32, #tpu.memory_space<vmem>>) target(%dma_start3A_276 : memref<10240x32xf32, #tpu.memory_space<vmem_shared>>) offsets(%dma_start3A_273 : memref<128xi32, #tpu.memory_space<vmem>>) semaphore(%arg22 : memref<!tpu.dma_semaphore, #tpu.memory_space<semaphore_mem>>) {add = true}
      %ge3A_277 = arith.constant 3 : i32
      %ge3A_278 = arith.cmpi sge, %add3A_258, %ge3A_277 : i32
      %convert_element_type3A_279 = arith.extui %ge3A_278 : i1 to i32
      %cond3A_280 = arith.constant 0 : i32
      %cond3A_281 = arith.cmpi ne, %convert_element_type3A_279, %cond3A_280 : i32
      scf.if %cond3A_281 {
        %sub3A = arith.constant 3 : i32
        %sub3A_437 = arith.subi %add3A_258, %sub3A : i32
        %dma_wait3A_438 = arith.constant 0 : i32
        %dma_wait3A_439 = arith.constant 0 : i32
        %dma_wait3A_440 = tpu.memref_slice %arg9[%dma_wait3A_438, %dma_wait3A_439] : memref<1024x32xf32, #tpu.memory_space<vmem>> -> memref<128x32xf32, #tpu.memory_space<vmem>>
        %dma_wait3A_441 = arith.constant 0 : i32
        %dma_wait3A_442 = tpu.memref_slice %arg8[%sub3A_437, %dma_wait3A_441] : memref<80x128xi32, #tpu.memory_space<vmem>> -> memref<1x128xi32, #tpu.memory_space<vmem>>
        %dma_wait3A_443 = tpu.memref_squeeze %dma_wait3A_442 : memref<1x128xi32, #tpu.memory_space<vmem>> -> memref<128xi32, #tpu.memory_space<vmem>>
        %dma_wait3A_444 = arith.constant 0 : i32
        %dma_wait3A_445 = arith.constant 0 : i32
        %dma_wait3A_446 = tpu.memref_slice %arg10[%dma_wait3A_444, %dma_wait3A_445] : memref<10240x32xf32, #tpu.memory_space<vmem_shared>> -> memref<10240x32xf32, #tpu.memory_space<vmem_shared>>
        tpu.wait_indirect_dma semaphore(%arg19 : memref<!tpu.dma_semaphore, #tpu.memory_space<semaphore_mem>>) src(%dma_wait3A_440 : memref<128x32xf32, #tpu.memory_space<vmem>>) dst(%dma_wait3A_446 : memref<10240x32xf32, #tpu.memory_space<vmem_shared>>)
      } else {
      }
      %add3A_282 = arith.constant 4 : i32
      %add3A_283 = arith.addi %add3A_258, %add3A_282 : i32
      %dma_start3A_284 = arith.constant 896 : i32
      %dma_start3A_285 = arith.constant 0 : i32
      %dma_start3A_286 = tpu.memref_slice %arg9[%dma_start3A_284, %dma_start3A_285] : memref<1024x32xf32, #tpu.memory_space<vmem>> -> memref<128x32xf32, #tpu.memory_space<vmem>>
      %dma_start3A_287 = arith.constant 0 : i32
      %dma_start3A_288 = tpu.memref_slice %arg7[%add3A_283, %dma_start3A_287] : memref<88x128xi32, #tpu.memory_space<vmem>> -> memref<1x128xi32, #tpu.memory_space<vmem>>
      %dma_start3A_289 = tpu.memref_squeeze %dma_start3A_288 : memref<1x128xi32, #tpu.memory_space<vmem>> -> memref<128xi32, #tpu.memory_space<vmem>>
      %dma_start3A_290 = arith.constant 0 : i32
      %dma_start3A_291 = arith.constant 0 : i32
      %dma_start3A_292 = tpu.memref_slice %arg2[%dma_start3A_290, %dma_start3A_291] : memref<10240x32xf32, #tpu.memory_space<hbm>> -> memref<10240x32xf32, #tpu.memory_space<hbm>>
      tpu.enqueue_indirect_dma source(%dma_start3A_292 : memref<10240x32xf32, #tpu.memory_space<hbm>>) target(%dma_start3A_286 : memref<128x32xf32, #tpu.memory_space<vmem>>) offsets(%dma_start3A_289 : memref<128xi32, #tpu.memory_space<vmem>>) semaphore(%arg18 : memref<!tpu.dma_semaphore, #tpu.memory_space<semaphore_mem>>)
      %add3A_293 = arith.constant 4 : i32
      %add3A_294 = arith.addi %mul3A_151, %add3A_293 : i32
      %dma_wait3A_295 = arith.constant 512 : i32
      %dma_wait3A_296 = arith.constant 0 : i32
      %dma_wait3A_297 = tpu.memref_slice %arg9[%dma_wait3A_295, %dma_wait3A_296] : memref<1024x32xf32, #tpu.memory_space<vmem>> -> memref<128x32xf32, #tpu.memory_space<vmem>>
      %dma_wait3A_298 = arith.constant 0 : i32
      %dma_wait3A_299 = tpu.memref_slice %arg7[%add3A_294, %dma_wait3A_298] : memref<88x128xi32, #tpu.memory_space<vmem>> -> memref<1x128xi32, #tpu.memory_space<vmem>>
      %dma_wait3A_300 = tpu.memref_squeeze %dma_wait3A_299 : memref<1x128xi32, #tpu.memory_space<vmem>> -> memref<128xi32, #tpu.memory_space<vmem>>
      %dma_wait3A_301 = arith.constant 0 : i32
      %dma_wait3A_302 = arith.constant 0 : i32
      %dma_wait3A_303 = tpu.memref_slice %arg2[%dma_wait3A_301, %dma_wait3A_302] : memref<10240x32xf32, #tpu.memory_space<hbm>> -> memref<10240x32xf32, #tpu.memory_space<hbm>>
      tpu.wait_indirect_dma semaphore(%arg15 : memref<!tpu.dma_semaphore, #tpu.memory_space<semaphore_mem>>) src(%dma_wait3A_303 : memref<10240x32xf32, #tpu.memory_space<hbm>>) dst(%dma_wait3A_297 : memref<128x32xf32, #tpu.memory_space<vmem>>)
      %dma_start3A_304 = arith.constant 512 : i32
      %dma_start3A_305 = arith.constant 0 : i32
      %dma_start3A_306 = tpu.memref_slice %arg9[%dma_start3A_304, %dma_start3A_305] : memref<1024x32xf32, #tpu.memory_space<vmem>> -> memref<128x32xf32, #tpu.memory_space<vmem>>
      %dma_start3A_307 = arith.constant 0 : i32
      %dma_start3A_308 = tpu.memref_slice %arg8[%add3A_294, %dma_start3A_307] : memref<80x128xi32, #tpu.memory_space<vmem>> -> memref<1x128xi32, #tpu.memory_space<vmem>>
      %dma_start3A_309 = tpu.memref_squeeze %dma_start3A_308 : memref<1x128xi32, #tpu.memory_space<vmem>> -> memref<128xi32, #tpu.memory_space<vmem>>
      %dma_start3A_310 = arith.constant 0 : i32
      %dma_start3A_311 = arith.constant 0 : i32
      %dma_start3A_312 = tpu.memref_slice %arg10[%dma_start3A_310, %dma_start3A_311] : memref<10240x32xf32, #tpu.memory_space<vmem_shared>> -> memref<10240x32xf32, #tpu.memory_space<vmem_shared>>
      tpu.enqueue_indirect_dma source(%dma_start3A_306 : memref<128x32xf32, #tpu.memory_space<vmem>>) target(%dma_start3A_312 : memref<10240x32xf32, #tpu.memory_space<vmem_shared>>) offsets(%dma_start3A_309 : memref<128xi32, #tpu.memory_space<vmem>>) semaphore(%arg23 : memref<!tpu.dma_semaphore, #tpu.memory_space<semaphore_mem>>) {add = true}
      %ge3A_313 = arith.constant 3 : i32
      %ge3A_314 = arith.cmpi sge, %add3A_294, %ge3A_313 : i32
      %convert_element_type3A_315 = arith.extui %ge3A_314 : i1 to i32
      %cond3A_316 = arith.constant 0 : i32
      %cond3A_317 = arith.cmpi ne, %convert_element_type3A_315, %cond3A_316 : i32
      scf.if %cond3A_317 {
        %sub3A = arith.constant 3 : i32
        %sub3A_437 = arith.subi %add3A_294, %sub3A : i32
        %dma_wait3A_438 = arith.constant 128 : i32
        %dma_wait3A_439 = arith.constant 0 : i32
        %dma_wait3A_440 = tpu.memref_slice %arg9[%dma_wait3A_438, %dma_wait3A_439] : memref<1024x32xf32, #tpu.memory_space<vmem>> -> memref<128x32xf32, #tpu.memory_space<vmem>>
        %dma_wait3A_441 = arith.constant 0 : i32
        %dma_wait3A_442 = tpu.memref_slice %arg8[%sub3A_437, %dma_wait3A_441] : memref<80x128xi32, #tpu.memory_space<vmem>> -> memref<1x128xi32, #tpu.memory_space<vmem>>
        %dma_wait3A_443 = tpu.memref_squeeze %dma_wait3A_442 : memref<1x128xi32, #tpu.memory_space<vmem>> -> memref<128xi32, #tpu.memory_space<vmem>>
        %dma_wait3A_444 = arith.constant 0 : i32
        %dma_wait3A_445 = arith.constant 0 : i32
        %dma_wait3A_446 = tpu.memref_slice %arg10[%dma_wait3A_444, %dma_wait3A_445] : memref<10240x32xf32, #tpu.memory_space<vmem_shared>> -> memref<10240x32xf32, #tpu.memory_space<vmem_shared>>
        tpu.wait_indirect_dma semaphore(%arg20 : memref<!tpu.dma_semaphore, #tpu.memory_space<semaphore_mem>>) src(%dma_wait3A_440 : memref<128x32xf32, #tpu.memory_space<vmem>>) dst(%dma_wait3A_446 : memref<10240x32xf32, #tpu.memory_space<vmem_shared>>)
      } else {
      }
      %add3A_318 = arith.constant 4 : i32
      %add3A_319 = arith.addi %add3A_294, %add3A_318 : i32
      %dma_start3A_320 = arith.constant 0 : i32
      %dma_start3A_321 = arith.constant 0 : i32
      %dma_start3A_322 = tpu.memref_slice %arg9[%dma_start3A_320, %dma_start3A_321] : memref<1024x32xf32, #tpu.memory_space<vmem>> -> memref<128x32xf32, #tpu.memory_space<vmem>>
      %dma_start3A_323 = arith.constant 0 : i32
      %dma_start3A_324 = tpu.memref_slice %arg7[%add3A_319, %dma_start3A_323] : memref<88x128xi32, #tpu.memory_space<vmem>> -> memref<1x128xi32, #tpu.memory_space<vmem>>
      %dma_start3A_325 = tpu.memref_squeeze %dma_start3A_324 : memref<1x128xi32, #tpu.memory_space<vmem>> -> memref<128xi32, #tpu.memory_space<vmem>>
      %dma_start3A_326 = arith.constant 0 : i32
      %dma_start3A_327 = arith.constant 0 : i32
      %dma_start3A_328 = tpu.memref_slice %arg2[%dma_start3A_326, %dma_start3A_327] : memref<10240x32xf32, #tpu.memory_space<hbm>> -> memref<10240x32xf32, #tpu.memory_space<hbm>>
      tpu.enqueue_indirect_dma source(%dma_start3A_328 : memref<10240x32xf32, #tpu.memory_space<hbm>>) target(%dma_start3A_322 : memref<128x32xf32, #tpu.memory_space<vmem>>) offsets(%dma_start3A_325 : memref<128xi32, #tpu.memory_space<vmem>>) semaphore(%arg11 : memref<!tpu.dma_semaphore, #tpu.memory_space<semaphore_mem>>)
      %add3A_329 = arith.constant 5 : i32
      %add3A_330 = arith.addi %mul3A_151, %add3A_329 : i32
      %dma_wait3A_331 = arith.constant 640 : i32
      %dma_wait3A_332 = arith.constant 0 : i32
      %dma_wait3A_333 = tpu.memref_slice %arg9[%dma_wait3A_331, %dma_wait3A_332] : memref<1024x32xf32, #tpu.memory_space<vmem>> -> memref<128x32xf32, #tpu.memory_space<vmem>>
      %dma_wait3A_334 = arith.constant 0 : i32
      %dma_wait3A_335 = tpu.memref_slice %arg7[%add3A_330, %dma_wait3A_334] : memref<88x128xi32, #tpu.memory_space<vmem>> -> memref<1x128xi32, #tpu.memory_space<vmem>>
      %dma_wait3A_336 = tpu.memref_squeeze %dma_wait3A_335 : memref<1x128xi32, #tpu.memory_space<vmem>> -> memref<128xi32, #tpu.memory_space<vmem>>
      %dma_wait3A_337 = arith.constant 0 : i32
      %dma_wait3A_338 = arith.constant 0 : i32
      %dma_wait3A_339 = tpu.memref_slice %arg2[%dma_wait3A_337, %dma_wait3A_338] : memref<10240x32xf32, #tpu.memory_space<hbm>> -> memref<10240x32xf32, #tpu.memory_space<hbm>>
      tpu.wait_indirect_dma semaphore(%arg16 : memref<!tpu.dma_semaphore, #tpu.memory_space<semaphore_mem>>) src(%dma_wait3A_339 : memref<10240x32xf32, #tpu.memory_space<hbm>>) dst(%dma_wait3A_333 : memref<128x32xf32, #tpu.memory_space<vmem>>)
      %dma_start3A_340 = arith.constant 640 : i32
      %dma_start3A_341 = arith.constant 0 : i32
      %dma_start3A_342 = tpu.memref_slice %arg9[%dma_start3A_340, %dma_start3A_341] : memref<1024x32xf32, #tpu.memory_space<vmem>> -> memref<128x32xf32, #tpu.memory_space<vmem>>
      %dma_start3A_343 = arith.constant 0 : i32
      %dma_start3A_344 = tpu.memref_slice %arg8[%add3A_330, %dma_start3A_343] : memref<80x128xi32, #tpu.memory_space<vmem>> -> memref<1x128xi32, #tpu.memory_space<vmem>>
      %dma_start3A_345 = tpu.memref_squeeze %dma_start3A_344 : memref<1x128xi32, #tpu.memory_space<vmem>> -> memref<128xi32, #tpu.memory_space<vmem>>
      %dma_start3A_346 = arith.constant 0 : i32
      %dma_start3A_347 = arith.constant 0 : i32
      %dma_start3A_348 = tpu.memref_slice %arg10[%dma_start3A_346, %dma_start3A_347] : memref<10240x32xf32, #tpu.memory_space<vmem_shared>> -> memref<10240x32xf32, #tpu.memory_space<vmem_shared>>
      tpu.enqueue_indirect_dma source(%dma_start3A_342 : memref<128x32xf32, #tpu.memory_space<vmem>>) target(%dma_start3A_348 : memref<10240x32xf32, #tpu.memory_space<vmem_shared>>) offsets(%dma_start3A_345 : memref<128xi32, #tpu.memory_space<vmem>>) semaphore(%arg24 : memref<!tpu.dma_semaphore, #tpu.memory_space<semaphore_mem>>) {add = true}
      %ge3A_349 = arith.constant 3 : i32
      %ge3A_350 = arith.cmpi sge, %add3A_330, %ge3A_349 : i32
      %convert_element_type3A_351 = arith.extui %ge3A_350 : i1 to i32
      %cond3A_352 = arith.constant 0 : i32
      %cond3A_353 = arith.cmpi ne, %convert_element_type3A_351, %cond3A_352 : i32
      scf.if %cond3A_353 {
        %sub3A = arith.constant 3 : i32
        %sub3A_437 = arith.subi %add3A_330, %sub3A : i32
        %dma_wait3A_438 = arith.constant 256 : i32
        %dma_wait3A_439 = arith.constant 0 : i32
        %dma_wait3A_440 = tpu.memref_slice %arg9[%dma_wait3A_438, %dma_wait3A_439] : memref<1024x32xf32, #tpu.memory_space<vmem>> -> memref<128x32xf32, #tpu.memory_space<vmem>>
        %dma_wait3A_441 = arith.constant 0 : i32
        %dma_wait3A_442 = tpu.memref_slice %arg8[%sub3A_437, %dma_wait3A_441] : memref<80x128xi32, #tpu.memory_space<vmem>> -> memref<1x128xi32, #tpu.memory_space<vmem>>
        %dma_wait3A_443 = tpu.memref_squeeze %dma_wait3A_442 : memref<1x128xi32, #tpu.memory_space<vmem>> -> memref<128xi32, #tpu.memory_space<vmem>>
        %dma_wait3A_444 = arith.constant 0 : i32
        %dma_wait3A_445 = arith.constant 0 : i32
        %dma_wait3A_446 = tpu.memref_slice %arg10[%dma_wait3A_444, %dma_wait3A_445] : memref<10240x32xf32, #tpu.memory_space<vmem_shared>> -> memref<10240x32xf32, #tpu.memory_space<vmem_shared>>
        tpu.wait_indirect_dma semaphore(%arg21 : memref<!tpu.dma_semaphore, #tpu.memory_space<semaphore_mem>>) src(%dma_wait3A_440 : memref<128x32xf32, #tpu.memory_space<vmem>>) dst(%dma_wait3A_446 : memref<10240x32xf32, #tpu.memory_space<vmem_shared>>)
      } else {
      }
      %add3A_354 = arith.constant 4 : i32
      %add3A_355 = arith.addi %add3A_330, %add3A_354 : i32
      %dma_start3A_356 = arith.constant 128 : i32
      %dma_start3A_357 = arith.constant 0 : i32
      %dma_start3A_358 = tpu.memref_slice %arg9[%dma_start3A_356, %dma_start3A_357] : memref<1024x32xf32, #tpu.memory_space<vmem>> -> memref<128x32xf32, #tpu.memory_space<vmem>>
      %dma_start3A_359 = arith.constant 0 : i32
      %dma_start3A_360 = tpu.memref_slice %arg7[%add3A_355, %dma_start3A_359] : memref<88x128xi32, #tpu.memory_space<vmem>> -> memref<1x128xi32, #tpu.memory_space<vmem>>
      %dma_start3A_361 = tpu.memref_squeeze %dma_start3A_360 : memref<1x128xi32, #tpu.memory_space<vmem>> -> memref<128xi32, #tpu.memory_space<vmem>>
      %dma_start3A_362 = arith.constant 0 : i32
      %dma_start3A_363 = arith.constant 0 : i32
      %dma_start3A_364 = tpu.memref_slice %arg2[%dma_start3A_362, %dma_start3A_363] : memref<10240x32xf32, #tpu.memory_space<hbm>> -> memref<10240x32xf32, #tpu.memory_space<hbm>>
      tpu.enqueue_indirect_dma source(%dma_start3A_364 : memref<10240x32xf32, #tpu.memory_space<hbm>>) target(%dma_start3A_358 : memref<128x32xf32, #tpu.memory_space<vmem>>) offsets(%dma_start3A_361 : memref<128xi32, #tpu.memory_space<vmem>>) semaphore(%arg12 : memref<!tpu.dma_semaphore, #tpu.memory_space<semaphore_mem>>)
      %add3A_365 = arith.constant 6 : i32
      %add3A_366 = arith.addi %mul3A_151, %add3A_365 : i32
      %dma_wait3A_367 = arith.constant 768 : i32
      %dma_wait3A_368 = arith.constant 0 : i32
      %dma_wait3A_369 = tpu.memref_slice %arg9[%dma_wait3A_367, %dma_wait3A_368] : memref<1024x32xf32, #tpu.memory_space<vmem>> -> memref<128x32xf32, #tpu.memory_space<vmem>>
      %dma_wait3A_370 = arith.constant 0 : i32
      %dma_wait3A_371 = tpu.memref_slice %arg7[%add3A_366, %dma_wait3A_370] : memref<88x128xi32, #tpu.memory_space<vmem>> -> memref<1x128xi32, #tpu.memory_space<vmem>>
      %dma_wait3A_372 = tpu.memref_squeeze %dma_wait3A_371 : memref<1x128xi32, #tpu.memory_space<vmem>> -> memref<128xi32, #tpu.memory_space<vmem>>
      %dma_wait3A_373 = arith.constant 0 : i32
      %dma_wait3A_374 = arith.constant 0 : i32
      %dma_wait3A_375 = tpu.memref_slice %arg2[%dma_wait3A_373, %dma_wait3A_374] : memref<10240x32xf32, #tpu.memory_space<hbm>> -> memref<10240x32xf32, #tpu.memory_space<hbm>>
      tpu.wait_indirect_dma semaphore(%arg17 : memref<!tpu.dma_semaphore, #tpu.memory_space<semaphore_mem>>) src(%dma_wait3A_375 : memref<10240x32xf32, #tpu.memory_space<hbm>>) dst(%dma_wait3A_369 : memref<128x32xf32, #tpu.memory_space<vmem>>)
      %dma_start3A_376 = arith.constant 768 : i32
      %dma_start3A_377 = arith.constant 0 : i32
      %dma_start3A_378 = tpu.memref_slice %arg9[%dma_start3A_376, %dma_start3A_377] : memref<1024x32xf32, #tpu.memory_space<vmem>> -> memref<128x32xf32, #tpu.memory_space<vmem>>
      %dma_start3A_379 = arith.constant 0 : i32
      %dma_start3A_380 = tpu.memref_slice %arg8[%add3A_366, %dma_start3A_379] : memref<80x128xi32, #tpu.memory_space<vmem>> -> memref<1x128xi32, #tpu.memory_space<vmem>>
      %dma_start3A_381 = tpu.memref_squeeze %dma_start3A_380 : memref<1x128xi32, #tpu.memory_space<vmem>> -> memref<128xi32, #tpu.memory_space<vmem>>
      %dma_start3A_382 = arith.constant 0 : i32
      %dma_start3A_383 = arith.constant 0 : i32
      %dma_start3A_384 = tpu.memref_slice %arg10[%dma_start3A_382, %dma_start3A_383] : memref<10240x32xf32, #tpu.memory_space<vmem_shared>> -> memref<10240x32xf32, #tpu.memory_space<vmem_shared>>
      tpu.enqueue_indirect_dma source(%dma_start3A_378 : memref<128x32xf32, #tpu.memory_space<vmem>>) target(%dma_start3A_384 : memref<10240x32xf32, #tpu.memory_space<vmem_shared>>) offsets(%dma_start3A_381 : memref<128xi32, #tpu.memory_space<vmem>>) semaphore(%arg25 : memref<!tpu.dma_semaphore, #tpu.memory_space<semaphore_mem>>) {add = true}
      %ge3A_385 = arith.constant 3 : i32
      %ge3A_386 = arith.cmpi sge, %add3A_366, %ge3A_385 : i32
      %convert_element_type3A_387 = arith.extui %ge3A_386 : i1 to i32
      %cond3A_388 = arith.constant 0 : i32
      %cond3A_389 = arith.cmpi ne, %convert_element_type3A_387, %cond3A_388 : i32
      scf.if %cond3A_389 {
        %sub3A = arith.constant 3 : i32
        %sub3A_437 = arith.subi %add3A_366, %sub3A : i32
        %dma_wait3A_438 = arith.constant 384 : i32
        %dma_wait3A_439 = arith.constant 0 : i32
        %dma_wait3A_440 = tpu.memref_slice %arg9[%dma_wait3A_438, %dma_wait3A_439] : memref<1024x32xf32, #tpu.memory_space<vmem>> -> memref<128x32xf32, #tpu.memory_space<vmem>>
        %dma_wait3A_441 = arith.constant 0 : i32
        %dma_wait3A_442 = tpu.memref_slice %arg8[%sub3A_437, %dma_wait3A_441] : memref<80x128xi32, #tpu.memory_space<vmem>> -> memref<1x128xi32, #tpu.memory_space<vmem>>
        %dma_wait3A_443 = tpu.memref_squeeze %dma_wait3A_442 : memref<1x128xi32, #tpu.memory_space<vmem>> -> memref<128xi32, #tpu.memory_space<vmem>>
        %dma_wait3A_444 = arith.constant 0 : i32
        %dma_wait3A_445 = arith.constant 0 : i32
        %dma_wait3A_446 = tpu.memref_slice %arg10[%dma_wait3A_444, %dma_wait3A_445] : memref<10240x32xf32, #tpu.memory_space<vmem_shared>> -> memref<10240x32xf32, #tpu.memory_space<vmem_shared>>
        tpu.wait_indirect_dma semaphore(%arg22 : memref<!tpu.dma_semaphore, #tpu.memory_space<semaphore_mem>>) src(%dma_wait3A_440 : memref<128x32xf32, #tpu.memory_space<vmem>>) dst(%dma_wait3A_446 : memref<10240x32xf32, #tpu.memory_space<vmem_shared>>)
      } else {
      }
      %add3A_390 = arith.constant 4 : i32
      %add3A_391 = arith.addi %add3A_366, %add3A_390 : i32
      %dma_start3A_392 = arith.constant 256 : i32
      %dma_start3A_393 = arith.constant 0 : i32
      %dma_start3A_394 = tpu.memref_slice %arg9[%dma_start3A_392, %dma_start3A_393] : memref<1024x32xf32, #tpu.memory_space<vmem>> -> memref<128x32xf32, #tpu.memory_space<vmem>>
      %dma_start3A_395 = arith.constant 0 : i32
      %dma_start3A_396 = tpu.memref_slice %arg7[%add3A_391, %dma_start3A_395] : memref<88x128xi32, #tpu.memory_space<vmem>> -> memref<1x128xi32, #tpu.memory_space<vmem>>
      %dma_start3A_397 = tpu.memref_squeeze %dma_start3A_396 : memref<1x128xi32, #tpu.memory_space<vmem>> -> memref<128xi32, #tpu.memory_space<vmem>>
      %dma_start3A_398 = arith.constant 0 : i32
      %dma_start3A_399 = arith.constant 0 : i32
      %dma_start3A_400 = tpu.memref_slice %arg2[%dma_start3A_398, %dma_start3A_399] : memref<10240x32xf32, #tpu.memory_space<hbm>> -> memref<10240x32xf32, #tpu.memory_space<hbm>>
      tpu.enqueue_indirect_dma source(%dma_start3A_400 : memref<10240x32xf32, #tpu.memory_space<hbm>>) target(%dma_start3A_394 : memref<128x32xf32, #tpu.memory_space<vmem>>) offsets(%dma_start3A_397 : memref<128xi32, #tpu.memory_space<vmem>>) semaphore(%arg13 : memref<!tpu.dma_semaphore, #tpu.memory_space<semaphore_mem>>)
      %add3A_401 = arith.constant 7 : i32
      %add3A_402 = arith.addi %mul3A_151, %add3A_401 : i32
      %dma_wait3A_403 = arith.constant 896 : i32
      %dma_wait3A_404 = arith.constant 0 : i32
      %dma_wait3A_405 = tpu.memref_slice %arg9[%dma_wait3A_403, %dma_wait3A_404] : memref<1024x32xf32, #tpu.memory_space<vmem>> -> memref<128x32xf32, #tpu.memory_space<vmem>>
      %dma_wait3A_406 = arith.constant 0 : i32
      %dma_wait3A_407 = tpu.memref_slice %arg7[%add3A_402, %dma_wait3A_406] : memref<88x128xi32, #tpu.memory_space<vmem>> -> memref<1x128xi32, #tpu.memory_space<vmem>>
      %dma_wait3A_408 = tpu.memref_squeeze %dma_wait3A_407 : memref<1x128xi32, #tpu.memory_space<vmem>> -> memref<128xi32, #tpu.memory_space<vmem>>
      %dma_wait3A_409 = arith.constant 0 : i32
      %dma_wait3A_410 = arith.constant 0 : i32
      %dma_wait3A_411 = tpu.memref_slice %arg2[%dma_wait3A_409, %dma_wait3A_410] : memref<10240x32xf32, #tpu.memory_space<hbm>> -> memref<10240x32xf32, #tpu.memory_space<hbm>>
      tpu.wait_indirect_dma semaphore(%arg18 : memref<!tpu.dma_semaphore, #tpu.memory_space<semaphore_mem>>) src(%dma_wait3A_411 : memref<10240x32xf32, #tpu.memory_space<hbm>>) dst(%dma_wait3A_405 : memref<128x32xf32, #tpu.memory_space<vmem>>)
      %dma_start3A_412 = arith.constant 896 : i32
      %dma_start3A_413 = arith.constant 0 : i32
      %dma_start3A_414 = tpu.memref_slice %arg9[%dma_start3A_412, %dma_start3A_413] : memref<1024x32xf32, #tpu.memory_space<vmem>> -> memref<128x32xf32, #tpu.memory_space<vmem>>
      %dma_start3A_415 = arith.constant 0 : i32
      %dma_start3A_416 = tpu.memref_slice %arg8[%add3A_402, %dma_start3A_415] : memref<80x128xi32, #tpu.memory_space<vmem>> -> memref<1x128xi32, #tpu.memory_space<vmem>>
      %dma_start3A_417 = tpu.memref_squeeze %dma_start3A_416 : memref<1x128xi32, #tpu.memory_space<vmem>> -> memref<128xi32, #tpu.memory_space<vmem>>
      %dma_start3A_418 = arith.constant 0 : i32
      %dma_start3A_419 = arith.constant 0 : i32
      %dma_start3A_420 = tpu.memref_slice %arg10[%dma_start3A_418, %dma_start3A_419] : memref<10240x32xf32, #tpu.memory_space<vmem_shared>> -> memref<10240x32xf32, #tpu.memory_space<vmem_shared>>
      tpu.enqueue_indirect_dma source(%dma_start3A_414 : memref<128x32xf32, #tpu.memory_space<vmem>>) target(%dma_start3A_420 : memref<10240x32xf32, #tpu.memory_space<vmem_shared>>) offsets(%dma_start3A_417 : memref<128xi32, #tpu.memory_space<vmem>>) semaphore(%arg26 : memref<!tpu.dma_semaphore, #tpu.memory_space<semaphore_mem>>) {add = true}
      %ge3A_421 = arith.constant 3 : i32
      %ge3A_422 = arith.cmpi sge, %add3A_402, %ge3A_421 : i32
      %convert_element_type3A_423 = arith.extui %ge3A_422 : i1 to i32
      %cond3A_424 = arith.constant 0 : i32
      %cond3A_425 = arith.cmpi ne, %convert_element_type3A_423, %cond3A_424 : i32
      scf.if %cond3A_425 {
        %sub3A = arith.constant 3 : i32
        %sub3A_437 = arith.subi %add3A_402, %sub3A : i32
        %dma_wait3A_438 = arith.constant 512 : i32
        %dma_wait3A_439 = arith.constant 0 : i32
        %dma_wait3A_440 = tpu.memref_slice %arg9[%dma_wait3A_438, %dma_wait3A_439] : memref<1024x32xf32, #tpu.memory_space<vmem>> -> memref<128x32xf32, #tpu.memory_space<vmem>>
        %dma_wait3A_441 = arith.constant 0 : i32
        %dma_wait3A_442 = tpu.memref_slice %arg8[%sub3A_437, %dma_wait3A_441] : memref<80x128xi32, #tpu.memory_space<vmem>> -> memref<1x128xi32, #tpu.memory_space<vmem>>
        %dma_wait3A_443 = tpu.memref_squeeze %dma_wait3A_442 : memref<1x128xi32, #tpu.memory_space<vmem>> -> memref<128xi32, #tpu.memory_space<vmem>>
        %dma_wait3A_444 = arith.constant 0 : i32
        %dma_wait3A_445 = arith.constant 0 : i32
        %dma_wait3A_446 = tpu.memref_slice %arg10[%dma_wait3A_444, %dma_wait3A_445] : memref<10240x32xf32, #tpu.memory_space<vmem_shared>> -> memref<10240x32xf32, #tpu.memory_space<vmem_shared>>
        tpu.wait_indirect_dma semaphore(%arg23 : memref<!tpu.dma_semaphore, #tpu.memory_space<semaphore_mem>>) src(%dma_wait3A_440 : memref<128x32xf32, #tpu.memory_space<vmem>>) dst(%dma_wait3A_446 : memref<10240x32xf32, #tpu.memory_space<vmem_shared>>)
      } else {
      }
      %add3A_426 = arith.constant 4 : i32
      %add3A_427 = arith.addi %add3A_402, %add3A_426 : i32
      %dma_start3A_428 = arith.constant 384 : i32
      %dma_start3A_429 = arith.constant 0 : i32
      %dma_start3A_430 = tpu.memref_slice %arg9[%dma_start3A_428, %dma_start3A_429] : memref<1024x32xf32, #tpu.memory_space<vmem>> -> memref<128x32xf32, #tpu.memory_space<vmem>>
      %dma_start3A_431 = arith.constant 0 : i32
      %dma_start3A_432 = tpu.memref_slice %arg7[%add3A_427, %dma_start3A_431] : memref<88x128xi32, #tpu.memory_space<vmem>> -> memref<1x128xi32, #tpu.memory_space<vmem>>
      %dma_start3A_433 = tpu.memref_squeeze %dma_start3A_432 : memref<1x128xi32, #tpu.memory_space<vmem>> -> memref<128xi32, #tpu.memory_space<vmem>>
      %dma_start3A_434 = arith.constant 0 : i32
      %dma_start3A_435 = arith.constant 0 : i32
      %dma_start3A_436 = tpu.memref_slice %arg2[%dma_start3A_434, %dma_start3A_435] : memref<10240x32xf32, #tpu.memory_space<hbm>> -> memref<10240x32xf32, #tpu.memory_space<hbm>>
      tpu.enqueue_indirect_dma source(%dma_start3A_436 : memref<10240x32xf32, #tpu.memory_space<hbm>>) target(%dma_start3A_430 : memref<128x32xf32, #tpu.memory_space<vmem>>) offsets(%dma_start3A_433 : memref<128xi32, #tpu.memory_space<vmem>>) semaphore(%arg14 : memref<!tpu.dma_semaphore, #tpu.memory_space<semaphore_mem>>)
    }
    %scan3A_66 = arith.constant 10 : i32
    %dma_wait3A_67 = arith.constant 77 : i32
    %dma_wait3A_68 = arith.constant 640 : i32
    %dma_wait3A_69 = arith.constant 0 : i32
    %dma_wait3A_70 = tpu.memref_slice %arg9[%dma_wait3A_68, %dma_wait3A_69] : memref<1024x32xf32, #tpu.memory_space<vmem>> -> memref<128x32xf32, #tpu.memory_space<vmem>>
    %dma_wait3A_71 = arith.constant 0 : i32
    %dma_wait3A_72 = tpu.memref_slice %arg8[%dma_wait3A_67, %dma_wait3A_71] : memref<80x128xi32, #tpu.memory_space<vmem>> -> memref<1x128xi32, #tpu.memory_space<vmem>>
    %dma_wait3A_73 = tpu.memref_squeeze %dma_wait3A_72 : memref<1x128xi32, #tpu.memory_space<vmem>> -> memref<128xi32, #tpu.memory_space<vmem>>
    %dma_wait3A_74 = arith.constant 0 : i32
    %dma_wait3A_75 = arith.constant 0 : i32
    %dma_wait3A_76 = tpu.memref_slice %arg10[%dma_wait3A_74, %dma_wait3A_75] : memref<10240x32xf32, #tpu.memory_space<vmem_shared>> -> memref<10240x32xf32, #tpu.memory_space<vmem_shared>>
    tpu.wait_indirect_dma semaphore(%arg24 : memref<!tpu.dma_semaphore, #tpu.memory_space<semaphore_mem>>) src(%dma_wait3A_70 : memref<128x32xf32, #tpu.memory_space<vmem>>) dst(%dma_wait3A_76 : memref<10240x32xf32, #tpu.memory_space<vmem_shared>>)
    %dma_wait3A_77 = arith.constant 78 : i32
    %dma_wait3A_78 = arith.constant 768 : i32
    %dma_wait3A_79 = arith.constant 0 : i32
    %dma_wait3A_80 = tpu.memref_slice %arg9[%dma_wait3A_78, %dma_wait3A_79] : memref<1024x32xf32, #tpu.memory_space<vmem>> -> memref<128x32xf32, #tpu.memory_space<vmem>>
    %dma_wait3A_81 = arith.constant 0 : i32
    %dma_wait3A_82 = tpu.memref_slice %arg8[%dma_wait3A_77, %dma_wait3A_81] : memref<80x128xi32, #tpu.memory_space<vmem>> -> memref<1x128xi32, #tpu.memory_space<vmem>>
    %dma_wait3A_83 = tpu.memref_squeeze %dma_wait3A_82 : memref<1x128xi32, #tpu.memory_space<vmem>> -> memref<128xi32, #tpu.memory_space<vmem>>
    %dma_wait3A_84 = arith.constant 0 : i32
    %dma_wait3A_85 = arith.constant 0 : i32
    %dma_wait3A_86 = tpu.memref_slice %arg10[%dma_wait3A_84, %dma_wait3A_85] : memref<10240x32xf32, #tpu.memory_space<vmem_shared>> -> memref<10240x32xf32, #tpu.memory_space<vmem_shared>>
    tpu.wait_indirect_dma semaphore(%arg25 : memref<!tpu.dma_semaphore, #tpu.memory_space<semaphore_mem>>) src(%dma_wait3A_80 : memref<128x32xf32, #tpu.memory_space<vmem>>) dst(%dma_wait3A_86 : memref<10240x32xf32, #tpu.memory_space<vmem_shared>>)
    %dma_wait3A_87 = arith.constant 79 : i32
    %dma_wait3A_88 = arith.constant 896 : i32
    %dma_wait3A_89 = arith.constant 0 : i32
    %dma_wait3A_90 = tpu.memref_slice %arg9[%dma_wait3A_88, %dma_wait3A_89] : memref<1024x32xf32, #tpu.memory_space<vmem>> -> memref<128x32xf32, #tpu.memory_space<vmem>>
    %dma_wait3A_91 = arith.constant 0 : i32
    %dma_wait3A_92 = tpu.memref_slice %arg8[%dma_wait3A_87, %dma_wait3A_91] : memref<80x128xi32, #tpu.memory_space<vmem>> -> memref<1x128xi32, #tpu.memory_space<vmem>>
    %dma_wait3A_93 = tpu.memref_squeeze %dma_wait3A_92 : memref<1x128xi32, #tpu.memory_space<vmem>> -> memref<128xi32, #tpu.memory_space<vmem>>
    %dma_wait3A_94 = arith.constant 0 : i32
    %dma_wait3A_95 = arith.constant 0 : i32
    %dma_wait3A_96 = tpu.memref_slice %arg10[%dma_wait3A_94, %dma_wait3A_95] : memref<10240x32xf32, #tpu.memory_space<vmem_shared>> -> memref<10240x32xf32, #tpu.memory_space<vmem_shared>>
    tpu.wait_indirect_dma semaphore(%arg26 : memref<!tpu.dma_semaphore, #tpu.memory_space<semaphore_mem>>) src(%dma_wait3A_90 : memref<128x32xf32, #tpu.memory_space<vmem>>) dst(%dma_wait3A_96 : memref<10240x32xf32, #tpu.memory_space<vmem_shared>>)
    %dma_wait3A_97 = arith.constant 80 : i32
    %dma_wait3A_98 = arith.constant 0 : i32
    %dma_wait3A_99 = arith.constant 0 : i32
    %dma_wait3A_100 = tpu.memref_slice %arg9[%dma_wait3A_98, %dma_wait3A_99] : memref<1024x32xf32, #tpu.memory_space<vmem>> -> memref<128x32xf32, #tpu.memory_space<vmem>>
    %dma_wait3A_101 = arith.constant 0 : i32
    %dma_wait3A_102 = tpu.memref_slice %arg7[%dma_wait3A_97, %dma_wait3A_101] : memref<88x128xi32, #tpu.memory_space<vmem>> -> memref<1x128xi32, #tpu.memory_space<vmem>>
    %dma_wait3A_103 = tpu.memref_squeeze %dma_wait3A_102 : memref<1x128xi32, #tpu.memory_space<vmem>> -> memref<128xi32, #tpu.memory_space<vmem>>
    %dma_wait3A_104 = arith.constant 0 : i32
    %dma_wait3A_105 = arith.constant 0 : i32
    %dma_wait3A_106 = tpu.memref_slice %arg2[%dma_wait3A_104, %dma_wait3A_105] : memref<10240x32xf32, #tpu.memory_space<hbm>> -> memref<10240x32xf32, #tpu.memory_space<hbm>>
    tpu.wait_indirect_dma semaphore(%arg11 : memref<!tpu.dma_semaphore, #tpu.memory_space<semaphore_mem>>) src(%dma_wait3A_106 : memref<10240x32xf32, #tpu.memory_space<hbm>>) dst(%dma_wait3A_100 : memref<128x32xf32, #tpu.memory_space<vmem>>)
    %dma_wait3A_107 = arith.constant 81 : i32
    %dma_wait3A_108 = arith.constant 128 : i32
    %dma_wait3A_109 = arith.constant 0 : i32
    %dma_wait3A_110 = tpu.memref_slice %arg9[%dma_wait3A_108, %dma_wait3A_109] : memref<1024x32xf32, #tpu.memory_space<vmem>> -> memref<128x32xf32, #tpu.memory_space<vmem>>
    %dma_wait3A_111 = arith.constant 0 : i32
    %dma_wait3A_112 = tpu.memref_slice %arg7[%dma_wait3A_107, %dma_wait3A_111] : memref<88x128xi32, #tpu.memory_space<vmem>> -> memref<1x128xi32, #tpu.memory_space<vmem>>
    %dma_wait3A_113 = tpu.memref_squeeze %dma_wait3A_112 : memref<1x128xi32, #tpu.memory_space<vmem>> -> memref<128xi32, #tpu.memory_space<vmem>>
    %dma_wait3A_114 = arith.constant 0 : i32
    %dma_wait3A_115 = arith.constant 0 : i32
    %dma_wait3A_116 = tpu.memref_slice %arg2[%dma_wait3A_114, %dma_wait3A_115] : memref<10240x32xf32, #tpu.memory_space<hbm>> -> memref<10240x32xf32, #tpu.memory_space<hbm>>
    tpu.wait_indirect_dma semaphore(%arg12 : memref<!tpu.dma_semaphore, #tpu.memory_space<semaphore_mem>>) src(%dma_wait3A_116 : memref<10240x32xf32, #tpu.memory_space<hbm>>) dst(%dma_wait3A_110 : memref<128x32xf32, #tpu.memory_space<vmem>>)
    %dma_wait3A_117 = arith.constant 82 : i32
    %dma_wait3A_118 = arith.constant 256 : i32
    %dma_wait3A_119 = arith.constant 0 : i32
    %dma_wait3A_120 = tpu.memref_slice %arg9[%dma_wait3A_118, %dma_wait3A_119] : memref<1024x32xf32, #tpu.memory_space<vmem>> -> memref<128x32xf32, #tpu.memory_space<vmem>>
    %dma_wait3A_121 = arith.constant 0 : i32
    %dma_wait3A_122 = tpu.memref_slice %arg7[%dma_wait3A_117, %dma_wait3A_121] : memref<88x128xi32, #tpu.memory_space<vmem>> -> memref<1x128xi32, #tpu.memory_space<vmem>>
    %dma_wait3A_123 = tpu.memref_squeeze %dma_wait3A_122 : memref<1x128xi32, #tpu.memory_space<vmem>> -> memref<128xi32, #tpu.memory_space<vmem>>
    %dma_wait3A_124 = arith.constant 0 : i32
    %dma_wait3A_125 = arith.constant 0 : i32
    %dma_wait3A_126 = tpu.memref_slice %arg2[%dma_wait3A_124, %dma_wait3A_125] : memref<10240x32xf32, #tpu.memory_space<hbm>> -> memref<10240x32xf32, #tpu.memory_space<hbm>>
    tpu.wait_indirect_dma semaphore(%arg13 : memref<!tpu.dma_semaphore, #tpu.memory_space<semaphore_mem>>) src(%dma_wait3A_126 : memref<10240x32xf32, #tpu.memory_space<hbm>>) dst(%dma_wait3A_120 : memref<128x32xf32, #tpu.memory_space<vmem>>)
    %dma_wait3A_127 = arith.constant 83 : i32
    %dma_wait3A_128 = arith.constant 384 : i32
    %dma_wait3A_129 = arith.constant 0 : i32
    %dma_wait3A_130 = tpu.memref_slice %arg9[%dma_wait3A_128, %dma_wait3A_129] : memref<1024x32xf32, #tpu.memory_space<vmem>> -> memref<128x32xf32, #tpu.memory_space<vmem>>
    %dma_wait3A_131 = arith.constant 0 : i32
    %dma_wait3A_132 = tpu.memref_slice %arg7[%dma_wait3A_127, %dma_wait3A_131] : memref<88x128xi32, #tpu.memory_space<vmem>> -> memref<1x128xi32, #tpu.memory_space<vmem>>
    %dma_wait3A_133 = tpu.memref_squeeze %dma_wait3A_132 : memref<1x128xi32, #tpu.memory_space<vmem>> -> memref<128xi32, #tpu.memory_space<vmem>>
    %dma_wait3A_134 = arith.constant 0 : i32
    %dma_wait3A_135 = arith.constant 0 : i32
    %dma_wait3A_136 = tpu.memref_slice %arg2[%dma_wait3A_134, %dma_wait3A_135] : memref<10240x32xf32, #tpu.memory_space<hbm>> -> memref<10240x32xf32, #tpu.memory_space<hbm>>
    tpu.wait_indirect_dma semaphore(%arg14 : memref<!tpu.dma_semaphore, #tpu.memory_space<semaphore_mem>>) src(%dma_wait3A_136 : memref<10240x32xf32, #tpu.memory_space<hbm>>) dst(%dma_wait3A_130 : memref<128x32xf32, #tpu.memory_space<vmem>>)
    %barrier3A_137 = arith.constant 0 : index
    tpu.barrier barrier_id(%barrier3A_137)
    %mul3A_138 = arith.constant 640 : i32
    %mul3A_139 = arith.muli %arg1, %mul3A_138 : i32
    %mul3A_140 = arith.constant 10240 : i32
    %mul3A_141 = arith.muli %arg0, %mul3A_140 : i32
    %mul3A_142 = arith.constant 640 : i32
    %mul3A_143 = arith.muli %arg1, %mul3A_142 : i32
    %add3A_144 = arith.addi %mul3A_141, %mul3A_143 : i32
    "tpu.region"() ({
      %run_scoped3A = tpu.sem_alloc : memref<!tpu.dma_semaphore, #tpu.memory_space<semaphore_mem>>
      %dma_start3A_145 = arith.constant 0 : i32
      %dma_start3A_146 = tpu.memref_slice %arg6[%add3A_144, %dma_start3A_145] : memref<20480x32xf32, #tpu.memory_space<hbm>> -> memref<640x32xf32, #tpu.memory_space<hbm>>
      %dma_start3A_147 = arith.constant 0 : i32
      %dma_start3A_148 = tpu.memref_slice %arg10[%mul3A_139, %dma_start3A_147] : memref<10240x32xf32, #tpu.memory_space<vmem_shared>> -> memref<640x32xf32, #tpu.memory_space<vmem_shared>>
      tpu.enqueue_dma source(%dma_start3A_148 : memref<640x32xf32, #tpu.memory_space<vmem_shared>>) target(%dma_start3A_146 : memref<640x32xf32, #tpu.memory_space<hbm>>) target_semaphore(%run_scoped3A : memref<!tpu.dma_semaphore, #tpu.memory_space<semaphore_mem>>)
      %dma_wait3A_149 = arith.constant 0 : i32
      %dma_wait3A_150 = tpu.memref_slice %arg6[%add3A_144, %dma_wait3A_149] : memref<20480x32xf32, #tpu.memory_space<hbm>> -> memref<640x32xf32, #tpu.memory_space<hbm>>
      %dma_wait3A_151 = arith.constant 0 : i32
      %dma_wait3A_152 = tpu.memref_slice %arg10[%mul3A_139, %dma_wait3A_151] : memref<10240x32xf32, #tpu.memory_space<vmem_shared>> -> memref<640x32xf32, #tpu.memory_space<vmem_shared>>
      tpu.wait_dma2 semaphore(%run_scoped3A : memref<!tpu.dma_semaphore, #tpu.memory_space<semaphore_mem>>) src(%dma_wait3A_152 : memref<640x32xf32, #tpu.memory_space<vmem_shared>>) dst(%dma_wait3A_150 : memref<640x32xf32, #tpu.memory_space<hbm>>)
      tpu.yield
    }) : () -> ()
    return
  }
}

module attributes {stable_mosaic.version = 14 : i64} {
  func.func @kern(%arg0: i32, %arg1: memref<1000x128xf32, #tpu.memory_space<vmem>>, %arg2: memref<64x128xf32, #tpu.memory_space<vmem>>, %arg3: memref<1000x64xf32, #tpu.memory_space<vmem>>) attributes {dimension_semantics = [#tpu.dimension_semantics<parallel>], iteration_bounds = array<i64: 10>, scalar_prefetch = 0 : i64, scratch_operands = 0 : i64, tpu.core_type = #tpu.core_type<tc>, window_params = [{transform_indices = @transform_0, window_bounds = array<i64: 1000, 128>}, {pipeline_mode = #tpu.pipeline_mode<synchronous>, transform_indices = @transform_1, window_bounds = array<i64: 64, 128>}, {transform_indices = @transform_2, window_bounds = array<i64: 1000, 64>}]} {
    %get3A = arith.constant 0 : index
    %get3A_0 = arith.constant 0 : index
    %get3A_1 = vector.load %arg1[%get3A, %get3A_0] : memref<1000x128xf32, #tpu.memory_space<vmem>>, vector<1000x128xf32>
    %get3A_2 = arith.constant 0 : index
    %get3A_3 = arith.constant 0 : index
    %get3A_4 = vector.load %arg2[%get3A_2, %get3A_3] : memref<64x128xf32, #tpu.memory_space<vmem>>, vector<64x128xf32>
    %dot_general3A = arith.constant dense<0.000000e+00> : vector<1000x64xf32>
    %dot_general3A_5 = tpu.matmul %get3A_1, %get3A_4, %dot_general3A {dimension_numbers = #tpu.dot_dimension_numbers<[1], [1], [0], [0], [0, 0, 1, 0], [], []>, precision = #tpu.contract_precision<fp32>, transpose_lhs_hint = false} : vector<1000x128xf32>, vector<64x128xf32>, vector<1000x64xf32> -> vector<1000x64xf32>
    %swap3A = arith.constant 0 : index
    %swap3A_6 = arith.constant 0 : index
    %swap3A_7 = vector.load %arg3[%swap3A, %swap3A_6] : memref<1000x64xf32, #tpu.memory_space<vmem>>, vector<1000x64xf32>
    tpu.vector_store %arg3[%swap3A, %swap3A_6], %dot_general3A_5 {strides = array<i32>} : memref<1000x64xf32, #tpu.memory_space<vmem>>, vector<1000x64xf32>,
    return
  }
  func.func @transform_0(%arg0: i32) -> (i32, i32) {
    %c0_i32 = arith.constant 0 : i32
    %c0_i32_0 = arith.constant 0 : i32
    return %arg0, %c0_i32 : i32, i32
  }
  func.func @transform_1(%arg0: i32) -> (i32, i32) {
    %c0_i32 = arith.constant 0 : i32
    %c0_i32_0 = arith.constant 0 : i32
    %c0_i32_1 = arith.constant 0 : i32
    return %c0_i32, %c0_i32_0 : i32, i32
  }
  func.func @transform_2(%arg0: i32) -> (i32, i32) {
    %c0_i32 = arith.constant 0 : i32
    %c0_i32_0 = arith.constant 0 : i32
    return %arg0, %c0_i32 : i32, i32
  }
}

module attributes {stable_mosaic.version = 14 : i64} {
  func.func @kern(%arg0: i32, %arg1: memref<1280x64xf32, #tpu.memory_space<vmem>>, %arg2: memref<1280x64xf32, #tpu.memory_space<vmem>>, %arg3: memref<1280x16xf32, #tpu.memory_space<vmem>>, %arg4: memref<1280x16xf32, #tpu.memory_space<vmem>>, %arg5: memref<1280x64xf32, #tpu.memory_space<vmem>>, %arg6: memref<1x64xf32, #tpu.memory_space<vmem>>, %arg7: memref<1x64xf32, #tpu.memory_space<vmem>>, %arg8: memref<1x64xf32, #tpu.memory_space<vmem>>, %arg9: memref<32x64xf32, #tpu.memory_space<vmem>>, %arg10: memref<32x64xf32, #tpu.memory_space<vmem>>, %arg11: memref<1280x32xf32, #tpu.memory_space<vmem>>, %arg12: memref<1280x32xf32, #tpu.memory_space<vmem>>) attributes {dimension_semantics = [#tpu.dimension_semantics<parallel>], iteration_bounds = array<i64: 8>, scalar_prefetch = 0 : i64, scratch_operands = 0 : i64, tpu.core_type = #tpu.core_type<tc>, window_params = [{transform_indices = @transform_0, window_bounds = array<i64: 1280, 64>}, {transform_indices = @transform_1, window_bounds = array<i64: 1280, 64>}, {transform_indices = @transform_2, window_bounds = array<i64: 1280, 16>}, {transform_indices = @transform_3, window_bounds = array<i64: 1280, 16>}, {transform_indices = @transform_4, window_bounds = array<i64: 1280, 64>}, {pipeline_mode = #tpu.pipeline_mode<synchronous>, transform_indices = @transform_5, window_bounds = array<i64: 1, 64>}, {pipeline_mode = #tpu.pipeline_mode<synchronous>, transform_indices = @transform_6, window_bounds = array<i64: 1, 64>}, {pipeline_mode = #tpu.pipeline_mode<synchronous>, transform_indices = @transform_7, window_bounds = array<i64: 1, 64>}, {pipeline_mode = #tpu.pipeline_mode<synchronous>, transform_indices = @transform_8, window_bounds = array<i64: 32, 64>}, {pipeline_mode = #tpu.pipeline_mode<synchronous>, transform_indices = @transform_9, window_bounds = array<i64: 32, 64>}, {transform_indices = @transform_10, window_bounds = array<i64: 1280, 32>}, {transform_indices = @transform_11, window_bounds = array<i64: 1280, 32>}]} {
    %get3A = arith.constant 0 : index
    %get3A_0 = arith.constant 0 : index
    %get3A_1 = vector.load %arg1[%get3A, %get3A_0] : memref<1280x64xf32, #tpu.memory_space<vmem>>, vector<1280x64xf32>
    %get3A_2 = arith.constant 0 : index
    %get3A_3 = arith.constant 0 : index
    %get3A_4 = vector.load %arg2[%get3A_2, %get3A_3] : memref<1280x64xf32, #tpu.memory_space<vmem>>, vector<1280x64xf32>
    %add3A = arith.addf %get3A_1, %get3A_4 : vector<1280x64xf32>
    %get3A_5 = arith.constant 0 : index
    %get3A_6 = arith.constant 0 : index
    %get3A_7 = vector.load %arg3[%get3A_5, %get3A_6] : memref<1280x16xf32, #tpu.memory_space<vmem>>, vector<1280x16xf32>
    %slice3A = vector.extract_strided_slice %get3A_7 {offsets = [0, 0], sizes = [1280, 1], strides = [1, 1]} : vector<1280x16xf32> to vector<1280x1xf32>
    %get3A_8 = arith.constant 0 : index
    %get3A_9 = arith.constant 0 : index
    %get3A_10 = vector.load %arg4[%get3A_8, %get3A_9] : memref<1280x16xf32, #tpu.memory_space<vmem>>, vector<1280x16xf32>
    %slice3A_11 = vector.extract_strided_slice %get3A_10 {offsets = [0, 0], sizes = [1280, 1], strides = [1, 1]} : vector<1280x16xf32> to vector<1280x1xf32>
    %add3A_12 = arith.addf %slice3A, %slice3A_11 : vector<1280x1xf32>
    %max3A = arith.constant 1.000000e+00 : f32
    %max3A_13 = vector.broadcast %max3A : f32 to vector<1280x1xf32>
    %max3A_14 = arith.maximumf %add3A_12, %max3A_13 : vector<1280x1xf32>
    %div3A = arith.constant 1.000000e+00 : f32
    %div3A_15 = vector.broadcast %div3A : f32 to vector<1280x1xf32>
    %div3A_16 = arith.divf %div3A_15, %max3A_14 : vector<1280x1xf32>
    %mul3A = vector.broadcast %div3A_16 : vector<1280x1xf32> to vector<1280x64xf32>
    %mul3A_17 = arith.mulf %add3A, %mul3A : vector<1280x64xf32>
    %get3A_18 = arith.constant 0 : index
    %get3A_19 = arith.constant 0 : index
    %get3A_20 = vector.load %arg6[%get3A_18, %get3A_19] : memref<1x64xf32, #tpu.memory_space<vmem>>, vector<1x64xf32>
    %add3A_21 = vector.broadcast %get3A_20 : vector<1x64xf32> to vector<1280x64xf32>
    %add3A_22 = arith.addf %mul3A_17, %add3A_21 : vector<1280x64xf32>
    %get3A_23 = arith.constant 0 : index
    %get3A_24 = arith.constant 0 : index
    %get3A_25 = vector.load %arg5[%get3A_23, %get3A_24] : memref<1280x64xf32, #tpu.memory_space<vmem>>, vector<1280x64xf32>
    %add3A_26 = arith.addf %add3A_22, %get3A_25 : vector<1280x64xf32>
    %mul3A_27 = arith.mulf %add3A_26, %add3A_26 : vector<1280x64xf32>
    %reduce_sum3A = arith.constant dense<0.000000e+00> : vector<1280xf32>
    %reduce_sum3A_28 = vector.multi_reduction <add>, %mul3A_27, %reduce_sum3A [1] : vector<1280x64xf32> to vector<1280xf32>
    %broadcast_in_dim3A = vector.shape_cast %reduce_sum3A_28 : vector<1280xf32> to vector<1280x1xf32>
    %sqrt3A = math.sqrt %broadcast_in_dim3A : vector<1280x1xf32>
    %max3A_29 = arith.constant 9.99999996E-13 : f32
    %max3A_30 = vector.broadcast %max3A_29 : f32 to vector<1280x1xf32>
    %max3A_31 = arith.maximumf %sqrt3A, %max3A_30 : vector<1280x1xf32>
    %div3A_32 = vector.broadcast %max3A_31 : vector<1280x1xf32> to vector<1280x64xf32>
    %div3A_33 = arith.divf %add3A_26, %div3A_32 : vector<1280x64xf32>
    %reduce_sum3A_34 = arith.constant dense<0.000000e+00> : vector<1280xf32>
    %reduce_sum3A_35 = vector.multi_reduction <add>, %div3A_33, %reduce_sum3A_34 [1] : vector<1280x64xf32> to vector<1280xf32>
    %broadcast_in_dim3A_36 = vector.shape_cast %reduce_sum3A_35 : vector<1280xf32> to vector<1280x1xf32>
    %div3A_37 = arith.constant 6.400000e+01 : f32
    %div3A_38 = vector.broadcast %div3A_37 : f32 to vector<1280x1xf32>
    %div3A_39 = arith.divf %broadcast_in_dim3A_36, %div3A_38 : vector<1280x1xf32>
    %sub3A = vector.broadcast %div3A_39 : vector<1280x1xf32> to vector<1280x64xf32>
    %sub3A_40 = arith.subf %div3A_33, %sub3A : vector<1280x64xf32>
    %integer_pow3A = arith.mulf %sub3A_40, %sub3A_40 : vector<1280x64xf32>
    %reduce_sum3A_41 = arith.constant dense<0.000000e+00> : vector<1280xf32>
    %reduce_sum3A_42 = vector.multi_reduction <add>, %integer_pow3A, %reduce_sum3A_41 [1] : vector<1280x64xf32> to vector<1280xf32>
    %broadcast_in_dim3A_43 = vector.shape_cast %reduce_sum3A_42 : vector<1280xf32> to vector<1280x1xf32>
    %div3A_44 = arith.constant 6.400000e+01 : f32
    %div3A_45 = vector.broadcast %div3A_44 : f32 to vector<1280x1xf32>
    %div3A_46 = arith.divf %broadcast_in_dim3A_43, %div3A_45 : vector<1280x1xf32>
    %sub3A_47 = vector.broadcast %div3A_39 : vector<1280x1xf32> to vector<1280x64xf32>
    %sub3A_48 = arith.subf %div3A_33, %sub3A_47 : vector<1280x64xf32>
    %add3A_49 = arith.constant 9.99999974E-6 : f32
    %add3A_50 = vector.broadcast %add3A_49 : f32 to vector<1280x1xf32>
    %add3A_51 = arith.addf %div3A_46, %add3A_50 : vector<1280x1xf32>
    %sqrt3A_52 = math.sqrt %add3A_51 : vector<1280x1xf32>
    %div3A_53 = vector.broadcast %sqrt3A_52 : vector<1280x1xf32> to vector<1280x64xf32>
    %div3A_54 = arith.divf %sub3A_48, %div3A_53 : vector<1280x64xf32>
    %get3A_55 = arith.constant 0 : index
    %get3A_56 = arith.constant 0 : index
    %get3A_57 = vector.load %arg7[%get3A_55, %get3A_56] : memref<1x64xf32, #tpu.memory_space<vmem>>, vector<1x64xf32>
    %mul3A_58 = vector.broadcast %get3A_57 : vector<1x64xf32> to vector<1280x64xf32>
    %mul3A_59 = arith.mulf %div3A_54, %mul3A_58 : vector<1280x64xf32>
    %get3A_60 = arith.constant 0 : index
    %get3A_61 = arith.constant 0 : index
    %get3A_62 = vector.load %arg8[%get3A_60, %get3A_61] : memref<1x64xf32, #tpu.memory_space<vmem>>, vector<1x64xf32>
    %add3A_63 = vector.broadcast %get3A_62 : vector<1x64xf32> to vector<1280x64xf32>
    %add3A_64 = arith.addf %mul3A_59, %add3A_63 : vector<1280x64xf32>
    %max3A_65 = arith.constant 0.000000e+00 : f32
    %max3A_66 = vector.broadcast %max3A_65 : f32 to vector<1280x64xf32>
    %max3A_67 = arith.maximumf %add3A_64, %max3A_66 : vector<1280x64xf32>
    %get3A_68 = arith.constant 0 : index
    %get3A_69 = arith.constant 0 : index
    %get3A_70 = vector.load %arg9[%get3A_68, %get3A_69] : memref<32x64xf32, #tpu.memory_space<vmem>>, vector<32x64xf32>
    %dot_general3A = arith.constant dense<0.000000e+00> : vector<1280x32xf32>
    %dot_general3A_71 = tpu.matmul %max3A_67, %get3A_70, %dot_general3A {dimension_numbers = #tpu.dot_dimension_numbers<[1], [1], [0], [0], [0, 0, 1, 0], [], []>, precision = #tpu.contract_precision<fp32>, transpose_lhs_hint = false} : vector<1280x64xf32>, vector<32x64xf32>, vector<1280x32xf32> -> vector<1280x32xf32>
    %swap3A = arith.constant 0 : index
    %swap3A_72 = arith.constant 0 : index
    %swap3A_73 = vector.load %arg11[%swap3A, %swap3A_72] : memref<1280x32xf32, #tpu.memory_space<vmem>>, vector<1280x32xf32>
    tpu.vector_store %arg11[%swap3A, %swap3A_72], %dot_general3A_71 {strides = array<i32>} : memref<1280x32xf32, #tpu.memory_space<vmem>>, vector<1280x32xf32>,
    %get3A_74 = arith.constant 0 : index
    %get3A_75 = arith.constant 0 : index
    %get3A_76 = vector.load %arg10[%get3A_74, %get3A_75] : memref<32x64xf32, #tpu.memory_space<vmem>>, vector<32x64xf32>
    %dot_general3A_77 = arith.constant dense<0.000000e+00> : vector<1280x32xf32>
    %dot_general3A_78 = tpu.matmul %max3A_67, %get3A_76, %dot_general3A_77 {dimension_numbers = #tpu.dot_dimension_numbers<[1], [1], [0], [0], [0, 0, 1, 0], [], []>, precision = #tpu.contract_precision<fp32>, transpose_lhs_hint = false} : vector<1280x64xf32>, vector<32x64xf32>, vector<1280x32xf32> -> vector<1280x32xf32>
    %swap3A_79 = arith.constant 0 : index
    %swap3A_80 = arith.constant 0 : index
    %swap3A_81 = vector.load %arg12[%swap3A_79, %swap3A_80] : memref<1280x32xf32, #tpu.memory_space<vmem>>, vector<1280x32xf32>
    tpu.vector_store %arg12[%swap3A_79, %swap3A_80], %dot_general3A_78 {strides = array<i32>} : memref<1280x32xf32, #tpu.memory_space<vmem>>, vector<1280x32xf32>,
    return
  }
  func.func @transform_0(%arg0: i32) -> (i32, i32) {
    %c0_i32 = arith.constant 0 : i32
    %c0_i32_0 = arith.constant 0 : i32
    return %arg0, %c0_i32 : i32, i32
  }
  func.func @transform_1(%arg0: i32) -> (i32, i32) {
    %add3A = arith.constant 8 : i32
    %add3A_0 = arith.addi %arg0, %add3A : i32
    %c0_i32 = arith.constant 0 : i32
    %c0_i32_1 = arith.constant 0 : i32
    return %add3A_0, %c0_i32 : i32, i32
  }
  func.func @transform_2(%arg0: i32) -> (i32, i32) {
    %c0_i32 = arith.constant 0 : i32
    %c0_i32_0 = arith.constant 0 : i32
    return %arg0, %c0_i32 : i32, i32
  }
  func.func @transform_3(%arg0: i32) -> (i32, i32) {
    %add3A = arith.constant 8 : i32
    %add3A_0 = arith.addi %arg0, %add3A : i32
    %c0_i32 = arith.constant 0 : i32
    %c0_i32_1 = arith.constant 0 : i32
    return %add3A_0, %c0_i32 : i32, i32
  }
  func.func @transform_4(%arg0: i32) -> (i32, i32) {
    %c0_i32 = arith.constant 0 : i32
    %c0_i32_0 = arith.constant 0 : i32
    return %arg0, %c0_i32 : i32, i32
  }
  func.func @transform_5(%arg0: i32) -> (i32, i32) {
    %c0_i32 = arith.constant 0 : i32
    %c0_i32_0 = arith.constant 0 : i32
    %c0_i32_1 = arith.constant 0 : i32
    return %c0_i32, %c0_i32_0 : i32, i32
  }
  func.func @transform_6(%arg0: i32) -> (i32, i32) {
    %c0_i32 = arith.constant 0 : i32
    %c0_i32_0 = arith.constant 0 : i32
    %c0_i32_1 = arith.constant 0 : i32
    return %c0_i32, %c0_i32_0 : i32, i32
  }
  func.func @transform_7(%arg0: i32) -> (i32, i32) {
    %c0_i32 = arith.constant 0 : i32
    %c0_i32_0 = arith.constant 0 : i32
    %c0_i32_1 = arith.constant 0 : i32
    return %c0_i32, %c0_i32_0 : i32, i32
  }
  func.func @transform_8(%arg0: i32) -> (i32, i32) {
    %c0_i32 = arith.constant 0 : i32
    %c0_i32_0 = arith.constant 0 : i32
    %c0_i32_1 = arith.constant 0 : i32
    return %c0_i32, %c0_i32_0 : i32, i32
  }
  func.func @transform_9(%arg0: i32) -> (i32, i32) {
    %c0_i32 = arith.constant 0 : i32
    %c0_i32_0 = arith.constant 0 : i32
    %c0_i32_1 = arith.constant 0 : i32
    return %c0_i32, %c0_i32_0 : i32, i32
  }
  func.func @transform_10(%arg0: i32) -> (i32, i32) {
    %c0_i32 = arith.constant 0 : i32
    %c0_i32_0 = arith.constant 0 : i32
    return %arg0, %c0_i32 : i32, i32
  }
  func.func @transform_11(%arg0: i32) -> (i32, i32) {
    %c0_i32 = arith.constant 0 : i32
    %c0_i32_0 = arith.constant 0 : i32
    return %arg0, %c0_i32 : i32, i32
  }
}

module attributes {stable_mosaic.version = 14 : i64} {
  func.func @kern(%arg0: i32, %arg1: memref<1280x64xf32, #tpu.memory_space<vmem>>, %arg2: memref<1280x64xf32, #tpu.memory_space<vmem>>, %arg3: memref<1280x16xf32, #tpu.memory_space<vmem>>, %arg4: memref<1280x16xf32, #tpu.memory_space<vmem>>, %arg5: memref<1280x64xf32, #tpu.memory_space<vmem>>, %arg6: memref<1x64xf32, #tpu.memory_space<vmem>>, %arg7: memref<1x64xf32, #tpu.memory_space<vmem>>, %arg8: memref<1x64xf32, #tpu.memory_space<vmem>>, %arg9: memref<64x64xf32, #tpu.memory_space<vmem>>, %arg10: memref<64x64xf32, #tpu.memory_space<vmem>>, %arg11: memref<1280x64xf32, #tpu.memory_space<vmem>>, %arg12: memref<1280x64xf32, #tpu.memory_space<vmem>>) attributes {dimension_semantics = [#tpu.dimension_semantics<parallel>], iteration_bounds = array<i64: 8>, scalar_prefetch = 0 : i64, scratch_operands = 0 : i64, tpu.core_type = #tpu.core_type<tc>, window_params = [{transform_indices = @transform_0, window_bounds = array<i64: 1280, 64>}, {transform_indices = @transform_1, window_bounds = array<i64: 1280, 64>}, {transform_indices = @transform_2, window_bounds = array<i64: 1280, 16>}, {transform_indices = @transform_3, window_bounds = array<i64: 1280, 16>}, {transform_indices = @transform_4, window_bounds = array<i64: 1280, 64>}, {pipeline_mode = #tpu.pipeline_mode<synchronous>, transform_indices = @transform_5, window_bounds = array<i64: 1, 64>}, {pipeline_mode = #tpu.pipeline_mode<synchronous>, transform_indices = @transform_6, window_bounds = array<i64: 1, 64>}, {pipeline_mode = #tpu.pipeline_mode<synchronous>, transform_indices = @transform_7, window_bounds = array<i64: 1, 64>}, {pipeline_mode = #tpu.pipeline_mode<synchronous>, transform_indices = @transform_8, window_bounds = array<i64: 64, 64>}, {pipeline_mode = #tpu.pipeline_mode<synchronous>, transform_indices = @transform_9, window_bounds = array<i64: 64, 64>}, {transform_indices = @transform_10, window_bounds = array<i64: 1280, 64>}, {transform_indices = @transform_11, window_bounds = array<i64: 1280, 64>}]} {
    %get3A = arith.constant 0 : index
    %get3A_0 = arith.constant 0 : index
    %get3A_1 = vector.load %arg1[%get3A, %get3A_0] : memref<1280x64xf32, #tpu.memory_space<vmem>>, vector<1280x64xf32>
    %get3A_2 = arith.constant 0 : index
    %get3A_3 = arith.constant 0 : index
    %get3A_4 = vector.load %arg2[%get3A_2, %get3A_3] : memref<1280x64xf32, #tpu.memory_space<vmem>>, vector<1280x64xf32>
    %add3A = arith.addf %get3A_1, %get3A_4 : vector<1280x64xf32>
    %get3A_5 = arith.constant 0 : index
    %get3A_6 = arith.constant 0 : index
    %get3A_7 = vector.load %arg3[%get3A_5, %get3A_6] : memref<1280x16xf32, #tpu.memory_space<vmem>>, vector<1280x16xf32>
    %slice3A = vector.extract_strided_slice %get3A_7 {offsets = [0, 0], sizes = [1280, 1], strides = [1, 1]} : vector<1280x16xf32> to vector<1280x1xf32>
    %get3A_8 = arith.constant 0 : index
    %get3A_9 = arith.constant 0 : index
    %get3A_10 = vector.load %arg4[%get3A_8, %get3A_9] : memref<1280x16xf32, #tpu.memory_space<vmem>>, vector<1280x16xf32>
    %slice3A_11 = vector.extract_strided_slice %get3A_10 {offsets = [0, 0], sizes = [1280, 1], strides = [1, 1]} : vector<1280x16xf32> to vector<1280x1xf32>
    %add3A_12 = arith.addf %slice3A, %slice3A_11 : vector<1280x1xf32>
    %max3A = arith.constant 1.000000e+00 : f32
    %max3A_13 = vector.broadcast %max3A : f32 to vector<1280x1xf32>
    %max3A_14 = arith.maximumf %add3A_12, %max3A_13 : vector<1280x1xf32>
    %div3A = arith.constant 1.000000e+00 : f32
    %div3A_15 = vector.broadcast %div3A : f32 to vector<1280x1xf32>
    %div3A_16 = arith.divf %div3A_15, %max3A_14 : vector<1280x1xf32>
    %mul3A = vector.broadcast %div3A_16 : vector<1280x1xf32> to vector<1280x64xf32>
    %mul3A_17 = arith.mulf %add3A, %mul3A : vector<1280x64xf32>
    %get3A_18 = arith.constant 0 : index
    %get3A_19 = arith.constant 0 : index
    %get3A_20 = vector.load %arg6[%get3A_18, %get3A_19] : memref<1x64xf32, #tpu.memory_space<vmem>>, vector<1x64xf32>
    %add3A_21 = vector.broadcast %get3A_20 : vector<1x64xf32> to vector<1280x64xf32>
    %add3A_22 = arith.addf %mul3A_17, %add3A_21 : vector<1280x64xf32>
    %get3A_23 = arith.constant 0 : index
    %get3A_24 = arith.constant 0 : index
    %get3A_25 = vector.load %arg5[%get3A_23, %get3A_24] : memref<1280x64xf32, #tpu.memory_space<vmem>>, vector<1280x64xf32>
    %add3A_26 = arith.addf %add3A_22, %get3A_25 : vector<1280x64xf32>
    %mul3A_27 = arith.mulf %add3A_26, %add3A_26 : vector<1280x64xf32>
    %reduce_sum3A = arith.constant dense<0.000000e+00> : vector<1280xf32>
    %reduce_sum3A_28 = vector.multi_reduction <add>, %mul3A_27, %reduce_sum3A [1] : vector<1280x64xf32> to vector<1280xf32>
    %broadcast_in_dim3A = vector.shape_cast %reduce_sum3A_28 : vector<1280xf32> to vector<1280x1xf32>
    %sqrt3A = math.sqrt %broadcast_in_dim3A : vector<1280x1xf32>
    %max3A_29 = arith.constant 9.99999996E-13 : f32
    %max3A_30 = vector.broadcast %max3A_29 : f32 to vector<1280x1xf32>
    %max3A_31 = arith.maximumf %sqrt3A, %max3A_30 : vector<1280x1xf32>
    %div3A_32 = vector.broadcast %max3A_31 : vector<1280x1xf32> to vector<1280x64xf32>
    %div3A_33 = arith.divf %add3A_26, %div3A_32 : vector<1280x64xf32>
    %reduce_sum3A_34 = arith.constant dense<0.000000e+00> : vector<1280xf32>
    %reduce_sum3A_35 = vector.multi_reduction <add>, %div3A_33, %reduce_sum3A_34 [1] : vector<1280x64xf32> to vector<1280xf32>
    %broadcast_in_dim3A_36 = vector.shape_cast %reduce_sum3A_35 : vector<1280xf32> to vector<1280x1xf32>
    %div3A_37 = arith.constant 6.400000e+01 : f32
    %div3A_38 = vector.broadcast %div3A_37 : f32 to vector<1280x1xf32>
    %div3A_39 = arith.divf %broadcast_in_dim3A_36, %div3A_38 : vector<1280x1xf32>
    %sub3A = vector.broadcast %div3A_39 : vector<1280x1xf32> to vector<1280x64xf32>
    %sub3A_40 = arith.subf %div3A_33, %sub3A : vector<1280x64xf32>
    %integer_pow3A = arith.mulf %sub3A_40, %sub3A_40 : vector<1280x64xf32>
    %reduce_sum3A_41 = arith.constant dense<0.000000e+00> : vector<1280xf32>
    %reduce_sum3A_42 = vector.multi_reduction <add>, %integer_pow3A, %reduce_sum3A_41 [1] : vector<1280x64xf32> to vector<1280xf32>
    %broadcast_in_dim3A_43 = vector.shape_cast %reduce_sum3A_42 : vector<1280xf32> to vector<1280x1xf32>
    %div3A_44 = arith.constant 6.400000e+01 : f32
    %div3A_45 = vector.broadcast %div3A_44 : f32 to vector<1280x1xf32>
    %div3A_46 = arith.divf %broadcast_in_dim3A_43, %div3A_45 : vector<1280x1xf32>
    %sub3A_47 = vector.broadcast %div3A_39 : vector<1280x1xf32> to vector<1280x64xf32>
    %sub3A_48 = arith.subf %div3A_33, %sub3A_47 : vector<1280x64xf32>
    %add3A_49 = arith.constant 9.99999974E-6 : f32
    %add3A_50 = vector.broadcast %add3A_49 : f32 to vector<1280x1xf32>
    %add3A_51 = arith.addf %div3A_46, %add3A_50 : vector<1280x1xf32>
    %sqrt3A_52 = math.sqrt %add3A_51 : vector<1280x1xf32>
    %div3A_53 = vector.broadcast %sqrt3A_52 : vector<1280x1xf32> to vector<1280x64xf32>
    %div3A_54 = arith.divf %sub3A_48, %div3A_53 : vector<1280x64xf32>
    %get3A_55 = arith.constant 0 : index
    %get3A_56 = arith.constant 0 : index
    %get3A_57 = vector.load %arg7[%get3A_55, %get3A_56] : memref<1x64xf32, #tpu.memory_space<vmem>>, vector<1x64xf32>
    %mul3A_58 = vector.broadcast %get3A_57 : vector<1x64xf32> to vector<1280x64xf32>
    %mul3A_59 = arith.mulf %div3A_54, %mul3A_58 : vector<1280x64xf32>
    %get3A_60 = arith.constant 0 : index
    %get3A_61 = arith.constant 0 : index
    %get3A_62 = vector.load %arg8[%get3A_60, %get3A_61] : memref<1x64xf32, #tpu.memory_space<vmem>>, vector<1x64xf32>
    %add3A_63 = vector.broadcast %get3A_62 : vector<1x64xf32> to vector<1280x64xf32>
    %add3A_64 = arith.addf %mul3A_59, %add3A_63 : vector<1280x64xf32>
    %max3A_65 = arith.constant 0.000000e+00 : f32
    %max3A_66 = vector.broadcast %max3A_65 : f32 to vector<1280x64xf32>
    %max3A_67 = arith.maximumf %add3A_64, %max3A_66 : vector<1280x64xf32>
    %get3A_68 = arith.constant 0 : index
    %get3A_69 = arith.constant 0 : index
    %get3A_70 = vector.load %arg9[%get3A_68, %get3A_69] : memref<64x64xf32, #tpu.memory_space<vmem>>, vector<64x64xf32>
    %dot_general3A = arith.constant dense<0.000000e+00> : vector<1280x64xf32>
    %dot_general3A_71 = tpu.matmul %max3A_67, %get3A_70, %dot_general3A {dimension_numbers = #tpu.dot_dimension_numbers<[1], [1], [0], [0], [0, 0, 1, 0], [], []>, precision = #tpu.contract_precision<fp32>, transpose_lhs_hint = false} : vector<1280x64xf32>, vector<64x64xf32>, vector<1280x64xf32> -> vector<1280x64xf32>
    %swap3A = arith.constant 0 : index
    %swap3A_72 = arith.constant 0 : index
    %swap3A_73 = vector.load %arg11[%swap3A, %swap3A_72] : memref<1280x64xf32, #tpu.memory_space<vmem>>, vector<1280x64xf32>
    tpu.vector_store %arg11[%swap3A, %swap3A_72], %dot_general3A_71 {strides = array<i32>} : memref<1280x64xf32, #tpu.memory_space<vmem>>, vector<1280x64xf32>,
    %get3A_74 = arith.constant 0 : index
    %get3A_75 = arith.constant 0 : index
    %get3A_76 = vector.load %arg10[%get3A_74, %get3A_75] : memref<64x64xf32, #tpu.memory_space<vmem>>, vector<64x64xf32>
    %dot_general3A_77 = arith.constant dense<0.000000e+00> : vector<1280x64xf32>
    %dot_general3A_78 = tpu.matmul %max3A_67, %get3A_76, %dot_general3A_77 {dimension_numbers = #tpu.dot_dimension_numbers<[1], [1], [0], [0], [0, 0, 1, 0], [], []>, precision = #tpu.contract_precision<fp32>, transpose_lhs_hint = false} : vector<1280x64xf32>, vector<64x64xf32>, vector<1280x64xf32> -> vector<1280x64xf32>
    %swap3A_79 = arith.constant 0 : index
    %swap3A_80 = arith.constant 0 : index
    %swap3A_81 = vector.load %arg12[%swap3A_79, %swap3A_80] : memref<1280x64xf32, #tpu.memory_space<vmem>>, vector<1280x64xf32>
    tpu.vector_store %arg12[%swap3A_79, %swap3A_80], %dot_general3A_78 {strides = array<i32>} : memref<1280x64xf32, #tpu.memory_space<vmem>>, vector<1280x64xf32>,
    return
  }
  func.func @transform_0(%arg0: i32) -> (i32, i32) {
    %c0_i32 = arith.constant 0 : i32
    %c0_i32_0 = arith.constant 0 : i32
    return %arg0, %c0_i32 : i32, i32
  }
  func.func @transform_1(%arg0: i32) -> (i32, i32) {
    %add3A = arith.constant 8 : i32
    %add3A_0 = arith.addi %arg0, %add3A : i32
    %c0_i32 = arith.constant 0 : i32
    %c0_i32_1 = arith.constant 0 : i32
    return %add3A_0, %c0_i32 : i32, i32
  }
  func.func @transform_2(%arg0: i32) -> (i32, i32) {
    %c0_i32 = arith.constant 0 : i32
    %c0_i32_0 = arith.constant 0 : i32
    return %arg0, %c0_i32 : i32, i32
  }
  func.func @transform_3(%arg0: i32) -> (i32, i32) {
    %add3A = arith.constant 8 : i32
    %add3A_0 = arith.addi %arg0, %add3A : i32
    %c0_i32 = arith.constant 0 : i32
    %c0_i32_1 = arith.constant 0 : i32
    return %add3A_0, %c0_i32 : i32, i32
  }
  func.func @transform_4(%arg0: i32) -> (i32, i32) {
    %c0_i32 = arith.constant 0 : i32
    %c0_i32_0 = arith.constant 0 : i32
    return %arg0, %c0_i32 : i32, i32
  }
  func.func @transform_5(%arg0: i32) -> (i32, i32) {
    %c0_i32 = arith.constant 0 : i32
    %c0_i32_0 = arith.constant 0 : i32
    %c0_i32_1 = arith.constant 0 : i32
    return %c0_i32, %c0_i32_0 : i32, i32
  }
  func.func @transform_6(%arg0: i32) -> (i32, i32) {
    %c0_i32 = arith.constant 0 : i32
    %c0_i32_0 = arith.constant 0 : i32
    %c0_i32_1 = arith.constant 0 : i32
    return %c0_i32, %c0_i32_0 : i32, i32
  }
  func.func @transform_7(%arg0: i32) -> (i32, i32) {
    %c0_i32 = arith.constant 0 : i32
    %c0_i32_0 = arith.constant 0 : i32
    %c0_i32_1 = arith.constant 0 : i32
    return %c0_i32, %c0_i32_0 : i32, i32
  }
  func.func @transform_8(%arg0: i32) -> (i32, i32) {
    %c0_i32 = arith.constant 0 : i32
    %c0_i32_0 = arith.constant 0 : i32
    %c0_i32_1 = arith.constant 0 : i32
    return %c0_i32, %c0_i32_0 : i32, i32
  }
  func.func @transform_9(%arg0: i32) -> (i32, i32) {
    %c0_i32 = arith.constant 0 : i32
    %c0_i32_0 = arith.constant 0 : i32
    %c0_i32_1 = arith.constant 0 : i32
    return %c0_i32, %c0_i32_0 : i32, i32
  }
  func.func @transform_10(%arg0: i32) -> (i32, i32) {
    %c0_i32 = arith.constant 0 : i32
    %c0_i32_0 = arith.constant 0 : i32
    return %arg0, %c0_i32 : i32, i32
  }
  func.func @transform_11(%arg0: i32) -> (i32, i32) {
    %c0_i32 = arith.constant 0 : i32
    %c0_i32_0 = arith.constant 0 : i32
    return %arg0, %c0_i32 : i32, i32
  }
}

module attributes {stable_mosaic.version = 14 : i64} {
  func.func @kern(%arg0: i32, %arg1: memref<1280x32xf32, #tpu.memory_space<vmem>>, %arg2: memref<1280x32xf32, #tpu.memory_space<vmem>>, %arg3: memref<1280x16xf32, #tpu.memory_space<vmem>>, %arg4: memref<1280x16xf32, #tpu.memory_space<vmem>>, %arg5: memref<1280x32xf32, #tpu.memory_space<vmem>>, %arg6: memref<1x32xf32, #tpu.memory_space<vmem>>, %arg7: memref<1280x32xf32, #tpu.memory_space<vmem>>) attributes {dimension_semantics = [#tpu.dimension_semantics<parallel>], iteration_bounds = array<i64: 8>, scalar_prefetch = 0 : i64, scratch_operands = 0 : i64, tpu.core_type = #tpu.core_type<tc>, window_params = [{transform_indices = @transform_0, window_bounds = array<i64: 1280, 32>}, {transform_indices = @transform_1, window_bounds = array<i64: 1280, 32>}, {transform_indices = @transform_2, window_bounds = array<i64: 1280, 16>}, {transform_indices = @transform_3, window_bounds = array<i64: 1280, 16>}, {transform_indices = @transform_4, window_bounds = array<i64: 1280, 32>}, {pipeline_mode = #tpu.pipeline_mode<synchronous>, transform_indices = @transform_5, window_bounds = array<i64: 1, 32>}, {transform_indices = @transform_6, window_bounds = array<i64: 1280, 32>}]} {
    %get3A = arith.constant 0 : index
    %get3A_0 = arith.constant 0 : index
    %get3A_1 = vector.load %arg1[%get3A, %get3A_0] : memref<1280x32xf32, #tpu.memory_space<vmem>>, vector<1280x32xf32>
    %get3A_2 = arith.constant 0 : index
    %get3A_3 = arith.constant 0 : index
    %get3A_4 = vector.load %arg2[%get3A_2, %get3A_3] : memref<1280x32xf32, #tpu.memory_space<vmem>>, vector<1280x32xf32>
    %add3A = arith.addf %get3A_1, %get3A_4 : vector<1280x32xf32>
    %get3A_5 = arith.constant 0 : index
    %get3A_6 = arith.constant 0 : index
    %get3A_7 = vector.load %arg3[%get3A_5, %get3A_6] : memref<1280x16xf32, #tpu.memory_space<vmem>>, vector<1280x16xf32>
    %slice3A = vector.extract_strided_slice %get3A_7 {offsets = [0, 0], sizes = [1280, 1], strides = [1, 1]} : vector<1280x16xf32> to vector<1280x1xf32>
    %get3A_8 = arith.constant 0 : index
    %get3A_9 = arith.constant 0 : index
    %get3A_10 = vector.load %arg4[%get3A_8, %get3A_9] : memref<1280x16xf32, #tpu.memory_space<vmem>>, vector<1280x16xf32>
    %slice3A_11 = vector.extract_strided_slice %get3A_10 {offsets = [0, 0], sizes = [1280, 1], strides = [1, 1]} : vector<1280x16xf32> to vector<1280x1xf32>
    %add3A_12 = arith.addf %slice3A, %slice3A_11 : vector<1280x1xf32>
    %max3A = arith.constant 1.000000e+00 : f32
    %max3A_13 = vector.broadcast %max3A : f32 to vector<1280x1xf32>
    %max3A_14 = arith.maximumf %add3A_12, %max3A_13 : vector<1280x1xf32>
    %div3A = arith.constant 1.000000e+00 : f32
    %div3A_15 = vector.broadcast %div3A : f32 to vector<1280x1xf32>
    %div3A_16 = arith.divf %div3A_15, %max3A_14 : vector<1280x1xf32>
    %mul3A = vector.broadcast %div3A_16 : vector<1280x1xf32> to vector<1280x32xf32>
    %mul3A_17 = arith.mulf %add3A, %mul3A : vector<1280x32xf32>
    %get3A_18 = arith.constant 0 : index
    %get3A_19 = arith.constant 0 : index
    %get3A_20 = vector.load %arg6[%get3A_18, %get3A_19] : memref<1x32xf32, #tpu.memory_space<vmem>>, vector<1x32xf32>
    %add3A_21 = vector.broadcast %get3A_20 : vector<1x32xf32> to vector<1280x32xf32>
    %add3A_22 = arith.addf %mul3A_17, %add3A_21 : vector<1280x32xf32>
    %get3A_23 = arith.constant 0 : index
    %get3A_24 = arith.constant 0 : index
    %get3A_25 = vector.load %arg5[%get3A_23, %get3A_24] : memref<1280x32xf32, #tpu.memory_space<vmem>>, vector<1280x32xf32>
    %add3A_26 = arith.addf %add3A_22, %get3A_25 : vector<1280x32xf32>
    %mul3A_27 = arith.mulf %add3A_26, %add3A_26 : vector<1280x32xf32>
    %reduce_sum3A = arith.constant dense<0.000000e+00> : vector<1280xf32>
    %reduce_sum3A_28 = vector.multi_reduction <add>, %mul3A_27, %reduce_sum3A [1] : vector<1280x32xf32> to vector<1280xf32>
    %broadcast_in_dim3A = vector.shape_cast %reduce_sum3A_28 : vector<1280xf32> to vector<1280x1xf32>
    %sqrt3A = math.sqrt %broadcast_in_dim3A : vector<1280x1xf32>
    %max3A_29 = arith.constant 9.99999996E-13 : f32
    %max3A_30 = vector.broadcast %max3A_29 : f32 to vector<1280x1xf32>
    %max3A_31 = arith.maximumf %sqrt3A, %max3A_30 : vector<1280x1xf32>
    %div3A_32 = vector.broadcast %max3A_31 : vector<1280x1xf32> to vector<1280x32xf32>
    %div3A_33 = arith.divf %add3A_26, %div3A_32 : vector<1280x32xf32>
    %swap3A = arith.constant 0 : index
    %swap3A_34 = arith.constant 0 : index
    %swap3A_35 = vector.load %arg7[%swap3A, %swap3A_34] : memref<1280x32xf32, #tpu.memory_space<vmem>>, vector<1280x32xf32>
    tpu.vector_store %arg7[%swap3A, %swap3A_34], %div3A_33 {strides = array<i32>} : memref<1280x32xf32, #tpu.memory_space<vmem>>, vector<1280x32xf32>,
    return
  }
  func.func @transform_0(%arg0: i32) -> (i32, i32) {
    %c0_i32 = arith.constant 0 : i32
    %c0_i32_0 = arith.constant 0 : i32
    return %arg0, %c0_i32 : i32, i32
  }
  func.func @transform_1(%arg0: i32) -> (i32, i32) {
    %add3A = arith.constant 8 : i32
    %add3A_0 = arith.addi %arg0, %add3A : i32
    %c0_i32 = arith.constant 0 : i32
    %c0_i32_1 = arith.constant 0 : i32
    return %add3A_0, %c0_i32 : i32, i32
  }
  func.func @transform_2(%arg0: i32) -> (i32, i32) {
    %c0_i32 = arith.constant 0 : i32
    %c0_i32_0 = arith.constant 0 : i32
    return %arg0, %c0_i32 : i32, i32
  }
  func.func @transform_3(%arg0: i32) -> (i32, i32) {
    %add3A = arith.constant 8 : i32
    %add3A_0 = arith.addi %arg0, %add3A : i32
    %c0_i32 = arith.constant 0 : i32
    %c0_i32_1 = arith.constant 0 : i32
    return %add3A_0, %c0_i32 : i32, i32
  }
  func.func @transform_4(%arg0: i32) -> (i32, i32) {
    %c0_i32 = arith.constant 0 : i32
    %c0_i32_0 = arith.constant 0 : i32
    return %arg0, %c0_i32 : i32, i32
  }
  func.func @transform_5(%arg0: i32) -> (i32, i32) {
    %c0_i32 = arith.constant 0 : i32
    %c0_i32_0 = arith.constant 0 : i32
    %c0_i32_1 = arith.constant 0 : i32
    return %c0_i32, %c0_i32_0 : i32, i32
  }
  func.func @transform_6(%arg0: i32) -> (i32, i32) {
    %c0_i32 = arith.constant 0 : i32
    %c0_i32_0 = arith.constant 0 : i32
    return %arg0, %c0_i32 : i32, i32
  }
}

</mosaic_0001>

<sc_bundles>
// kernel: kernel.10.cloned.1.call-start
scs
__scs_entry_jumppad:
0x0: {  	(pc) =	sbr.rel $0x88, $3  }
0x1: {  	(tag) =	ssettag $0x0;
	lr =	simm.s32 $0x1  }
0x2: {  	[smem:$0x3F92] =	sst lr;
	_ =	strace $0xD0000000  }
0x3: {  	_ = 	snop  }
0x4: {  	_ = 	snop  }
0x5: {  	_ = 	snop  }
0x6: {  	_ = 	snop  }
0x7: {  	_ = 	snop  }
__scs_overlays_trampoline_lowered:
0x8: {  	[smem:$0x3FA1] =	sst s0  }
0x9: {  	[smem:$0x3FA2] =	sst s1  }
0xa: {  	[smem:$0x3FA3] =	sst s2  }
0xb: {  	[smem:$0x3FA4] =	sst s3  }
0xc: {  	[smem:$0x3FA5] =	sst s4  }
0xd: {  	[smem:$0x3FA6] =	sst s5  }
0xe: {  	[smem:$0x3FA7] =	sst s6  }
0xf: {  	[smem:$0x3FA8] =	sst s7  }
0x10: {  	[smem:$0x3FA9] =	sst s8  }
0x11: {  	[smem:$0x3FAA] =	sst s9;
	s0 =	simm.s32 @!p0 $0x0  }
0x12: {  	s1 =	sld [smem:$0x3F90];
	s0 =	simm.s32 @p0 $0x1  }
0x13: {  	[smem:$0x3FAB] =	sst s0;
	s0 =	simm.s32 @!p1 $0x0  }
0x14: {  	s2 =	sld [smem:$0x3F8F];
	s0 =	simm.s32 @p1 $0x1  }
0x15: {  	[smem:$0x3FAC] =	sst s0;
	s0 =	simm.s32 @!p2 $0x0  }
0x16: {  	s3 =	sld [smem:$0x3FDB];
	s0 =	simm.s32 @p2 $0x1  }
0x17: {  	s4 =	simm.s32 $0x1BF5;
	[smem:$0x3FAE] =	sst s0  }
0x18: {  	s0 =	sld [smem:$0x3F91];
	_ =	swait.ge [sflag:s4], $0x0  }
0x19: {  	s7 =	sld [smem:$0x3F92]  }
0x1a: {  	s8 =	sadd.s32 $0xFFFFE003, lr  }
0x1b: {  	s9 =	sadd.s32 $0xFFFFFEF7, lr;
	s5 =	simm.s32 $0xFFFFFFFF;
	p2 =	slt.u32 s8, $0xFFFFF086  }
0x1c: {  	p1 =	slt.u32 s9, $0xF7A;
	s5 =	simm.s32 @!p2 $0x0  }
0x1d: {  	s5 =	simm.s32 @p1 $0x1;
	p0 =	seq.s32 s7, s2  }
0x1e: {  	s7 =	smul.u32 @!p0 $0xF7A, s2;
	p2 =	seq.s32 @!p0 s5, $0x0  }
0x1f: {  	s9 =	smul.u32 $0xF7A, s1;
	s8 =	simm.s32 @!p0 $0x1BF5;
	p2 =	por !p2, p0  }
0x20: {  	[sflag:s8] =	ssyncset.s32 @!p0 $0xFFFFF086;
	s6 =	sadd.s32 @!p0 s3, s7;
	s7 =	simm.s32 @!p0 $0x108  }
0x21: {  	s3 =	sadd.s32 s3, s9;
	s6 =	sadd.s32 @!p0 $0x88, s6;
	s7 =	simm.s32 @p2 $0x1082  }
0x22: {  	[simem:s7], [sflag:s8] =	dma.local @!p0 [hbm:s6], $0xF7A  }
0x23: {  	s9 =	sor.u32 $0xD0000000, s2;
	s6 =	simm.s32 $0x108;
	_ =	swait.ge @!p0 [sflag:s8], $0x0  }
0x24: {  	s3 =	sadd.s32 $0x88, s3;
	s6 =	simm.s32 @!p1 $0x1082;
	[sflag:s4] =	ssyncset.s32 $0xFFFFF086  }
0x25: {  	[simem:s6], [sflag:s4] =	dma.local [hbm:s3], $0xF7A  }
0x26: {  	[smem:$0x3F92] =	sst s1;
	(tag) =	ssettag s2;
	_ =	strace s9  }
0x27: {  	s1 =	sld [smem:$0x3FA2]  }
0x28: {  	s2 =	sld [smem:$0x3FA3]  }
0x29: {  	s4 =	sld [smem:$0x3FA5]  }
0x2a: {  	p0 =	seq.s32 s5, $0x0;
	s5 =	sld [smem:$0x3FA6]  }
0x2b: {  	s6 =	sld [smem:$0x3FA7]  }
0x2c: {  	s7 =	sld [smem:$0x3FA8]  }
0x2d: {  	s3 =	simm.s32 $0x108;
	s8 =	sld [smem:$0x3FA9]  }
0x2e: {  	s3 =	simm.s32 @!p0 $0x1082;
	s9 =	sld [smem:$0x3FAA]  }
0x2f: {  	lr =	sadd.s32 s0, s3;
	s0 =	sld [smem:$0x3FA1]  }
0x30: {  	s3 =	sld [smem:$0x3FA4]  }
0x31: {  	[smem:$0x3FAD] =	sst s10  }
0x32: {  	s10 =	sld [smem:$0x3FAB];
	_ =	sdelay $0x3  }
0x33: {  	p0 =	seq.s32 s10, $0x1;
	s10 =	sld [smem:$0x3FAD];
	_ =	sdelay $0x3  }
0x34: {  	[smem:$0x3FAD] =	sst s10  }
0x35: {  	s10 =	sld [smem:$0x3FAC];
	_ =	sdelay $0x3  }
0x36: {  	p1 =	seq.s32 s10, $0x1;
	s10 =	sld [smem:$0x3FAD];
	_ =	sdelay $0x3  }
0x37: {  	[smem:$0x3FAD] =	sst s10  }
0x38: {  	s10 =	sld [smem:$0x3FAE]  }
0x39: {  	_ = 	snop;
	(pc) =	sbr.ind lr, $3  }
0x3a: {  	_ = 	snop  }
0x3b: {  	_ = 	snop  }
0x3c: {  	p2 =	seq.s32 s10, $0x1;
	s10 =	sld [smem:$0x3FAD]  }
0x3d: {  	_ =	shalt  }
0x3e: {  	_ =	shalt  }
0x3f: {  	_ =	shalt  }
0x40: {  	_ =	shalt  }
0x41: {  	_ =	shalt  }
0x42: {  	_ =	shalt  }
0x43: {  	_ =	shalt  }
0x44: {  	_ =	shalt  }
0x45: {  	_ =	shalt  }
0x46: {  	_ =	shalt  }
0x47: {  	_ =	shalt  }
0x48: {  	_ =	shalt  }
0x49: {  	_ =	shalt  }
0x4a: {  	_ =	shalt  }
0x4b: {  	_ =	shalt  }
0x4c: {  	_ =	shalt  }
0x4d: {  	_ =	shalt  }
0x4e: {  	_ =	shalt  }
0x4f: {  	_ =	shalt  }
0x50: {  	_ =	shalt  }
0x51: {  	_ =	shalt  }
0x52: {  	_ =	shalt  }
0x53: {  	_ =	shalt  }
0x54: {  	_ =	shalt  }
0x55: {  	_ =	shalt  }
0x56: {  	_ =	shalt  }
0x57: {  	_ =	shalt  }
0x58: {  	_ =	shalt  }
0x59: {  	_ =	shalt  }
0x5a: {  	_ =	shalt  }
0x5b: {  	_ =	shalt  }
0x5c: {  	_ =	shalt  }
0x5d: {  	_ =	shalt  }
0x5e: {  	_ =	shalt  }
0x5f: {  	_ =	shalt  }
0x60: {  	_ =	shalt  }
0x61: {  	_ =	shalt  }
0x62: {  	_ =	shalt  }
0x63: {  	_ =	shalt  }
0x64: {  	_ =	shalt  }
0x65: {  	_ =	shalt  }
0x66: {  	_ =	shalt  }
0x67: {  	_ =	shalt  }
0x68: {  	_ =	shalt  }
0x69: {  	_ =	shalt  }
0x6a: {  	_ =	shalt  }
0x6b: {  	_ =	shalt  }
0x6c: {  	_ =	shalt  }
0x6d: {  	_ =	shalt  }
0x6e: {  	_ =	shalt  }
0x6f: {  	_ =	shalt  }
0x70: {  	_ =	shalt  }
0x71: {  	_ =	shalt  }
0x72: {  	_ =	shalt  }
0x73: {  	_ =	shalt  }
0x74: {  	_ =	shalt  }
0x75: {  	_ =	shalt  }
0x76: {  	_ =	shalt  }
0x77: {  	_ =	shalt  }
0x78: {  	_ =	shalt  }
0x79: {  	_ =	shalt  }
0x7a: {  	_ =	shalt  }
0x7b: {  	_ =	shalt  }
0x7c: {  	_ =	shalt  }
0x7d: {  	_ =	shalt  }
0x7e: {  	_ =	shalt  }
0x7f: {  	_ =	shalt  }
0x80: {  	_ =	shalt  }
0x81: {  	_ =	shalt  }
0x82: {  	_ =	shalt  }
0x83: {  	_ =	shalt  }
0x84: {  	_ =	shalt  }
0x85: {  	_ =	shalt  }
0x86: {  	_ =	shalt  }
0x87: {  	_ =	shalt  }
.Lfunc_end0:
.L_simem_size_0:
called_computation_lowered:
.L_overlay_start_0:
0x88: {  	s2 =	sld [smem:$0x3FD9]  }
0x89: {  	s3 =	sld [smem:$0x3FFE];
	_ =	sdelay $0x1  }
0x8a: {  	s1 =	srdreg.scid  }
0x8b: {  	s0 =	sand.u32 $0x1, s1  }
0x8c: {  	s17 =	sshll.u32 s0, $0xA;
	s2 =	sadd.s32 s3, s2  }
0x8d: {  	s2 =	sadd.s32 s2, s17  }
0x8e: {  	[smem:$0x3FB9] =	sst s2  }
0x8f: {  	_ = 	snop  }
0x90: {  	s2 =	sld [smem:$0x3FD0];
	(tm) =	ssettm $0x1  }
0x91: {  	s18 =	sld [smem:$0x3FFB];
	_ =	sdelay $0x3  }
0x92: {  	_ =	strace s18  }
0x93: {  	s3 =	sld [smem:$0x3FFC];
	_ =	sdelay $0x3  }
0x94: {  	_ =	strace s3  }
0x95: {  	s3 =	sld [smem:$0x3FFD];
	_ =	sdelay $0x3  }
0x96: {  	_ =	strace s3  }
0x97: {  	_ =	strace $0x8FFFFFFF  }
0x98: {  	s19 =	sld [smem:$0x3FDB];
	_ =	sdelay $0x1  }
0x99: {  	s4 =	simm.s32 $_scs_section_size  }
0x9a: {  	s5 =	simm.s32 $_size__tile_overlayer_lowered;
	s6 =	simm.s32 $_tile_overlayer_lowered  }
0x9b: {  	s22 =	simm.s32 $0x1BFF;
	s21 =	sshll.u32 s6, $0x1;
	s3 =	sadd.s32 s4, s19  }
0x9c: {  	s7 =	simm.s32 $0x0;
	s20 =	sshll.u32 s5, $0x1;
	s5 =	sadd.s32 s21, s3  }
0x9d: {  	[timem:s7], [sflag:s22] =	dma.local [hbm:s5], s20  }
0x9e: {  	_ =	swait.ge [sflag:s22], s20  }
0x9f: {  	s4 =	ssub.s32 $0x0, s20;
	[sflag:s22] =	ssyncset.done $0x0  }
0xa0: {  	[sflag:s22] =	ssyncadd.s32 s4;
	_ =	sdelay $0x1  }
0xa1: {  	s23 =	simm.s32 $0x1B8B  }
0xa2: {  	_ =	swait.ge [sflag:s23], $0x1  }
0xa3: {  	[sflag:s23] =	ssyncset.done $0x0  }
0xa4: {  	s25 =	simm.s32 $0x1B8E;
	s24 =	sld [smem:$0x3FFE];
	[sflag:s23] =	ssyncadd.s32 $0xFFFFFFFF  }
0xa5: {  	s26 =	simm.s32 $execute0_lowered;
	[smem:$0x3FD2] =	sst s25  }
0xa6: {  	s5 =	sshll.u32 s26, $0x1;
	_ =	strace $0x80000046;
	[dreg:$0x1] =	wrdreg $0xFFFFFFFF  }
0xa7: {  	s28 =	simm.s32 $_size_execute0_lowered;
	s3 =	sadd.s32 s3, s5;
	[dreg:$0x0] =	wrdreg $0x0  }
0xa8: {  	s5 =	sshll.u32 s28, $0x1;
	[dreg:$0x2] =	wrdreg s3  }
0xa9: {  	[dreg:$0x3] =	wrdreg s5  }
0xaa: {  	[dreg:$0x4] =	wrdreg $0xC0  }
0xab: {  	_ =	task [dreg:s7], $0x5FFFF  }
0xac: {  	[dreg:$0x1] =	wrdreg $0xFFFFFFFF  }
0xad: {  	[dreg:$0x0] =	wrdreg $0x60  }
0xae: {  	[dreg:$0x2] =	wrdreg s24  }
0xaf: {  	[dreg:$0x3] =	wrdreg s2  }
0xb0: {  	[dreg:$0x4] =	wrdreg $0xF4000  }
0xb1: {  	[dreg:$0x5] =	wrdreg $0x19C000  }
0xb2: {  	[dreg:$0x6] =	wrdreg $0x9  }
0xb3: {  	_ =	task.clear_ibuf [dreg:s7], $0x7FFFF;
	_ =	strace $0x90000046  }
0xb4: {  	s29 =	simm.s32 $0x9;
	_ =	strace $0x80000048  }
0xb5: {  	_ =	swait.ge [sflag:s29], $0x1  }
0xb6: {  	[sflag:s29] =	ssyncadd.s32 $0xFFFFFFFF  }
0xb7: {  	_ =	strace $0x90000048  }
0xb8: {  	_ =	sfence  }
0xb9: {  	s30 =	sld [smem:$0x0];
	_ =	sdelay $0x2  }
0xba: {  	s31 =	sshll.u32 s1, $0xD;
	s1 =	sshrl.u32 s1, $0x2  }
0xbb: {  	s3 =	sand.u32 $0x4000, s31;
	s1 =	sadd.s32 s1, s30  }
0xbc: {  	s0 =	sor.u32 s3, s0;
	s1 =	sshll.u32 s1, $0x11  }
0xbd: {  	s0 =	sor.u32 s1, s0  }
0xbe: {  	s0 =	sadd.s32 $0x8F2B, s0  }
0xbf: {  	[sflag:s0] =	ssyncadd.remote.s32 $0x1  }
0xc0: {  	_ =	sfence.sel $0xFFFF  }
0xc1: {  	[dreg:$0x0] =	wrdreg $0xFFFFFFFF;
	(pc) =	sbr.abs _section_cstart, $3  }
0xc2: {  	[dreg:$0x1] =	wrdreg $0xFFFFFFFF  }
0xc3: {  	_ =	task.clear_ibuf [dreg:s7], $0x2FFFF;
	_ =	strace $0x9FFFFFFF  }
0xc4: {  	(tm) =	ssettm $0x7FFFFFFF  }
0xc5: {  	_ =	shalt  }
tec
execute0_lowered:
.L_overlay_start_1:
0x0: {  	(tag) =	ssettag $0x1  }
0x1: {  	s1 =	rddreg [dreg:$0x0]  }
0x2: {  	s0 =	srdreg.scid;
	s3 =	rddreg [dreg:$0x2]  }
0x3: {  	s9 =	stileid.u32;
	s4 =	rddreg [dreg:$0x3]  }
0x4: {  	s6 =	simm.s32 $0x0;
	s28 =	simm.s32 $0x5400;
	s29 =	simm.s32 $0x7400  }
0x5: {  	s31 =	simm.s32 $0x9400;
	s30 =	simm.s32 $0xB;
	s12 =	simm.s32 $0x8  }
0x6: {  	s13 =	simm.s32 $0xD;
	s14 =	simm.s32 $0x5;
	s11 =	simm.s32 $0xA  }
0x7: {  	s16 =	simm.s32 $0x0;
	s0 =	sand.u32 $0x1, s0;
	s5 =	smul.u32 $0x280, s9  }
0x8: {  	[smem:$0x7FF] =	sst s6;
	s6 =	sadd.s32 $0x2C00, s1;
	s8 =	smul.u32 $0x28000, s9  }
0x9: {  	s18 =	sadd.s32 $0x2B000, s1;
	s19 =	sadd.s32 $0x2B600, s1;
	s23 =	smul.u32 $0xA000, s9  }
0xa: {  	s25 =	sshll.u32 s9, $0x6;
	_ =	strace $0x80000047;
	[dreg:$0x5] =	wrdreg s18  }
0xb: {  	s2 =	sshll.u32 s0, $0x4;
	s7 =	smul.u32 $0x2800, s0;
	[dreg:$0x6] =	wrdreg s19  }
0xc: {  	s0 =	ssub.s32 $0x2, s0;
	s18 =	simm.s32 $0x19400;
	[dreg:$0x9] =	wrdreg s25  }
0xd: {  	s26 =	sor.u32 $0x1C07, s25;
	s19 =	simm.s32 $0x9;
	s2 =	sor.u32 s9, s2  }
0xe: {  	s21 =	sshrl.u32 s0, $0x1;
	s24 =	sshrl.u32 s8, $0x2;
	s9 =	sor.u32 $0x1C03, s25  }
0xf: {  	[dreg:$0xf] =	wrdreg s26;
	s25 =	simm.s32 $0x7;
	s26 =	simm.s32 $0x80  }
0x10: {  	s8 =	simm.s32 $0xC;
	s2 =	smul.u32 $0x500, s2;
	s5 =	sadd.s32 s5, s7  }
0x11: {  	s0 =	ssub.s32 s0, s21;
	[dreg:$0xa] =	wrdreg s9;
	s21 =	simm.s32 $0x1  }
0x12: {  	s9 =	simm.s32 $0x4;
	s20 =	sshll.u32 s5, $0x3;
	s5 =	sshll.u32 s5, $0x1  }
0x13: {  	s0 =	smax.u32 s0, $0x1;
	s2 =	sadd.s32 s2, s1;
	s7 =	sadd.s32 s20, s1  }
0x14: {  	s1 =	sadd.s32 s5, s1;
	s5 =	sshrl.u32 s23, $0x2;
	[dreg:$0xd] =	wrdreg s0  }
0x15: {  	s23 =	simm.s32 $0x3;
	s0 =	simm.s32 $0xB400;
	s22 =	sadd.s32 $0x16C00, s2  }
0x16: {  	s20 =	simm.s32 $0x2C00;
	s2 =	sadd.s32 $0x20E00, s2;
	[dreg:$0x7] =	wrdreg s22  }
0x17: {  	s5 =	sadd.s32 s5, s4;
	s7 =	sadd.s32 $0x35800, s7;
	[dreg:$0x8] =	wrdreg s2  }
0x18: {  	s1 =	sadd.s32 $0x2B800, s1;
	s2 =	sadd.s32 s24, s3;
	[dreg:$0xb] =	wrdreg s7  }
0x19: {  	[dreg:$0xc] =	wrdreg s1;
	s10 =	sshrl.u32 s5, $0x3;
	s22 =	simm.s32 $0x2  }
0x1a: {  	s24 =	simm.s32 $0x6;
	s1 =	simm.s32 $0xE;
	s17 =	sshrl.u32 s2, $0x3  }
0x1b: {  	s7 =	simm.s32 $0xF;
	s2 =	simm.s32 $0xD400;
	[dreg:$0xe] =	wrdreg s17  }
.LBB2_1:
0x1c: {  	[dreg:$0x10] =	wrdreg s16  }
0x1d: {  	s5 =	rddreg [dreg:$0x7]  }
0x1e: {  	s16 =	simm.s32 $0x0;
	s15 =	rddreg [dreg:$0x8]  }
0x1f: {  	[tilespmem:s16], [sflag:$0x1] =	stream.linear.gather [hbm4b:s5+s16], $0x2C00, $0x38;
	[tilespmem:$0x1C400] =	vst v63  }
0x20: {  	s5 =	rddreg [dreg:$0x1]  }
0x21: {  	[tilespmem:s20], [sflag:$0x2] =	stream.linear.gather [hbm4b:s15+s16], $0x2800, $0x38;
	[tilespmem:$0x1C400] =	vst v63  }
0x22: {  	s15 =	smov.u32 s10;
	s10 =	smov.u32 s17;
	s17 =	rddreg [dreg:$0xa]  }
0x23: {  	[spmem:s10], [sflag:s17] =	dma.local [hbm:s5], $0x1400  }
0x24: {  	s5 =	rddreg [dreg:$0x6]  }
0x25: {  	s17 =	rddreg [dreg:$0x5]  }
0x26: {  	s10 =	rddreg [dreg:$0xf]  }
0x27: {  	[tilespmem:s18], [sflag:$0x6] =	stream.linear.gather [hbm4b:s5+s16], $0x800, $0x38;
	[tilespmem:$0x1C400] =	vst v63  }
0x28: {  	[spmem:s15], [sflag:s10] =	dma.local [hbm:s17], $0x500  }
0x29: {  	_ =	swait.ge [sflag:s21], $0x2C00  }
0x2a: {  	[sflag:s21] =	ssyncset.done $0x0  }
0x2b: {  	[sflag:s21] =	ssyncadd.s32 $0xFFFFD400  }
0x2c: {  	_ =	swait.ge [sflag:s22], $0x2800  }
0x2d: {  	[sflag:s22] =	ssyncset.done $0x0  }
0x2e: {  	[sflag:s22] =	ssyncadd.s32 $0xFFFFD800  }
0x2f: {  	_ =	swait.ge [sflag:s23], $0x1400  }
0x30: {  	[sflag:s23] =	ssyncset.done $0x0  }
0x31: {  	[sflag:s23] =	ssyncadd.s32 $0xFFFFEC00  }
0x32: {  	_ =	swait.ge [sflag:s24], $0x800  }
0x33: {  	[sflag:s24] =	ssyncset.done $0x0  }
0x34: {  	[sflag:s24] =	ssyncadd.s32 $0xFFFFF800  }
0x35: {  	_ =	swait.ge [sflag:s25], $0x500  }
0x36: {  	[sflag:s25] =	ssyncset.done $0x0  }
0x37: {  	[sflag:s25] =	ssyncadd.s32 $0xFFFFFB00  }
0x38: {  	[bflag:$0x0] =	sbarrier.arrive $0xFFFF  }
0x39: {  	[tilespmem:s28], [sflag:$0x1] =	stream.indirect.gather [hbm4b:s6+s26], $0x40, s16, s26, $0xb8;
	[tilespmem:$0x1C400] =	vst v63  }
0x3a: {  	_ = 	snop  }
0x3b: {  	[tilespmem:s29], [sflag:$0x2] =	stream.indirect.gather [hbm4b:s6+s26], $0x40, s26, s26, $0xb8;
	[tilespmem:$0x1C400] =	vst v63  }
0x3c: {  	s17 =	simm.s32 $0x100  }
0x3d: {  	[tilespmem:s31], [sflag:$0x3] =	stream.indirect.gather [hbm4b:s6+s26], $0x40, s17, s26, $0xb8;
	[tilespmem:$0x1C400] =	vst v63  }
0x3e: {  	_ =	swait.ge [sflag:s21], $0x2000  }
0x3f: {  	[sflag:s21] =	ssyncset.done $0x0  }
0x40: {  	[sflag:s21] =	ssyncadd.s32 $0xFFFFE000  }
0x41: {  	[spmem:s3] =	stream.indirect.scatter.add.f32 [tilespmem:s28], [sflag:$0x6], $0x40, s20, s26, $0xb8;
	[tilespmem:$0x1C400] =	vst v63  }
0x42: {  	_ = 	snop  }
0x43: {  	[spmem:s4] =	stream.indirect.scatter.add.f32 [tilespmem:s18], [sflag:$0xB], $0x10, s20, s26, $0xb8;
	[tilespmem:$0x1C400] =	vst v63  }
0x44: {  	s10 =	smov.u32 s15;
	s15 =	simm.s32 $0x180  }
0x45: {  	[tilespmem:s0], [sflag:$0x4] =	stream.indirect.gather [hbm4b:s6+s26], $0x40, s15, s26, $0xb8;
	[tilespmem:$0x1C400] =	vst v63  }
0x46: {  	_ =	swait.ge [sflag:s22], $0x2000  }
0x47: {  	[sflag:s22] =	ssyncset.done $0x0  }
0x48: {  	s16 =	simm.s32 $0x2C80;
	[sflag:s22] =	ssyncadd.s32 $0xFFFFE000  }
0x49: {  	[spmem:s3] =	stream.indirect.scatter.add.f32 [tilespmem:s29], [sflag:$0x7], $0x40, s16, s26, $0xb8;
	[tilespmem:$0x1C400] =	vst v63  }
0x4a: {  	_ = 	snop  }
0x4b: {  	[spmem:s4] =	stream.indirect.scatter.add.f32 [tilespmem:s18], [sflag:$0xC], $0x10, s16, s26, $0xb8;
	[tilespmem:$0x1C400] =	vst v63  }
0x4c: {  	_ =	swait.ge [sflag:s24], $0x2000  }
0x4d: {  	[sflag:s24] =	ssyncset.done $0x0  }
0x4e: {  	[sflag:s24] =	ssyncadd.s32 $0xFFFFE000  }
0x4f: {  	_ =	swait.ge [sflag:s30], $0x800  }
0x50: {  	[sflag:s30] =	ssyncset.done $0x0  }
0x51: {  	s17 =	simm.s32 $0x200;
	[sflag:s30] =	ssyncadd.s32 $0xFFFFF800  }
0x52: {  	[tilespmem:s2], [sflag:$0x5] =	stream.indirect.gather [hbm4b:s6+s26], $0x40, s17, s26, $0xb8;
	[tilespmem:$0x1C400] =	vst v63  }
0x53: {  	_ =	swait.ge [sflag:s23], $0x2000  }
0x54: {  	[sflag:s23] =	ssyncset.done $0x0  }
0x55: {  	s15 =	simm.s32 $0x2D00;
	[sflag:s23] =	ssyncadd.s32 $0xFFFFE000  }
0x56: {  	[spmem:s3] =	stream.indirect.scatter.add.f32 [tilespmem:s31], [sflag:$0x8], $0x40, s15, s26, $0xb8;
	[tilespmem:$0x1C400] =	vst v63  }
0x57: {  	_ = 	snop  }
0x58: {  	[spmem:s4] =	stream.indirect.scatter.add.f32 [tilespmem:s18], [sflag:$0xD], $0x10, s15, s26, $0xb8;
	[tilespmem:$0x1C400] =	vst v63  }
0x59: {  	_ =	swait.ge [sflag:s25], $0x2000  }
0x5a: {  	[sflag:s25] =	ssyncset.done $0x0  }
0x5b: {  	[sflag:s25] =	ssyncadd.s32 $0xFFFFE000  }
0x5c: {  	_ =	swait.ge [sflag:s8], $0x800  }
0x5d: {  	[sflag:s8] =	ssyncset.done $0x0  }
0x5e: {  	s16 =	simm.s32 $0x280;
	[sflag:s8] =	ssyncadd.s32 $0xFFFFF800  }
0x5f: {  	[tilespmem:s28], [sflag:$0x1] =	stream.indirect.gather [hbm4b:s6+s26], $0x40, s16, s26, $0xb8;
	[tilespmem:$0x1C400] =	vst v63  }
0x60: {  	_ =	swait.ge [sflag:s9], $0x2000  }
0x61: {  	[sflag:s9] =	ssyncset.done $0x0  }
0x62: {  	s17 =	simm.s32 $0x2D80;
	[sflag:s9] =	ssyncadd.s32 $0xFFFFE000  }
0x63: {  	[spmem:s3] =	stream.indirect.scatter.add.f32 [tilespmem:s0], [sflag:$0x9], $0x40, s17, s26, $0xb8;
	[tilespmem:$0x1C400] =	vst v63  }
0x64: {  	_ = 	snop  }
0x65: {  	[spmem:s4] =	stream.indirect.scatter.add.f32 [tilespmem:s18], [sflag:$0xE], $0x10, s17, s26, $0xb8;
	[tilespmem:$0x1C400] =	vst v63  }
0x66: {  	_ =	swait.ge [sflag:s12], $0x2000  }
0x67: {  	[sflag:s12] =	ssyncset.done $0x0  }
0x68: {  	[sflag:s12] =	ssyncadd.s32 $0xFFFFE000  }
0x69: {  	_ =	swait.ge [sflag:s13], $0x800  }
0x6a: {  	[sflag:s13] =	ssyncset.done $0x0  }
0x6b: {  	s15 =	simm.s32 $0x300;
	[sflag:s13] =	ssyncadd.s32 $0xFFFFF800  }
0x6c: {  	[tilespmem:s29], [sflag:$0x2] =	stream.indirect.gather [hbm4b:s6+s26], $0x40, s15, s26, $0xb8;
	[tilespmem:$0x1C400] =	vst v63  }
0x6d: {  	_ =	swait.ge [sflag:s14], $0x2000  }
0x6e: {  	[sflag:s14] =	ssyncset.done $0x0  }
0x6f: {  	s16 =	simm.s32 $0x2E00;
	[sflag:s14] =	ssyncadd.s32 $0xFFFFE000  }
0x70: {  	[spmem:s3] =	stream.indirect.scatter.add.f32 [tilespmem:s2], [sflag:$0xA], $0x40, s16, s26, $0xb8;
	[tilespmem:$0x1C400] =	vst v63  }
0x71: {  	_ = 	snop  }
0x72: {  	[spmem:s4] =	stream.indirect.scatter.add.f32 [tilespmem:s18], [sflag:$0xF], $0x10, s16, s26, $0xb8;
	[tilespmem:$0x1C400] =	vst v63  }
0x73: {  	_ =	swait.ge [sflag:s19], $0x2000  }
0x74: {  	[sflag:s19] =	ssyncset.done $0x0  }
0x75: {  	[sflag:s19] =	ssyncadd.s32 $0xFFFFE000  }
0x76: {  	_ =	swait.ge [sflag:s1], $0x800  }
0x77: {  	[sflag:s1] =	ssyncset.done $0x0  }
0x78: {  	s17 =	simm.s32 $0x380;
	[sflag:s1] =	ssyncadd.s32 $0xFFFFF800  }
0x79: {  	[tilespmem:s31], [sflag:$0x3] =	stream.indirect.gather [hbm4b:s6+s26], $0x40, s17, s26, $0xb8;
	[tilespmem:$0x1C400] =	vst v63  }
0x7a: {  	_ =	swait.ge [sflag:s21], $0x2000  }
0x7b: {  	[sflag:s21] =	ssyncset.done $0x0  }
0x7c: {  	s15 =	simm.s32 $0x2E80;
	[sflag:s21] =	ssyncadd.s32 $0xFFFFE000  }
0x7d: {  	[spmem:s3] =	stream.indirect.scatter.add.f32 [tilespmem:s28], [sflag:$0x6], $0x40, s15, s26, $0xb8;
	[tilespmem:$0x1C400] =	vst v63  }
0x7e: {  	_ = 	snop  }
0x7f: {  	[spmem:s4] =	stream.indirect.scatter.add.f32 [tilespmem:s18], [sflag:$0xB], $0x10, s15, s26, $0xb8;
	[tilespmem:$0x1C400] =	vst v63  }
0x80: {  	_ =	swait.ge [sflag:s11], $0x2000  }
0x81: {  	[sflag:s11] =	ssyncset.done $0x0  }
0x82: {  	[sflag:s11] =	ssyncadd.s32 $0xFFFFE000  }
0x83: {  	_ =	swait.ge [sflag:s7], $0x800  }
0x84: {  	[sflag:s7] =	ssyncset.done $0x0  }
0x85: {  	s16 =	simm.s32 $0x400;
	[sflag:s7] =	ssyncadd.s32 $0xFFFFF800  }
0x86: {  	[tilespmem:s0], [sflag:$0x4] =	stream.indirect.gather [hbm4b:s6+s26], $0x40, s16, s26, $0xb8;
	[tilespmem:$0x1C400] =	vst v63  }
0x87: {  	_ =	swait.ge [sflag:s22], $0x2000  }
0x88: {  	[sflag:s22] =	ssyncset.done $0x0  }
0x89: {  	s17 =	simm.s32 $0x2F00;
	[sflag:s22] =	ssyncadd.s32 $0xFFFFE000  }
0x8a: {  	[spmem:s3] =	stream.indirect.scatter.add.f32 [tilespmem:s29], [sflag:$0x7], $0x40, s17, s26, $0xb8;
	[tilespmem:$0x1C400] =	vst v63  }
0x8b: {  	_ = 	snop  }
0x8c: {  	[spmem:s4] =	stream.indirect.scatter.add.f32 [tilespmem:s18], [sflag:$0xC], $0x10, s17, s26, $0xb8;
	[tilespmem:$0x1C400] =	vst v63  }
0x8d: {  	_ =	swait.ge [sflag:s24], $0x2000  }
0x8e: {  	[sflag:s24] =	ssyncset.done $0x0  }
0x8f: {  	[sflag:s24] =	ssyncadd.s32 $0xFFFFE000  }
0x90: {  	_ =	swait.ge [sflag:s30], $0x800  }
0x91: {  	[sflag:s30] =	ssyncset.done $0x0  }
0x92: {  	s15 =	simm.s32 $0x480;
	[sflag:s30] =	ssyncadd.s32 $0xFFFFF800  }
0x93: {  	[tilespmem:s2], [sflag:$0x5] =	stream.indirect.gather [hbm4b:s6+s26], $0x40, s15, s26, $0xb8;
	[tilespmem:$0x1C400] =	vst v63  }
0x94: {  	_ =	swait.ge [sflag:s23], $0x2000  }
0x95: {  	[sflag:s23] =	ssyncset.done $0x0  }
0x96: {  	s16 =	simm.s32 $0x2F80;
	[sflag:s23] =	ssyncadd.s32 $0xFFFFE000  }
0x97: {  	[spmem:s3] =	stream.indirect.scatter.add.f32 [tilespmem:s31], [sflag:$0x8], $0x40, s16, s26, $0xb8;
	[tilespmem:$0x1C400] =	vst v63  }
0x98: {  	_ = 	snop  }
0x99: {  	[spmem:s4] =	stream.indirect.scatter.add.f32 [tilespmem:s18], [sflag:$0xD], $0x10, s16, s26, $0xb8;
	[tilespmem:$0x1C400] =	vst v63  }
0x9a: {  	_ =	swait.ge [sflag:s25], $0x2000  }
0x9b: {  	[sflag:s25] =	ssyncset.done $0x0  }
0x9c: {  	[sflag:s25] =	ssyncadd.s32 $0xFFFFE000  }
0x9d: {  	_ =	swait.ge [sflag:s8], $0x800  }
0x9e: {  	[sflag:s8] =	ssyncset.done $0x0  }
0x9f: {  	s17 =	simm.s32 $0x500;
	[sflag:s8] =	ssyncadd.s32 $0xFFFFF800  }
0xa0: {  	[tilespmem:s28], [sflag:$0x1] =	stream.indirect.gather [hbm4b:s6+s26], $0x40, s17, s26, $0xb8;
	[tilespmem:$0x1C400] =	vst v63  }
0xa1: {  	_ =	swait.ge [sflag:s9], $0x2000  }
0xa2: {  	[sflag:s9] =	ssyncset.done $0x0  }
0xa3: {  	s15 =	simm.s32 $0x3000;
	[sflag:s9] =	ssyncadd.s32 $0xFFFFE000  }
0xa4: {  	[spmem:s3] =	stream.indirect.scatter.add.f32 [tilespmem:s0], [sflag:$0x9], $0x40, s15, s26, $0xb8;
	[tilespmem:$0x1C400] =	vst v63  }
0xa5: {  	_ = 	snop  }
0xa6: {  	[spmem:s4] =	stream.indirect.scatter.add.f32 [tilespmem:s18], [sflag:$0xE], $0x10, s15, s26, $0xb8;
	[tilespmem:$0x1C400] =	vst v63  }
0xa7: {  	_ =	swait.ge [sflag:s12], $0x2000  }
0xa8: {  	[sflag:s12] =	ssyncset.done $0x0  }
0xa9: {  	[sflag:s12] =	ssyncadd.s32 $0xFFFFE000  }
0xaa: {  	_ =	swait.ge [sflag:s13], $0x800  }
0xab: {  	[sflag:s13] =	ssyncset.done $0x0  }
0xac: {  	s16 =	simm.s32 $0x580;
	[sflag:s13] =	ssyncadd.s32 $0xFFFFF800  }
0xad: {  	[tilespmem:s29], [sflag:$0x2] =	stream.indirect.gather [hbm4b:s6+s26], $0x40, s16, s26, $0xb8;
	[tilespmem:$0x1C400] =	vst v63  }
0xae: {  	_ =	swait.ge [sflag:s14], $0x2000  }
0xaf: {  	[sflag:s14] =	ssyncset.done $0x0  }
0xb0: {  	s17 =	simm.s32 $0x3080;
	[sflag:s14] =	ssyncadd.s32 $0xFFFFE000  }
0xb1: {  	[spmem:s3] =	stream.indirect.scatter.add.f32 [tilespmem:s2], [sflag:$0xA], $0x40, s17, s26, $0xb8;
	[tilespmem:$0x1C400] =	vst v63  }
0xb2: {  	_ = 	snop  }
0xb3: {  	[spmem:s4] =	stream.indirect.scatter.add.f32 [tilespmem:s18], [sflag:$0xF], $0x10, s17, s26, $0xb8;
	[tilespmem:$0x1C400] =	vst v63  }
0xb4: {  	_ =	swait.ge [sflag:s19], $0x2000  }
0xb5: {  	[sflag:s19] =	ssyncset.done $0x0  }
0xb6: {  	[sflag:s19] =	ssyncadd.s32 $0xFFFFE000  }
0xb7: {  	_ =	swait.ge [sflag:s1], $0x800  }
0xb8: {  	[sflag:s1] =	ssyncset.done $0x0  }
0xb9: {  	s5 =	simm.s32 $0x600;
	s16 =	simm.s32 $0xA00;
	[sflag:s1] =	ssyncadd.s32 $0xFFFFF800  }
.LBB2_2:
0xba: {  	[tilespmem:s31], [sflag:$0x3] =	stream.indirect.gather [hbm4b:s6+s26], $0x40, s5, s26, $0xb8;
	[tilespmem:$0x1C400] =	vst v63  }
0xbb: {  	s5 =	smov.u32 s16  }
0xbc: {  	p0 =	sne.s32 s16, $0x8C00;
	s16 =	sadd.s32 $0xA00, s16;
	_ =	swait.ge [sflag:s21], $0x2000  }
0xbd: {  	s5 =	sshra.s32 s5, $0x2;
	[sflag:s21] =	ssyncset.done $0x0  }
0xbe: {  	s17 =	sadd.s32 $0x2E80, s5;
	[sflag:s21] =	ssyncadd.s32 $0xFFFFE000  }
0xbf: {  	[spmem:s3] =	stream.indirect.scatter.add.f32 [tilespmem:s28], [sflag:$0x6], $0x40, s17, s26, $0xb8;
	[tilespmem:$0x1C400] =	vst v63  }
0xc0: {  	_ = 	snop  }
0xc1: {  	[spmem:s4] =	stream.indirect.scatter.add.f32 [tilespmem:s18], [sflag:$0xB], $0x10, s17, s26, $0xb8;
	[tilespmem:$0x1C400] =	vst v63  }
0xc2: {  	_ =	swait.ge [sflag:s11], $0x2000  }
0xc3: {  	[sflag:s11] =	ssyncset.done $0x0  }
0xc4: {  	[sflag:s11] =	ssyncadd.s32 $0xFFFFE000  }
0xc5: {  	_ =	swait.ge [sflag:s7], $0x800  }
0xc6: {  	[sflag:s7] =	ssyncset.done $0x0  }
0xc7: {  	s17 =	sadd.s32 $0x400, s5;
	[sflag:s7] =	ssyncadd.s32 $0xFFFFF800  }
0xc8: {  	[tilespmem:s0], [sflag:$0x4] =	stream.indirect.gather [hbm4b:s6+s26], $0x40, s17, s26, $0xb8;
	[tilespmem:$0x1C400] =	vst v63  }
0xc9: {  	_ =	swait.ge [sflag:s22], $0x2000  }
0xca: {  	[sflag:s22] =	ssyncset.done $0x0  }
0xcb: {  	s17 =	sadd.s32 $0x2F00, s5;
	[sflag:s22] =	ssyncadd.s32 $0xFFFFE000  }
0xcc: {  	[spmem:s3] =	stream.indirect.scatter.add.f32 [tilespmem:s29], [sflag:$0x7], $0x40, s17, s26, $0xb8;
	[tilespmem:$0x1C400] =	vst v63  }
0xcd: {  	_ = 	snop  }
0xce: {  	[spmem:s4] =	stream.indirect.scatter.add.f32 [tilespmem:s18], [sflag:$0xC], $0x10, s17, s26, $0xb8;
	[tilespmem:$0x1C400] =	vst v63  }
0xcf: {  	_ =	swait.ge [sflag:s24], $0x2000  }
0xd0: {  	[sflag:s24] =	ssyncset.done $0x0  }
0xd1: {  	[sflag:s24] =	ssyncadd.s32 $0xFFFFE000  }
0xd2: {  	_ =	swait.ge [sflag:s30], $0x800  }
0xd3: {  	[sflag:s30] =	ssyncset.done $0x0  }
0xd4: {  	s17 =	sadd.s32 $0x480, s5;
	[sflag:s30] =	ssyncadd.s32 $0xFFFFF800  }
0xd5: {  	[tilespmem:s2], [sflag:$0x5] =	stream.indirect.gather [hbm4b:s6+s26], $0x40, s17, s26, $0xb8;
	[tilespmem:$0x1C400] =	vst v63  }
0xd6: {  	_ =	swait.ge [sflag:s23], $0x2000  }
0xd7: {  	[sflag:s23] =	ssyncset.done $0x0  }
0xd8: {  	s17 =	sadd.s32 $0x2F80, s5;
	[sflag:s23] =	ssyncadd.s32 $0xFFFFE000  }
0xd9: {  	[spmem:s3] =	stream.indirect.scatter.add.f32 [tilespmem:s31], [sflag:$0x8], $0x40, s17, s26, $0xb8;
	[tilespmem:$0x1C400] =	vst v63  }
0xda: {  	_ = 	snop  }
0xdb: {  	[spmem:s4] =	stream.indirect.scatter.add.f32 [tilespmem:s18], [sflag:$0xD], $0x10, s17, s26, $0xb8;
	[tilespmem:$0x1C400] =	vst v63  }
0xdc: {  	_ =	swait.ge [sflag:s25], $0x2000  }
0xdd: {  	[sflag:s25] =	ssyncset.done $0x0  }
0xde: {  	[sflag:s25] =	ssyncadd.s32 $0xFFFFE000  }
0xdf: {  	_ =	swait.ge [sflag:s8], $0x800  }
0xe0: {  	[sflag:s8] =	ssyncset.done $0x0  }
0xe1: {  	s17 =	sadd.s32 $0x500, s5;
	[sflag:s8] =	ssyncadd.s32 $0xFFFFF800  }
0xe2: {  	[tilespmem:s28], [sflag:$0x1] =	stream.indirect.gather [hbm4b:s6+s26], $0x40, s17, s26, $0xb8;
	[tilespmem:$0x1C400] =	vst v63  }
0xe3: {  	_ =	swait.ge [sflag:s9], $0x2000  }
0xe4: {  	[sflag:s9] =	ssyncset.done $0x0  }
0xe5: {  	s17 =	sadd.s32 $0x3000, s5;
	[sflag:s9] =	ssyncadd.s32 $0xFFFFE000  }
0xe6: {  	[spmem:s3] =	stream.indirect.scatter.add.f32 [tilespmem:s0], [sflag:$0x9], $0x40, s17, s26, $0xb8;
	[tilespmem:$0x1C400] =	vst v63  }
0xe7: {  	_ = 	snop  }
0xe8: {  	[spmem:s4] =	stream.indirect.scatter.add.f32 [tilespmem:s18], [sflag:$0xE], $0x10, s17, s26, $0xb8;
	[tilespmem:$0x1C400] =	vst v63  }
0xe9: {  	_ =	swait.ge [sflag:s12], $0x2000  }
0xea: {  	[sflag:s12] =	ssyncset.done $0x0  }
0xeb: {  	[sflag:s12] =	ssyncadd.s32 $0xFFFFE000  }
0xec: {  	_ =	swait.ge [sflag:s13], $0x800  }
0xed: {  	[sflag:s13] =	ssyncset.done $0x0  }
0xee: {  	s17 =	sadd.s32 $0x580, s5;
	[sflag:s13] =	ssyncadd.s32 $0xFFFFF800  }
0xef: {  	[tilespmem:s29], [sflag:$0x2] =	stream.indirect.gather [hbm4b:s6+s26], $0x40, s17, s26, $0xb8;
	[tilespmem:$0x1C400] =	vst v63  }
0xf0: {  	_ =	swait.ge [sflag:s14], $0x2000  }
0xf1: {  	[sflag:s14] =	ssyncset.done $0x0  }
0xf2: {  	s17 =	sadd.s32 $0x3080, s5;
	[sflag:s14] =	ssyncadd.s32 $0xFFFFE000  }
0xf3: {  	[spmem:s3] =	stream.indirect.scatter.add.f32 [tilespmem:s2], [sflag:$0xA], $0x40, s17, s26, $0xb8;
	[tilespmem:$0x1C400] =	vst v63  }
0xf4: {  	_ = 	snop  }
0xf5: {  	[spmem:s4] =	stream.indirect.scatter.add.f32 [tilespmem:s18], [sflag:$0xF], $0x10, s17, s26, $0xb8;
	[tilespmem:$0x1C400] =	vst v63  }
0xf6: {  	_ =	swait.ge [sflag:s19], $0x2000  }
.Ltmp0:
0xf7: {  	[sflag:s19] =	ssyncset.done $0x0;
	(pc) =	sbr.rel @p0 .LBB2_2-.Ltmp0, $4  }
0xf8: {  	[sflag:s19] =	ssyncadd.s32 $0xFFFFE000  }
0xf9: {  	_ =	swait.ge [sflag:s1], $0x800  }
0xfa: {  	[sflag:s1] =	ssyncset.done $0x0  }
0xfb: {  	s5 =	sadd.s32 $0x600, s5;
	[sflag:s1] =	ssyncadd.s32 $0xFFFFF800  }
0xfc: {  	[tilespmem:s31], [sflag:$0x3] =	stream.indirect.gather [hbm4b:s6+s26], $0x40, s5, s26, $0xb8;
	[tilespmem:$0x1C400] =	vst v63  }
0xfd: {  	_ =	swait.ge [sflag:s11], $0x2000  }
0xfe: {  	[sflag:s11] =	ssyncset.done $0x0  }
0xff: {  	[sflag:s11] =	ssyncadd.s32 $0xFFFFE000  }
0x100: {  	_ =	swait.ge [sflag:s7], $0x800  }
0x101: {  	[sflag:s7] =	ssyncset.done $0x0  }
0x102: {  	[sflag:s7] =	ssyncadd.s32 $0xFFFFF800  }
0x103: {  	_ =	swait.ge [sflag:s21], $0x2000  }
0x104: {  	[sflag:s21] =	ssyncset.done $0x0  }
0x105: {  	[sflag:s21] =	ssyncadd.s32 $0xFFFFE000  }
0x106: {  	_ =	swait.ge [sflag:s22], $0x2000  }
0x107: {  	[sflag:s22] =	ssyncset.done $0x0  }
0x108: {  	[sflag:s22] =	ssyncadd.s32 $0xFFFFE000  }
0x109: {  	_ =	swait.ge [sflag:s23], $0x2000  }
0x10a: {  	[sflag:s23] =	ssyncset.done $0x0  }
0x10b: {  	[sflag:s23] =	ssyncadd.s32 $0xFFFFE000  }
0x10c: {  	[bflag:$0x0] =	sbarrier.arrive $0xFFFF  }
0x10d: {  	s17 =	rddreg [dreg:$0x9]  }
0x10e: {  	s16 =	rddreg [dreg:$0xb]  }
0x10f: {  	s15 =	simm.s32 $0x10;
	s5 =	sor.u32 $0x1C10, s17;
	s17 =	rddreg [dreg:$0xe]  }
0x110: {  	[hbm:s16], [sflag:s5] =	dma.local [spmem:s17], $0x1400  }
0x111: {  	_ =	swait.ge [sflag:s15], $0x1400  }
0x112: {  	[sflag:s15] =	ssyncset.done $0x0  }
0x113: {  	s16 =	rddreg [dreg:$0xc];
	[sflag:s15] =	ssyncadd.s32 $0xFFFFEC00  }
0x114: {  	[hbm:s16], [sflag:s5] =	dma.local [spmem:s10], $0x500  }
0x115: {  	_ =	swait.ge [sflag:s15], $0x500  }
0x116: {  	s5 =	rddreg [dreg:$0x10]  }
0x117: {  	s16 =	sadd.s32 $0x1, s5;
	s5 =	rddreg [dreg:$0xd]  }
0x118: {  	p0 =	sne.s32 s16, s5  }
.Ltmp1:
0x119: {  	_ = 	snop;
	(pc) =	sbr.rel @p0 .LBB2_1-.Ltmp1, $3  }
0x11a: {  	_ =	sdelay $0x1  }
0x11b: {  	[sflag:s15] =	ssyncset.done $0x0  }
0x11c: {  	[sflag:s15] =	ssyncadd.s32 $0xFFFFFB00  }
0x11d: {  	_ =	sfence.sel $0x180000  }
0x11e: {  	[bflag:$0x0] =	sbarrier.arrive $0xFFFF  }
0x11f: {  	_ =	strace $0x90000047  }
0x120: {  	s0 =	stileid.u32;
	[bflag:$0x2] =	sbarrier.arrive $0xFFFF  }
0x121: {  	p0 =	sne.s32 s0, $0x0;
	s0 =	rddreg [dreg:$0x4]  }
0x122: {  	s0 =	sadd.s32 @!p0 $0x100000, s0  }
0x123: {  	[sflag:s0] =	ssyncadd.tile.s32 @!p0 $0x1;
	_ =	shalt  }
.Lfunc_end2:
_tile_overlayer_lowered:
.L_overlay_start_2:
0x124: {  	(tag) =	ssettag $0x2  }
0x125: {  	s0 =	rddreg [dreg:$0x0];
	s2 =	stileid.u32  }
0x126: {  	s1 =	rddreg [dreg:$0x1];
	p0 =	sne.s32 s2, $0x0  }
0x127: {  	s3 =	rddreg [dreg:$0x2];
	[bflag:$0x3] =	sbarrier.arrive $0xFFFF;
	s2 =	simm.s32 @!p0 $0x1C10  }
0x128: {  	[timem:s3], [sflag:s2] =	dma.local @!p0 [hbm:s0], s1  }
0x129: {  	s0 =	simm.s32 @!p0 $0x10  }
0x12a: {  	_ =	swait.ge @!p0 [sflag:s0], s1  }
0x12b: {  	s1 =	ssub.s32 @!p0 $0x0, s1;
	[sflag:s0] =	ssyncset.done @!p0 $0x0  }
0x12c: {  	[sflag:s0] =	ssyncadd.s32 @!p0 s1  }
0x12d: {  	[bflag:$0x3] =	sbarrier.arrive $0xFFFF  }
0x12e: {  	_ =	shalt  }

// kernel: kernel.13.cloned.1.call-start
scs
__scs_entry_jumppad:
0x0: {  	(pc) =	sbr.rel $0x88, $3  }
0x1: {  	(tag) =	ssettag $0x0;
	lr =	simm.s32 $0x1  }
0x2: {  	[smem:$0x3F92] =	sst lr;
	_ =	strace $0xD0000000  }
0x3: {  	_ = 	snop  }
0x4: {  	_ = 	snop  }
0x5: {  	_ = 	snop  }
0x6: {  	_ = 	snop  }
0x7: {  	_ = 	snop  }
__scs_overlays_trampoline_lowered:
0x8: {  	[smem:$0x3FA1] =	sst s0  }
0x9: {  	[smem:$0x3FA2] =	sst s1  }
0xa: {  	[smem:$0x3FA3] =	sst s2  }
0xb: {  	[smem:$0x3FA4] =	sst s3  }
0xc: {  	[smem:$0x3FA5] =	sst s4  }
0xd: {  	[smem:$0x3FA6] =	sst s5  }
0xe: {  	[smem:$0x3FA7] =	sst s6  }
0xf: {  	[smem:$0x3FA8] =	sst s7  }
0x10: {  	[smem:$0x3FA9] =	sst s8  }
0x11: {  	[smem:$0x3FAA] =	sst s9;
	s0 =	simm.s32 @!p0 $0x0  }
0x12: {  	s1 =	sld [smem:$0x3F90];
	s0 =	simm.s32 @p0 $0x1  }
0x13: {  	[smem:$0x3FAB] =	sst s0;
	s0 =	simm.s32 @!p1 $0x0  }
0x14: {  	s2 =	sld [smem:$0x3F8F];
	s0 =	simm.s32 @p1 $0x1  }
0x15: {  	[smem:$0x3FAC] =	sst s0;
	s0 =	simm.s32 @!p2 $0x0  }
0x16: {  	s3 =	sld [smem:$0x3FDB];
	s0 =	simm.s32 @p2 $0x1  }
0x17: {  	s4 =	simm.s32 $0x1BF5;
	[smem:$0x3FAE] =	sst s0  }
0x18: {  	s0 =	sld [smem:$0x3F91];
	_ =	swait.ge [sflag:s4], $0x0  }
0x19: {  	s7 =	sld [smem:$0x3F92]  }
0x1a: {  	s8 =	sadd.s32 $0xFFFFE003, lr  }
0x1b: {  	s9 =	sadd.s32 $0xFFFFFEF7, lr;
	s5 =	simm.s32 $0xFFFFFFFF;
	p2 =	slt.u32 s8, $0xFFFFF086  }
0x1c: {  	p1 =	slt.u32 s9, $0xF7A;
	s5 =	simm.s32 @!p2 $0x0  }
0x1d: {  	s5 =	simm.s32 @p1 $0x1;
	p0 =	seq.s32 s7, s2  }
0x1e: {  	s7 =	smul.u32 @!p0 $0xF7A, s2;
	p2 =	seq.s32 @!p0 s5, $0x0  }
0x1f: {  	s9 =	smul.u32 $0xF7A, s1;
	s8 =	simm.s32 @!p0 $0x1BF5;
	p2 =	por !p2, p0  }
0x20: {  	[sflag:s8] =	ssyncset.s32 @!p0 $0xFFFFF086;
	s6 =	sadd.s32 @!p0 s3, s7;
	s7 =	simm.s32 @!p0 $0x108  }
0x21: {  	s3 =	sadd.s32 s3, s9;
	s6 =	sadd.s32 @!p0 $0x88, s6;
	s7 =	simm.s32 @p2 $0x1082  }
0x22: {  	[simem:s7], [sflag:s8] =	dma.local @!p0 [hbm:s6], $0xF7A  }
0x23: {  	s9 =	sor.u32 $0xD0000000, s2;
	s6 =	simm.s32 $0x108;
	_ =	swait.ge @!p0 [sflag:s8], $0x0  }
0x24: {  	s3 =	sadd.s32 $0x88, s3;
	s6 =	simm.s32 @!p1 $0x1082;
	[sflag:s4] =	ssyncset.s32 $0xFFFFF086  }
0x25: {  	[simem:s6], [sflag:s4] =	dma.local [hbm:s3], $0xF7A  }
0x26: {  	[smem:$0x3F92] =	sst s1;
	(tag) =	ssettag s2;
	_ =	strace s9  }
0x27: {  	s1 =	sld [smem:$0x3FA2]  }
0x28: {  	s2 =	sld [smem:$0x3FA3]  }
0x29: {  	s4 =	sld [smem:$0x3FA5]  }
0x2a: {  	p0 =	seq.s32 s5, $0x0;
	s5 =	sld [smem:$0x3FA6]  }
0x2b: {  	s6 =	sld [smem:$0x3FA7]  }
0x2c: {  	s7 =	sld [smem:$0x3FA8]  }
0x2d: {  	s3 =	simm.s32 $0x108;
	s8 =	sld [smem:$0x3FA9]  }
0x2e: {  	s3 =	simm.s32 @!p0 $0x1082;
	s9 =	sld [smem:$0x3FAA]  }
0x2f: {  	lr =	sadd.s32 s0, s3;
	s0 =	sld [smem:$0x3FA1]  }
0x30: {  	s3 =	sld [smem:$0x3FA4]  }
0x31: {  	[smem:$0x3FAD] =	sst s10  }
0x32: {  	s10 =	sld [smem:$0x3FAB];
	_ =	sdelay $0x3  }
0x33: {  	p0 =	seq.s32 s10, $0x1;
	s10 =	sld [smem:$0x3FAD];
	_ =	sdelay $0x3  }
0x34: {  	[smem:$0x3FAD] =	sst s10  }
0x35: {  	s10 =	sld [smem:$0x3FAC];
	_ =	sdelay $0x3  }
0x36: {  	p1 =	seq.s32 s10, $0x1;
	s10 =	sld [smem:$0x3FAD];
	_ =	sdelay $0x3  }
0x37: {  	[smem:$0x3FAD] =	sst s10  }
0x38: {  	s10 =	sld [smem:$0x3FAE]  }
0x39: {  	_ = 	snop;
	(pc) =	sbr.ind lr, $3  }
0x3a: {  	_ = 	snop  }
0x3b: {  	_ = 	snop  }
0x3c: {  	p2 =	seq.s32 s10, $0x1;
	s10 =	sld [smem:$0x3FAD]  }
0x3d: {  	_ =	shalt  }
0x3e: {  	_ =	shalt  }
0x3f: {  	_ =	shalt  }
0x40: {  	_ =	shalt  }
0x41: {  	_ =	shalt  }
0x42: {  	_ =	shalt  }
0x43: {  	_ =	shalt  }
0x44: {  	_ =	shalt  }
0x45: {  	_ =	shalt  }
0x46: {  	_ =	shalt  }
0x47: {  	_ =	shalt  }
0x48: {  	_ =	shalt  }
0x49: {  	_ =	shalt  }
0x4a: {  	_ =	shalt  }
0x4b: {  	_ =	shalt  }
0x4c: {  	_ =	shalt  }
0x4d: {  	_ =	shalt  }
0x4e: {  	_ =	shalt  }
0x4f: {  	_ =	shalt  }
0x50: {  	_ =	shalt  }
0x51: {  	_ =	shalt  }
0x52: {  	_ =	shalt  }
0x53: {  	_ =	shalt  }
0x54: {  	_ =	shalt  }
0x55: {  	_ =	shalt  }
0x56: {  	_ =	shalt  }
0x57: {  	_ =	shalt  }
0x58: {  	_ =	shalt  }
0x59: {  	_ =	shalt  }
0x5a: {  	_ =	shalt  }
0x5b: {  	_ =	shalt  }
0x5c: {  	_ =	shalt  }
0x5d: {  	_ =	shalt  }
0x5e: {  	_ =	shalt  }
0x5f: {  	_ =	shalt  }
0x60: {  	_ =	shalt  }
0x61: {  	_ =	shalt  }
0x62: {  	_ =	shalt  }
0x63: {  	_ =	shalt  }
0x64: {  	_ =	shalt  }
0x65: {  	_ =	shalt  }
0x66: {  	_ =	shalt  }
0x67: {  	_ =	shalt  }
0x68: {  	_ =	shalt  }
0x69: {  	_ =	shalt  }
0x6a: {  	_ =	shalt  }
0x6b: {  	_ =	shalt  }
0x6c: {  	_ =	shalt  }
0x6d: {  	_ =	shalt  }
0x6e: {  	_ =	shalt  }
0x6f: {  	_ =	shalt  }
0x70: {  	_ =	shalt  }
0x71: {  	_ =	shalt  }
0x72: {  	_ =	shalt  }
0x73: {  	_ =	shalt  }
0x74: {  	_ =	shalt  }
0x75: {  	_ =	shalt  }
0x76: {  	_ =	shalt  }
0x77: {  	_ =	shalt  }
0x78: {  	_ =	shalt  }
0x79: {  	_ =	shalt  }
0x7a: {  	_ =	shalt  }
0x7b: {  	_ =	shalt  }
0x7c: {  	_ =	shalt  }
0x7d: {  	_ =	shalt  }
0x7e: {  	_ =	shalt  }
0x7f: {  	_ =	shalt  }
0x80: {  	_ =	shalt  }
0x81: {  	_ =	shalt  }
0x82: {  	_ =	shalt  }
0x83: {  	_ =	shalt  }
0x84: {  	_ =	shalt  }
0x85: {  	_ =	shalt  }
0x86: {  	_ =	shalt  }
0x87: {  	_ =	shalt  }
.Lfunc_end0:
.L_simem_size_0:
called_computation.1_lowered:
.L_overlay_start_0:
0x88: {  	s2 =	sld [smem:$0x3FD9]  }
0x89: {  	s3 =	sld [smem:$0x3FFE];
	_ =	sdelay $0x1  }
0x8a: {  	s1 =	srdreg.scid  }
0x8b: {  	s0 =	sand.u32 $0x1, s1  }
0x8c: {  	s17 =	sshll.u32 s0, $0xA;
	s2 =	sadd.s32 s3, s2  }
0x8d: {  	s2 =	sadd.s32 s2, s17  }
0x8e: {  	[smem:$0x3FB9] =	sst s2  }
0x8f: {  	_ = 	snop  }
0x90: {  	s2 =	sld [smem:$0x3FD0];
	(tm) =	ssettm $0x1  }
0x91: {  	s18 =	sld [smem:$0x3FFB];
	_ =	sdelay $0x3  }
0x92: {  	_ =	strace s18  }
0x93: {  	s3 =	sld [smem:$0x3FFC];
	_ =	sdelay $0x3  }
0x94: {  	_ =	strace s3  }
0x95: {  	s3 =	sld [smem:$0x3FFD];
	_ =	sdelay $0x3  }
0x96: {  	_ =	strace s3  }
0x97: {  	_ =	strace $0x8FFFFFFF  }
0x98: {  	s19 =	sld [smem:$0x3FDB];
	_ =	sdelay $0x1  }
0x99: {  	s4 =	simm.s32 $_scs_section_size  }
0x9a: {  	s5 =	simm.s32 $_size__tile_overlayer_lowered;
	s6 =	simm.s32 $_tile_overlayer_lowered  }
0x9b: {  	s22 =	simm.s32 $0x1BFF;
	s21 =	sshll.u32 s6, $0x1;
	s3 =	sadd.s32 s4, s19  }
0x9c: {  	s7 =	simm.s32 $0x0;
	s20 =	sshll.u32 s5, $0x1;
	s5 =	sadd.s32 s21, s3  }
0x9d: {  	[timem:s7], [sflag:s22] =	dma.local [hbm:s5], s20  }
0x9e: {  	_ =	swait.ge [sflag:s22], s20  }
0x9f: {  	s4 =	ssub.s32 $0x0, s20;
	[sflag:s22] =	ssyncset.done $0x0  }
0xa0: {  	[sflag:s22] =	ssyncadd.s32 s4;
	_ =	sdelay $0x1  }
0xa1: {  	s23 =	simm.s32 $0x1B8B  }
0xa2: {  	_ =	swait.ge [sflag:s23], $0x1  }
0xa3: {  	[sflag:s23] =	ssyncset.done $0x0  }
0xa4: {  	s25 =	simm.s32 $0x1B8E;
	s24 =	sld [smem:$0x3FFE];
	[sflag:s23] =	ssyncadd.s32 $0xFFFFFFFF  }
0xa5: {  	s26 =	simm.s32 $execute0_lowered;
	[smem:$0x3FD2] =	sst s25  }
0xa6: {  	s5 =	sshll.u32 s26, $0x1;
	_ =	strace $0x80000049;
	[dreg:$0x1] =	wrdreg $0xFFFFFFFF  }
0xa7: {  	s28 =	simm.s32 $_size_execute0_lowered;
	s3 =	sadd.s32 s3, s5;
	[dreg:$0x0] =	wrdreg $0x0  }
0xa8: {  	s5 =	sshll.u32 s28, $0x1;
	[dreg:$0x2] =	wrdreg s3  }
0xa9: {  	[dreg:$0x3] =	wrdreg s5  }
0xaa: {  	[dreg:$0x4] =	wrdreg $0xC0  }
0xab: {  	_ =	task [dreg:s7], $0x5FFFF  }
0xac: {  	[dreg:$0x1] =	wrdreg $0xFFFFFFFF  }
0xad: {  	[dreg:$0x0] =	wrdreg $0x60  }
0xae: {  	[dreg:$0x2] =	wrdreg s24  }
0xaf: {  	[dreg:$0x3] =	wrdreg s2  }
0xb0: {  	[dreg:$0x4] =	wrdreg $0x154000  }
0xb1: {  	[dreg:$0x5] =	wrdreg $0x9  }
0xb2: {  	_ =	task.clear_ibuf [dreg:s7], $0x6FFFF;
	_ =	strace $0x90000049  }
0xb3: {  	s29 =	simm.s32 $0x9;
	_ =	strace $0x8000004B  }
0xb4: {  	_ =	swait.ge [sflag:s29], $0x1  }
0xb5: {  	[sflag:s29] =	ssyncadd.s32 $0xFFFFFFFF  }
0xb6: {  	_ =	strace $0x9000004B  }
0xb7: {  	_ =	sfence  }
0xb8: {  	s30 =	sld [smem:$0x0];
	_ =	sdelay $0x2  }
0xb9: {  	s31 =	sshll.u32 s1, $0xD;
	s1 =	sshrl.u32 s1, $0x2  }
0xba: {  	s3 =	sand.u32 $0x4000, s31;
	s1 =	sadd.s32 s1, s30  }
0xbb: {  	s0 =	sor.u32 s3, s0;
	s1 =	sshll.u32 s1, $0x11  }
0xbc: {  	s0 =	sor.u32 s1, s0  }
0xbd: {  	s0 =	sadd.s32 $0x8F2B, s0  }
0xbe: {  	[sflag:s0] =	ssyncadd.remote.s32 $0x1  }
0xbf: {  	_ =	sfence.sel $0xFFFF  }
0xc0: {  	[dreg:$0x0] =	wrdreg $0xFFFFFFFF;
	(pc) =	sbr.abs _section_cstart, $3  }
0xc1: {  	[dreg:$0x1] =	wrdreg $0xFFFFFFFF  }
0xc2: {  	_ =	task.clear_ibuf [dreg:s7], $0x2FFFF;
	_ =	strace $0x9FFFFFFF  }
0xc3: {  	(tm) =	ssettm $0x7FFFFFFF  }
tec
execute0_lowered:
.L_overlay_start_1:
0x0: {  	(tag) =	ssettag $0x1  }
0x1: {  	s0 =	rddreg [dreg:$0x0]  }
0x2: {  	s3 =	rddreg [dreg:$0x2];
	s1 =	srdreg.scid  }
0x3: {  	s2 =	simm.s32 $0x0;
	s8 =	stileid.u32;
	s14 =	simm.s32 $0x1  }
0x4: {  	s15 =	simm.s32 $0x2;
	s16 =	simm.s32 $0x3;
	s17 =	simm.s32 $0x80  }
0x5: {  	s18 =	simm.s32 $0x5400;
	s28 =	simm.s32 $0x4;
	s29 =	simm.s32 $0x9  }
0x6: {  	s30 =	simm.s32 $0x13400;
	s31 =	simm.s32 $0x5;
	s12 =	simm.s32 $0x7  }
0x7: {  	s11 =	simm.s32 $0x11;
	s1 =	sand.u32 $0x1, s1;
	s4 =	smul.u32 $0x1400, s8  }
0x8: {  	[smem:$0x7FF] =	sst s2;
	s5 =	sadd.s32 $0x2C00, s0;
	s7 =	smul.u32 $0x28000, s8  }
0x9: {  	s23 =	sshll.u32 s8, $0x6;
	s19 =	sshll.u32 s1, $0x4;
	_ =	strace $0x8000004A  }
0xa: {  	s6 =	smul.u32 $0x14000, s1;
	s1 =	ssub.s32 $0x2, s1;
	[dreg:$0x5] =	wrdreg s23  }
0xb: {  	s25 =	sor.u32 $0x1C03, s23;
	s23 =	simm.s32 $0xB400;
	s2 =	sor.u32 s8, s19  }
0xc: {  	s20 =	sshrl.u32 s1, $0x1;
	s22 =	sshrl.u32 s7, $0x2;
	[dreg:$0x7] =	wrdreg s25  }
0xd: {  	s19 =	simm.s32 $0x7400;
	s25 =	simm.s32 $0xF400;
	s7 =	simm.s32 $0x0  }
0xe: {  	s2 =	smul.u32 $0x500, s2;
	s4 =	sadd.s32 s4, s6;
	s1 =	ssub.s32 s1, s20  }
0xf: {  	s24 =	sadd.s32 s22, s3;
	s20 =	simm.s32 $0xC;
	s22 =	simm.s32 $0x8  }
0x10: {  	s6 =	simm.s32 $0xD;
	s26 =	smax.u32 s1, $0x1;
	s2 =	sadd.s32 s2, s0  }
0x11: {  	s13 =	sshrl.u32 s24, $0x3;
	[dreg:$0x9] =	wrdreg s26;
	s21 =	sadd.s32 $0x16C00, s2  }
0x12: {  	s0 =	sadd.s32 s4, s0;
	s2 =	sadd.s32 $0x20E00, s2;
	[dreg:$0x4] =	wrdreg s21  }
0x13: {  	s24 =	simm.s32 $0xD400;
	s0 =	sadd.s32 $0x2B000, s0;
	[dreg:$0x6] =	wrdreg s2  }
0x14: {  	s1 =	simm.s32 $0xB;
	s26 =	simm.s32 $0x11400;
	[dreg:$0x8] =	wrdreg s0  }
0x15: {  	s21 =	simm.s32 $0x9400;
	s0 =	simm.s32 $0xA;
	s2 =	simm.s32 $0x6  }
.LBB2_1:
0x16: {  	s8 =	simm.s32 $0x0;
	s4 =	rddreg [dreg:$0x4]  }
0x17: {  	[tilespmem:s8], [sflag:$0x1] =	stream.linear.gather [hbm4b:s4+s8], $0x2C00, $0x38;
	[tilespmem:$0x1F400] =	vst v63  }
0x18: {  	s10 =	rddreg [dreg:$0x6];
	s9 =	simm.s32 $0x2C00  }
0x19: {  	[tilespmem:s9], [sflag:$0x2] =	stream.linear.gather [hbm4b:s10+s8], $0x2800, $0x38;
	[tilespmem:$0x1F400] =	vst v63  }
0x1a: {  	s9 =	rddreg [dreg:$0x1]  }
0x1b: {  	s10 =	rddreg [dreg:$0x7]  }
0x1c: {  	[spmem:s13], [sflag:s10] =	dma.local [hbm:s9], $0x1400  }
0x1d: {  	_ =	swait.ge [sflag:s14], $0x2C00  }
0x1e: {  	[sflag:s14] =	ssyncset.done $0x0  }
0x1f: {  	[sflag:s14] =	ssyncadd.s32 $0xFFFFD400  }
0x20: {  	_ =	swait.ge [sflag:s15], $0x2800  }
0x21: {  	[sflag:s15] =	ssyncset.done $0x0  }
0x22: {  	[sflag:s15] =	ssyncadd.s32 $0xFFFFD800  }
0x23: {  	_ =	swait.ge [sflag:s16], $0x1400  }
0x24: {  	[sflag:s16] =	ssyncset.done $0x0  }
0x25: {  	[sflag:s16] =	ssyncadd.s32 $0xFFFFEC00  }
0x26: {  	[bflag:$0x0] =	sbarrier.arrive $0xFFFF  }
0x27: {  	[tilespmem:s18], [sflag:$0x1] =	stream.indirect.gather [hbm4b:s5+s17], $0x40, s8, s17, $0xb8;
	[tilespmem:$0x1F400] =	vst v63  }
0x28: {  	_ = 	snop  }
0x29: {  	[tilespmem:s19], [sflag:$0x2] =	stream.indirect.gather [hbm4b:s5+s17], $0x40, s17, s17, $0xb8;
	[tilespmem:$0x1F400] =	vst v63  }
0x2a: {  	s10 =	simm.s32 $0x100  }
0x2b: {  	[tilespmem:s21], [sflag:$0x3] =	stream.indirect.gather [hbm4b:s5+s17], $0x40, s10, s17, $0xb8;
	[tilespmem:$0x1F400] =	vst v63  }
0x2c: {  	s8 =	simm.s32 $0x180  }
0x2d: {  	[tilespmem:s23], [sflag:$0x4] =	stream.indirect.gather [hbm4b:s5+s17], $0x40, s8, s17, $0xb8;
	[tilespmem:$0x1F400] =	vst v63  }
0x2e: {  	_ =	swait.ge [sflag:s14], $0x2000  }
0x2f: {  	p0 =	por $0x1, $0x1;
	[sflag:s14] =	ssyncset.done $0x0  }
0x30: {  	s9 =	simm.s32 $0x2C00;
	s8 =	simm.s32 @!p0 $0xE;
	[sflag:s14] =	ssyncadd.s32 $0xFFFFE000  }
0x31: {  	[spmem:s3] =	stream.indirect.scatter.add.f32 [tilespmem:s18], [sflag:$0x9], $0x40, s9, s17, $0xb8;
	[tilespmem:$0x1F400] =	vst v63  }
0x32: {  	_ =	swait.ge @!p0 [sflag:s8], $0x2000  }
0x33: {  	[sflag:s8] =	ssyncset.done @!p0 $0x0  }
0x34: {  	s10 =	simm.s32 $0x200;
	[sflag:s8] =	ssyncadd.s32 @!p0 $0xFFFFE000  }
0x35: {  	[tilespmem:s24], [sflag:$0x5] =	stream.indirect.gather [hbm4b:s5+s17], $0x40, s10, s17, $0xb8;
	[tilespmem:$0x1F400] =	vst v63  }
0x36: {  	_ =	swait.ge [sflag:s15], $0x2000  }
0x37: {  	[sflag:s15] =	ssyncset.done $0x0  }
0x38: {  	s9 =	simm.s32 $0x2C80;
	s8 =	simm.s32 @!p0 $0xF;
	[sflag:s15] =	ssyncadd.s32 $0xFFFFE000  }
0x39: {  	[spmem:s3] =	stream.indirect.scatter.add.f32 [tilespmem:s19], [sflag:$0xA], $0x40, s9, s17, $0xb8;
	[tilespmem:$0x1F400] =	vst v63  }
0x3a: {  	_ =	swait.ge @!p0 [sflag:s8], $0x2000  }
0x3b: {  	[sflag:s8] =	ssyncset.done @!p0 $0x0  }
0x3c: {  	s10 =	simm.s32 $0x280;
	[sflag:s8] =	ssyncadd.s32 @!p0 $0xFFFFE000  }
0x3d: {  	[tilespmem:s25], [sflag:$0x6] =	stream.indirect.gather [hbm4b:s5+s17], $0x40, s10, s17, $0xb8;
	[tilespmem:$0x1F400] =	vst v63  }
0x3e: {  	_ =	swait.ge [sflag:s16], $0x2000  }
0x3f: {  	[sflag:s16] =	ssyncset.done $0x0  }
0x40: {  	s9 =	simm.s32 $0x2D00;
	s8 =	simm.s32 @!p0 $0x10;
	[sflag:s16] =	ssyncadd.s32 $0xFFFFE000  }
0x41: {  	[spmem:s3] =	stream.indirect.scatter.add.f32 [tilespmem:s21], [sflag:$0xB], $0x40, s9, s17, $0xb8;
	[tilespmem:$0x1F400] =	vst v63  }
0x42: {  	_ =	swait.ge @!p0 [sflag:s8], $0x2000  }
0x43: {  	[sflag:s8] =	ssyncset.done @!p0 $0x0  }
0x44: {  	s10 =	simm.s32 $0x300;
	[sflag:s8] =	ssyncadd.s32 @!p0 $0xFFFFE000  }
0x45: {  	[tilespmem:s26], [sflag:$0x7] =	stream.indirect.gather [hbm4b:s5+s17], $0x40, s10, s17, $0xb8;
	[tilespmem:$0x1F400] =	vst v63  }
0x46: {  	_ =	swait.ge [sflag:s28], $0x2000  }
0x47: {  	[sflag:s28] =	ssyncset.done $0x0  }
0x48: {  	s8 =	simm.s32 $0x2D80;
	[sflag:s28] =	ssyncadd.s32 $0xFFFFE000  }
0x49: {  	[spmem:s3] =	stream.indirect.scatter.add.f32 [tilespmem:s23], [sflag:$0xC], $0x40, s8, s17, $0xb8;
	[tilespmem:$0x1F400] =	vst v63  }
0x4a: {  	_ =	swait.ge [sflag:s29], $0x2000  }
0x4b: {  	[sflag:s29] =	ssyncset.done $0x0  }
0x4c: {  	s9 =	simm.s32 $0x380;
	[sflag:s29] =	ssyncadd.s32 $0xFFFFE000  }
0x4d: {  	[tilespmem:s30], [sflag:$0x8] =	stream.indirect.gather [hbm4b:s5+s17], $0x40, s9, s17, $0xb8;
	[tilespmem:$0x1F400] =	vst v63  }
0x4e: {  	_ =	swait.ge [sflag:s31], $0x2000  }
0x4f: {  	[sflag:s31] =	ssyncset.done $0x0  }
0x50: {  	s10 =	simm.s32 $0x2E00;
	[sflag:s31] =	ssyncadd.s32 $0xFFFFE000  }
0x51: {  	[spmem:s3] =	stream.indirect.scatter.add.f32 [tilespmem:s24], [sflag:$0xD], $0x40, s10, s17, $0xb8;
	[tilespmem:$0x1F400] =	vst v63  }
0x52: {  	_ =	swait.ge [sflag:s0], $0x2000  }
0x53: {  	[sflag:s0] =	ssyncset.done $0x0  }
0x54: {  	s8 =	simm.s32 $0x400;
	[sflag:s0] =	ssyncadd.s32 $0xFFFFE000  }
0x55: {  	[tilespmem:s18], [sflag:$0x1] =	stream.indirect.gather [hbm4b:s5+s17], $0x40, s8, s17, $0xb8;
	[tilespmem:$0x1F400] =	vst v63  }
0x56: {  	_ =	swait.ge [sflag:s2], $0x2000  }
0x57: {  	[sflag:s2] =	ssyncset.done $0x0  }
0x58: {  	s9 =	simm.s32 $0x2E80;
	[sflag:s2] =	ssyncadd.s32 $0xFFFFE000  }
0x59: {  	[spmem:s3] =	stream.indirect.scatter.add.f32 [tilespmem:s25], [sflag:$0xE], $0x40, s9, s17, $0xb8;
	[tilespmem:$0x1F400] =	vst v63  }
0x5a: {  	_ =	swait.ge [sflag:s1], $0x2000  }
0x5b: {  	[sflag:s1] =	ssyncset.done $0x0  }
0x5c: {  	s10 =	simm.s32 $0x480;
	[sflag:s1] =	ssyncadd.s32 $0xFFFFE000  }
0x5d: {  	[tilespmem:s19], [sflag:$0x2] =	stream.indirect.gather [hbm4b:s5+s17], $0x40, s10, s17, $0xb8;
	[tilespmem:$0x1F400] =	vst v63  }
0x5e: {  	_ =	swait.ge [sflag:s12], $0x2000  }
0x5f: {  	[sflag:s12] =	ssyncset.done $0x0  }
0x60: {  	s8 =	simm.s32 $0x2F00;
	[sflag:s12] =	ssyncadd.s32 $0xFFFFE000  }
0x61: {  	[spmem:s3] =	stream.indirect.scatter.add.f32 [tilespmem:s26], [sflag:$0xF], $0x40, s8, s17, $0xb8;
	[tilespmem:$0x1F400] =	vst v63  }
0x62: {  	_ =	swait.ge [sflag:s20], $0x2000  }
0x63: {  	[sflag:s20] =	ssyncset.done $0x0  }
0x64: {  	s9 =	simm.s32 $0x500;
	[sflag:s20] =	ssyncadd.s32 $0xFFFFE000  }
0x65: {  	[tilespmem:s21], [sflag:$0x3] =	stream.indirect.gather [hbm4b:s5+s17], $0x40, s9, s17, $0xb8;
	[tilespmem:$0x1F400] =	vst v63  }
0x66: {  	_ =	swait.ge [sflag:s22], $0x2000  }
0x67: {  	[sflag:s22] =	ssyncset.done $0x0  }
0x68: {  	s10 =	simm.s32 $0x2F80;
	[sflag:s22] =	ssyncadd.s32 $0xFFFFE000  }
0x69: {  	[spmem:s3] =	stream.indirect.scatter.add.f32 [tilespmem:s30], [sflag:$0x10], $0x40, s10, s17, $0xb8;
	[tilespmem:$0x1F400] =	vst v63  }
0x6a: {  	_ =	swait.ge [sflag:s6], $0x2000  }
0x6b: {  	s4 =	simm.s32 $0x1000;
	s8 =	simm.s32 $0x580;
	[sflag:s6] =	ssyncset.done $0x0  }
.LBB2_2:
0x6c: {  	[sflag:s6] =	ssyncadd.s32 $0xFFFFE000;
	s9 =	smov.u32 s4;
	s4 =	sadd.s32 $0x1000, s4  }
0x6d: {  	[tilespmem:s23], [sflag:$0x4] =	stream.indirect.gather [hbm4b:s5+s17], $0x40, s8, s17, $0xb8;
	[tilespmem:$0x1F400] =	vst v63  }
0x6e: {  	s8 =	sshra.s32 s9, $0x2;
	p0 =	sne.s32 s4, $0xA000;
	_ =	swait.ge [sflag:s14], $0x2000  }
0x6f: {  	p1 =	seq.s32 s9, $0x0;
	s10 =	sadd.s32 $0x2C00, s8;
	[sflag:s14] =	ssyncset.done $0x0  }
0x70: {  	s9 =	simm.s32 @!p1 $0xE;
	[sflag:s14] =	ssyncadd.s32 $0xFFFFE000  }
0x71: {  	[spmem:s3] =	stream.indirect.scatter.add.f32 [tilespmem:s18], [sflag:$0x9], $0x40, s10, s17, $0xb8;
	[tilespmem:$0x1F400] =	vst v63  }
0x72: {  	_ =	swait.ge @!p1 [sflag:s9], $0x2000  }
0x73: {  	s10 =	sadd.s32 $0x200, s8;
	[sflag:s9] =	ssyncset.done @!p1 $0x0  }
0x74: {  	[sflag:s9] =	ssyncadd.s32 @!p1 $0xFFFFE000  }
0x75: {  	[tilespmem:s24], [sflag:$0x5] =	stream.indirect.gather [hbm4b:s5+s17], $0x40, s10, s17, $0xb8;
	[tilespmem:$0x1F400] =	vst v63  }
0x76: {  	_ =	swait.ge [sflag:s15], $0x2000  }
0x77: {  	s9 =	sadd.s32 $0x2C80, s8;
	[sflag:s15] =	ssyncset.done $0x0  }
0x78: {  	s10 =	simm.s32 @!p1 $0xF;
	[sflag:s15] =	ssyncadd.s32 $0xFFFFE000  }
0x79: {  	[spmem:s3] =	stream.indirect.scatter.add.f32 [tilespmem:s19], [sflag:$0xA], $0x40, s9, s17, $0xb8;
	[tilespmem:$0x1F400] =	vst v63  }
0x7a: {  	_ =	swait.ge @!p1 [sflag:s10], $0x2000  }
0x7b: {  	s9 =	sadd.s32 $0x280, s8;
	[sflag:s10] =	ssyncset.done @!p1 $0x0  }
0x7c: {  	[sflag:s10] =	ssyncadd.s32 @!p1 $0xFFFFE000  }
0x7d: {  	[tilespmem:s25], [sflag:$0x6] =	stream.indirect.gather [hbm4b:s5+s17], $0x40, s9, s17, $0xb8;
	[tilespmem:$0x1F400] =	vst v63  }
0x7e: {  	_ =	swait.ge [sflag:s16], $0x2000  }
0x7f: {  	s9 =	sadd.s32 $0x2D00, s8;
	[sflag:s16] =	ssyncset.done $0x0  }
0x80: {  	s10 =	simm.s32 @!p1 $0x10;
	[sflag:s16] =	ssyncadd.s32 $0xFFFFE000  }
0x81: {  	[spmem:s3] =	stream.indirect.scatter.add.f32 [tilespmem:s21], [sflag:$0xB], $0x40, s9, s17, $0xb8;
	[tilespmem:$0x1F400] =	vst v63  }
0x82: {  	_ =	swait.ge @!p1 [sflag:s10], $0x2000  }
0x83: {  	s9 =	sadd.s32 $0x300, s8;
	[sflag:s10] =	ssyncset.done @!p1 $0x0  }
0x84: {  	[sflag:s10] =	ssyncadd.s32 @!p1 $0xFFFFE000  }
0x85: {  	[tilespmem:s26], [sflag:$0x7] =	stream.indirect.gather [hbm4b:s5+s17], $0x40, s9, s17, $0xb8;
	[tilespmem:$0x1F400] =	vst v63  }
0x86: {  	_ =	swait.ge [sflag:s28], $0x2000  }
0x87: {  	s9 =	sadd.s32 $0x2D80, s8;
	[sflag:s28] =	ssyncset.done $0x0  }
0x88: {  	[sflag:s28] =	ssyncadd.s32 $0xFFFFE000  }
0x89: {  	[spmem:s3] =	stream.indirect.scatter.add.f32 [tilespmem:s23], [sflag:$0xC], $0x40, s9, s17, $0xb8;
	[tilespmem:$0x1F400] =	vst v63  }
0x8a: {  	_ =	swait.ge [sflag:s29], $0x2000  }
0x8b: {  	s9 =	sadd.s32 $0x380, s8;
	[sflag:s29] =	ssyncset.done $0x0  }
0x8c: {  	[sflag:s29] =	ssyncadd.s32 $0xFFFFE000  }
0x8d: {  	[tilespmem:s30], [sflag:$0x8] =	stream.indirect.gather [hbm4b:s5+s17], $0x40, s9, s17, $0xb8;
	[tilespmem:$0x1F400] =	vst v63  }
0x8e: {  	_ =	swait.ge [sflag:s31], $0x2000  }
0x8f: {  	s9 =	sadd.s32 $0x2E00, s8;
	[sflag:s31] =	ssyncset.done $0x0  }
0x90: {  	[sflag:s31] =	ssyncadd.s32 $0xFFFFE000  }
0x91: {  	[spmem:s3] =	stream.indirect.scatter.add.f32 [tilespmem:s24], [sflag:$0xD], $0x40, s9, s17, $0xb8;
	[tilespmem:$0x1F400] =	vst v63  }
0x92: {  	_ =	swait.ge [sflag:s0], $0x2000  }
0x93: {  	s9 =	sadd.s32 $0x400, s8;
	[sflag:s0] =	ssyncset.done $0x0  }
0x94: {  	[sflag:s0] =	ssyncadd.s32 $0xFFFFE000  }
0x95: {  	[tilespmem:s18], [sflag:$0x1] =	stream.indirect.gather [hbm4b:s5+s17], $0x40, s9, s17, $0xb8;
	[tilespmem:$0x1F400] =	vst v63  }
0x96: {  	_ =	swait.ge [sflag:s2], $0x2000  }
0x97: {  	s9 =	sadd.s32 $0x2E80, s8;
	[sflag:s2] =	ssyncset.done $0x0  }
0x98: {  	[sflag:s2] =	ssyncadd.s32 $0xFFFFE000  }
0x99: {  	[spmem:s3] =	stream.indirect.scatter.add.f32 [tilespmem:s25], [sflag:$0xE], $0x40, s9, s17, $0xb8;
	[tilespmem:$0x1F400] =	vst v63  }
0x9a: {  	_ =	swait.ge [sflag:s1], $0x2000  }
0x9b: {  	s9 =	sadd.s32 $0x480, s8;
	[sflag:s1] =	ssyncset.done $0x0  }
0x9c: {  	[sflag:s1] =	ssyncadd.s32 $0xFFFFE000  }
0x9d: {  	[tilespmem:s19], [sflag:$0x2] =	stream.indirect.gather [hbm4b:s5+s17], $0x40, s9, s17, $0xb8;
	[tilespmem:$0x1F400] =	vst v63  }
0x9e: {  	_ =	swait.ge [sflag:s12], $0x2000  }
0x9f: {  	s9 =	sadd.s32 $0x2F00, s8;
	[sflag:s12] =	ssyncset.done $0x0  }
0xa0: {  	[sflag:s12] =	ssyncadd.s32 $0xFFFFE000  }
0xa1: {  	[spmem:s3] =	stream.indirect.scatter.add.f32 [tilespmem:s26], [sflag:$0xF], $0x40, s9, s17, $0xb8;
	[tilespmem:$0x1F400] =	vst v63  }
0xa2: {  	_ =	swait.ge [sflag:s20], $0x2000  }
0xa3: {  	s9 =	sadd.s32 $0x500, s8;
	[sflag:s20] =	ssyncset.done $0x0  }
0xa4: {  	[sflag:s20] =	ssyncadd.s32 $0xFFFFE000  }
0xa5: {  	[tilespmem:s21], [sflag:$0x3] =	stream.indirect.gather [hbm4b:s5+s17], $0x40, s9, s17, $0xb8;
	[tilespmem:$0x1F400] =	vst v63  }
0xa6: {  	_ =	swait.ge [sflag:s22], $0x2000  }
.Ltmp0:
0xa7: {  	s9 =	sadd.s32 $0x2F80, s8;
	[sflag:s22] =	ssyncset.done $0x0;
	(pc) =	sbr.rel @p0 .LBB2_2-.Ltmp0, $4  }
0xa8: {  	[sflag:s22] =	ssyncadd.s32 $0xFFFFE000  }
0xa9: {  	[spmem:s3] =	stream.indirect.scatter.add.f32 [tilespmem:s30], [sflag:$0x10], $0x40, s9, s17, $0xb8;
	[tilespmem:$0x1F400] =	vst v63  }
0xaa: {  	_ =	swait.ge [sflag:s6], $0x2000  }
0xab: {  	s8 =	sadd.s32 $0x580, s8;
	[sflag:s6] =	ssyncset.done $0x0  }
0xac: {  	[sflag:s6] =	ssyncadd.s32 $0xFFFFE000;
	s4 =	simm.s32 $0xE  }
0xad: {  	[tilespmem:s23], [sflag:$0x4] =	stream.indirect.gather [hbm4b:s5+s17], $0x40, s8, s17, $0xb8;
	[tilespmem:$0x1F400] =	vst v63  }
0xae: {  	_ =	swait.ge [sflag:s4], $0x2000  }
0xaf: {  	[sflag:s4] =	ssyncset.done $0x0  }
0xb0: {  	s9 =	simm.s32 $0xF;
	[sflag:s4] =	ssyncadd.s32 $0xFFFFE000  }
0xb1: {  	_ =	swait.ge [sflag:s9], $0x2000  }
0xb2: {  	[sflag:s9] =	ssyncset.done $0x0  }
0xb3: {  	s10 =	simm.s32 $0x10;
	[sflag:s9] =	ssyncadd.s32 $0xFFFFE000  }
0xb4: {  	_ =	swait.ge [sflag:s10], $0x2000  }
0xb5: {  	[sflag:s10] =	ssyncset.done $0x0  }
0xb6: {  	[sflag:s10] =	ssyncadd.s32 $0xFFFFE000  }
0xb7: {  	_ =	swait.ge [sflag:s14], $0x2000  }
0xb8: {  	[sflag:s14] =	ssyncset.done $0x0  }
0xb9: {  	[sflag:s14] =	ssyncadd.s32 $0xFFFFE000  }
0xba: {  	_ =	swait.ge [sflag:s15], $0x2000  }
0xbb: {  	[sflag:s15] =	ssyncset.done $0x0  }
0xbc: {  	[sflag:s15] =	ssyncadd.s32 $0xFFFFE000  }
0xbd: {  	_ =	swait.ge [sflag:s16], $0x2000  }
0xbe: {  	[sflag:s16] =	ssyncset.done $0x0  }
0xbf: {  	[sflag:s16] =	ssyncadd.s32 $0xFFFFE000  }
0xc0: {  	_ =	swait.ge [sflag:s28], $0x2000  }
0xc1: {  	[sflag:s28] =	ssyncset.done $0x0  }
0xc2: {  	[sflag:s28] =	ssyncadd.s32 $0xFFFFE000  }
0xc3: {  	[bflag:$0x0] =	sbarrier.arrive $0xFFFF  }
0xc4: {  	s8 =	rddreg [dreg:$0x5]  }
0xc5: {  	s9 =	rddreg [dreg:$0x8];
	s4 =	sor.u32 $0x1C11, s8  }
0xc6: {  	[hbm:s9], [sflag:s4] =	dma.local [spmem:s13], $0x1400  }
0xc7: {  	_ =	swait.ge [sflag:s11], $0x1400  }
0xc8: {  	s7 =	sadd.s32 $0x1, s7;
	s10 =	rddreg [dreg:$0x9]  }
0xc9: {  	p0 =	sne.s32 s7, s10  }
.Ltmp1:
0xca: {  	_ = 	snop;
	(pc) =	sbr.rel @p0 .LBB2_1-.Ltmp1, $3  }
0xcb: {  	_ =	sdelay $0x1  }
0xcc: {  	[sflag:s11] =	ssyncset.done $0x0  }
0xcd: {  	[sflag:s11] =	ssyncadd.s32 $0xFFFFEC00  }
0xce: {  	_ =	sfence.sel $0x180000  }
0xcf: {  	[bflag:$0x0] =	sbarrier.arrive $0xFFFF  }
0xd0: {  	_ =	strace $0x9000004A  }
0xd1: {  	s0 =	stileid.u32;
	[bflag:$0x2] =	sbarrier.arrive $0xFFFF  }
0xd2: {  	p0 =	sne.s32 s0, $0x0;
	s0 =	rddreg [dreg:$0x3]  }
0xd3: {  	s0 =	sadd.s32 @!p0 $0x100000, s0  }
0xd4: {  	[sflag:s0] =	ssyncadd.tile.s32 @!p0 $0x1;
	_ =	shalt  }
.Lfunc_end2:
_tile_overlayer_lowered:
.L_overlay_start_2:
0xd5: {  	(tag) =	ssettag $0x2  }
0xd6: {  	s0 =	rddreg [dreg:$0x0];
	s2 =	stileid.u32  }
0xd7: {  	s1 =	rddreg [dreg:$0x1];
	p0 =	sne.s32 s2, $0x0  }
0xd8: {  	s3 =	rddreg [dreg:$0x2];
	[bflag:$0x3] =	sbarrier.arrive $0xFFFF;
	s2 =	simm.s32 @!p0 $0x1C11  }
0xd9: {  	[timem:s3], [sflag:s2] =	dma.local @!p0 [hbm:s0], s1  }
0xda: {  	s0 =	simm.s32 @!p0 $0x11  }
0xdb: {  	_ =	swait.ge @!p0 [sflag:s0], s1  }
0xdc: {  	s1 =	ssub.s32 @!p0 $0x0, s1;
	[sflag:s0] =	ssyncset.done @!p0 $0x0  }
0xdd: {  	[sflag:s0] =	ssyncadd.s32 @!p0 s1  }
0xde: {  	[bflag:$0x3] =	sbarrier.arrive $0xFFFF  }
0xdf: {  	_ =	shalt  }

// kernel: kernel.16.cloned.1.call-start
scs
__scs_entry_jumppad:
0x0: {  	(pc) =	sbr.rel $0x88, $3  }
0x1: {  	(tag) =	ssettag $0x0;
	lr =	simm.s32 $0x1  }
0x2: {  	[smem:$0x3F92] =	sst lr;
	_ =	strace $0xD0000000  }
0x3: {  	_ = 	snop  }
0x4: {  	_ = 	snop  }
0x5: {  	_ = 	snop  }
0x6: {  	_ = 	snop  }
0x7: {  	_ = 	snop  }
__scs_overlays_trampoline_lowered:
0x8: {  	[smem:$0x3FA1] =	sst s0  }
0x9: {  	[smem:$0x3FA2] =	sst s1  }
0xa: {  	[smem:$0x3FA3] =	sst s2  }
0xb: {  	[smem:$0x3FA4] =	sst s3  }
0xc: {  	[smem:$0x3FA5] =	sst s4  }
0xd: {  	[smem:$0x3FA6] =	sst s5  }
0xe: {  	[smem:$0x3FA7] =	sst s6  }
0xf: {  	[smem:$0x3FA8] =	sst s7  }
0x10: {  	[smem:$0x3FA9] =	sst s8  }
0x11: {  	[smem:$0x3FAA] =	sst s9;
	s0 =	simm.s32 @!p0 $0x0  }
0x12: {  	s1 =	sld [smem:$0x3F90];
	s0 =	simm.s32 @p0 $0x1  }
0x13: {  	[smem:$0x3FAB] =	sst s0;
	s0 =	simm.s32 @!p1 $0x0  }
0x14: {  	s2 =	sld [smem:$0x3F8F];
	s0 =	simm.s32 @p1 $0x1  }
0x15: {  	[smem:$0x3FAC] =	sst s0;
	s0 =	simm.s32 @!p2 $0x0  }
0x16: {  	s3 =	sld [smem:$0x3FDB];
	s0 =	simm.s32 @p2 $0x1  }
0x17: {  	s4 =	simm.s32 $0x1BF5;
	[smem:$0x3FAE] =	sst s0  }
0x18: {  	s0 =	sld [smem:$0x3F91];
	_ =	swait.ge [sflag:s4], $0x0  }
0x19: {  	s7 =	sld [smem:$0x3F92]  }
0x1a: {  	s8 =	sadd.s32 $0xFFFFE003, lr  }
0x1b: {  	s9 =	sadd.s32 $0xFFFFFEF7, lr;
	s5 =	simm.s32 $0xFFFFFFFF;
	p2 =	slt.u32 s8, $0xFFFFF086  }
0x1c: {  	p1 =	slt.u32 s9, $0xF7A;
	s5 =	simm.s32 @!p2 $0x0  }
0x1d: {  	s5 =	simm.s32 @p1 $0x1;
	p0 =	seq.s32 s7, s2  }
0x1e: {  	s7 =	smul.u32 @!p0 $0xF7A, s2;
	p2 =	seq.s32 @!p0 s5, $0x0  }
0x1f: {  	s9 =	smul.u32 $0xF7A, s1;
	s8 =	simm.s32 @!p0 $0x1BF5;
	p2 =	por !p2, p0  }
0x20: {  	[sflag:s8] =	ssyncset.s32 @!p0 $0xFFFFF086;
	s6 =	sadd.s32 @!p0 s3, s7;
	s7 =	simm.s32 @!p0 $0x108  }
0x21: {  	s3 =	sadd.s32 s3, s9;
	s6 =	sadd.s32 @!p0 $0x88, s6;
	s7 =	simm.s32 @p2 $0x1082  }
0x22: {  	[simem:s7], [sflag:s8] =	dma.local @!p0 [hbm:s6], $0xF7A  }
0x23: {  	s9 =	sor.u32 $0xD0000000, s2;
	s6 =	simm.s32 $0x108;
	_ =	swait.ge @!p0 [sflag:s8], $0x0  }
0x24: {  	s3 =	sadd.s32 $0x88, s3;
	s6 =	simm.s32 @!p1 $0x1082;
	[sflag:s4] =	ssyncset.s32 $0xFFFFF086  }
0x25: {  	[simem:s6], [sflag:s4] =	dma.local [hbm:s3], $0xF7A  }
0x26: {  	[smem:$0x3F92] =	sst s1;
	(tag) =	ssettag s2;
	_ =	strace s9  }
0x27: {  	s1 =	sld [smem:$0x3FA2]  }
0x28: {  	s2 =	sld [smem:$0x3FA3]  }
0x29: {  	s4 =	sld [smem:$0x3FA5]  }
0x2a: {  	p0 =	seq.s32 s5, $0x0;
	s5 =	sld [smem:$0x3FA6]  }
0x2b: {  	s6 =	sld [smem:$0x3FA7]  }
0x2c: {  	s7 =	sld [smem:$0x3FA8]  }
0x2d: {  	s3 =	simm.s32 $0x108;
	s8 =	sld [smem:$0x3FA9]  }
0x2e: {  	s3 =	simm.s32 @!p0 $0x1082;
	s9 =	sld [smem:$0x3FAA]  }
0x2f: {  	lr =	sadd.s32 s0, s3;
	s0 =	sld [smem:$0x3FA1]  }
0x30: {  	s3 =	sld [smem:$0x3FA4]  }
0x31: {  	[smem:$0x3FAD] =	sst s10  }
0x32: {  	s10 =	sld [smem:$0x3FAB];
	_ =	sdelay $0x3  }
0x33: {  	p0 =	seq.s32 s10, $0x1;
	s10 =	sld [smem:$0x3FAD];
	_ =	sdelay $0x3  }
0x34: {  	[smem:$0x3FAD] =	sst s10  }
0x35: {  	s10 =	sld [smem:$0x3FAC];
	_ =	sdelay $0x3  }
0x36: {  	p1 =	seq.s32 s10, $0x1;
	s10 =	sld [smem:$0x3FAD];
	_ =	sdelay $0x3  }
0x37: {  	[smem:$0x3FAD] =	sst s10  }
0x38: {  	s10 =	sld [smem:$0x3FAE]  }
0x39: {  	_ = 	snop;
	(pc) =	sbr.ind lr, $3  }
0x3a: {  	_ = 	snop  }
0x3b: {  	_ = 	snop  }
0x3c: {  	p2 =	seq.s32 s10, $0x1;
	s10 =	sld [smem:$0x3FAD]  }
0x3d: {  	_ =	shalt  }
0x3e: {  	_ =	shalt  }
0x3f: {  	_ =	shalt  }
0x40: {  	_ =	shalt  }
0x41: {  	_ =	shalt  }
0x42: {  	_ =	shalt  }
0x43: {  	_ =	shalt  }
0x44: {  	_ =	shalt  }
0x45: {  	_ =	shalt  }
0x46: {  	_ =	shalt  }
0x47: {  	_ =	shalt  }
0x48: {  	_ =	shalt  }
0x49: {  	_ =	shalt  }
0x4a: {  	_ =	shalt  }
0x4b: {  	_ =	shalt  }
0x4c: {  	_ =	shalt  }
0x4d: {  	_ =	shalt  }
0x4e: {  	_ =	shalt  }
0x4f: {  	_ =	shalt  }
0x50: {  	_ =	shalt  }
0x51: {  	_ =	shalt  }
0x52: {  	_ =	shalt  }
0x53: {  	_ =	shalt  }
0x54: {  	_ =	shalt  }
0x55: {  	_ =	shalt  }
0x56: {  	_ =	shalt  }
0x57: {  	_ =	shalt  }
0x58: {  	_ =	shalt  }
0x59: {  	_ =	shalt  }
0x5a: {  	_ =	shalt  }
0x5b: {  	_ =	shalt  }
0x5c: {  	_ =	shalt  }
0x5d: {  	_ =	shalt  }
0x5e: {  	_ =	shalt  }
0x5f: {  	_ =	shalt  }
0x60: {  	_ =	shalt  }
0x61: {  	_ =	shalt  }
0x62: {  	_ =	shalt  }
0x63: {  	_ =	shalt  }
0x64: {  	_ =	shalt  }
0x65: {  	_ =	shalt  }
0x66: {  	_ =	shalt  }
0x67: {  	_ =	shalt  }
0x68: {  	_ =	shalt  }
0x69: {  	_ =	shalt  }
0x6a: {  	_ =	shalt  }
0x6b: {  	_ =	shalt  }
0x6c: {  	_ =	shalt  }
0x6d: {  	_ =	shalt  }
0x6e: {  	_ =	shalt  }
0x6f: {  	_ =	shalt  }
0x70: {  	_ =	shalt  }
0x71: {  	_ =	shalt  }
0x72: {  	_ =	shalt  }
0x73: {  	_ =	shalt  }
0x74: {  	_ =	shalt  }
0x75: {  	_ =	shalt  }
0x76: {  	_ =	shalt  }
0x77: {  	_ =	shalt  }
0x78: {  	_ =	shalt  }
0x79: {  	_ =	shalt  }
0x7a: {  	_ =	shalt  }
0x7b: {  	_ =	shalt  }
0x7c: {  	_ =	shalt  }
0x7d: {  	_ =	shalt  }
0x7e: {  	_ =	shalt  }
0x7f: {  	_ =	shalt  }
0x80: {  	_ =	shalt  }
0x81: {  	_ =	shalt  }
0x82: {  	_ =	shalt  }
0x83: {  	_ =	shalt  }
0x84: {  	_ =	shalt  }
0x85: {  	_ =	shalt  }
0x86: {  	_ =	shalt  }
0x87: {  	_ =	shalt  }
.Lfunc_end0:
.L_simem_size_0:
called_computation.2_lowered:
.L_overlay_start_0:
0x88: {  	s2 =	sld [smem:$0x3FD9]  }
0x89: {  	s3 =	sld [smem:$0x3FFE];
	_ =	sdelay $0x1  }
0x8a: {  	s1 =	srdreg.scid  }
0x8b: {  	s0 =	sand.u32 $0x1, s1  }
0x8c: {  	s17 =	sshll.u32 s0, $0xA;
	s2 =	sadd.s32 s3, s2  }
0x8d: {  	s2 =	sadd.s32 s2, s17  }
0x8e: {  	[smem:$0x3FB9] =	sst s2  }
0x8f: {  	_ = 	snop  }
0x90: {  	s2 =	sld [smem:$0x3FD0];
	(tm) =	ssettm $0x1  }
0x91: {  	s18 =	sld [smem:$0x3FFB];
	_ =	sdelay $0x3  }
0x92: {  	_ =	strace s18  }
0x93: {  	s3 =	sld [smem:$0x3FFC];
	_ =	sdelay $0x3  }
0x94: {  	_ =	strace s3  }
0x95: {  	s3 =	sld [smem:$0x3FFD];
	_ =	sdelay $0x3  }
0x96: {  	_ =	strace s3  }
0x97: {  	_ =	strace $0x8FFFFFFF  }
0x98: {  	s19 =	sld [smem:$0x3FDB];
	_ =	sdelay $0x1  }
0x99: {  	s4 =	simm.s32 $_scs_section_size  }
0x9a: {  	s5 =	simm.s32 $_size__tile_overlayer_lowered;
	s6 =	simm.s32 $_tile_overlayer_lowered  }
0x9b: {  	s22 =	simm.s32 $0x1BFF;
	s21 =	sshll.u32 s6, $0x1;
	s3 =	sadd.s32 s4, s19  }
0x9c: {  	s7 =	simm.s32 $0x0;
	s20 =	sshll.u32 s5, $0x1;
	s5 =	sadd.s32 s21, s3  }
0x9d: {  	[timem:s7], [sflag:s22] =	dma.local [hbm:s5], s20  }
0x9e: {  	_ =	swait.ge [sflag:s22], s20  }
0x9f: {  	s4 =	ssub.s32 $0x0, s20;
	[sflag:s22] =	ssyncset.done $0x0  }
0xa0: {  	[sflag:s22] =	ssyncadd.s32 s4;
	_ =	sdelay $0x1  }
0xa1: {  	s23 =	simm.s32 $0x1B8B  }
0xa2: {  	_ =	swait.ge [sflag:s23], $0x1  }
0xa3: {  	[sflag:s23] =	ssyncset.done $0x0  }
0xa4: {  	s25 =	simm.s32 $0x1B8E;
	s24 =	sld [smem:$0x3FFE];
	[sflag:s23] =	ssyncadd.s32 $0xFFFFFFFF  }
0xa5: {  	s26 =	simm.s32 $execute0_lowered;
	[smem:$0x3FD2] =	sst s25  }
0xa6: {  	s5 =	sshll.u32 s26, $0x1;
	_ =	strace $0x8000004C;
	[dreg:$0x1] =	wrdreg $0xFFFFFFFF  }
0xa7: {  	s28 =	simm.s32 $_size_execute0_lowered;
	s3 =	sadd.s32 s3, s5;
	[dreg:$0x0] =	wrdreg $0x0  }
0xa8: {  	s5 =	sshll.u32 s28, $0x1;
	[dreg:$0x2] =	wrdreg s3  }
0xa9: {  	[dreg:$0x3] =	wrdreg s5  }
0xaa: {  	[dreg:$0x4] =	wrdreg $0xC0  }
0xab: {  	_ =	task [dreg:s7], $0x5FFFF  }
0xac: {  	[dreg:$0x1] =	wrdreg $0xFFFFFFFF  }
0xad: {  	[dreg:$0x0] =	wrdreg $0x60  }
0xae: {  	[dreg:$0x2] =	wrdreg s24  }
0xaf: {  	[dreg:$0x3] =	wrdreg s2  }
0xb0: {  	[dreg:$0x4] =	wrdreg $0xD4000  }
0xb1: {  	[dreg:$0x5] =	wrdreg $0x9  }
0xb2: {  	_ =	task.clear_ibuf [dreg:s7], $0x6FFFF;
	_ =	strace $0x9000004C  }
0xb3: {  	s29 =	simm.s32 $0x9;
	_ =	strace $0x8000004E  }
0xb4: {  	_ =	swait.ge [sflag:s29], $0x1  }
0xb5: {  	[sflag:s29] =	ssyncadd.s32 $0xFFFFFFFF  }
0xb6: {  	_ =	strace $0x9000004E  }
0xb7: {  	_ =	sfence  }
0xb8: {  	s30 =	sld [smem:$0x0];
	_ =	sdelay $0x2  }
0xb9: {  	s31 =	sshll.u32 s1, $0xD;
	s1 =	sshrl.u32 s1, $0x2  }
0xba: {  	s3 =	sand.u32 $0x4000, s31;
	s1 =	sadd.s32 s1, s30  }
0xbb: {  	s0 =	sor.u32 s3, s0;
	s1 =	sshll.u32 s1, $0x11  }
0xbc: {  	s0 =	sor.u32 s1, s0  }
0xbd: {  	s0 =	sadd.s32 $0x8F2B, s0  }
0xbe: {  	[sflag:s0] =	ssyncadd.remote.s32 $0x1  }
0xbf: {  	_ =	sfence.sel $0xFFFF  }
0xc0: {  	[dreg:$0x0] =	wrdreg $0xFFFFFFFF;
	(pc) =	sbr.abs _section_cstart, $3  }
0xc1: {  	[dreg:$0x1] =	wrdreg $0xFFFFFFFF  }
0xc2: {  	_ =	task.clear_ibuf [dreg:s7], $0x2FFFF;
	_ =	strace $0x9FFFFFFF  }
0xc3: {  	(tm) =	ssettm $0x7FFFFFFF  }
tec
execute0_lowered:
.L_overlay_start_1:
0x0: {  	(tag) =	ssettag $0x1  }
0x1: {  	s0 =	rddreg [dreg:$0x0]  }
0x2: {  	s3 =	rddreg [dreg:$0x2];
	s1 =	srdreg.scid  }
0x3: {  	s2 =	simm.s32 $0x0;
	s8 =	stileid.u32;
	s14 =	simm.s32 $0x1  }
0x4: {  	s15 =	simm.s32 $0x2;
	s16 =	simm.s32 $0x3;
	s17 =	simm.s32 $0x80  }
0x5: {  	s18 =	simm.s32 $0x5400;
	s28 =	simm.s32 $0x4;
	s29 =	simm.s32 $0x9  }
0x6: {  	s30 =	simm.s32 $0xC400;
	s31 =	simm.s32 $0x5;
	s12 =	simm.s32 $0x7  }
0x7: {  	s11 =	simm.s32 $0x11;
	s1 =	sand.u32 $0x1, s1;
	s4 =	smul.u32 $0xA00, s8  }
0x8: {  	[smem:$0x7FF] =	sst s2;
	s5 =	sadd.s32 $0x2C00, s0;
	s7 =	smul.u32 $0x14000, s8  }
0x9: {  	s23 =	sshll.u32 s8, $0x6;
	s19 =	sshll.u32 s1, $0x4;
	_ =	strace $0x8000004D  }
0xa: {  	s6 =	smul.u32 $0xA000, s1;
	s1 =	ssub.s32 $0x2, s1;
	[dreg:$0x5] =	wrdreg s23  }
0xb: {  	s25 =	sor.u32 $0x1C03, s23;
	s23 =	simm.s32 $0x8400;
	s2 =	sor.u32 s8, s19  }
0xc: {  	s20 =	sshrl.u32 s1, $0x1;
	s22 =	sshrl.u32 s7, $0x2;
	[dreg:$0x7] =	wrdreg s25  }
0xd: {  	s19 =	simm.s32 $0x6400;
	s25 =	simm.s32 $0xA400;
	s7 =	simm.s32 $0x0  }
0xe: {  	s2 =	smul.u32 $0x500, s2;
	s4 =	sadd.s32 s4, s6;
	s1 =	ssub.s32 s1, s20  }
0xf: {  	s24 =	sadd.s32 s22, s3;
	s20 =	simm.s32 $0xC;
	s22 =	simm.s32 $0x8  }
0x10: {  	s6 =	simm.s32 $0xD;
	s26 =	smax.u32 s1, $0x1;
	s2 =	sadd.s32 s2, s0  }
0x11: {  	s13 =	sshrl.u32 s24, $0x3;
	[dreg:$0x9] =	wrdreg s26;
	s21 =	sadd.s32 $0x16C00, s2  }
0x12: {  	s0 =	sadd.s32 s4, s0;
	s2 =	sadd.s32 $0x20E00, s2;
	[dreg:$0x4] =	wrdreg s21  }
0x13: {  	s24 =	simm.s32 $0x9400;
	s0 =	sadd.s32 $0x2B000, s0;
	[dreg:$0x6] =	wrdreg s2  }
0x14: {  	s1 =	simm.s32 $0xB;
	s26 =	simm.s32 $0xB400;
	[dreg:$0x8] =	wrdreg s0  }
0x15: {  	s21 =	simm.s32 $0x7400;
	s0 =	simm.s32 $0xA;
	s2 =	simm.s32 $0x6  }
.LBB2_1:
0x16: {  	s8 =	simm.s32 $0x0;
	s4 =	rddreg [dreg:$0x4]  }
0x17: {  	[tilespmem:s8], [sflag:$0x1] =	stream.linear.gather [hbm4b:s4+s8], $0x2C00, $0x38;
	[tilespmem:$0x12400] =	vst v63  }
0x18: {  	s10 =	rddreg [dreg:$0x6];
	s9 =	simm.s32 $0x2C00  }
0x19: {  	[tilespmem:s9], [sflag:$0x2] =	stream.linear.gather [hbm4b:s10+s8], $0x2800, $0x38;
	[tilespmem:$0x12400] =	vst v63  }
0x1a: {  	s9 =	rddreg [dreg:$0x1]  }
0x1b: {  	s10 =	rddreg [dreg:$0x7]  }
0x1c: {  	[spmem:s13], [sflag:s10] =	dma.local [hbm:s9], $0xA00  }
0x1d: {  	_ =	swait.ge [sflag:s14], $0x2C00  }
0x1e: {  	[sflag:s14] =	ssyncset.done $0x0  }
0x1f: {  	[sflag:s14] =	ssyncadd.s32 $0xFFFFD400  }
0x20: {  	_ =	swait.ge [sflag:s15], $0x2800  }
0x21: {  	[sflag:s15] =	ssyncset.done $0x0  }
0x22: {  	[sflag:s15] =	ssyncadd.s32 $0xFFFFD800  }
0x23: {  	_ =	swait.ge [sflag:s16], $0xA00  }
0x24: {  	[sflag:s16] =	ssyncset.done $0x0  }
0x25: {  	[sflag:s16] =	ssyncadd.s32 $0xFFFFF600  }
0x26: {  	[bflag:$0x0] =	sbarrier.arrive $0xFFFF  }
0x27: {  	[tilespmem:s18], [sflag:$0x1] =	stream.indirect.gather [hbm4b:s5+s17], $0x20, s8, s17, $0xb8;
	[tilespmem:$0x12400] =	vst v63  }
0x28: {  	_ = 	snop  }
0x29: {  	[tilespmem:s19], [sflag:$0x2] =	stream.indirect.gather [hbm4b:s5+s17], $0x20, s17, s17, $0xb8;
	[tilespmem:$0x12400] =	vst v63  }
0x2a: {  	s10 =	simm.s32 $0x100  }
0x2b: {  	[tilespmem:s21], [sflag:$0x3] =	stream.indirect.gather [hbm4b:s5+s17], $0x20, s10, s17, $0xb8;
	[tilespmem:$0x12400] =	vst v63  }
0x2c: {  	s8 =	simm.s32 $0x180  }
0x2d: {  	[tilespmem:s23], [sflag:$0x4] =	stream.indirect.gather [hbm4b:s5+s17], $0x20, s8, s17, $0xb8;
	[tilespmem:$0x12400] =	vst v63  }
0x2e: {  	_ =	swait.ge [sflag:s14], $0x1000  }
0x2f: {  	p0 =	por $0x1, $0x1;
	[sflag:s14] =	ssyncset.done $0x0  }
0x30: {  	s9 =	simm.s32 $0x2C00;
	s8 =	simm.s32 @!p0 $0xE;
	[sflag:s14] =	ssyncadd.s32 $0xFFFFF000  }
0x31: {  	[spmem:s3] =	stream.indirect.scatter.add.f32 [tilespmem:s18], [sflag:$0x9], $0x20, s9, s17, $0xb8;
	[tilespmem:$0x12400] =	vst v63  }
0x32: {  	_ =	swait.ge @!p0 [sflag:s8], $0x1000  }
0x33: {  	[sflag:s8] =	ssyncset.done @!p0 $0x0  }
0x34: {  	s10 =	simm.s32 $0x200;
	[sflag:s8] =	ssyncadd.s32 @!p0 $0xFFFFF000  }
0x35: {  	[tilespmem:s24], [sflag:$0x5] =	stream.indirect.gather [hbm4b:s5+s17], $0x20, s10, s17, $0xb8;
	[tilespmem:$0x12400] =	vst v63  }
0x36: {  	_ =	swait.ge [sflag:s15], $0x1000  }
0x37: {  	[sflag:s15] =	ssyncset.done $0x0  }
0x38: {  	s9 =	simm.s32 $0x2C80;
	s8 =	simm.s32 @!p0 $0xF;
	[sflag:s15] =	ssyncadd.s32 $0xFFFFF000  }
0x39: {  	[spmem:s3] =	stream.indirect.scatter.add.f32 [tilespmem:s19], [sflag:$0xA], $0x20, s9, s17, $0xb8;
	[tilespmem:$0x12400] =	vst v63  }
0x3a: {  	_ =	swait.ge @!p0 [sflag:s8], $0x1000  }
0x3b: {  	[sflag:s8] =	ssyncset.done @!p0 $0x0  }
0x3c: {  	s10 =	simm.s32 $0x280;
	[sflag:s8] =	ssyncadd.s32 @!p0 $0xFFFFF000  }
0x3d: {  	[tilespmem:s25], [sflag:$0x6] =	stream.indirect.gather [hbm4b:s5+s17], $0x20, s10, s17, $0xb8;
	[tilespmem:$0x12400] =	vst v63  }
0x3e: {  	_ =	swait.ge [sflag:s16], $0x1000  }
0x3f: {  	[sflag:s16] =	ssyncset.done $0x0  }
0x40: {  	s9 =	simm.s32 $0x2D00;
	s8 =	simm.s32 @!p0 $0x10;
	[sflag:s16] =	ssyncadd.s32 $0xFFFFF000  }
0x41: {  	[spmem:s3] =	stream.indirect.scatter.add.f32 [tilespmem:s21], [sflag:$0xB], $0x20, s9, s17, $0xb8;
	[tilespmem:$0x12400] =	vst v63  }
0x42: {  	_ =	swait.ge @!p0 [sflag:s8], $0x1000  }
0x43: {  	[sflag:s8] =	ssyncset.done @!p0 $0x0  }
0x44: {  	s10 =	simm.s32 $0x300;
	[sflag:s8] =	ssyncadd.s32 @!p0 $0xFFFFF000  }
0x45: {  	[tilespmem:s26], [sflag:$0x7] =	stream.indirect.gather [hbm4b:s5+s17], $0x20, s10, s17, $0xb8;
	[tilespmem:$0x12400] =	vst v63  }
0x46: {  	_ =	swait.ge [sflag:s28], $0x1000  }
0x47: {  	[sflag:s28] =	ssyncset.done $0x0  }
0x48: {  	s8 =	simm.s32 $0x2D80;
	[sflag:s28] =	ssyncadd.s32 $0xFFFFF000  }
0x49: {  	[spmem:s3] =	stream.indirect.scatter.add.f32 [tilespmem:s23], [sflag:$0xC], $0x20, s8, s17, $0xb8;
	[tilespmem:$0x12400] =	vst v63  }
0x4a: {  	_ =	swait.ge [sflag:s29], $0x1000  }
0x4b: {  	[sflag:s29] =	ssyncset.done $0x0  }
0x4c: {  	s9 =	simm.s32 $0x380;
	[sflag:s29] =	ssyncadd.s32 $0xFFFFF000  }
0x4d: {  	[tilespmem:s30], [sflag:$0x8] =	stream.indirect.gather [hbm4b:s5+s17], $0x20, s9, s17, $0xb8;
	[tilespmem:$0x12400] =	vst v63  }
0x4e: {  	_ =	swait.ge [sflag:s31], $0x1000  }
0x4f: {  	[sflag:s31] =	ssyncset.done $0x0  }
0x50: {  	s10 =	simm.s32 $0x2E00;
	[sflag:s31] =	ssyncadd.s32 $0xFFFFF000  }
0x51: {  	[spmem:s3] =	stream.indirect.scatter.add.f32 [tilespmem:s24], [sflag:$0xD], $0x20, s10, s17, $0xb8;
	[tilespmem:$0x12400] =	vst v63  }
0x52: {  	_ =	swait.ge [sflag:s0], $0x1000  }
0x53: {  	[sflag:s0] =	ssyncset.done $0x0  }
0x54: {  	s8 =	simm.s32 $0x400;
	[sflag:s0] =	ssyncadd.s32 $0xFFFFF000  }
0x55: {  	[tilespmem:s18], [sflag:$0x1] =	stream.indirect.gather [hbm4b:s5+s17], $0x20, s8, s17, $0xb8;
	[tilespmem:$0x12400] =	vst v63  }
0x56: {  	_ =	swait.ge [sflag:s2], $0x1000  }
0x57: {  	[sflag:s2] =	ssyncset.done $0x0  }
0x58: {  	s9 =	simm.s32 $0x2E80;
	[sflag:s2] =	ssyncadd.s32 $0xFFFFF000  }
0x59: {  	[spmem:s3] =	stream.indirect.scatter.add.f32 [tilespmem:s25], [sflag:$0xE], $0x20, s9, s17, $0xb8;
	[tilespmem:$0x12400] =	vst v63  }
0x5a: {  	_ =	swait.ge [sflag:s1], $0x1000  }
0x5b: {  	[sflag:s1] =	ssyncset.done $0x0  }
0x5c: {  	s10 =	simm.s32 $0x480;
	[sflag:s1] =	ssyncadd.s32 $0xFFFFF000  }
0x5d: {  	[tilespmem:s19], [sflag:$0x2] =	stream.indirect.gather [hbm4b:s5+s17], $0x20, s10, s17, $0xb8;
	[tilespmem:$0x12400] =	vst v63  }
0x5e: {  	_ =	swait.ge [sflag:s12], $0x1000  }
0x5f: {  	[sflag:s12] =	ssyncset.done $0x0  }
0x60: {  	s8 =	simm.s32 $0x2F00;
	[sflag:s12] =	ssyncadd.s32 $0xFFFFF000  }
0x61: {  	[spmem:s3] =	stream.indirect.scatter.add.f32 [tilespmem:s26], [sflag:$0xF], $0x20, s8, s17, $0xb8;
	[tilespmem:$0x12400] =	vst v63  }
0x62: {  	_ =	swait.ge [sflag:s20], $0x1000  }
0x63: {  	[sflag:s20] =	ssyncset.done $0x0  }
0x64: {  	s9 =	simm.s32 $0x500;
	[sflag:s20] =	ssyncadd.s32 $0xFFFFF000  }
0x65: {  	[tilespmem:s21], [sflag:$0x3] =	stream.indirect.gather [hbm4b:s5+s17], $0x20, s9, s17, $0xb8;
	[tilespmem:$0x12400] =	vst v63  }
0x66: {  	_ =	swait.ge [sflag:s22], $0x1000  }
0x67: {  	[sflag:s22] =	ssyncset.done $0x0  }
0x68: {  	s10 =	simm.s32 $0x2F80;
	[sflag:s22] =	ssyncadd.s32 $0xFFFFF000  }
0x69: {  	[spmem:s3] =	stream.indirect.scatter.add.f32 [tilespmem:s30], [sflag:$0x10], $0x20, s10, s17, $0xb8;
	[tilespmem:$0x12400] =	vst v63  }
0x6a: {  	_ =	swait.ge [sflag:s6], $0x1000  }
0x6b: {  	s4 =	simm.s32 $0x1000;
	s8 =	simm.s32 $0x580;
	[sflag:s6] =	ssyncset.done $0x0  }
.LBB2_2:
0x6c: {  	[sflag:s6] =	ssyncadd.s32 $0xFFFFF000;
	s9 =	smov.u32 s4;
	s4 =	sadd.s32 $0x1000, s4  }
0x6d: {  	[tilespmem:s23], [sflag:$0x4] =	stream.indirect.gather [hbm4b:s5+s17], $0x20, s8, s17, $0xb8;
	[tilespmem:$0x12400] =	vst v63  }
0x6e: {  	s8 =	sshra.s32 s9, $0x2;
	p0 =	sne.s32 s4, $0xA000;
	_ =	swait.ge [sflag:s14], $0x1000  }
0x6f: {  	p1 =	seq.s32 s9, $0x0;
	s10 =	sadd.s32 $0x2C00, s8;
	[sflag:s14] =	ssyncset.done $0x0  }
0x70: {  	s9 =	simm.s32 @!p1 $0xE;
	[sflag:s14] =	ssyncadd.s32 $0xFFFFF000  }
0x71: {  	[spmem:s3] =	stream.indirect.scatter.add.f32 [tilespmem:s18], [sflag:$0x9], $0x20, s10, s17, $0xb8;
	[tilespmem:$0x12400] =	vst v63  }
0x72: {  	_ =	swait.ge @!p1 [sflag:s9], $0x1000  }
0x73: {  	s10 =	sadd.s32 $0x200, s8;
	[sflag:s9] =	ssyncset.done @!p1 $0x0  }
0x74: {  	[sflag:s9] =	ssyncadd.s32 @!p1 $0xFFFFF000  }
0x75: {  	[tilespmem:s24], [sflag:$0x5] =	stream.indirect.gather [hbm4b:s5+s17], $0x20, s10, s17, $0xb8;
	[tilespmem:$0x12400] =	vst v63  }
0x76: {  	_ =	swait.ge [sflag:s15], $0x1000  }
0x77: {  	s9 =	sadd.s32 $0x2C80, s8;
	[sflag:s15] =	ssyncset.done $0x0  }
0x78: {  	s10 =	simm.s32 @!p1 $0xF;
	[sflag:s15] =	ssyncadd.s32 $0xFFFFF000  }
0x79: {  	[spmem:s3] =	stream.indirect.scatter.add.f32 [tilespmem:s19], [sflag:$0xA], $0x20, s9, s17, $0xb8;
	[tilespmem:$0x12400] =	vst v63  }
0x7a: {  	_ =	swait.ge @!p1 [sflag:s10], $0x1000  }
0x7b: {  	s9 =	sadd.s32 $0x280, s8;
	[sflag:s10] =	ssyncset.done @!p1 $0x0  }
0x7c: {  	[sflag:s10] =	ssyncadd.s32 @!p1 $0xFFFFF000  }
0x7d: {  	[tilespmem:s25], [sflag:$0x6] =	stream.indirect.gather [hbm4b:s5+s17], $0x20, s9, s17, $0xb8;
	[tilespmem:$0x12400] =	vst v63  }
0x7e: {  	_ =	swait.ge [sflag:s16], $0x1000  }
0x7f: {  	s9 =	sadd.s32 $0x2D00, s8;
	[sflag:s16] =	ssyncset.done $0x0  }
0x80: {  	s10 =	simm.s32 @!p1 $0x10;
	[sflag:s16] =	ssyncadd.s32 $0xFFFFF000  }
0x81: {  	[spmem:s3] =	stream.indirect.scatter.add.f32 [tilespmem:s21], [sflag:$0xB], $0x20, s9, s17, $0xb8;
	[tilespmem:$0x12400] =	vst v63  }
0x82: {  	_ =	swait.ge @!p1 [sflag:s10], $0x1000  }
0x83: {  	s9 =	sadd.s32 $0x300, s8;
	[sflag:s10] =	ssyncset.done @!p1 $0x0  }
0x84: {  	[sflag:s10] =	ssyncadd.s32 @!p1 $0xFFFFF000  }
0x85: {  	[tilespmem:s26], [sflag:$0x7] =	stream.indirect.gather [hbm4b:s5+s17], $0x20, s9, s17, $0xb8;
	[tilespmem:$0x12400] =	vst v63  }
0x86: {  	_ =	swait.ge [sflag:s28], $0x1000  }
0x87: {  	s9 =	sadd.s32 $0x2D80, s8;
	[sflag:s28] =	ssyncset.done $0x0  }
0x88: {  	[sflag:s28] =	ssyncadd.s32 $0xFFFFF000  }
0x89: {  	[spmem:s3] =	stream.indirect.scatter.add.f32 [tilespmem:s23], [sflag:$0xC], $0x20, s9, s17, $0xb8;
	[tilespmem:$0x12400] =	vst v63  }
0x8a: {  	_ =	swait.ge [sflag:s29], $0x1000  }
0x8b: {  	s9 =	sadd.s32 $0x380, s8;
	[sflag:s29] =	ssyncset.done $0x0  }
0x8c: {  	[sflag:s29] =	ssyncadd.s32 $0xFFFFF000  }
0x8d: {  	[tilespmem:s30], [sflag:$0x8] =	stream.indirect.gather [hbm4b:s5+s17], $0x20, s9, s17, $0xb8;
	[tilespmem:$0x12400] =	vst v63  }
0x8e: {  	_ =	swait.ge [sflag:s31], $0x1000  }
0x8f: {  	s9 =	sadd.s32 $0x2E00, s8;
	[sflag:s31] =	ssyncset.done $0x0  }
0x90: {  	[sflag:s31] =	ssyncadd.s32 $0xFFFFF000  }
0x91: {  	[spmem:s3] =	stream.indirect.scatter.add.f32 [tilespmem:s24], [sflag:$0xD], $0x20, s9, s17, $0xb8;
	[tilespmem:$0x12400] =	vst v63  }
0x92: {  	_ =	swait.ge [sflag:s0], $0x1000  }
0x93: {  	s9 =	sadd.s32 $0x400, s8;
	[sflag:s0] =	ssyncset.done $0x0  }
0x94: {  	[sflag:s0] =	ssyncadd.s32 $0xFFFFF000  }
0x95: {  	[tilespmem:s18], [sflag:$0x1] =	stream.indirect.gather [hbm4b:s5+s17], $0x20, s9, s17, $0xb8;
	[tilespmem:$0x12400] =	vst v63  }
0x96: {  	_ =	swait.ge [sflag:s2], $0x1000  }
0x97: {  	s9 =	sadd.s32 $0x2E80, s8;
	[sflag:s2] =	ssyncset.done $0x0  }
0x98: {  	[sflag:s2] =	ssyncadd.s32 $0xFFFFF000  }
0x99: {  	[spmem:s3] =	stream.indirect.scatter.add.f32 [tilespmem:s25], [sflag:$0xE], $0x20, s9, s17, $0xb8;
	[tilespmem:$0x12400] =	vst v63  }
0x9a: {  	_ =	swait.ge [sflag:s1], $0x1000  }
0x9b: {  	s9 =	sadd.s32 $0x480, s8;
	[sflag:s1] =	ssyncset.done $0x0  }
0x9c: {  	[sflag:s1] =	ssyncadd.s32 $0xFFFFF000  }
0x9d: {  	[tilespmem:s19], [sflag:$0x2] =	stream.indirect.gather [hbm4b:s5+s17], $0x20, s9, s17, $0xb8;
	[tilespmem:$0x12400] =	vst v63  }
0x9e: {  	_ =	swait.ge [sflag:s12], $0x1000  }
0x9f: {  	s9 =	sadd.s32 $0x2F00, s8;
	[sflag:s12] =	ssyncset.done $0x0  }
0xa0: {  	[sflag:s12] =	ssyncadd.s32 $0xFFFFF000  }
0xa1: {  	[spmem:s3] =	stream.indirect.scatter.add.f32 [tilespmem:s26], [sflag:$0xF], $0x20, s9, s17, $0xb8;
	[tilespmem:$0x12400] =	vst v63  }
0xa2: {  	_ =	swait.ge [sflag:s20], $0x1000  }
0xa3: {  	s9 =	sadd.s32 $0x500, s8;
	[sflag:s20] =	ssyncset.done $0x0  }
0xa4: {  	[sflag:s20] =	ssyncadd.s32 $0xFFFFF000  }
0xa5: {  	[tilespmem:s21], [sflag:$0x3] =	stream.indirect.gather [hbm4b:s5+s17], $0x20, s9, s17, $0xb8;
	[tilespmem:$0x12400] =	vst v63  }
0xa6: {  	_ =	swait.ge [sflag:s22], $0x1000  }
.Ltmp0:
0xa7: {  	s9 =	sadd.s32 $0x2F80, s8;
	[sflag:s22] =	ssyncset.done $0x0;
	(pc) =	sbr.rel @p0 .LBB2_2-.Ltmp0, $4  }
0xa8: {  	[sflag:s22] =	ssyncadd.s32 $0xFFFFF000  }
0xa9: {  	[spmem:s3] =	stream.indirect.scatter.add.f32 [tilespmem:s30], [sflag:$0x10], $0x20, s9, s17, $0xb8;
	[tilespmem:$0x12400] =	vst v63  }
0xaa: {  	_ =	swait.ge [sflag:s6], $0x1000  }
0xab: {  	s8 =	sadd.s32 $0x580, s8;
	[sflag:s6] =	ssyncset.done $0x0  }
0xac: {  	[sflag:s6] =	ssyncadd.s32 $0xFFFFF000;
	s4 =	simm.s32 $0xE  }
0xad: {  	[tilespmem:s23], [sflag:$0x4] =	stream.indirect.gather [hbm4b:s5+s17], $0x20, s8, s17, $0xb8;
	[tilespmem:$0x12400] =	vst v63  }
0xae: {  	_ =	swait.ge [sflag:s4], $0x1000  }
0xaf: {  	[sflag:s4] =	ssyncset.done $0x0  }
0xb0: {  	s9 =	simm.s32 $0xF;
	[sflag:s4] =	ssyncadd.s32 $0xFFFFF000  }
0xb1: {  	_ =	swait.ge [sflag:s9], $0x1000  }
0xb2: {  	[sflag:s9] =	ssyncset.done $0x0  }
0xb3: {  	s10 =	simm.s32 $0x10;
	[sflag:s9] =	ssyncadd.s32 $0xFFFFF000  }
0xb4: {  	_ =	swait.ge [sflag:s10], $0x1000  }
0xb5: {  	[sflag:s10] =	ssyncset.done $0x0  }
0xb6: {  	[sflag:s10] =	ssyncadd.s32 $0xFFFFF000  }
0xb7: {  	_ =	swait.ge [sflag:s14], $0x1000  }
0xb8: {  	[sflag:s14] =	ssyncset.done $0x0  }
0xb9: {  	[sflag:s14] =	ssyncadd.s32 $0xFFFFF000  }
0xba: {  	_ =	swait.ge [sflag:s15], $0x1000  }
0xbb: {  	[sflag:s15] =	ssyncset.done $0x0  }
0xbc: {  	[sflag:s15] =	ssyncadd.s32 $0xFFFFF000  }
0xbd: {  	_ =	swait.ge [sflag:s16], $0x1000  }
0xbe: {  	[sflag:s16] =	ssyncset.done $0x0  }
0xbf: {  	[sflag:s16] =	ssyncadd.s32 $0xFFFFF000  }
0xc0: {  	_ =	swait.ge [sflag:s28], $0x1000  }
0xc1: {  	[sflag:s28] =	ssyncset.done $0x0  }
0xc2: {  	[sflag:s28] =	ssyncadd.s32 $0xFFFFF000  }
0xc3: {  	[bflag:$0x0] =	sbarrier.arrive $0xFFFF  }
0xc4: {  	s8 =	rddreg [dreg:$0x5]  }
0xc5: {  	s9 =	rddreg [dreg:$0x8];
	s4 =	sor.u32 $0x1C11, s8  }
0xc6: {  	[hbm:s9], [sflag:s4] =	dma.local [spmem:s13], $0xA00  }
0xc7: {  	_ =	swait.ge [sflag:s11], $0xA00  }
0xc8: {  	s7 =	sadd.s32 $0x1, s7;
	s10 =	rddreg [dreg:$0x9]  }
0xc9: {  	p0 =	sne.s32 s7, s10  }
.Ltmp1:
0xca: {  	_ = 	snop;
	(pc) =	sbr.rel @p0 .LBB2_1-.Ltmp1, $3  }
0xcb: {  	_ =	sdelay $0x1  }
0xcc: {  	[sflag:s11] =	ssyncset.done $0x0  }
0xcd: {  	[sflag:s11] =	ssyncadd.s32 $0xFFFFF600  }
0xce: {  	_ =	sfence.sel $0x180000  }
0xcf: {  	[bflag:$0x0] =	sbarrier.arrive $0xFFFF  }
0xd0: {  	_ =	strace $0x9000004D  }
0xd1: {  	s0 =	stileid.u32;
	[bflag:$0x2] =	sbarrier.arrive $0xFFFF  }
0xd2: {  	p0 =	sne.s32 s0, $0x0;
	s0 =	rddreg [dreg:$0x3]  }
0xd3: {  	s0 =	sadd.s32 @!p0 $0x100000, s0  }
0xd4: {  	[sflag:s0] =	ssyncadd.tile.s32 @!p0 $0x1;
	_ =	shalt  }
.Lfunc_end2:
_tile_overlayer_lowered:
.L_overlay_start_2:
0xd5: {  	(tag) =	ssettag $0x2  }
0xd6: {  	s0 =	rddreg [dreg:$0x0];
	s2 =	stileid.u32  }
0xd7: {  	s1 =	rddreg [dreg:$0x1];
	p0 =	sne.s32 s2, $0x0  }
0xd8: {  	s3 =	rddreg [dreg:$0x2];
	[bflag:$0x3] =	sbarrier.arrive $0xFFFF;
	s2 =	simm.s32 @!p0 $0x1C11  }
0xd9: {  	[timem:s3], [sflag:s2] =	dma.local @!p0 [hbm:s0], s1  }
0xda: {  	s0 =	simm.s32 @!p0 $0x11  }
0xdb: {  	_ =	swait.ge @!p0 [sflag:s0], s1  }
0xdc: {  	s1 =	ssub.s32 @!p0 $0x0, s1;
	[sflag:s0] =	ssyncset.done @!p0 $0x0  }
0xdd: {  	[sflag:s0] =	ssyncadd.s32 @!p0 s1  }
0xde: {  	[bflag:$0x3] =	sbarrier.arrive $0xFFFF  }
0xdf: {  	_ =	shalt  }

</sc_bundles>
